<compile_context>
chip_gen: v7x
topology: tpu7x:2x2x1
jax: 0.10.2.dev20260603
libtpu: 0.0.44.dev20260713+nightly
codegen_flags: <defaults>
</compile_context>

<pallas_src>
import functools

import jax
import jax.numpy as jnp
from jax import lax
from jax.experimental import pallas as pl
from jax.experimental.pallas import tpu as pltpu
from jax.experimental.pallas import tpu_sc as plsc

_N = 10000
_DI = 128
_E = 320000
_NSC = 2
_NSUB = 16
_NTILES = _NSC * _NSUB
_NROWS = 10016
_RPT = _NROWS // _NSUB
_CH1, _N1A, _N1B = 50, 200, 200
_CH2, _N2A, _N2B = 125, 80, 80


def _make_segsum(d, ch, n0, n1, nb, fd, seeded):
  mesh = plsc.VectorSubcoreMesh(core_axis_name="c", subcore_axis_name="s")
  nz = _RPT // ch
  rz = _RPT - nz * ch
  assert n0 % nb == 0 and n1 % nb == 0 and n1 <= n0 and nb >= 2 * fd

  @functools.partial(
      pl.kernel,
      mesh=mesh,
      compiler_params=pltpu.CompilerParams(use_tc_tiling_on_sc=False),
      out_type=jax.ShapeDtypeStruct((_NSC, _NROWS, d), jnp.float32),
      scratch_types=[
          pltpu.VMEM((2, n0, ch), jnp.int32),
          [pltpu.VMEM((ch, d), jnp.float32)] * nb,
          pltpu.VMEM_SHARED((_NROWS, d), jnp.float32),
          [pltpu.SemaphoreType.DMA] * nb,
          [pltpu.SemaphoreType.DMA] * nb,
          pltpu.SemaphoreType.DMA,
      ],
  )
  def segsum(table, edges, seed, out, idx, rows, acc, gsem, ssem, zsem):
    c = lax.axis_index("c")
    s = lax.axis_index("s")
    nc = jnp.where(c == 0, n0, n1)
    r0 = s * _RPT
    sidx = idx.at[0]
    didx = idx.at[1]

    @pl.when(c == 0)
    def _():
      for a in range(2):
        pltpu.sync_copy(edges.at[a, pl.ds(s * n0, n0)], idx.at[a])

    @pl.when(c != 0)
    def _():
      for a in range(2):
        pltpu.sync_copy(edges.at[a, pl.ds(_NSUB * n0 + s * n1, n1)],
                        idx.at[a, pl.ds(0, n1)])
    for b in range(fd):
      pltpu.async_copy(table.at[sidx.at[b]], rows[b], gsem[b])
    if seeded:
      @pl.when(c == 0)
      def _():
        pltpu.sync_copy(seed.at[pl.ds(r0, _RPT)], acc.at[pl.ds(r0, _RPT)])

    @pl.when((c != 0) if seeded else (c == c))
    def _():
      z16 = jnp.zeros((16,), jnp.float32)
      zbuf = rows[fd]

      def zrow(i, carry):
        for k in range(d // 16):
          zbuf[i, pl.ds(16 * k, 16)] = z16
        return carry

      lax.fori_loop(0, ch, zrow, 0)
      for q in range(nz):
        pltpu.async_copy(zbuf, acc.at[pl.ds(r0 + q * ch, ch)], zsem)
      if rz:
        pltpu.async_copy(
            zbuf.at[pl.ds(0, rz)], acc.at[pl.ds(r0 + nz * ch, rz)], zsem)
      for q in range(nz):
        pltpu.make_async_copy(zbuf, acc.at[pl.ds(r0 + q * ch, ch)],
                              zsem).wait()
      if rz:
        pltpu.make_async_copy(
            zbuf.at[pl.ds(0, rz)], acc.at[pl.ds(r0 + nz * ch, rz)],
            zsem).wait()

    plsc.subcore_barrier()

    def grp(k, carry):
      j0 = nb * k
      for b in range(nb):
        j = j0 + b
        pltpu.make_async_copy(table.at[sidx.at[j]], rows[b], gsem[b]).wait()
        pltpu.async_copy(rows[b], acc.at[didx.at[j]], ssem[b], add=True)
        b2 = (b + fd) % nb

        @pl.when(j >= fd)
        def _():
          pltpu.make_async_copy(
              rows[b2], acc.at[didx.at[j - fd]], ssem[b2]).wait()

        @pl.when(j + fd < nc)
        def _():
          pltpu.async_copy(table.at[sidx.at[j + fd]], rows[b2], gsem[b2])
      return carry

    lax.fori_loop(0, nc // nb, grp, 0)
    for off in range(fd, 0, -1):
      b = (nb - off) % nb
      pltpu.make_async_copy(rows[b], acc.at[didx.at[nc - off]], ssem[b]).wait()
    plsc.subcore_barrier()
    pltpu.sync_copy(acc.at[pl.ds(r0, _RPT)], out.at[c, pl.ds(r0, _RPT)])

  return segsum


_SEGSUM128 = _make_segsum(_DI, _CH1, _N1A, _N1B, nb=4, fd=2, seeded=False)
_SEGSUM16 = _make_segsum(16, _CH2, _N2A, _N2B, nb=8, fd=4, seeded=True)

_BM = 2504


def _dense_mid(parts, xf, w1r, b1, w1o, w2r, w2o, b2):

  def body(p0, p1, xb, w1r_r, b1_r, w1o_r, w2r_r, w2o_r, b2_r, p2_o, r2_o):
    agg = p0[0] + p1[0]
    h = jnp.dot(agg, w1r_r[...], preferred_element_type=jnp.float32)
    h += b1_r[...]
    h += jnp.dot(xb[...], w1o_r[...], preferred_element_type=jnp.float32)
    h = jnp.maximum(h, 0.0)
    p2_o[...] = jnp.dot(h, w2r_r[...], preferred_element_type=jnp.float32)
    r2_o[...] = jnp.dot(h, w2o_r[...], preferred_element_type=jnp.float32) + b2_r[...]

  return pl.pallas_call(
      body,
      grid=(_NROWS // _BM,),
      in_specs=[
          pl.BlockSpec((1, _BM, _DI), lambda i: (0, i, 0)),
          pl.BlockSpec((1, _BM, _DI), lambda i: (1, i, 0)),
          pl.BlockSpec((_BM, _DI), lambda i: (i, 0)),
          pl.BlockSpec((_DI, _DI), lambda i: (0, 0)),
          pl.BlockSpec((1, _DI), lambda i: (0, 0)),
          pl.BlockSpec((_DI, _DI), lambda i: (0, 0)),
          pl.BlockSpec((_DI, 16), lambda i: (0, 0)),
          pl.BlockSpec((_DI, 16), lambda i: (0, 0)),
          pl.BlockSpec((1, 16), lambda i: (0, 0)),
      ],
      out_specs=[
          pl.BlockSpec((_BM, 16), lambda i: (i, 0)),
          pl.BlockSpec((_BM, 16), lambda i: (i, 0)),
      ],
      out_shape=[
          jax.ShapeDtypeStruct((_NROWS, 16), jnp.float32),
          jax.ShapeDtypeStruct((_NROWS, 16), jnp.float32),
      ],
  )(parts, parts, xf, w1r, b1, w1o, w2r, w2o, b2)


def _final_add(parts2):
  def body(q0, q1, o):
    o[...] = q0[0] + q1[0]

  return pl.pallas_call(
      body,
      grid=(_NROWS // _BM,),
      in_specs=[
          pl.BlockSpec((1, _BM, 16), lambda i: (0, i, 0)),
          pl.BlockSpec((1, _BM, 16), lambda i: (1, i, 0)),
      ],
      out_specs=pl.BlockSpec((_BM, 16), lambda i: (i, 0)),
      out_shape=jax.ShapeDtypeStruct((_N, 16), jnp.float32),
  )(parts2, parts2)


def kernel(adj_est, x, W1_rel, b1_rel, W1_root, W2_rel, b2_rel, W2_root):
  xf = x.reshape(_N, _DI)
  edges1 = adj_est.reshape(2, _E // _CH1, _CH1)
  edges2 = adj_est.reshape(2, _E // _CH2, _CH2)

  parts1 = _SEGSUM128(xf, edges1, xf)

  w2r = jnp.pad(W2_rel, ((0, 0), (0, 16 - W2_rel.shape[1])))
  w2o = jnp.pad(W2_root, ((0, 0), (0, 16 - W2_root.shape[1])))
  b2 = jnp.pad(b2_rel, (0, 16 - b2_rel.shape[0])).reshape(1, 16)
  p2, r2 = _dense_mid(parts1, xf, W1_rel, b1_rel.reshape(1, _DI), W1_root,
                      w2r, w2o, b2)

  parts2 = _SEGSUM16(p2, edges2, r2)

  out16 = _final_add(parts2)
  return out16[:, :7].reshape(1, _N, 7)

# --- scband reference (transcript-rebuilt; emitter-appended) ---
"""Pipeline reference for scband-gcn-32856499814553 (READ-ONLY COPY).

The authoritative reference and input builder live on the scoring server;
editing this copy changes nothing except your own understanding.
"""

import jax, jax.numpy as jnp
import numpy as np

N_NODES = 10000
D_IN = 128
D_HID = 128
D_OUT = 7
N_EDGES = 320000


def setup_inputs(seed: int = 0) -> dict:
    key = jax.random.key(seed)
    ks = jax.random.split(key, 8)
    adj_est = jax.random.randint(ks[0], (2, N_EDGES), 0, N_NODES, dtype=jnp.int32)
    x = jax.random.normal(ks[1], (1, N_NODES, D_IN), dtype=jnp.float32)
    # GraphConv layer 1 params: lin_rel (weight+bias), lin_root (no bias)
    W1_rel = jax.random.normal(ks[2], (D_IN, D_HID), dtype=jnp.float32) * (1.0 / np.sqrt(D_IN))
    b1_rel = jnp.zeros((D_HID,), dtype=jnp.float32)
    W1_root = jax.random.normal(ks[3], (D_IN, D_HID), dtype=jnp.float32) * (1.0 / np.sqrt(D_IN))
    # GraphConv layer 2 params
    W2_rel = jax.random.normal(ks[4], (D_HID, D_OUT), dtype=jnp.float32) * (1.0 / np.sqrt(D_HID))
    b2_rel = jnp.zeros((D_OUT,), dtype=jnp.float32)
    W2_root = jax.random.normal(ks[5], (D_HID, D_OUT), dtype=jnp.float32) * (1.0 / np.sqrt(D_HID))
    return {"adj_est": adj_est, "x": x, "W1_rel": W1_rel, "b1_rel": b1_rel, "W1_root": W1_root, "W2_rel": W2_rel, "b2_rel": b2_rel, "W2_root": W2_root}


def _graph_conv(x, src, dst, W_rel, b_rel, W_root):
    # torch_geometric GraphConv (aggr='add'):
    #   out = lin_rel(sum_{j->i} x_j) + lin_root(x_i)
    msgs = jnp.take(x, src, axis=0)
    agg = jax.ops.segment_sum(msgs, dst, num_segments=x.shape[0])
    return agg @ W_rel + b_rel + x @ W_root


def reference(adj_est, x, W1_rel, b1_rel, W1_root, W2_rel, b2_rel, W2_root):
    npoints = x.shape[1]
    xf = x.reshape(-1, x.shape[-1])
    src = adj_est[0]
    dst = adj_est[1]
    h = _graph_conv(xf, src, dst, W1_rel, b1_rel, W1_root)
    h = jax.nn.relu(h)
    # dropout(p=0.5, training=self.training) is identity in eval mode
    out = _graph_conv(h, src, dst, W2_rel, b2_rel, W2_root)
    return out.reshape(-1, npoints, out.shape[-1])

if __name__ == "__main__":
    import jax
    _d = setup_inputs()
    print(jax.jit(kernel)(*tuple(_d.values())))

</pallas_src>

<mosaic_0001>
#map = affine_map<(d0, d1) -> (0, 0)>
#map1 = affine_map<(d0, d1) -> (0, 0, 0)>
module attributes {stable_mosaic.version = 14 : i64} {
  func.func @segsum(%arg0: i32, %arg1: i32, %arg2: memref<10000x128xf32, #tpu.memory_space<hbm>>, %arg3: memref<2x6400x50xi32, #tpu.memory_space<hbm>>, %arg4: memref<10000x128xf32, #tpu.memory_space<hbm>>, %arg5: memref<2x10016x128xf32, #tpu.memory_space<hbm>>, %arg6: memref<2x200x50xi32, #tpu.memory_space<vmem>>, %arg7: memref<50x128xf32, #tpu.memory_space<vmem>>, %arg8: memref<50x128xf32, #tpu.memory_space<vmem>>, %arg9: memref<50x128xf32, #tpu.memory_space<vmem>>, %arg10: memref<50x128xf32, #tpu.memory_space<vmem>>, %arg11: memref<10016x128xf32, #tpu.memory_space<vmem_shared>>, %arg12: memref<!tpu.dma_semaphore, #tpu.memory_space<semaphore_mem>>, %arg13: memref<!tpu.dma_semaphore, #tpu.memory_space<semaphore_mem>>, %arg14: memref<!tpu.dma_semaphore, #tpu.memory_space<semaphore_mem>>, %arg15: memref<!tpu.dma_semaphore, #tpu.memory_space<semaphore_mem>>, %arg16: memref<!tpu.dma_semaphore, #tpu.memory_space<semaphore_mem>>, %arg17: memref<!tpu.dma_semaphore, #tpu.memory_space<semaphore_mem>>, %arg18: memref<!tpu.dma_semaphore, #tpu.memory_space<semaphore_mem>>, %arg19: memref<!tpu.dma_semaphore, #tpu.memory_space<semaphore_mem>>, %arg20: memref<!tpu.dma_semaphore, #tpu.memory_space<semaphore_mem>>) attributes {dimension_semantics = [#tpu.dimension_semantics<core_parallel>, #tpu.dimension_semantics<subcore_parallel>], iteration_bounds = array<i64: 2, 16>, scalar_prefetch = 0 : i64, scratch_operands = 15 : i64, tpu.core_type = #tpu.core_type<sc_vector_subcore>, window_params = [{transform_indices = #map}, {transform_indices = #map1}, {transform_indices = #map}, {transform_indices = #map1}]} {
    %eq3A = arith.constant 0 : i32
    %eq3A_0 = arith.cmpi eq, %arg0, %eq3A : i32
    %jit3A = arith.constant 200 : i32
    %jit3A_1 = arith.constant 200 : i32
    %select_n3A = arith.select %eq3A_0, %jit3A, %jit3A_1 : i32
    %mul3A = arith.constant 626 : i32
    %mul3A_2 = arith.muli %arg1, %mul3A : i32
    %eq3A_3 = arith.constant 0 : i32
    %eq3A_4 = arith.cmpi eq, %arg0, %eq3A_3 : i32
    %convert_element_type3A = arith.extui %eq3A_4 : i1 to i32
    %cond3A = arith.constant 0 : i32
    %cond3A_5 = arith.cmpi ne, %convert_element_type3A, %cond3A : i32
    scf.if %cond3A_5 {
      %mul3A_93 = arith.constant 200 : i32
      %mul3A_94 = arith.muli %arg1, %mul3A_93 : i32
      %run_scoped3A = arith.constant 0 : i32
      %run_scoped3A_95 = arith.constant 0 : i32
      "tpu.region"() ({
        %run_scoped3A_100 = tpu.sem_alloc : memref<!tpu.dma_semaphore, #tpu.memory_space<semaphore_mem>>
        %dma_start3A_101 = arith.constant 0 : i32
        %dma_start3A_102 = arith.constant 0 : i32
        %dma_start3A_103 = tpu.memref_slice %arg6[%run_scoped3A_95, %dma_start3A_101, %dma_start3A_102] : memref<2x200x50xi32, #tpu.memory_space<vmem>> -> memref<1x200x50xi32, #tpu.memory_space<vmem>>
        %dma_start3A_104 = tpu.memref_squeeze %dma_start3A_103 : memref<1x200x50xi32, #tpu.memory_space<vmem>> -> memref<200x50xi32, #tpu.memory_space<vmem>>
        %dma_start3A_105 = arith.constant 0 : i32
        %dma_start3A_106 = tpu.memref_slice %arg3[%run_scoped3A, %mul3A_94, %dma_start3A_105] : memref<2x6400x50xi32, #tpu.memory_space<hbm>> -> memref<1x200x50xi32, #tpu.memory_space<hbm>>
        %dma_start3A_107 = tpu.memref_squeeze %dma_start3A_106 : memref<1x200x50xi32, #tpu.memory_space<hbm>> -> memref<200x50xi32, #tpu.memory_space<hbm>>
        %dma_start3A_108 = arith.constant 0 : i32
        %dma_start3A_109 = arith.constant 0 : i32
        %dma_start3A_110 = tpu.memref_slice %arg6[%run_scoped3A_95, %dma_start3A_108, %dma_start3A_109] : memref<2x200x50xi32, #tpu.memory_space<vmem>> -> memref<1x200x50xi32, #tpu.memory_space<vmem>>
        %dma_start3A_111 = tpu.memref_squeeze %dma_start3A_110 : memref<1x200x50xi32, #tpu.memory_space<vmem>> -> memref<200x50xi32, #tpu.memory_space<vmem>>
        %dma_start3A_112 = arith.constant 0 : i32
        %dma_start3A_113 = tpu.memref_slice %arg3[%run_scoped3A, %mul3A_94, %dma_start3A_112] : memref<2x6400x50xi32, #tpu.memory_space<hbm>> -> memref<1x200x50xi32, #tpu.memory_space<hbm>>
        %dma_start3A_114 = tpu.memref_squeeze %dma_start3A_113 : memref<1x200x50xi32, #tpu.memory_space<hbm>> -> memref<200x50xi32, #tpu.memory_space<hbm>>
        tpu.enqueue_dma source(%dma_start3A_114 : memref<200x50xi32, #tpu.memory_space<hbm>>) target(%dma_start3A_111 : memref<200x50xi32, #tpu.memory_space<vmem>>) target_semaphore(%run_scoped3A_100 : memref<!tpu.dma_semaphore, #tpu.memory_space<semaphore_mem>>)
        %dma_wait3A_115 = arith.constant 0 : i32
        %dma_wait3A_116 = arith.constant 0 : i32
        %dma_wait3A_117 = tpu.memref_slice %arg6[%run_scoped3A_95, %dma_wait3A_115, %dma_wait3A_116] : memref<2x200x50xi32, #tpu.memory_space<vmem>> -> memref<1x200x50xi32, #tpu.memory_space<vmem>>
        %dma_wait3A_118 = tpu.memref_squeeze %dma_wait3A_117 : memref<1x200x50xi32, #tpu.memory_space<vmem>> -> memref<200x50xi32, #tpu.memory_space<vmem>>
        %dma_wait3A_119 = arith.constant 0 : i32
        %dma_wait3A_120 = tpu.memref_slice %arg3[%run_scoped3A, %mul3A_94, %dma_wait3A_119] : memref<2x6400x50xi32, #tpu.memory_space<hbm>> -> memref<1x200x50xi32, #tpu.memory_space<hbm>>
        %dma_wait3A_121 = tpu.memref_squeeze %dma_wait3A_120 : memref<1x200x50xi32, #tpu.memory_space<hbm>> -> memref<200x50xi32, #tpu.memory_space<hbm>>
        %dma_wait3A_122 = arith.constant 0 : i32
        %dma_wait3A_123 = arith.constant 0 : i32
        %dma_wait3A_124 = tpu.memref_slice %arg6[%run_scoped3A_95, %dma_wait3A_122, %dma_wait3A_123] : memref<2x200x50xi32, #tpu.memory_space<vmem>> -> memref<1x200x50xi32, #tpu.memory_space<vmem>>
        %dma_wait3A_125 = tpu.memref_squeeze %dma_wait3A_124 : memref<1x200x50xi32, #tpu.memory_space<vmem>> -> memref<200x50xi32, #tpu.memory_space<vmem>>
        %dma_wait3A_126 = arith.constant 0 : i32
        %dma_wait3A_127 = tpu.memref_slice %arg3[%run_scoped3A, %mul3A_94, %dma_wait3A_126] : memref<2x6400x50xi32, #tpu.memory_space<hbm>> -> memref<1x200x50xi32, #tpu.memory_space<hbm>>
        %dma_wait3A_128 = tpu.memref_squeeze %dma_wait3A_127 : memref<1x200x50xi32, #tpu.memory_space<hbm>> -> memref<200x50xi32, #tpu.memory_space<hbm>>
        tpu.wait_dma2 semaphore(%run_scoped3A_100 : memref<!tpu.dma_semaphore, #tpu.memory_space<semaphore_mem>>) src(%dma_wait3A_128 : memref<200x50xi32, #tpu.memory_space<hbm>>) dst(%dma_wait3A_125 : memref<200x50xi32, #tpu.memory_space<vmem>>)
        tpu.yield
      }) : () -> ()
      %mul3A_96 = arith.constant 200 : i32
      %mul3A_97 = arith.muli %arg1, %mul3A_96 : i32
      %run_scoped3A_98 = arith.constant 1 : i32
      %run_scoped3A_99 = arith.constant 1 : i32
      "tpu.region"() ({
        %run_scoped3A_100 = tpu.sem_alloc : memref<!tpu.dma_semaphore, #tpu.memory_space<semaphore_mem>>
        %dma_start3A_101 = arith.constant 0 : i32
        %dma_start3A_102 = arith.constant 0 : i32
        %dma_start3A_103 = tpu.memref_slice %arg6[%run_scoped3A_99, %dma_start3A_101, %dma_start3A_102] : memref<2x200x50xi32, #tpu.memory_space<vmem>> -> memref<1x200x50xi32, #tpu.memory_space<vmem>>
        %dma_start3A_104 = tpu.memref_squeeze %dma_start3A_103 : memref<1x200x50xi32, #tpu.memory_space<vmem>> -> memref<200x50xi32, #tpu.memory_space<vmem>>
        %dma_start3A_105 = arith.constant 0 : i32
        %dma_start3A_106 = tpu.memref_slice %arg3[%run_scoped3A_98, %mul3A_97, %dma_start3A_105] : memref<2x6400x50xi32, #tpu.memory_space<hbm>> -> memref<1x200x50xi32, #tpu.memory_space<hbm>>
        %dma_start3A_107 = tpu.memref_squeeze %dma_start3A_106 : memref<1x200x50xi32, #tpu.memory_space<hbm>> -> memref<200x50xi32, #tpu.memory_space<hbm>>
        %dma_start3A_108 = arith.constant 0 : i32
        %dma_start3A_109 = arith.constant 0 : i32
        %dma_start3A_110 = tpu.memref_slice %arg6[%run_scoped3A_99, %dma_start3A_108, %dma_start3A_109] : memref<2x200x50xi32, #tpu.memory_space<vmem>> -> memref<1x200x50xi32, #tpu.memory_space<vmem>>
        %dma_start3A_111 = tpu.memref_squeeze %dma_start3A_110 : memref<1x200x50xi32, #tpu.memory_space<vmem>> -> memref<200x50xi32, #tpu.memory_space<vmem>>
        %dma_start3A_112 = arith.constant 0 : i32
        %dma_start3A_113 = tpu.memref_slice %arg3[%run_scoped3A_98, %mul3A_97, %dma_start3A_112] : memref<2x6400x50xi32, #tpu.memory_space<hbm>> -> memref<1x200x50xi32, #tpu.memory_space<hbm>>
        %dma_start3A_114 = tpu.memref_squeeze %dma_start3A_113 : memref<1x200x50xi32, #tpu.memory_space<hbm>> -> memref<200x50xi32, #tpu.memory_space<hbm>>
        tpu.enqueue_dma source(%dma_start3A_114 : memref<200x50xi32, #tpu.memory_space<hbm>>) target(%dma_start3A_111 : memref<200x50xi32, #tpu.memory_space<vmem>>) target_semaphore(%run_scoped3A_100 : memref<!tpu.dma_semaphore, #tpu.memory_space<semaphore_mem>>)
        %dma_wait3A_115 = arith.constant 0 : i32
        %dma_wait3A_116 = arith.constant 0 : i32
        %dma_wait3A_117 = tpu.memref_slice %arg6[%run_scoped3A_99, %dma_wait3A_115, %dma_wait3A_116] : memref<2x200x50xi32, #tpu.memory_space<vmem>> -> memref<1x200x50xi32, #tpu.memory_space<vmem>>
        %dma_wait3A_118 = tpu.memref_squeeze %dma_wait3A_117 : memref<1x200x50xi32, #tpu.memory_space<vmem>> -> memref<200x50xi32, #tpu.memory_space<vmem>>
        %dma_wait3A_119 = arith.constant 0 : i32
        %dma_wait3A_120 = tpu.memref_slice %arg3[%run_scoped3A_98, %mul3A_97, %dma_wait3A_119] : memref<2x6400x50xi32, #tpu.memory_space<hbm>> -> memref<1x200x50xi32, #tpu.memory_space<hbm>>
        %dma_wait3A_121 = tpu.memref_squeeze %dma_wait3A_120 : memref<1x200x50xi32, #tpu.memory_space<hbm>> -> memref<200x50xi32, #tpu.memory_space<hbm>>
        %dma_wait3A_122 = arith.constant 0 : i32
        %dma_wait3A_123 = arith.constant 0 : i32
        %dma_wait3A_124 = tpu.memref_slice %arg6[%run_scoped3A_99, %dma_wait3A_122, %dma_wait3A_123] : memref<2x200x50xi32, #tpu.memory_space<vmem>> -> memref<1x200x50xi32, #tpu.memory_space<vmem>>
        %dma_wait3A_125 = tpu.memref_squeeze %dma_wait3A_124 : memref<1x200x50xi32, #tpu.memory_space<vmem>> -> memref<200x50xi32, #tpu.memory_space<vmem>>
        %dma_wait3A_126 = arith.constant 0 : i32
        %dma_wait3A_127 = tpu.memref_slice %arg3[%run_scoped3A_98, %mul3A_97, %dma_wait3A_126] : memref<2x6400x50xi32, #tpu.memory_space<hbm>> -> memref<1x200x50xi32, #tpu.memory_space<hbm>>
        %dma_wait3A_128 = tpu.memref_squeeze %dma_wait3A_127 : memref<1x200x50xi32, #tpu.memory_space<hbm>> -> memref<200x50xi32, #tpu.memory_space<hbm>>
        tpu.wait_dma2 semaphore(%run_scoped3A_100 : memref<!tpu.dma_semaphore, #tpu.memory_space<semaphore_mem>>) src(%dma_wait3A_128 : memref<200x50xi32, #tpu.memory_space<hbm>>) dst(%dma_wait3A_125 : memref<200x50xi32, #tpu.memory_space<vmem>>)
        tpu.yield
      }) : () -> ()
    } else {
    }
    %ne3A = arith.constant 0 : i32
    %ne3A_6 = arith.cmpi ne, %arg0, %ne3A : i32
    %convert_element_type3A_7 = arith.extui %ne3A_6 : i1 to i32
    %cond3A_8 = arith.constant 0 : i32
    %cond3A_9 = arith.cmpi ne, %convert_element_type3A_7, %cond3A_8 : i32
    scf.if %cond3A_9 {
      %mul3A_93 = arith.constant 200 : i32
      %mul3A_94 = arith.muli %arg1, %mul3A_93 : i32
      %add3A = arith.constant 3200 : i32
      %add3A_95 = arith.addi %add3A, %mul3A_94 : i32
      %run_scoped3A = arith.constant 0 : i32
      %run_scoped3A_96 = arith.constant 0 : i32
      "tpu.region"() ({
        %run_scoped3A_103 = tpu.sem_alloc : memref<!tpu.dma_semaphore, #tpu.memory_space<semaphore_mem>>
        %dma_start3A_104 = arith.constant 0 : i32
        %dma_start3A_105 = arith.constant 0 : i32
        %dma_start3A_106 = tpu.memref_slice %arg6[%run_scoped3A_96, %dma_start3A_104, %dma_start3A_105] : memref<2x200x50xi32, #tpu.memory_space<vmem>> -> memref<1x200x50xi32, #tpu.memory_space<vmem>>
        %dma_start3A_107 = tpu.memref_squeeze %dma_start3A_106 : memref<1x200x50xi32, #tpu.memory_space<vmem>> -> memref<200x50xi32, #tpu.memory_space<vmem>>
        %dma_start3A_108 = arith.constant 0 : i32
        %dma_start3A_109 = tpu.memref_slice %arg3[%run_scoped3A, %add3A_95, %dma_start3A_108] : memref<2x6400x50xi32, #tpu.memory_space<hbm>> -> memref<1x200x50xi32, #tpu.memory_space<hbm>>
        %dma_start3A_110 = tpu.memref_squeeze %dma_start3A_109 : memref<1x200x50xi32, #tpu.memory_space<hbm>> -> memref<200x50xi32, #tpu.memory_space<hbm>>
        %dma_start3A_111 = arith.constant 0 : i32
        %dma_start3A_112 = arith.constant 0 : i32
        %dma_start3A_113 = tpu.memref_slice %arg6[%run_scoped3A_96, %dma_start3A_111, %dma_start3A_112] : memref<2x200x50xi32, #tpu.memory_space<vmem>> -> memref<1x200x50xi32, #tpu.memory_space<vmem>>
        %dma_start3A_114 = tpu.memref_squeeze %dma_start3A_113 : memref<1x200x50xi32, #tpu.memory_space<vmem>> -> memref<200x50xi32, #tpu.memory_space<vmem>>
        %dma_start3A_115 = arith.constant 0 : i32
        %dma_start3A_116 = tpu.memref_slice %arg3[%run_scoped3A, %add3A_95, %dma_start3A_115] : memref<2x6400x50xi32, #tpu.memory_space<hbm>> -> memref<1x200x50xi32, #tpu.memory_space<hbm>>
        %dma_start3A_117 = tpu.memref_squeeze %dma_start3A_116 : memref<1x200x50xi32, #tpu.memory_space<hbm>> -> memref<200x50xi32, #tpu.memory_space<hbm>>
        tpu.enqueue_dma source(%dma_start3A_117 : memref<200x50xi32, #tpu.memory_space<hbm>>) target(%dma_start3A_114 : memref<200x50xi32, #tpu.memory_space<vmem>>) target_semaphore(%run_scoped3A_103 : memref<!tpu.dma_semaphore, #tpu.memory_space<semaphore_mem>>)
        %dma_wait3A_118 = arith.constant 0 : i32
        %dma_wait3A_119 = arith.constant 0 : i32
        %dma_wait3A_120 = tpu.memref_slice %arg6[%run_scoped3A_96, %dma_wait3A_118, %dma_wait3A_119] : memref<2x200x50xi32, #tpu.memory_space<vmem>> -> memref<1x200x50xi32, #tpu.memory_space<vmem>>
        %dma_wait3A_121 = tpu.memref_squeeze %dma_wait3A_120 : memref<1x200x50xi32, #tpu.memory_space<vmem>> -> memref<200x50xi32, #tpu.memory_space<vmem>>
        %dma_wait3A_122 = arith.constant 0 : i32
        %dma_wait3A_123 = tpu.memref_slice %arg3[%run_scoped3A, %add3A_95, %dma_wait3A_122] : memref<2x6400x50xi32, #tpu.memory_space<hbm>> -> memref<1x200x50xi32, #tpu.memory_space<hbm>>
        %dma_wait3A_124 = tpu.memref_squeeze %dma_wait3A_123 : memref<1x200x50xi32, #tpu.memory_space<hbm>> -> memref<200x50xi32, #tpu.memory_space<hbm>>
        %dma_wait3A_125 = arith.constant 0 : i32
        %dma_wait3A_126 = arith.constant 0 : i32
        %dma_wait3A_127 = tpu.memref_slice %arg6[%run_scoped3A_96, %dma_wait3A_125, %dma_wait3A_126] : memref<2x200x50xi32, #tpu.memory_space<vmem>> -> memref<1x200x50xi32, #tpu.memory_space<vmem>>
        %dma_wait3A_128 = tpu.memref_squeeze %dma_wait3A_127 : memref<1x200x50xi32, #tpu.memory_space<vmem>> -> memref<200x50xi32, #tpu.memory_space<vmem>>
        %dma_wait3A_129 = arith.constant 0 : i32
        %dma_wait3A_130 = tpu.memref_slice %arg3[%run_scoped3A, %add3A_95, %dma_wait3A_129] : memref<2x6400x50xi32, #tpu.memory_space<hbm>> -> memref<1x200x50xi32, #tpu.memory_space<hbm>>
        %dma_wait3A_131 = tpu.memref_squeeze %dma_wait3A_130 : memref<1x200x50xi32, #tpu.memory_space<hbm>> -> memref<200x50xi32, #tpu.memory_space<hbm>>
        tpu.wait_dma2 semaphore(%run_scoped3A_103 : memref<!tpu.dma_semaphore, #tpu.memory_space<semaphore_mem>>) src(%dma_wait3A_131 : memref<200x50xi32, #tpu.memory_space<hbm>>) dst(%dma_wait3A_128 : memref<200x50xi32, #tpu.memory_space<vmem>>)
        tpu.yield
      }) : () -> ()
      %mul3A_97 = arith.constant 200 : i32
      %mul3A_98 = arith.muli %arg1, %mul3A_97 : i32
      %add3A_99 = arith.constant 3200 : i32
      %add3A_100 = arith.addi %add3A_99, %mul3A_98 : i32
      %run_scoped3A_101 = arith.constant 1 : i32
      %run_scoped3A_102 = arith.constant 1 : i32
      "tpu.region"() ({
        %run_scoped3A_103 = tpu.sem_alloc : memref<!tpu.dma_semaphore, #tpu.memory_space<semaphore_mem>>
        %dma_start3A_104 = arith.constant 0 : i32
        %dma_start3A_105 = arith.constant 0 : i32
        %dma_start3A_106 = tpu.memref_slice %arg6[%run_scoped3A_102, %dma_start3A_104, %dma_start3A_105] : memref<2x200x50xi32, #tpu.memory_space<vmem>> -> memref<1x200x50xi32, #tpu.memory_space<vmem>>
        %dma_start3A_107 = tpu.memref_squeeze %dma_start3A_106 : memref<1x200x50xi32, #tpu.memory_space<vmem>> -> memref<200x50xi32, #tpu.memory_space<vmem>>
        %dma_start3A_108 = arith.constant 0 : i32
        %dma_start3A_109 = tpu.memref_slice %arg3[%run_scoped3A_101, %add3A_100, %dma_start3A_108] : memref<2x6400x50xi32, #tpu.memory_space<hbm>> -> memref<1x200x50xi32, #tpu.memory_space<hbm>>
        %dma_start3A_110 = tpu.memref_squeeze %dma_start3A_109 : memref<1x200x50xi32, #tpu.memory_space<hbm>> -> memref<200x50xi32, #tpu.memory_space<hbm>>
        %dma_start3A_111 = arith.constant 0 : i32
        %dma_start3A_112 = arith.constant 0 : i32
        %dma_start3A_113 = tpu.memref_slice %arg6[%run_scoped3A_102, %dma_start3A_111, %dma_start3A_112] : memref<2x200x50xi32, #tpu.memory_space<vmem>> -> memref<1x200x50xi32, #tpu.memory_space<vmem>>
        %dma_start3A_114 = tpu.memref_squeeze %dma_start3A_113 : memref<1x200x50xi32, #tpu.memory_space<vmem>> -> memref<200x50xi32, #tpu.memory_space<vmem>>
        %dma_start3A_115 = arith.constant 0 : i32
        %dma_start3A_116 = tpu.memref_slice %arg3[%run_scoped3A_101, %add3A_100, %dma_start3A_115] : memref<2x6400x50xi32, #tpu.memory_space<hbm>> -> memref<1x200x50xi32, #tpu.memory_space<hbm>>
        %dma_start3A_117 = tpu.memref_squeeze %dma_start3A_116 : memref<1x200x50xi32, #tpu.memory_space<hbm>> -> memref<200x50xi32, #tpu.memory_space<hbm>>
        tpu.enqueue_dma source(%dma_start3A_117 : memref<200x50xi32, #tpu.memory_space<hbm>>) target(%dma_start3A_114 : memref<200x50xi32, #tpu.memory_space<vmem>>) target_semaphore(%run_scoped3A_103 : memref<!tpu.dma_semaphore, #tpu.memory_space<semaphore_mem>>)
        %dma_wait3A_118 = arith.constant 0 : i32
        %dma_wait3A_119 = arith.constant 0 : i32
        %dma_wait3A_120 = tpu.memref_slice %arg6[%run_scoped3A_102, %dma_wait3A_118, %dma_wait3A_119] : memref<2x200x50xi32, #tpu.memory_space<vmem>> -> memref<1x200x50xi32, #tpu.memory_space<vmem>>
        %dma_wait3A_121 = tpu.memref_squeeze %dma_wait3A_120 : memref<1x200x50xi32, #tpu.memory_space<vmem>> -> memref<200x50xi32, #tpu.memory_space<vmem>>
        %dma_wait3A_122 = arith.constant 0 : i32
        %dma_wait3A_123 = tpu.memref_slice %arg3[%run_scoped3A_101, %add3A_100, %dma_wait3A_122] : memref<2x6400x50xi32, #tpu.memory_space<hbm>> -> memref<1x200x50xi32, #tpu.memory_space<hbm>>
        %dma_wait3A_124 = tpu.memref_squeeze %dma_wait3A_123 : memref<1x200x50xi32, #tpu.memory_space<hbm>> -> memref<200x50xi32, #tpu.memory_space<hbm>>
        %dma_wait3A_125 = arith.constant 0 : i32
        %dma_wait3A_126 = arith.constant 0 : i32
        %dma_wait3A_127 = tpu.memref_slice %arg6[%run_scoped3A_102, %dma_wait3A_125, %dma_wait3A_126] : memref<2x200x50xi32, #tpu.memory_space<vmem>> -> memref<1x200x50xi32, #tpu.memory_space<vmem>>
        %dma_wait3A_128 = tpu.memref_squeeze %dma_wait3A_127 : memref<1x200x50xi32, #tpu.memory_space<vmem>> -> memref<200x50xi32, #tpu.memory_space<vmem>>
        %dma_wait3A_129 = arith.constant 0 : i32
        %dma_wait3A_130 = tpu.memref_slice %arg3[%run_scoped3A_101, %add3A_100, %dma_wait3A_129] : memref<2x6400x50xi32, #tpu.memory_space<hbm>> -> memref<1x200x50xi32, #tpu.memory_space<hbm>>
        %dma_wait3A_131 = tpu.memref_squeeze %dma_wait3A_130 : memref<1x200x50xi32, #tpu.memory_space<hbm>> -> memref<200x50xi32, #tpu.memory_space<hbm>>
        tpu.wait_dma2 semaphore(%run_scoped3A_103 : memref<!tpu.dma_semaphore, #tpu.memory_space<semaphore_mem>>) src(%dma_wait3A_131 : memref<200x50xi32, #tpu.memory_space<hbm>>) dst(%dma_wait3A_128 : memref<200x50xi32, #tpu.memory_space<vmem>>)
        tpu.yield
      }) : () -> ()
    } else {
    }
    %dma_start3A = arith.constant 0 : i32
    %dma_start3A_10 = arith.constant 0 : i32
    %dma_start3A_11 = arith.constant 0 : i32
    %dma_start3A_12 = arith.constant 0 : i32
    %dma_start3A_13 = tpu.memref_slice %arg6[%dma_start3A, %dma_start3A_11, %dma_start3A_12] : memref<2x200x50xi32, #tpu.memory_space<vmem>> -> memref<1x200x50xi32, #tpu.memory_space<vmem>>
    %dma_start3A_14 = tpu.memref_squeeze %dma_start3A_13 : memref<1x200x50xi32, #tpu.memory_space<vmem>> -> memref<200x50xi32, #tpu.memory_space<vmem>>
    %dma_start3A_15 = arith.constant 0 : i32
    %dma_start3A_16 = tpu.memref_slice %dma_start3A_14[%dma_start3A_10, %dma_start3A_15] : memref<200x50xi32, #tpu.memory_space<vmem>> -> memref<1x50xi32, #tpu.memory_space<vmem>>
    %dma_start3A_17 = tpu.memref_squeeze %dma_start3A_16 : memref<1x50xi32, #tpu.memory_space<vmem>> -> memref<50xi32, #tpu.memory_space<vmem>>
    %dma_start3A_18 = arith.constant 0 : i32
    %dma_start3A_19 = arith.constant 0 : i32
    %dma_start3A_20 = tpu.memref_slice %arg2[%dma_start3A_18, %dma_start3A_19] : memref<10000x128xf32, #tpu.memory_space<hbm>> -> memref<10000x128xf32, #tpu.memory_space<hbm>>
    tpu.enqueue_indirect_dma source(%dma_start3A_20 : memref<10000x128xf32, #tpu.memory_space<hbm>>) target(%arg7 : memref<50x128xf32, #tpu.memory_space<vmem>>) offsets(%dma_start3A_17 : memref<50xi32, #tpu.memory_space<vmem>>) semaphore(%arg12 : memref<!tpu.dma_semaphore, #tpu.memory_space<semaphore_mem>>)
    %dma_start3A_21 = arith.constant 0 : i32
    %dma_start3A_22 = arith.constant 1 : i32
    %dma_start3A_23 = arith.constant 0 : i32
    %dma_start3A_24 = arith.constant 0 : i32
    %dma_start3A_25 = tpu.memref_slice %arg6[%dma_start3A_21, %dma_start3A_23, %dma_start3A_24] : memref<2x200x50xi32, #tpu.memory_space<vmem>> -> memref<1x200x50xi32, #tpu.memory_space<vmem>>
    %dma_start3A_26 = tpu.memref_squeeze %dma_start3A_25 : memref<1x200x50xi32, #tpu.memory_space<vmem>> -> memref<200x50xi32, #tpu.memory_space<vmem>>
    %dma_start3A_27 = arith.constant 0 : i32
    %dma_start3A_28 = tpu.memref_slice %dma_start3A_26[%dma_start3A_22, %dma_start3A_27] : memref<200x50xi32, #tpu.memory_space<vmem>> -> memref<1x50xi32, #tpu.memory_space<vmem>>
    %dma_start3A_29 = tpu.memref_squeeze %dma_start3A_28 : memref<1x50xi32, #tpu.memory_space<vmem>> -> memref<50xi32, #tpu.memory_space<vmem>>
    %dma_start3A_30 = arith.constant 0 : i32
    %dma_start3A_31 = arith.constant 0 : i32
    %dma_start3A_32 = tpu.memref_slice %arg2[%dma_start3A_30, %dma_start3A_31] : memref<10000x128xf32, #tpu.memory_space<hbm>> -> memref<10000x128xf32, #tpu.memory_space<hbm>>
    tpu.enqueue_indirect_dma source(%dma_start3A_32 : memref<10000x128xf32, #tpu.memory_space<hbm>>) target(%arg8 : memref<50x128xf32, #tpu.memory_space<vmem>>) offsets(%dma_start3A_29 : memref<50xi32, #tpu.memory_space<vmem>>) semaphore(%arg13 : memref<!tpu.dma_semaphore, #tpu.memory_space<semaphore_mem>>)
    %eq3A_33 = arith.cmpi eq, %arg0, %arg0 : i32
    %convert_element_type3A_34 = arith.extui %eq3A_33 : i1 to i32
    %cond3A_35 = arith.constant 0 : i32
    %cond3A_36 = arith.cmpi ne, %convert_element_type3A_34, %cond3A_35 : i32
    scf.if %cond3A_36 {
      %broadcast_in_dim3A = arith.constant 0.000000e+00 : f32
      %broadcast_in_dim3A_93 = vector.broadcast %broadcast_in_dim3A : f32 to vector<16xf32>
      %scan3A = arith.constant 0 : i32
      %scan3A_94 = arith.constant 0 : i32
      %scan3A_95 = arith.constant 50 : i32
      %scan3A_96 = arith.addi %scan3A_94, %scan3A_95 : i32
      %scan3A_97 = arith.constant 1 : i32
      scf.for %scan3A_266 = %scan3A_94 to %scan3A_96 step %scan3A_97  : i32 {
        %swap3A = arith.index_cast %scan3A_266 : i32 to index
        %swap3A_267 = arith.constant 0 : index
        %swap3A_268 = tpu.vector_load %arg9[%swap3A, %swap3A_267] {strides = array<i32>} : memref<50x128xf32, #tpu.memory_space<vmem>>, vector<1x16xf32>,
        %swap3A_269 = vector.shape_cast %swap3A_268 : vector<1x16xf32> to vector<16xf32>
        %swap3A_270 = vector.shape_cast %broadcast_in_dim3A_93 : vector<16xf32> to vector<1x16xf32>
        tpu.vector_store %arg9[%swap3A, %swap3A_267], %swap3A_270 {strides = array<i32>} : memref<50x128xf32, #tpu.memory_space<vmem>>, vector<1x16xf32>,
        %swap3A_271 = arith.index_cast %scan3A_266 : i32 to index
        %swap3A_272 = arith.constant 16 : index
        %swap3A_273 = tpu.vector_load %arg9[%swap3A_271, %swap3A_272] {strides = array<i32>} : memref<50x128xf32, #tpu.memory_space<vmem>>, vector<1x16xf32>,
        %swap3A_274 = vector.shape_cast %swap3A_273 : vector<1x16xf32> to vector<16xf32>
        %swap3A_275 = vector.shape_cast %broadcast_in_dim3A_93 : vector<16xf32> to vector<1x16xf32>
        tpu.vector_store %arg9[%swap3A_271, %swap3A_272], %swap3A_275 {strides = array<i32>} : memref<50x128xf32, #tpu.memory_space<vmem>>, vector<1x16xf32>,
        %swap3A_276 = arith.index_cast %scan3A_266 : i32 to index
        %swap3A_277 = arith.constant 32 : index
        %swap3A_278 = tpu.vector_load %arg9[%swap3A_276, %swap3A_277] {strides = array<i32>} : memref<50x128xf32, #tpu.memory_space<vmem>>, vector<1x16xf32>,
        %swap3A_279 = vector.shape_cast %swap3A_278 : vector<1x16xf32> to vector<16xf32>
        %swap3A_280 = vector.shape_cast %broadcast_in_dim3A_93 : vector<16xf32> to vector<1x16xf32>
        tpu.vector_store %arg9[%swap3A_276, %swap3A_277], %swap3A_280 {strides = array<i32>} : memref<50x128xf32, #tpu.memory_space<vmem>>, vector<1x16xf32>,
        %swap3A_281 = arith.index_cast %scan3A_266 : i32 to index
        %swap3A_282 = arith.constant 48 : index
        %swap3A_283 = tpu.vector_load %arg9[%swap3A_281, %swap3A_282] {strides = array<i32>} : memref<50x128xf32, #tpu.memory_space<vmem>>, vector<1x16xf32>,
        %swap3A_284 = vector.shape_cast %swap3A_283 : vector<1x16xf32> to vector<16xf32>
        %swap3A_285 = vector.shape_cast %broadcast_in_dim3A_93 : vector<16xf32> to vector<1x16xf32>
        tpu.vector_store %arg9[%swap3A_281, %swap3A_282], %swap3A_285 {strides = array<i32>} : memref<50x128xf32, #tpu.memory_space<vmem>>, vector<1x16xf32>,
        %swap3A_286 = arith.index_cast %scan3A_266 : i32 to index
        %swap3A_287 = arith.constant 64 : index
        %swap3A_288 = tpu.vector_load %arg9[%swap3A_286, %swap3A_287] {strides = array<i32>} : memref<50x128xf32, #tpu.memory_space<vmem>>, vector<1x16xf32>,
        %swap3A_289 = vector.shape_cast %swap3A_288 : vector<1x16xf32> to vector<16xf32>
        %swap3A_290 = vector.shape_cast %broadcast_in_dim3A_93 : vector<16xf32> to vector<1x16xf32>
        tpu.vector_store %arg9[%swap3A_286, %swap3A_287], %swap3A_290 {strides = array<i32>} : memref<50x128xf32, #tpu.memory_space<vmem>>, vector<1x16xf32>,
        %swap3A_291 = arith.index_cast %scan3A_266 : i32 to index
        %swap3A_292 = arith.constant 80 : index
        %swap3A_293 = tpu.vector_load %arg9[%swap3A_291, %swap3A_292] {strides = array<i32>} : memref<50x128xf32, #tpu.memory_space<vmem>>, vector<1x16xf32>,
        %swap3A_294 = vector.shape_cast %swap3A_293 : vector<1x16xf32> to vector<16xf32>
        %swap3A_295 = vector.shape_cast %broadcast_in_dim3A_93 : vector<16xf32> to vector<1x16xf32>
        tpu.vector_store %arg9[%swap3A_291, %swap3A_292], %swap3A_295 {strides = array<i32>} : memref<50x128xf32, #tpu.memory_space<vmem>>, vector<1x16xf32>,
        %swap3A_296 = arith.index_cast %scan3A_266 : i32 to index
        %swap3A_297 = arith.constant 96 : index
        %swap3A_298 = tpu.vector_load %arg9[%swap3A_296, %swap3A_297] {strides = array<i32>} : memref<50x128xf32, #tpu.memory_space<vmem>>, vector<1x16xf32>,
        %swap3A_299 = vector.shape_cast %swap3A_298 : vector<1x16xf32> to vector<16xf32>
        %swap3A_300 = vector.shape_cast %broadcast_in_dim3A_93 : vector<16xf32> to vector<1x16xf32>
        tpu.vector_store %arg9[%swap3A_296, %swap3A_297], %swap3A_300 {strides = array<i32>} : memref<50x128xf32, #tpu.memory_space<vmem>>, vector<1x16xf32>,
        %swap3A_301 = arith.index_cast %scan3A_266 : i32 to index
        %swap3A_302 = arith.constant 112 : index
        %swap3A_303 = tpu.vector_load %arg9[%swap3A_301, %swap3A_302] {strides = array<i32>} : memref<50x128xf32, #tpu.memory_space<vmem>>, vector<1x16xf32>,
        %swap3A_304 = vector.shape_cast %swap3A_303 : vector<1x16xf32> to vector<16xf32>
        %swap3A_305 = vector.shape_cast %broadcast_in_dim3A_93 : vector<16xf32> to vector<1x16xf32>
        tpu.vector_store %arg9[%swap3A_301, %swap3A_302], %swap3A_305 {strides = array<i32>} : memref<50x128xf32, #tpu.memory_space<vmem>>, vector<1x16xf32>,
      }
      %scan3A_98 = arith.constant 50 : i32
      %add3A = arith.constant 0 : i32
      %add3A_99 = arith.addi %mul3A_2, %add3A : i32
      %dma_start3A_100 = arith.constant 0 : i32
      %dma_start3A_101 = tpu.memref_slice %arg11[%add3A_99, %dma_start3A_100] : memref<10016x128xf32, #tpu.memory_space<vmem_shared>> -> memref<50x128xf32, #tpu.memory_space<vmem_shared>>
      %dma_start3A_102 = arith.constant 0 : i32
      %dma_start3A_103 = tpu.memref_slice %arg11[%add3A_99, %dma_start3A_102] : memref<10016x128xf32, #tpu.memory_space<vmem_shared>> -> memref<50x128xf32, #tpu.memory_space<vmem_shared>>
      tpu.enqueue_dma source(%arg9 : memref<50x128xf32, #tpu.memory_space<vmem>>) target(%dma_start3A_103 : memref<50x128xf32, #tpu.memory_space<vmem_shared>>) target_semaphore(%arg20 : memref<!tpu.dma_semaphore, #tpu.memory_space<semaphore_mem>>)
      %add3A_104 = arith.constant 50 : i32
      %add3A_105 = arith.addi %mul3A_2, %add3A_104 : i32
      %dma_start3A_106 = arith.constant 0 : i32
      %dma_start3A_107 = tpu.memref_slice %arg11[%add3A_105, %dma_start3A_106] : memref<10016x128xf32, #tpu.memory_space<vmem_shared>> -> memref<50x128xf32, #tpu.memory_space<vmem_shared>>
      %dma_start3A_108 = arith.constant 0 : i32
      %dma_start3A_109 = tpu.memref_slice %arg11[%add3A_105, %dma_start3A_108] : memref<10016x128xf32, #tpu.memory_space<vmem_shared>> -> memref<50x128xf32, #tpu.memory_space<vmem_shared>>
      tpu.enqueue_dma source(%arg9 : memref<50x128xf32, #tpu.memory_space<vmem>>) target(%dma_start3A_109 : memref<50x128xf32, #tpu.memory_space<vmem_shared>>) target_semaphore(%arg20 : memref<!tpu.dma_semaphore, #tpu.memory_space<semaphore_mem>>)
      %add3A_110 = arith.constant 100 : i32
      %add3A_111 = arith.addi %mul3A_2, %add3A_110 : i32
      %dma_start3A_112 = arith.constant 0 : i32
      %dma_start3A_113 = tpu.memref_slice %arg11[%add3A_111, %dma_start3A_112] : memref<10016x128xf32, #tpu.memory_space<vmem_shared>> -> memref<50x128xf32, #tpu.memory_space<vmem_shared>>
      %dma_start3A_114 = arith.constant 0 : i32
      %dma_start3A_115 = tpu.memref_slice %arg11[%add3A_111, %dma_start3A_114] : memref<10016x128xf32, #tpu.memory_space<vmem_shared>> -> memref<50x128xf32, #tpu.memory_space<vmem_shared>>
      tpu.enqueue_dma source(%arg9 : memref<50x128xf32, #tpu.memory_space<vmem>>) target(%dma_start3A_115 : memref<50x128xf32, #tpu.memory_space<vmem_shared>>) target_semaphore(%arg20 : memref<!tpu.dma_semaphore, #tpu.memory_space<semaphore_mem>>)
      %add3A_116 = arith.constant 150 : i32
      %add3A_117 = arith.addi %mul3A_2, %add3A_116 : i32
      %dma_start3A_118 = arith.constant 0 : i32
      %dma_start3A_119 = tpu.memref_slice %arg11[%add3A_117, %dma_start3A_118] : memref<10016x128xf32, #tpu.memory_space<vmem_shared>> -> memref<50x128xf32, #tpu.memory_space<vmem_shared>>
      %dma_start3A_120 = arith.constant 0 : i32
      %dma_start3A_121 = tpu.memref_slice %arg11[%add3A_117, %dma_start3A_120] : memref<10016x128xf32, #tpu.memory_space<vmem_shared>> -> memref<50x128xf32, #tpu.memory_space<vmem_shared>>
      tpu.enqueue_dma source(%arg9 : memref<50x128xf32, #tpu.memory_space<vmem>>) target(%dma_start3A_121 : memref<50x128xf32, #tpu.memory_space<vmem_shared>>) target_semaphore(%arg20 : memref<!tpu.dma_semaphore, #tpu.memory_space<semaphore_mem>>)
      %add3A_122 = arith.constant 200 : i32
      %add3A_123 = arith.addi %mul3A_2, %add3A_122 : i32
      %dma_start3A_124 = arith.constant 0 : i32
      %dma_start3A_125 = tpu.memref_slice %arg11[%add3A_123, %dma_start3A_124] : memref<10016x128xf32, #tpu.memory_space<vmem_shared>> -> memref<50x128xf32, #tpu.memory_space<vmem_shared>>
      %dma_start3A_126 = arith.constant 0 : i32
      %dma_start3A_127 = tpu.memref_slice %arg11[%add3A_123, %dma_start3A_126] : memref<10016x128xf32, #tpu.memory_space<vmem_shared>> -> memref<50x128xf32, #tpu.memory_space<vmem_shared>>
      tpu.enqueue_dma source(%arg9 : memref<50x128xf32, #tpu.memory_space<vmem>>) target(%dma_start3A_127 : memref<50x128xf32, #tpu.memory_space<vmem_shared>>) target_semaphore(%arg20 : memref<!tpu.dma_semaphore, #tpu.memory_space<semaphore_mem>>)
      %add3A_128 = arith.constant 250 : i32
      %add3A_129 = arith.addi %mul3A_2, %add3A_128 : i32
      %dma_start3A_130 = arith.constant 0 : i32
      %dma_start3A_131 = tpu.memref_slice %arg11[%add3A_129, %dma_start3A_130] : memref<10016x128xf32, #tpu.memory_space<vmem_shared>> -> memref<50x128xf32, #tpu.memory_space<vmem_shared>>
      %dma_start3A_132 = arith.constant 0 : i32
      %dma_start3A_133 = tpu.memref_slice %arg11[%add3A_129, %dma_start3A_132] : memref<10016x128xf32, #tpu.memory_space<vmem_shared>> -> memref<50x128xf32, #tpu.memory_space<vmem_shared>>
      tpu.enqueue_dma source(%arg9 : memref<50x128xf32, #tpu.memory_space<vmem>>) target(%dma_start3A_133 : memref<50x128xf32, #tpu.memory_space<vmem_shared>>) target_semaphore(%arg20 : memref<!tpu.dma_semaphore, #tpu.memory_space<semaphore_mem>>)
      %add3A_134 = arith.constant 300 : i32
      %add3A_135 = arith.addi %mul3A_2, %add3A_134 : i32
      %dma_start3A_136 = arith.constant 0 : i32
      %dma_start3A_137 = tpu.memref_slice %arg11[%add3A_135, %dma_start3A_136] : memref<10016x128xf32, #tpu.memory_space<vmem_shared>> -> memref<50x128xf32, #tpu.memory_space<vmem_shared>>
      %dma_start3A_138 = arith.constant 0 : i32
      %dma_start3A_139 = tpu.memref_slice %arg11[%add3A_135, %dma_start3A_138] : memref<10016x128xf32, #tpu.memory_space<vmem_shared>> -> memref<50x128xf32, #tpu.memory_space<vmem_shared>>
      tpu.enqueue_dma source(%arg9 : memref<50x128xf32, #tpu.memory_space<vmem>>) target(%dma_start3A_139 : memref<50x128xf32, #tpu.memory_space<vmem_shared>>) target_semaphore(%arg20 : memref<!tpu.dma_semaphore, #tpu.memory_space<semaphore_mem>>)
      %add3A_140 = arith.constant 350 : i32
      %add3A_141 = arith.addi %mul3A_2, %add3A_140 : i32
      %dma_start3A_142 = arith.constant 0 : i32
      %dma_start3A_143 = tpu.memref_slice %arg11[%add3A_141, %dma_start3A_142] : memref<10016x128xf32, #tpu.memory_space<vmem_shared>> -> memref<50x128xf32, #tpu.memory_space<vmem_shared>>
      %dma_start3A_144 = arith.constant 0 : i32
      %dma_start3A_145 = tpu.memref_slice %arg11[%add3A_141, %dma_start3A_144] : memref<10016x128xf32, #tpu.memory_space<vmem_shared>> -> memref<50x128xf32, #tpu.memory_space<vmem_shared>>
      tpu.enqueue_dma source(%arg9 : memref<50x128xf32, #tpu.memory_space<vmem>>) target(%dma_start3A_145 : memref<50x128xf32, #tpu.memory_space<vmem_shared>>) target_semaphore(%arg20 : memref<!tpu.dma_semaphore, #tpu.memory_space<semaphore_mem>>)
      %add3A_146 = arith.constant 400 : i32
      %add3A_147 = arith.addi %mul3A_2, %add3A_146 : i32
      %dma_start3A_148 = arith.constant 0 : i32
      %dma_start3A_149 = tpu.memref_slice %arg11[%add3A_147, %dma_start3A_148] : memref<10016x128xf32, #tpu.memory_space<vmem_shared>> -> memref<50x128xf32, #tpu.memory_space<vmem_shared>>
      %dma_start3A_150 = arith.constant 0 : i32
      %dma_start3A_151 = tpu.memref_slice %arg11[%add3A_147, %dma_start3A_150] : memref<10016x128xf32, #tpu.memory_space<vmem_shared>> -> memref<50x128xf32, #tpu.memory_space<vmem_shared>>
      tpu.enqueue_dma source(%arg9 : memref<50x128xf32, #tpu.memory_space<vmem>>) target(%dma_start3A_151 : memref<50x128xf32, #tpu.memory_space<vmem_shared>>) target_semaphore(%arg20 : memref<!tpu.dma_semaphore, #tpu.memory_space<semaphore_mem>>)
      %add3A_152 = arith.constant 450 : i32
      %add3A_153 = arith.addi %mul3A_2, %add3A_152 : i32
      %dma_start3A_154 = arith.constant 0 : i32
      %dma_start3A_155 = tpu.memref_slice %arg11[%add3A_153, %dma_start3A_154] : memref<10016x128xf32, #tpu.memory_space<vmem_shared>> -> memref<50x128xf32, #tpu.memory_space<vmem_shared>>
      %dma_start3A_156 = arith.constant 0 : i32
      %dma_start3A_157 = tpu.memref_slice %arg11[%add3A_153, %dma_start3A_156] : memref<10016x128xf32, #tpu.memory_space<vmem_shared>> -> memref<50x128xf32, #tpu.memory_space<vmem_shared>>
      tpu.enqueue_dma source(%arg9 : memref<50x128xf32, #tpu.memory_space<vmem>>) target(%dma_start3A_157 : memref<50x128xf32, #tpu.memory_space<vmem_shared>>) target_semaphore(%arg20 : memref<!tpu.dma_semaphore, #tpu.memory_space<semaphore_mem>>)
      %add3A_158 = arith.constant 500 : i32
      %add3A_159 = arith.addi %mul3A_2, %add3A_158 : i32
      %dma_start3A_160 = arith.constant 0 : i32
      %dma_start3A_161 = tpu.memref_slice %arg11[%add3A_159, %dma_start3A_160] : memref<10016x128xf32, #tpu.memory_space<vmem_shared>> -> memref<50x128xf32, #tpu.memory_space<vmem_shared>>
      %dma_start3A_162 = arith.constant 0 : i32
      %dma_start3A_163 = tpu.memref_slice %arg11[%add3A_159, %dma_start3A_162] : memref<10016x128xf32, #tpu.memory_space<vmem_shared>> -> memref<50x128xf32, #tpu.memory_space<vmem_shared>>
      tpu.enqueue_dma source(%arg9 : memref<50x128xf32, #tpu.memory_space<vmem>>) target(%dma_start3A_163 : memref<50x128xf32, #tpu.memory_space<vmem_shared>>) target_semaphore(%arg20 : memref<!tpu.dma_semaphore, #tpu.memory_space<semaphore_mem>>)
      %add3A_164 = arith.constant 550 : i32
      %add3A_165 = arith.addi %mul3A_2, %add3A_164 : i32
      %dma_start3A_166 = arith.constant 0 : i32
      %dma_start3A_167 = tpu.memref_slice %arg11[%add3A_165, %dma_start3A_166] : memref<10016x128xf32, #tpu.memory_space<vmem_shared>> -> memref<50x128xf32, #tpu.memory_space<vmem_shared>>
      %dma_start3A_168 = arith.constant 0 : i32
      %dma_start3A_169 = tpu.memref_slice %arg11[%add3A_165, %dma_start3A_168] : memref<10016x128xf32, #tpu.memory_space<vmem_shared>> -> memref<50x128xf32, #tpu.memory_space<vmem_shared>>
      tpu.enqueue_dma source(%arg9 : memref<50x128xf32, #tpu.memory_space<vmem>>) target(%dma_start3A_169 : memref<50x128xf32, #tpu.memory_space<vmem_shared>>) target_semaphore(%arg20 : memref<!tpu.dma_semaphore, #tpu.memory_space<semaphore_mem>>)
      %add3A_170 = arith.constant 600 : i32
      %add3A_171 = arith.addi %mul3A_2, %add3A_170 : i32
      %dma_start3A_172 = arith.constant 0 : i32
      %dma_start3A_173 = arith.constant 0 : i32
      %dma_start3A_174 = tpu.memref_slice %arg9[%dma_start3A_172, %dma_start3A_173] : memref<50x128xf32, #tpu.memory_space<vmem>> -> memref<26x128xf32, #tpu.memory_space<vmem>>
      %dma_start3A_175 = arith.constant 0 : i32
      %dma_start3A_176 = tpu.memref_slice %arg11[%add3A_171, %dma_start3A_175] : memref<10016x128xf32, #tpu.memory_space<vmem_shared>> -> memref<26x128xf32, #tpu.memory_space<vmem_shared>>
      %dma_start3A_177 = arith.constant 0 : i32
      %dma_start3A_178 = tpu.memref_slice %arg11[%add3A_171, %dma_start3A_177] : memref<10016x128xf32, #tpu.memory_space<vmem_shared>> -> memref<26x128xf32, #tpu.memory_space<vmem_shared>>
      %dma_start3A_179 = arith.constant 0 : i32
      %dma_start3A_180 = arith.constant 0 : i32
      %dma_start3A_181 = tpu.memref_slice %arg9[%dma_start3A_179, %dma_start3A_180] : memref<50x128xf32, #tpu.memory_space<vmem>> -> memref<26x128xf32, #tpu.memory_space<vmem>>
      tpu.enqueue_dma source(%dma_start3A_181 : memref<26x128xf32, #tpu.memory_space<vmem>>) target(%dma_start3A_178 : memref<26x128xf32, #tpu.memory_space<vmem_shared>>) target_semaphore(%arg20 : memref<!tpu.dma_semaphore, #tpu.memory_space<semaphore_mem>>)
      %add3A_182 = arith.constant 0 : i32
      %add3A_183 = arith.addi %mul3A_2, %add3A_182 : i32
      %dma_wait3A_184 = arith.constant 0 : i32
      %dma_wait3A_185 = tpu.memref_slice %arg11[%add3A_183, %dma_wait3A_184] : memref<10016x128xf32, #tpu.memory_space<vmem_shared>> -> memref<50x128xf32, #tpu.memory_space<vmem_shared>>
      %dma_wait3A_186 = arith.constant 0 : i32
      %dma_wait3A_187 = tpu.memref_slice %arg11[%add3A_183, %dma_wait3A_186] : memref<10016x128xf32, #tpu.memory_space<vmem_shared>> -> memref<50x128xf32, #tpu.memory_space<vmem_shared>>
      tpu.wait_dma2 semaphore(%arg20 : memref<!tpu.dma_semaphore, #tpu.memory_space<semaphore_mem>>) src(%arg9 : memref<50x128xf32, #tpu.memory_space<vmem>>) dst(%dma_wait3A_187 : memref<50x128xf32, #tpu.memory_space<vmem_shared>>)
      %add3A_188 = arith.constant 50 : i32
      %add3A_189 = arith.addi %mul3A_2, %add3A_188 : i32
      %dma_wait3A_190 = arith.constant 0 : i32
      %dma_wait3A_191 = tpu.memref_slice %arg11[%add3A_189, %dma_wait3A_190] : memref<10016x128xf32, #tpu.memory_space<vmem_shared>> -> memref<50x128xf32, #tpu.memory_space<vmem_shared>>
      %dma_wait3A_192 = arith.constant 0 : i32
      %dma_wait3A_193 = tpu.memref_slice %arg11[%add3A_189, %dma_wait3A_192] : memref<10016x128xf32, #tpu.memory_space<vmem_shared>> -> memref<50x128xf32, #tpu.memory_space<vmem_shared>>
      tpu.wait_dma2 semaphore(%arg20 : memref<!tpu.dma_semaphore, #tpu.memory_space<semaphore_mem>>) src(%arg9 : memref<50x128xf32, #tpu.memory_space<vmem>>) dst(%dma_wait3A_193 : memref<50x128xf32, #tpu.memory_space<vmem_shared>>)
      %add3A_194 = arith.constant 100 : i32
      %add3A_195 = arith.addi %mul3A_2, %add3A_194 : i32
      %dma_wait3A_196 = arith.constant 0 : i32
      %dma_wait3A_197 = tpu.memref_slice %arg11[%add3A_195, %dma_wait3A_196] : memref<10016x128xf32, #tpu.memory_space<vmem_shared>> -> memref<50x128xf32, #tpu.memory_space<vmem_shared>>
      %dma_wait3A_198 = arith.constant 0 : i32
      %dma_wait3A_199 = tpu.memref_slice %arg11[%add3A_195, %dma_wait3A_198] : memref<10016x128xf32, #tpu.memory_space<vmem_shared>> -> memref<50x128xf32, #tpu.memory_space<vmem_shared>>
      tpu.wait_dma2 semaphore(%arg20 : memref<!tpu.dma_semaphore, #tpu.memory_space<semaphore_mem>>) src(%arg9 : memref<50x128xf32, #tpu.memory_space<vmem>>) dst(%dma_wait3A_199 : memref<50x128xf32, #tpu.memory_space<vmem_shared>>)
      %add3A_200 = arith.constant 150 : i32
      %add3A_201 = arith.addi %mul3A_2, %add3A_200 : i32
      %dma_wait3A_202 = arith.constant 0 : i32
      %dma_wait3A_203 = tpu.memref_slice %arg11[%add3A_201, %dma_wait3A_202] : memref<10016x128xf32, #tpu.memory_space<vmem_shared>> -> memref<50x128xf32, #tpu.memory_space<vmem_shared>>
      %dma_wait3A_204 = arith.constant 0 : i32
      %dma_wait3A_205 = tpu.memref_slice %arg11[%add3A_201, %dma_wait3A_204] : memref<10016x128xf32, #tpu.memory_space<vmem_shared>> -> memref<50x128xf32, #tpu.memory_space<vmem_shared>>
      tpu.wait_dma2 semaphore(%arg20 : memref<!tpu.dma_semaphore, #tpu.memory_space<semaphore_mem>>) src(%arg9 : memref<50x128xf32, #tpu.memory_space<vmem>>) dst(%dma_wait3A_205 : memref<50x128xf32, #tpu.memory_space<vmem_shared>>)
      %add3A_206 = arith.constant 200 : i32
      %add3A_207 = arith.addi %mul3A_2, %add3A_206 : i32
      %dma_wait3A_208 = arith.constant 0 : i32
      %dma_wait3A_209 = tpu.memref_slice %arg11[%add3A_207, %dma_wait3A_208] : memref<10016x128xf32, #tpu.memory_space<vmem_shared>> -> memref<50x128xf32, #tpu.memory_space<vmem_shared>>
      %dma_wait3A_210 = arith.constant 0 : i32
      %dma_wait3A_211 = tpu.memref_slice %arg11[%add3A_207, %dma_wait3A_210] : memref<10016x128xf32, #tpu.memory_space<vmem_shared>> -> memref<50x128xf32, #tpu.memory_space<vmem_shared>>
      tpu.wait_dma2 semaphore(%arg20 : memref<!tpu.dma_semaphore, #tpu.memory_space<semaphore_mem>>) src(%arg9 : memref<50x128xf32, #tpu.memory_space<vmem>>) dst(%dma_wait3A_211 : memref<50x128xf32, #tpu.memory_space<vmem_shared>>)
      %add3A_212 = arith.constant 250 : i32
      %add3A_213 = arith.addi %mul3A_2, %add3A_212 : i32
      %dma_wait3A_214 = arith.constant 0 : i32
      %dma_wait3A_215 = tpu.memref_slice %arg11[%add3A_213, %dma_wait3A_214] : memref<10016x128xf32, #tpu.memory_space<vmem_shared>> -> memref<50x128xf32, #tpu.memory_space<vmem_shared>>
      %dma_wait3A_216 = arith.constant 0 : i32
      %dma_wait3A_217 = tpu.memref_slice %arg11[%add3A_213, %dma_wait3A_216] : memref<10016x128xf32, #tpu.memory_space<vmem_shared>> -> memref<50x128xf32, #tpu.memory_space<vmem_shared>>
      tpu.wait_dma2 semaphore(%arg20 : memref<!tpu.dma_semaphore, #tpu.memory_space<semaphore_mem>>) src(%arg9 : memref<50x128xf32, #tpu.memory_space<vmem>>) dst(%dma_wait3A_217 : memref<50x128xf32, #tpu.memory_space<vmem_shared>>)
      %add3A_218 = arith.constant 300 : i32
      %add3A_219 = arith.addi %mul3A_2, %add3A_218 : i32
      %dma_wait3A_220 = arith.constant 0 : i32
      %dma_wait3A_221 = tpu.memref_slice %arg11[%add3A_219, %dma_wait3A_220] : memref<10016x128xf32, #tpu.memory_space<vmem_shared>> -> memref<50x128xf32, #tpu.memory_space<vmem_shared>>
      %dma_wait3A_222 = arith.constant 0 : i32
      %dma_wait3A_223 = tpu.memref_slice %arg11[%add3A_219, %dma_wait3A_222] : memref<10016x128xf32, #tpu.memory_space<vmem_shared>> -> memref<50x128xf32, #tpu.memory_space<vmem_shared>>
      tpu.wait_dma2 semaphore(%arg20 : memref<!tpu.dma_semaphore, #tpu.memory_space<semaphore_mem>>) src(%arg9 : memref<50x128xf32, #tpu.memory_space<vmem>>) dst(%dma_wait3A_223 : memref<50x128xf32, #tpu.memory_space<vmem_shared>>)
      %add3A_224 = arith.constant 350 : i32
      %add3A_225 = arith.addi %mul3A_2, %add3A_224 : i32
      %dma_wait3A_226 = arith.constant 0 : i32
      %dma_wait3A_227 = tpu.memref_slice %arg11[%add3A_225, %dma_wait3A_226] : memref<10016x128xf32, #tpu.memory_space<vmem_shared>> -> memref<50x128xf32, #tpu.memory_space<vmem_shared>>
      %dma_wait3A_228 = arith.constant 0 : i32
      %dma_wait3A_229 = tpu.memref_slice %arg11[%add3A_225, %dma_wait3A_228] : memref<10016x128xf32, #tpu.memory_space<vmem_shared>> -> memref<50x128xf32, #tpu.memory_space<vmem_shared>>
      tpu.wait_dma2 semaphore(%arg20 : memref<!tpu.dma_semaphore, #tpu.memory_space<semaphore_mem>>) src(%arg9 : memref<50x128xf32, #tpu.memory_space<vmem>>) dst(%dma_wait3A_229 : memref<50x128xf32, #tpu.memory_space<vmem_shared>>)
      %add3A_230 = arith.constant 400 : i32
      %add3A_231 = arith.addi %mul3A_2, %add3A_230 : i32
      %dma_wait3A_232 = arith.constant 0 : i32
      %dma_wait3A_233 = tpu.memref_slice %arg11[%add3A_231, %dma_wait3A_232] : memref<10016x128xf32, #tpu.memory_space<vmem_shared>> -> memref<50x128xf32, #tpu.memory_space<vmem_shared>>
      %dma_wait3A_234 = arith.constant 0 : i32
      %dma_wait3A_235 = tpu.memref_slice %arg11[%add3A_231, %dma_wait3A_234] : memref<10016x128xf32, #tpu.memory_space<vmem_shared>> -> memref<50x128xf32, #tpu.memory_space<vmem_shared>>
      tpu.wait_dma2 semaphore(%arg20 : memref<!tpu.dma_semaphore, #tpu.memory_space<semaphore_mem>>) src(%arg9 : memref<50x128xf32, #tpu.memory_space<vmem>>) dst(%dma_wait3A_235 : memref<50x128xf32, #tpu.memory_space<vmem_shared>>)
      %add3A_236 = arith.constant 450 : i32
      %add3A_237 = arith.addi %mul3A_2, %add3A_236 : i32
      %dma_wait3A_238 = arith.constant 0 : i32
      %dma_wait3A_239 = tpu.memref_slice %arg11[%add3A_237, %dma_wait3A_238] : memref<10016x128xf32, #tpu.memory_space<vmem_shared>> -> memref<50x128xf32, #tpu.memory_space<vmem_shared>>
      %dma_wait3A_240 = arith.constant 0 : i32
      %dma_wait3A_241 = tpu.memref_slice %arg11[%add3A_237, %dma_wait3A_240] : memref<10016x128xf32, #tpu.memory_space<vmem_shared>> -> memref<50x128xf32, #tpu.memory_space<vmem_shared>>
      tpu.wait_dma2 semaphore(%arg20 : memref<!tpu.dma_semaphore, #tpu.memory_space<semaphore_mem>>) src(%arg9 : memref<50x128xf32, #tpu.memory_space<vmem>>) dst(%dma_wait3A_241 : memref<50x128xf32, #tpu.memory_space<vmem_shared>>)
      %add3A_242 = arith.constant 500 : i32
      %add3A_243 = arith.addi %mul3A_2, %add3A_242 : i32
      %dma_wait3A_244 = arith.constant 0 : i32
      %dma_wait3A_245 = tpu.memref_slice %arg11[%add3A_243, %dma_wait3A_244] : memref<10016x128xf32, #tpu.memory_space<vmem_shared>> -> memref<50x128xf32, #tpu.memory_space<vmem_shared>>
      %dma_wait3A_246 = arith.constant 0 : i32
      %dma_wait3A_247 = tpu.memref_slice %arg11[%add3A_243, %dma_wait3A_246] : memref<10016x128xf32, #tpu.memory_space<vmem_shared>> -> memref<50x128xf32, #tpu.memory_space<vmem_shared>>
      tpu.wait_dma2 semaphore(%arg20 : memref<!tpu.dma_semaphore, #tpu.memory_space<semaphore_mem>>) src(%arg9 : memref<50x128xf32, #tpu.memory_space<vmem>>) dst(%dma_wait3A_247 : memref<50x128xf32, #tpu.memory_space<vmem_shared>>)
      %add3A_248 = arith.constant 550 : i32
      %add3A_249 = arith.addi %mul3A_2, %add3A_248 : i32
      %dma_wait3A_250 = arith.constant 0 : i32
      %dma_wait3A_251 = tpu.memref_slice %arg11[%add3A_249, %dma_wait3A_250] : memref<10016x128xf32, #tpu.memory_space<vmem_shared>> -> memref<50x128xf32, #tpu.memory_space<vmem_shared>>
      %dma_wait3A_252 = arith.constant 0 : i32
      %dma_wait3A_253 = tpu.memref_slice %arg11[%add3A_249, %dma_wait3A_252] : memref<10016x128xf32, #tpu.memory_space<vmem_shared>> -> memref<50x128xf32, #tpu.memory_space<vmem_shared>>
      tpu.wait_dma2 semaphore(%arg20 : memref<!tpu.dma_semaphore, #tpu.memory_space<semaphore_mem>>) src(%arg9 : memref<50x128xf32, #tpu.memory_space<vmem>>) dst(%dma_wait3A_253 : memref<50x128xf32, #tpu.memory_space<vmem_shared>>)
      %add3A_254 = arith.constant 600 : i32
      %add3A_255 = arith.addi %mul3A_2, %add3A_254 : i32
      %dma_wait3A_256 = arith.constant 0 : i32
      %dma_wait3A_257 = arith.constant 0 : i32
      %dma_wait3A_258 = tpu.memref_slice %arg9[%dma_wait3A_256, %dma_wait3A_257] : memref<50x128xf32, #tpu.memory_space<vmem>> -> memref<26x128xf32, #tpu.memory_space<vmem>>
      %dma_wait3A_259 = arith.constant 0 : i32
      %dma_wait3A_260 = tpu.memref_slice %arg11[%add3A_255, %dma_wait3A_259] : memref<10016x128xf32, #tpu.memory_space<vmem_shared>> -> memref<26x128xf32, #tpu.memory_space<vmem_shared>>
      %dma_wait3A_261 = arith.constant 0 : i32
      %dma_wait3A_262 = tpu.memref_slice %arg11[%add3A_255, %dma_wait3A_261] : memref<10016x128xf32, #tpu.memory_space<vmem_shared>> -> memref<26x128xf32, #tpu.memory_space<vmem_shared>>
      %dma_wait3A_263 = arith.constant 0 : i32
      %dma_wait3A_264 = arith.constant 0 : i32
      %dma_wait3A_265 = tpu.memref_slice %arg9[%dma_wait3A_263, %dma_wait3A_264] : memref<50x128xf32, #tpu.memory_space<vmem>> -> memref<26x128xf32, #tpu.memory_space<vmem>>
      tpu.wait_dma2 semaphore(%arg20 : memref<!tpu.dma_semaphore, #tpu.memory_space<semaphore_mem>>) src(%dma_wait3A_265 : memref<26x128xf32, #tpu.memory_space<vmem>>) dst(%dma_wait3A_262 : memref<26x128xf32, #tpu.memory_space<vmem_shared>>)
    } else {
    }
    %barrier3A = arith.constant 0 : index
    tpu.barrier barrier_id(%barrier3A)
    %jit3A_37 = arith.constant 4 : i32
    %div3A = arith.divsi %select_n3A, %jit3A_37 : i32
    %sign3A = arith.constant 0 : i32
    %sign3A_38 = arith.cmpi sgt, %select_n3A, %sign3A : i32
    %sign3A_39 = arith.extui %sign3A_38 : i1 to i32
    %sign3A_40 = arith.constant 0 : i32
    %sign3A_41 = arith.cmpi slt, %select_n3A, %sign3A_40 : i32
    %sign3A_42 = arith.extui %sign3A_41 : i1 to i32
    %sign3A_43 = arith.subi %sign3A_39, %sign3A_42 : i32
    %sign3A_44 = arith.constant 0 : i32
    %sign3A_45 = arith.cmpi sgt, %jit3A_37, %sign3A_44 : i32
    %sign3A_46 = arith.extui %sign3A_45 : i1 to i32
    %sign3A_47 = arith.constant 0 : i32
    %sign3A_48 = arith.cmpi slt, %jit3A_37, %sign3A_47 : i32
    %sign3A_49 = arith.extui %sign3A_48 : i1 to i32
    %sign3A_50 = arith.subi %sign3A_46, %sign3A_49 : i32
    %ne3A_51 = arith.cmpi ne, %sign3A_43, %sign3A_50 : i32
    %rem3A = arith.remsi %select_n3A, %jit3A_37 : i32
    %ne3A_52 = arith.constant 0 : i32
    %ne3A_53 = arith.cmpi ne, %rem3A, %ne3A_52 : i32
    %and3A = arith.andi %ne3A_51, %ne3A_53 : i1
    %sub3A = arith.constant 1 : i32
    %sub3A_54 = arith.subi %div3A, %sub3A : i32
    %select_n3A_55 = arith.select %and3A, %sub3A_54, %div3A : i32
    %while3A = arith.constant 0 : i32
    %while3A_56 = arith.constant 0 : i32
    %while3A_57 = arith.constant 1 : i32
    %while3A_58 = arith.constant 0 : i32
    %while3A_59 = arith.subi %select_n3A_55, %while3A_58 : i32
    %while3A_60 = arith.addi %while3A_58, %while3A_59 : i32
    %while3A_61 = arith.constant 1 : i32
    %while3A_62 = arith.divsi %while3A_59, %while3A_61 : i32
    %while3A_63 = arith.muli %while3A_62, %while3A_61 : i32
    %while3A_64 = arith.addi %while3A_58, %while3A_63 : i32
    %while3A_65 = arith.constant 1 : i32
    scf.for %while3A_93 = %while3A_58 to %while3A_64 step %while3A_65  : i32 {
      %mul3A_94 = arith.constant 4 : i32
      %mul3A_95 = arith.muli %mul3A_94, %while3A_93 : i32
      %add3A = arith.constant 0 : i32
      %add3A_96 = arith.addi %mul3A_95, %add3A : i32
      %dma_wait3A_97 = arith.constant 0 : i32
      %dma_wait3A_98 = arith.constant 0 : i32
      %dma_wait3A_99 = tpu.memref_slice %arg6[%while3A_56, %dma_wait3A_97, %dma_wait3A_98] : memref<2x200x50xi32, #tpu.memory_space<vmem>> -> memref<1x200x50xi32, #tpu.memory_space<vmem>>
      %dma_wait3A_100 = tpu.memref_squeeze %dma_wait3A_99 : memref<1x200x50xi32, #tpu.memory_space<vmem>> -> memref<200x50xi32, #tpu.memory_space<vmem>>
      %dma_wait3A_101 = arith.constant 0 : i32
      %dma_wait3A_102 = tpu.memref_slice %dma_wait3A_100[%add3A_96, %dma_wait3A_101] : memref<200x50xi32, #tpu.memory_space<vmem>> -> memref<1x50xi32, #tpu.memory_space<vmem>>
      %dma_wait3A_103 = tpu.memref_squeeze %dma_wait3A_102 : memref<1x50xi32, #tpu.memory_space<vmem>> -> memref<50xi32, #tpu.memory_space<vmem>>
      %dma_wait3A_104 = arith.constant 0 : i32
      %dma_wait3A_105 = arith.constant 0 : i32
      %dma_wait3A_106 = tpu.memref_slice %arg2[%dma_wait3A_104, %dma_wait3A_105] : memref<10000x128xf32, #tpu.memory_space<hbm>> -> memref<10000x128xf32, #tpu.memory_space<hbm>>
      tpu.wait_indirect_dma semaphore(%arg12 : memref<!tpu.dma_semaphore, #tpu.memory_space<semaphore_mem>>) src(%dma_wait3A_106 : memref<10000x128xf32, #tpu.memory_space<hbm>>) dst(%arg7 : memref<50x128xf32, #tpu.memory_space<vmem>>)
      %dma_start3A_107 = arith.constant 0 : i32
      %dma_start3A_108 = arith.constant 0 : i32
      %dma_start3A_109 = tpu.memref_slice %arg6[%while3A_57, %dma_start3A_107, %dma_start3A_108] : memref<2x200x50xi32, #tpu.memory_space<vmem>> -> memref<1x200x50xi32, #tpu.memory_space<vmem>>
      %dma_start3A_110 = tpu.memref_squeeze %dma_start3A_109 : memref<1x200x50xi32, #tpu.memory_space<vmem>> -> memref<200x50xi32, #tpu.memory_space<vmem>>
      %dma_start3A_111 = arith.constant 0 : i32
      %dma_start3A_112 = tpu.memref_slice %dma_start3A_110[%add3A_96, %dma_start3A_111] : memref<200x50xi32, #tpu.memory_space<vmem>> -> memref<1x50xi32, #tpu.memory_space<vmem>>
      %dma_start3A_113 = tpu.memref_squeeze %dma_start3A_112 : memref<1x50xi32, #tpu.memory_space<vmem>> -> memref<50xi32, #tpu.memory_space<vmem>>
      %dma_start3A_114 = arith.constant 0 : i32
      %dma_start3A_115 = arith.constant 0 : i32
      %dma_start3A_116 = tpu.memref_slice %arg11[%dma_start3A_114, %dma_start3A_115] : memref<10016x128xf32, #tpu.memory_space<vmem_shared>> -> memref<10016x128xf32, #tpu.memory_space<vmem_shared>>
      tpu.enqueue_indirect_dma source(%arg7 : memref<50x128xf32, #tpu.memory_space<vmem>>) target(%dma_start3A_116 : memref<10016x128xf32, #tpu.memory_space<vmem_shared>>) offsets(%dma_start3A_113 : memref<50xi32, #tpu.memory_space<vmem>>) semaphore(%arg16 : memref<!tpu.dma_semaphore, #tpu.memory_space<semaphore_mem>>) {add = true}
      %ge3A = arith.constant 2 : i32
      %ge3A_117 = arith.cmpi sge, %add3A_96, %ge3A : i32
      %convert_element_type3A_118 = arith.extui %ge3A_117 : i1 to i32
      %cond3A_119 = arith.constant 0 : i32
      %cond3A_120 = arith.cmpi ne, %convert_element_type3A_118, %cond3A_119 : i32
      scf.if %cond3A_120 {
        %sub3A_225 = arith.constant 2 : i32
        %sub3A_226 = arith.subi %add3A_96, %sub3A_225 : i32
        %dma_wait3A_227 = arith.constant 0 : i32
        %dma_wait3A_228 = arith.constant 0 : i32
        %dma_wait3A_229 = tpu.memref_slice %arg6[%while3A_57, %dma_wait3A_227, %dma_wait3A_228] : memref<2x200x50xi32, #tpu.memory_space<vmem>> -> memref<1x200x50xi32, #tpu.memory_space<vmem>>
        %dma_wait3A_230 = tpu.memref_squeeze %dma_wait3A_229 : memref<1x200x50xi32, #tpu.memory_space<vmem>> -> memref<200x50xi32, #tpu.memory_space<vmem>>
        %dma_wait3A_231 = arith.constant 0 : i32
        %dma_wait3A_232 = tpu.memref_slice %dma_wait3A_230[%sub3A_226, %dma_wait3A_231] : memref<200x50xi32, #tpu.memory_space<vmem>> -> memref<1x50xi32, #tpu.memory_space<vmem>>
        %dma_wait3A_233 = tpu.memref_squeeze %dma_wait3A_232 : memref<1x50xi32, #tpu.memory_space<vmem>> -> memref<50xi32, #tpu.memory_space<vmem>>
        %dma_wait3A_234 = arith.constant 0 : i32
        %dma_wait3A_235 = arith.constant 0 : i32
        %dma_wait3A_236 = tpu.memref_slice %arg11[%dma_wait3A_234, %dma_wait3A_235] : memref<10016x128xf32, #tpu.memory_space<vmem_shared>> -> memref<10016x128xf32, #tpu.memory_space<vmem_shared>>
        tpu.wait_indirect_dma semaphore(%arg18 : memref<!tpu.dma_semaphore, #tpu.memory_space<semaphore_mem>>) src(%arg9 : memref<50x128xf32, #tpu.memory_space<vmem>>) dst(%dma_wait3A_236 : memref<10016x128xf32, #tpu.memory_space<vmem_shared>>)
      } else {
      }
      %add3A_121 = arith.constant 2 : i32
      %add3A_122 = arith.addi %add3A_96, %add3A_121 : i32
      %lt3A = arith.cmpi slt, %add3A_122, %select_n3A : i32
      %convert_element_type3A_123 = arith.extui %lt3A : i1 to i32
      %cond3A_124 = arith.constant 0 : i32
      %cond3A_125 = arith.cmpi ne, %convert_element_type3A_123, %cond3A_124 : i32
      scf.if %cond3A_125 {
        %add3A_225 = arith.constant 2 : i32
        %add3A_226 = arith.addi %add3A_96, %add3A_225 : i32
        %dma_start3A_227 = arith.constant 0 : i32
        %dma_start3A_228 = arith.constant 0 : i32
        %dma_start3A_229 = tpu.memref_slice %arg6[%while3A_56, %dma_start3A_227, %dma_start3A_228] : memref<2x200x50xi32, #tpu.memory_space<vmem>> -> memref<1x200x50xi32, #tpu.memory_space<vmem>>
        %dma_start3A_230 = tpu.memref_squeeze %dma_start3A_229 : memref<1x200x50xi32, #tpu.memory_space<vmem>> -> memref<200x50xi32, #tpu.memory_space<vmem>>
        %dma_start3A_231 = arith.constant 0 : i32
        %dma_start3A_232 = tpu.memref_slice %dma_start3A_230[%add3A_226, %dma_start3A_231] : memref<200x50xi32, #tpu.memory_space<vmem>> -> memref<1x50xi32, #tpu.memory_space<vmem>>
        %dma_start3A_233 = tpu.memref_squeeze %dma_start3A_232 : memref<1x50xi32, #tpu.memory_space<vmem>> -> memref<50xi32, #tpu.memory_space<vmem>>
        %dma_start3A_234 = arith.constant 0 : i32
        %dma_start3A_235 = arith.constant 0 : i32
        %dma_start3A_236 = tpu.memref_slice %arg2[%dma_start3A_234, %dma_start3A_235] : memref<10000x128xf32, #tpu.memory_space<hbm>> -> memref<10000x128xf32, #tpu.memory_space<hbm>>
        tpu.enqueue_indirect_dma source(%dma_start3A_236 : memref<10000x128xf32, #tpu.memory_space<hbm>>) target(%arg9 : memref<50x128xf32, #tpu.memory_space<vmem>>) offsets(%dma_start3A_233 : memref<50xi32, #tpu.memory_space<vmem>>) semaphore(%arg14 : memref<!tpu.dma_semaphore, #tpu.memory_space<semaphore_mem>>)
      } else {
      }
      %add3A_126 = arith.constant 1 : i32
      %add3A_127 = arith.addi %mul3A_95, %add3A_126 : i32
      %dma_wait3A_128 = arith.constant 0 : i32
      %dma_wait3A_129 = arith.constant 0 : i32
      %dma_wait3A_130 = tpu.memref_slice %arg6[%while3A_56, %dma_wait3A_128, %dma_wait3A_129] : memref<2x200x50xi32, #tpu.memory_space<vmem>> -> memref<1x200x50xi32, #tpu.memory_space<vmem>>
      %dma_wait3A_131 = tpu.memref_squeeze %dma_wait3A_130 : memref<1x200x50xi32, #tpu.memory_space<vmem>> -> memref<200x50xi32, #tpu.memory_space<vmem>>
      %dma_wait3A_132 = arith.constant 0 : i32
      %dma_wait3A_133 = tpu.memref_slice %dma_wait3A_131[%add3A_127, %dma_wait3A_132] : memref<200x50xi32, #tpu.memory_space<vmem>> -> memref<1x50xi32, #tpu.memory_space<vmem>>
      %dma_wait3A_134 = tpu.memref_squeeze %dma_wait3A_133 : memref<1x50xi32, #tpu.memory_space<vmem>> -> memref<50xi32, #tpu.memory_space<vmem>>
      %dma_wait3A_135 = arith.constant 0 : i32
      %dma_wait3A_136 = arith.constant 0 : i32
      %dma_wait3A_137 = tpu.memref_slice %arg2[%dma_wait3A_135, %dma_wait3A_136] : memref<10000x128xf32, #tpu.memory_space<hbm>> -> memref<10000x128xf32, #tpu.memory_space<hbm>>
      tpu.wait_indirect_dma semaphore(%arg13 : memref<!tpu.dma_semaphore, #tpu.memory_space<semaphore_mem>>) src(%dma_wait3A_137 : memref<10000x128xf32, #tpu.memory_space<hbm>>) dst(%arg8 : memref<50x128xf32, #tpu.memory_space<vmem>>)
      %dma_start3A_138 = arith.constant 0 : i32
      %dma_start3A_139 = arith.constant 0 : i32
      %dma_start3A_140 = tpu.memref_slice %arg6[%while3A_57, %dma_start3A_138, %dma_start3A_139] : memref<2x200x50xi32, #tpu.memory_space<vmem>> -> memref<1x200x50xi32, #tpu.memory_space<vmem>>
      %dma_start3A_141 = tpu.memref_squeeze %dma_start3A_140 : memref<1x200x50xi32, #tpu.memory_space<vmem>> -> memref<200x50xi32, #tpu.memory_space<vmem>>
      %dma_start3A_142 = arith.constant 0 : i32
      %dma_start3A_143 = tpu.memref_slice %dma_start3A_141[%add3A_127, %dma_start3A_142] : memref<200x50xi32, #tpu.memory_space<vmem>> -> memref<1x50xi32, #tpu.memory_space<vmem>>
      %dma_start3A_144 = tpu.memref_squeeze %dma_start3A_143 : memref<1x50xi32, #tpu.memory_space<vmem>> -> memref<50xi32, #tpu.memory_space<vmem>>
      %dma_start3A_145 = arith.constant 0 : i32
      %dma_start3A_146 = arith.constant 0 : i32
      %dma_start3A_147 = tpu.memref_slice %arg11[%dma_start3A_145, %dma_start3A_146] : memref<10016x128xf32, #tpu.memory_space<vmem_shared>> -> memref<10016x128xf32, #tpu.memory_space<vmem_shared>>
      tpu.enqueue_indirect_dma source(%arg8 : memref<50x128xf32, #tpu.memory_space<vmem>>) target(%dma_start3A_147 : memref<10016x128xf32, #tpu.memory_space<vmem_shared>>) offsets(%dma_start3A_144 : memref<50xi32, #tpu.memory_space<vmem>>) semaphore(%arg17 : memref<!tpu.dma_semaphore, #tpu.memory_space<semaphore_mem>>) {add = true}
      %ge3A_148 = arith.constant 2 : i32
      %ge3A_149 = arith.cmpi sge, %add3A_127, %ge3A_148 : i32
      %convert_element_type3A_150 = arith.extui %ge3A_149 : i1 to i32
      %cond3A_151 = arith.constant 0 : i32
      %cond3A_152 = arith.cmpi ne, %convert_element_type3A_150, %cond3A_151 : i32
      scf.if %cond3A_152 {
        %sub3A_225 = arith.constant 2 : i32
        %sub3A_226 = arith.subi %add3A_127, %sub3A_225 : i32
        %dma_wait3A_227 = arith.constant 0 : i32
        %dma_wait3A_228 = arith.constant 0 : i32
        %dma_wait3A_229 = tpu.memref_slice %arg6[%while3A_57, %dma_wait3A_227, %dma_wait3A_228] : memref<2x200x50xi32, #tpu.memory_space<vmem>> -> memref<1x200x50xi32, #tpu.memory_space<vmem>>
        %dma_wait3A_230 = tpu.memref_squeeze %dma_wait3A_229 : memref<1x200x50xi32, #tpu.memory_space<vmem>> -> memref<200x50xi32, #tpu.memory_space<vmem>>
        %dma_wait3A_231 = arith.constant 0 : i32
        %dma_wait3A_232 = tpu.memref_slice %dma_wait3A_230[%sub3A_226, %dma_wait3A_231] : memref<200x50xi32, #tpu.memory_space<vmem>> -> memref<1x50xi32, #tpu.memory_space<vmem>>
        %dma_wait3A_233 = tpu.memref_squeeze %dma_wait3A_232 : memref<1x50xi32, #tpu.memory_space<vmem>> -> memref<50xi32, #tpu.memory_space<vmem>>
        %dma_wait3A_234 = arith.constant 0 : i32
        %dma_wait3A_235 = arith.constant 0 : i32
        %dma_wait3A_236 = tpu.memref_slice %arg11[%dma_wait3A_234, %dma_wait3A_235] : memref<10016x128xf32, #tpu.memory_space<vmem_shared>> -> memref<10016x128xf32, #tpu.memory_space<vmem_shared>>
        tpu.wait_indirect_dma semaphore(%arg19 : memref<!tpu.dma_semaphore, #tpu.memory_space<semaphore_mem>>) src(%arg10 : memref<50x128xf32, #tpu.memory_space<vmem>>) dst(%dma_wait3A_236 : memref<10016x128xf32, #tpu.memory_space<vmem_shared>>)
      } else {
      }
      %add3A_153 = arith.constant 2 : i32
      %add3A_154 = arith.addi %add3A_127, %add3A_153 : i32
      %lt3A_155 = arith.cmpi slt, %add3A_154, %select_n3A : i32
      %convert_element_type3A_156 = arith.extui %lt3A_155 : i1 to i32
      %cond3A_157 = arith.constant 0 : i32
      %cond3A_158 = arith.cmpi ne, %convert_element_type3A_156, %cond3A_157 : i32
      scf.if %cond3A_158 {
        %add3A_225 = arith.constant 2 : i32
        %add3A_226 = arith.addi %add3A_127, %add3A_225 : i32
        %dma_start3A_227 = arith.constant 0 : i32
        %dma_start3A_228 = arith.constant 0 : i32
        %dma_start3A_229 = tpu.memref_slice %arg6[%while3A_56, %dma_start3A_227, %dma_start3A_228] : memref<2x200x50xi32, #tpu.memory_space<vmem>> -> memref<1x200x50xi32, #tpu.memory_space<vmem>>
        %dma_start3A_230 = tpu.memref_squeeze %dma_start3A_229 : memref<1x200x50xi32, #tpu.memory_space<vmem>> -> memref<200x50xi32, #tpu.memory_space<vmem>>
        %dma_start3A_231 = arith.constant 0 : i32
        %dma_start3A_232 = tpu.memref_slice %dma_start3A_230[%add3A_226, %dma_start3A_231] : memref<200x50xi32, #tpu.memory_space<vmem>> -> memref<1x50xi32, #tpu.memory_space<vmem>>
        %dma_start3A_233 = tpu.memref_squeeze %dma_start3A_232 : memref<1x50xi32, #tpu.memory_space<vmem>> -> memref<50xi32, #tpu.memory_space<vmem>>
        %dma_start3A_234 = arith.constant 0 : i32
        %dma_start3A_235 = arith.constant 0 : i32
        %dma_start3A_236 = tpu.memref_slice %arg2[%dma_start3A_234, %dma_start3A_235] : memref<10000x128xf32, #tpu.memory_space<hbm>> -> memref<10000x128xf32, #tpu.memory_space<hbm>>
        tpu.enqueue_indirect_dma source(%dma_start3A_236 : memref<10000x128xf32, #tpu.memory_space<hbm>>) target(%arg10 : memref<50x128xf32, #tpu.memory_space<vmem>>) offsets(%dma_start3A_233 : memref<50xi32, #tpu.memory_space<vmem>>) semaphore(%arg15 : memref<!tpu.dma_semaphore, #tpu.memory_space<semaphore_mem>>)
      } else {
      }
      %add3A_159 = arith.constant 2 : i32
      %add3A_160 = arith.addi %mul3A_95, %add3A_159 : i32
      %dma_wait3A_161 = arith.constant 0 : i32
      %dma_wait3A_162 = arith.constant 0 : i32
      %dma_wait3A_163 = tpu.memref_slice %arg6[%while3A_56, %dma_wait3A_161, %dma_wait3A_162] : memref<2x200x50xi32, #tpu.memory_space<vmem>> -> memref<1x200x50xi32, #tpu.memory_space<vmem>>
      %dma_wait3A_164 = tpu.memref_squeeze %dma_wait3A_163 : memref<1x200x50xi32, #tpu.memory_space<vmem>> -> memref<200x50xi32, #tpu.memory_space<vmem>>
      %dma_wait3A_165 = arith.constant 0 : i32
      %dma_wait3A_166 = tpu.memref_slice %dma_wait3A_164[%add3A_160, %dma_wait3A_165] : memref<200x50xi32, #tpu.memory_space<vmem>> -> memref<1x50xi32, #tpu.memory_space<vmem>>
      %dma_wait3A_167 = tpu.memref_squeeze %dma_wait3A_166 : memref<1x50xi32, #tpu.memory_space<vmem>> -> memref<50xi32, #tpu.memory_space<vmem>>
      %dma_wait3A_168 = arith.constant 0 : i32
      %dma_wait3A_169 = arith.constant 0 : i32
      %dma_wait3A_170 = tpu.memref_slice %arg2[%dma_wait3A_168, %dma_wait3A_169] : memref<10000x128xf32, #tpu.memory_space<hbm>> -> memref<10000x128xf32, #tpu.memory_space<hbm>>
      tpu.wait_indirect_dma semaphore(%arg14 : memref<!tpu.dma_semaphore, #tpu.memory_space<semaphore_mem>>) src(%dma_wait3A_170 : memref<10000x128xf32, #tpu.memory_space<hbm>>) dst(%arg9 : memref<50x128xf32, #tpu.memory_space<vmem>>)
      %dma_start3A_171 = arith.constant 0 : i32
      %dma_start3A_172 = arith.constant 0 : i32
      %dma_start3A_173 = tpu.memref_slice %arg6[%while3A_57, %dma_start3A_171, %dma_start3A_172] : memref<2x200x50xi32, #tpu.memory_space<vmem>> -> memref<1x200x50xi32, #tpu.memory_space<vmem>>
      %dma_start3A_174 = tpu.memref_squeeze %dma_start3A_173 : memref<1x200x50xi32, #tpu.memory_space<vmem>> -> memref<200x50xi32, #tpu.memory_space<vmem>>
      %dma_start3A_175 = arith.constant 0 : i32
      %dma_start3A_176 = tpu.memref_slice %dma_start3A_174[%add3A_160, %dma_start3A_175] : memref<200x50xi32, #tpu.memory_space<vmem>> -> memref<1x50xi32, #tpu.memory_space<vmem>>
      %dma_start3A_177 = tpu.memref_squeeze %dma_start3A_176 : memref<1x50xi32, #tpu.memory_space<vmem>> -> memref<50xi32, #tpu.memory_space<vmem>>
      %dma_start3A_178 = arith.constant 0 : i32
      %dma_start3A_179 = arith.constant 0 : i32
      %dma_start3A_180 = tpu.memref_slice %arg11[%dma_start3A_178, %dma_start3A_179] : memref<10016x128xf32, #tpu.memory_space<vmem_shared>> -> memref<10016x128xf32, #tpu.memory_space<vmem_shared>>
      tpu.enqueue_indirect_dma source(%arg9 : memref<50x128xf32, #tpu.memory_space<vmem>>) target(%dma_start3A_180 : memref<10016x128xf32, #tpu.memory_space<vmem_shared>>) offsets(%dma_start3A_177 : memref<50xi32, #tpu.memory_space<vmem>>) semaphore(%arg18 : memref<!tpu.dma_semaphore, #tpu.memory_space<semaphore_mem>>) {add = true}
      %ge3A_181 = arith.constant 2 : i32
      %ge3A_182 = arith.cmpi sge, %add3A_160, %ge3A_181 : i32
      %convert_element_type3A_183 = arith.extui %ge3A_182 : i1 to i32
      %cond3A_184 = arith.constant 0 : i32
      %cond3A_185 = arith.cmpi ne, %convert_element_type3A_183, %cond3A_184 : i32
      scf.if %cond3A_185 {
        %sub3A_225 = arith.constant 2 : i32
        %sub3A_226 = arith.subi %add3A_160, %sub3A_225 : i32
        %dma_wait3A_227 = arith.constant 0 : i32
        %dma_wait3A_228 = arith.constant 0 : i32
        %dma_wait3A_229 = tpu.memref_slice %arg6[%while3A_57, %dma_wait3A_227, %dma_wait3A_228] : memref<2x200x50xi32, #tpu.memory_space<vmem>> -> memref<1x200x50xi32, #tpu.memory_space<vmem>>
        %dma_wait3A_230 = tpu.memref_squeeze %dma_wait3A_229 : memref<1x200x50xi32, #tpu.memory_space<vmem>> -> memref<200x50xi32, #tpu.memory_space<vmem>>
        %dma_wait3A_231 = arith.constant 0 : i32
        %dma_wait3A_232 = tpu.memref_slice %dma_wait3A_230[%sub3A_226, %dma_wait3A_231] : memref<200x50xi32, #tpu.memory_space<vmem>> -> memref<1x50xi32, #tpu.memory_space<vmem>>
        %dma_wait3A_233 = tpu.memref_squeeze %dma_wait3A_232 : memref<1x50xi32, #tpu.memory_space<vmem>> -> memref<50xi32, #tpu.memory_space<vmem>>
        %dma_wait3A_234 = arith.constant 0 : i32
        %dma_wait3A_235 = arith.constant 0 : i32
        %dma_wait3A_236 = tpu.memref_slice %arg11[%dma_wait3A_234, %dma_wait3A_235] : memref<10016x128xf32, #tpu.memory_space<vmem_shared>> -> memref<10016x128xf32, #tpu.memory_space<vmem_shared>>
        tpu.wait_indirect_dma semaphore(%arg16 : memref<!tpu.dma_semaphore, #tpu.memory_space<semaphore_mem>>) src(%arg7 : memref<50x128xf32, #tpu.memory_space<vmem>>) dst(%dma_wait3A_236 : memref<10016x128xf32, #tpu.memory_space<vmem_shared>>)
      } else {
      }
      %add3A_186 = arith.constant 2 : i32
      %add3A_187 = arith.addi %add3A_160, %add3A_186 : i32
      %lt3A_188 = arith.cmpi slt, %add3A_187, %select_n3A : i32
      %convert_element_type3A_189 = arith.extui %lt3A_188 : i1 to i32
      %cond3A_190 = arith.constant 0 : i32
      %cond3A_191 = arith.cmpi ne, %convert_element_type3A_189, %cond3A_190 : i32
      scf.if %cond3A_191 {
        %add3A_225 = arith.constant 2 : i32
        %add3A_226 = arith.addi %add3A_160, %add3A_225 : i32
        %dma_start3A_227 = arith.constant 0 : i32
        %dma_start3A_228 = arith.constant 0 : i32
        %dma_start3A_229 = tpu.memref_slice %arg6[%while3A_56, %dma_start3A_227, %dma_start3A_228] : memref<2x200x50xi32, #tpu.memory_space<vmem>> -> memref<1x200x50xi32, #tpu.memory_space<vmem>>
        %dma_start3A_230 = tpu.memref_squeeze %dma_start3A_229 : memref<1x200x50xi32, #tpu.memory_space<vmem>> -> memref<200x50xi32, #tpu.memory_space<vmem>>
        %dma_start3A_231 = arith.constant 0 : i32
        %dma_start3A_232 = tpu.memref_slice %dma_start3A_230[%add3A_226, %dma_start3A_231] : memref<200x50xi32, #tpu.memory_space<vmem>> -> memref<1x50xi32, #tpu.memory_space<vmem>>
        %dma_start3A_233 = tpu.memref_squeeze %dma_start3A_232 : memref<1x50xi32, #tpu.memory_space<vmem>> -> memref<50xi32, #tpu.memory_space<vmem>>
        %dma_start3A_234 = arith.constant 0 : i32
        %dma_start3A_235 = arith.constant 0 : i32
        %dma_start3A_236 = tpu.memref_slice %arg2[%dma_start3A_234, %dma_start3A_235] : memref<10000x128xf32, #tpu.memory_space<hbm>> -> memref<10000x128xf32, #tpu.memory_space<hbm>>
        tpu.enqueue_indirect_dma source(%dma_start3A_236 : memref<10000x128xf32, #tpu.memory_space<hbm>>) target(%arg7 : memref<50x128xf32, #tpu.memory_space<vmem>>) offsets(%dma_start3A_233 : memref<50xi32, #tpu.memory_space<vmem>>) semaphore(%arg12 : memref<!tpu.dma_semaphore, #tpu.memory_space<semaphore_mem>>)
      } else {
      }
      %add3A_192 = arith.constant 3 : i32
      %add3A_193 = arith.addi %mul3A_95, %add3A_192 : i32
      %dma_wait3A_194 = arith.constant 0 : i32
      %dma_wait3A_195 = arith.constant 0 : i32
      %dma_wait3A_196 = tpu.memref_slice %arg6[%while3A_56, %dma_wait3A_194, %dma_wait3A_195] : memref<2x200x50xi32, #tpu.memory_space<vmem>> -> memref<1x200x50xi32, #tpu.memory_space<vmem>>
      %dma_wait3A_197 = tpu.memref_squeeze %dma_wait3A_196 : memref<1x200x50xi32, #tpu.memory_space<vmem>> -> memref<200x50xi32, #tpu.memory_space<vmem>>
      %dma_wait3A_198 = arith.constant 0 : i32
      %dma_wait3A_199 = tpu.memref_slice %dma_wait3A_197[%add3A_193, %dma_wait3A_198] : memref<200x50xi32, #tpu.memory_space<vmem>> -> memref<1x50xi32, #tpu.memory_space<vmem>>
      %dma_wait3A_200 = tpu.memref_squeeze %dma_wait3A_199 : memref<1x50xi32, #tpu.memory_space<vmem>> -> memref<50xi32, #tpu.memory_space<vmem>>
      %dma_wait3A_201 = arith.constant 0 : i32
      %dma_wait3A_202 = arith.constant 0 : i32
      %dma_wait3A_203 = tpu.memref_slice %arg2[%dma_wait3A_201, %dma_wait3A_202] : memref<10000x128xf32, #tpu.memory_space<hbm>> -> memref<10000x128xf32, #tpu.memory_space<hbm>>
      tpu.wait_indirect_dma semaphore(%arg15 : memref<!tpu.dma_semaphore, #tpu.memory_space<semaphore_mem>>) src(%dma_wait3A_203 : memref<10000x128xf32, #tpu.memory_space<hbm>>) dst(%arg10 : memref<50x128xf32, #tpu.memory_space<vmem>>)
      %dma_start3A_204 = arith.constant 0 : i32
      %dma_start3A_205 = arith.constant 0 : i32
      %dma_start3A_206 = tpu.memref_slice %arg6[%while3A_57, %dma_start3A_204, %dma_start3A_205] : memref<2x200x50xi32, #tpu.memory_space<vmem>> -> memref<1x200x50xi32, #tpu.memory_space<vmem>>
      %dma_start3A_207 = tpu.memref_squeeze %dma_start3A_206 : memref<1x200x50xi32, #tpu.memory_space<vmem>> -> memref<200x50xi32, #tpu.memory_space<vmem>>
      %dma_start3A_208 = arith.constant 0 : i32
      %dma_start3A_209 = tpu.memref_slice %dma_start3A_207[%add3A_193, %dma_start3A_208] : memref<200x50xi32, #tpu.memory_space<vmem>> -> memref<1x50xi32, #tpu.memory_space<vmem>>
      %dma_start3A_210 = tpu.memref_squeeze %dma_start3A_209 : memref<1x50xi32, #tpu.memory_space<vmem>> -> memref<50xi32, #tpu.memory_space<vmem>>
      %dma_start3A_211 = arith.constant 0 : i32
      %dma_start3A_212 = arith.constant 0 : i32
      %dma_start3A_213 = tpu.memref_slice %arg11[%dma_start3A_211, %dma_start3A_212] : memref<10016x128xf32, #tpu.memory_space<vmem_shared>> -> memref<10016x128xf32, #tpu.memory_space<vmem_shared>>
      tpu.enqueue_indirect_dma source(%arg10 : memref<50x128xf32, #tpu.memory_space<vmem>>) target(%dma_start3A_213 : memref<10016x128xf32, #tpu.memory_space<vmem_shared>>) offsets(%dma_start3A_210 : memref<50xi32, #tpu.memory_space<vmem>>) semaphore(%arg19 : memref<!tpu.dma_semaphore, #tpu.memory_space<semaphore_mem>>) {add = true}
      %ge3A_214 = arith.constant 2 : i32
      %ge3A_215 = arith.cmpi sge, %add3A_193, %ge3A_214 : i32
      %convert_element_type3A_216 = arith.extui %ge3A_215 : i1 to i32
      %cond3A_217 = arith.constant 0 : i32
      %cond3A_218 = arith.cmpi ne, %convert_element_type3A_216, %cond3A_217 : i32
      scf.if %cond3A_218 {
        %sub3A_225 = arith.constant 2 : i32
        %sub3A_226 = arith.subi %add3A_193, %sub3A_225 : i32
        %dma_wait3A_227 = arith.constant 0 : i32
        %dma_wait3A_228 = arith.constant 0 : i32
        %dma_wait3A_229 = tpu.memref_slice %arg6[%while3A_57, %dma_wait3A_227, %dma_wait3A_228] : memref<2x200x50xi32, #tpu.memory_space<vmem>> -> memref<1x200x50xi32, #tpu.memory_space<vmem>>
        %dma_wait3A_230 = tpu.memref_squeeze %dma_wait3A_229 : memref<1x200x50xi32, #tpu.memory_space<vmem>> -> memref<200x50xi32, #tpu.memory_space<vmem>>
        %dma_wait3A_231 = arith.constant 0 : i32
        %dma_wait3A_232 = tpu.memref_slice %dma_wait3A_230[%sub3A_226, %dma_wait3A_231] : memref<200x50xi32, #tpu.memory_space<vmem>> -> memref<1x50xi32, #tpu.memory_space<vmem>>
        %dma_wait3A_233 = tpu.memref_squeeze %dma_wait3A_232 : memref<1x50xi32, #tpu.memory_space<vmem>> -> memref<50xi32, #tpu.memory_space<vmem>>
        %dma_wait3A_234 = arith.constant 0 : i32
        %dma_wait3A_235 = arith.constant 0 : i32
        %dma_wait3A_236 = tpu.memref_slice %arg11[%dma_wait3A_234, %dma_wait3A_235] : memref<10016x128xf32, #tpu.memory_space<vmem_shared>> -> memref<10016x128xf32, #tpu.memory_space<vmem_shared>>
        tpu.wait_indirect_dma semaphore(%arg17 : memref<!tpu.dma_semaphore, #tpu.memory_space<semaphore_mem>>) src(%arg8 : memref<50x128xf32, #tpu.memory_space<vmem>>) dst(%dma_wait3A_236 : memref<10016x128xf32, #tpu.memory_space<vmem_shared>>)
      } else {
      }
      %add3A_219 = arith.constant 2 : i32
      %add3A_220 = arith.addi %add3A_193, %add3A_219 : i32
      %lt3A_221 = arith.cmpi slt, %add3A_220, %select_n3A : i32
      %convert_element_type3A_222 = arith.extui %lt3A_221 : i1 to i32
      %cond3A_223 = arith.constant 0 : i32
      %cond3A_224 = arith.cmpi ne, %convert_element_type3A_222, %cond3A_223 : i32
      scf.if %cond3A_224 {
        %add3A_225 = arith.constant 2 : i32
        %add3A_226 = arith.addi %add3A_193, %add3A_225 : i32
        %dma_start3A_227 = arith.constant 0 : i32
        %dma_start3A_228 = arith.constant 0 : i32
        %dma_start3A_229 = tpu.memref_slice %arg6[%while3A_56, %dma_start3A_227, %dma_start3A_228] : memref<2x200x50xi32, #tpu.memory_space<vmem>> -> memref<1x200x50xi32, #tpu.memory_space<vmem>>
        %dma_start3A_230 = tpu.memref_squeeze %dma_start3A_229 : memref<1x200x50xi32, #tpu.memory_space<vmem>> -> memref<200x50xi32, #tpu.memory_space<vmem>>
        %dma_start3A_231 = arith.constant 0 : i32
        %dma_start3A_232 = tpu.memref_slice %dma_start3A_230[%add3A_226, %dma_start3A_231] : memref<200x50xi32, #tpu.memory_space<vmem>> -> memref<1x50xi32, #tpu.memory_space<vmem>>
        %dma_start3A_233 = tpu.memref_squeeze %dma_start3A_232 : memref<1x50xi32, #tpu.memory_space<vmem>> -> memref<50xi32, #tpu.memory_space<vmem>>
        %dma_start3A_234 = arith.constant 0 : i32
        %dma_start3A_235 = arith.constant 0 : i32
        %dma_start3A_236 = tpu.memref_slice %arg2[%dma_start3A_234, %dma_start3A_235] : memref<10000x128xf32, #tpu.memory_space<hbm>> -> memref<10000x128xf32, #tpu.memory_space<hbm>>
        tpu.enqueue_indirect_dma source(%dma_start3A_236 : memref<10000x128xf32, #tpu.memory_space<hbm>>) target(%arg8 : memref<50x128xf32, #tpu.memory_space<vmem>>) offsets(%dma_start3A_233 : memref<50xi32, #tpu.memory_space<vmem>>) semaphore(%arg13 : memref<!tpu.dma_semaphore, #tpu.memory_space<semaphore_mem>>)
      } else {
      }
    }
    %while3A_66 = arith.constant 1 : i32
    scf.for %while3A_93 = %while3A_64 to %while3A_60 step %while3A_66  : i32 {
      %mul3A_94 = arith.constant 4 : i32
      %mul3A_95 = arith.muli %mul3A_94, %while3A_93 : i32
      %add3A = arith.constant 0 : i32
      %add3A_96 = arith.addi %mul3A_95, %add3A : i32
      %dma_wait3A_97 = arith.constant 0 : i32
      %dma_wait3A_98 = arith.constant 0 : i32
      %dma_wait3A_99 = tpu.memref_slice %arg6[%while3A_56, %dma_wait3A_97, %dma_wait3A_98] : memref<2x200x50xi32, #tpu.memory_space<vmem>> -> memref<1x200x50xi32, #tpu.memory_space<vmem>>
      %dma_wait3A_100 = tpu.memref_squeeze %dma_wait3A_99 : memref<1x200x50xi32, #tpu.memory_space<vmem>> -> memref<200x50xi32, #tpu.memory_space<vmem>>
      %dma_wait3A_101 = arith.constant 0 : i32
      %dma_wait3A_102 = tpu.memref_slice %dma_wait3A_100[%add3A_96, %dma_wait3A_101] : memref<200x50xi32, #tpu.memory_space<vmem>> -> memref<1x50xi32, #tpu.memory_space<vmem>>
      %dma_wait3A_103 = tpu.memref_squeeze %dma_wait3A_102 : memref<1x50xi32, #tpu.memory_space<vmem>> -> memref<50xi32, #tpu.memory_space<vmem>>
      %dma_wait3A_104 = arith.constant 0 : i32
      %dma_wait3A_105 = arith.constant 0 : i32
      %dma_wait3A_106 = tpu.memref_slice %arg2[%dma_wait3A_104, %dma_wait3A_105] : memref<10000x128xf32, #tpu.memory_space<hbm>> -> memref<10000x128xf32, #tpu.memory_space<hbm>>
      tpu.wait_indirect_dma semaphore(%arg12 : memref<!tpu.dma_semaphore, #tpu.memory_space<semaphore_mem>>) src(%dma_wait3A_106 : memref<10000x128xf32, #tpu.memory_space<hbm>>) dst(%arg7 : memref<50x128xf32, #tpu.memory_space<vmem>>)
      %dma_start3A_107 = arith.constant 0 : i32
      %dma_start3A_108 = arith.constant 0 : i32
      %dma_start3A_109 = tpu.memref_slice %arg6[%while3A_57, %dma_start3A_107, %dma_start3A_108] : memref<2x200x50xi32, #tpu.memory_space<vmem>> -> memref<1x200x50xi32, #tpu.memory_space<vmem>>
      %dma_start3A_110 = tpu.memref_squeeze %dma_start3A_109 : memref<1x200x50xi32, #tpu.memory_space<vmem>> -> memref<200x50xi32, #tpu.memory_space<vmem>>
      %dma_start3A_111 = arith.constant 0 : i32
      %dma_start3A_112 = tpu.memref_slice %dma_start3A_110[%add3A_96, %dma_start3A_111] : memref<200x50xi32, #tpu.memory_space<vmem>> -> memref<1x50xi32, #tpu.memory_space<vmem>>
      %dma_start3A_113 = tpu.memref_squeeze %dma_start3A_112 : memref<1x50xi32, #tpu.memory_space<vmem>> -> memref<50xi32, #tpu.memory_space<vmem>>
      %dma_start3A_114 = arith.constant 0 : i32
      %dma_start3A_115 = arith.constant 0 : i32
      %dma_start3A_116 = tpu.memref_slice %arg11[%dma_start3A_114, %dma_start3A_115] : memref<10016x128xf32, #tpu.memory_space<vmem_shared>> -> memref<10016x128xf32, #tpu.memory_space<vmem_shared>>
      tpu.enqueue_indirect_dma source(%arg7 : memref<50x128xf32, #tpu.memory_space<vmem>>) target(%dma_start3A_116 : memref<10016x128xf32, #tpu.memory_space<vmem_shared>>) offsets(%dma_start3A_113 : memref<50xi32, #tpu.memory_space<vmem>>) semaphore(%arg16 : memref<!tpu.dma_semaphore, #tpu.memory_space<semaphore_mem>>) {add = true}
      %ge3A = arith.constant 2 : i32
      %ge3A_117 = arith.cmpi sge, %add3A_96, %ge3A : i32
      %convert_element_type3A_118 = arith.extui %ge3A_117 : i1 to i32
      %cond3A_119 = arith.constant 0 : i32
      %cond3A_120 = arith.cmpi ne, %convert_element_type3A_118, %cond3A_119 : i32
      scf.if %cond3A_120 {
        %sub3A_225 = arith.constant 2 : i32
        %sub3A_226 = arith.subi %add3A_96, %sub3A_225 : i32
        %dma_wait3A_227 = arith.constant 0 : i32
        %dma_wait3A_228 = arith.constant 0 : i32
        %dma_wait3A_229 = tpu.memref_slice %arg6[%while3A_57, %dma_wait3A_227, %dma_wait3A_228] : memref<2x200x50xi32, #tpu.memory_space<vmem>> -> memref<1x200x50xi32, #tpu.memory_space<vmem>>
        %dma_wait3A_230 = tpu.memref_squeeze %dma_wait3A_229 : memref<1x200x50xi32, #tpu.memory_space<vmem>> -> memref<200x50xi32, #tpu.memory_space<vmem>>
        %dma_wait3A_231 = arith.constant 0 : i32
        %dma_wait3A_232 = tpu.memref_slice %dma_wait3A_230[%sub3A_226, %dma_wait3A_231] : memref<200x50xi32, #tpu.memory_space<vmem>> -> memref<1x50xi32, #tpu.memory_space<vmem>>
        %dma_wait3A_233 = tpu.memref_squeeze %dma_wait3A_232 : memref<1x50xi32, #tpu.memory_space<vmem>> -> memref<50xi32, #tpu.memory_space<vmem>>
        %dma_wait3A_234 = arith.constant 0 : i32
        %dma_wait3A_235 = arith.constant 0 : i32
        %dma_wait3A_236 = tpu.memref_slice %arg11[%dma_wait3A_234, %dma_wait3A_235] : memref<10016x128xf32, #tpu.memory_space<vmem_shared>> -> memref<10016x128xf32, #tpu.memory_space<vmem_shared>>
        tpu.wait_indirect_dma semaphore(%arg18 : memref<!tpu.dma_semaphore, #tpu.memory_space<semaphore_mem>>) src(%arg9 : memref<50x128xf32, #tpu.memory_space<vmem>>) dst(%dma_wait3A_236 : memref<10016x128xf32, #tpu.memory_space<vmem_shared>>)
      } else {
      }
      %add3A_121 = arith.constant 2 : i32
      %add3A_122 = arith.addi %add3A_96, %add3A_121 : i32
      %lt3A = arith.cmpi slt, %add3A_122, %select_n3A : i32
      %convert_element_type3A_123 = arith.extui %lt3A : i1 to i32
      %cond3A_124 = arith.constant 0 : i32
      %cond3A_125 = arith.cmpi ne, %convert_element_type3A_123, %cond3A_124 : i32
      scf.if %cond3A_125 {
        %add3A_225 = arith.constant 2 : i32
        %add3A_226 = arith.addi %add3A_96, %add3A_225 : i32
        %dma_start3A_227 = arith.constant 0 : i32
        %dma_start3A_228 = arith.constant 0 : i32
        %dma_start3A_229 = tpu.memref_slice %arg6[%while3A_56, %dma_start3A_227, %dma_start3A_228] : memref<2x200x50xi32, #tpu.memory_space<vmem>> -> memref<1x200x50xi32, #tpu.memory_space<vmem>>
        %dma_start3A_230 = tpu.memref_squeeze %dma_start3A_229 : memref<1x200x50xi32, #tpu.memory_space<vmem>> -> memref<200x50xi32, #tpu.memory_space<vmem>>
        %dma_start3A_231 = arith.constant 0 : i32
        %dma_start3A_232 = tpu.memref_slice %dma_start3A_230[%add3A_226, %dma_start3A_231] : memref<200x50xi32, #tpu.memory_space<vmem>> -> memref<1x50xi32, #tpu.memory_space<vmem>>
        %dma_start3A_233 = tpu.memref_squeeze %dma_start3A_232 : memref<1x50xi32, #tpu.memory_space<vmem>> -> memref<50xi32, #tpu.memory_space<vmem>>
        %dma_start3A_234 = arith.constant 0 : i32
        %dma_start3A_235 = arith.constant 0 : i32
        %dma_start3A_236 = tpu.memref_slice %arg2[%dma_start3A_234, %dma_start3A_235] : memref<10000x128xf32, #tpu.memory_space<hbm>> -> memref<10000x128xf32, #tpu.memory_space<hbm>>
        tpu.enqueue_indirect_dma source(%dma_start3A_236 : memref<10000x128xf32, #tpu.memory_space<hbm>>) target(%arg9 : memref<50x128xf32, #tpu.memory_space<vmem>>) offsets(%dma_start3A_233 : memref<50xi32, #tpu.memory_space<vmem>>) semaphore(%arg14 : memref<!tpu.dma_semaphore, #tpu.memory_space<semaphore_mem>>)
      } else {
      }
      %add3A_126 = arith.constant 1 : i32
      %add3A_127 = arith.addi %mul3A_95, %add3A_126 : i32
      %dma_wait3A_128 = arith.constant 0 : i32
      %dma_wait3A_129 = arith.constant 0 : i32
      %dma_wait3A_130 = tpu.memref_slice %arg6[%while3A_56, %dma_wait3A_128, %dma_wait3A_129] : memref<2x200x50xi32, #tpu.memory_space<vmem>> -> memref<1x200x50xi32, #tpu.memory_space<vmem>>
      %dma_wait3A_131 = tpu.memref_squeeze %dma_wait3A_130 : memref<1x200x50xi32, #tpu.memory_space<vmem>> -> memref<200x50xi32, #tpu.memory_space<vmem>>
      %dma_wait3A_132 = arith.constant 0 : i32
      %dma_wait3A_133 = tpu.memref_slice %dma_wait3A_131[%add3A_127, %dma_wait3A_132] : memref<200x50xi32, #tpu.memory_space<vmem>> -> memref<1x50xi32, #tpu.memory_space<vmem>>
      %dma_wait3A_134 = tpu.memref_squeeze %dma_wait3A_133 : memref<1x50xi32, #tpu.memory_space<vmem>> -> memref<50xi32, #tpu.memory_space<vmem>>
      %dma_wait3A_135 = arith.constant 0 : i32
      %dma_wait3A_136 = arith.constant 0 : i32
      %dma_wait3A_137 = tpu.memref_slice %arg2[%dma_wait3A_135, %dma_wait3A_136] : memref<10000x128xf32, #tpu.memory_space<hbm>> -> memref<10000x128xf32, #tpu.memory_space<hbm>>
      tpu.wait_indirect_dma semaphore(%arg13 : memref<!tpu.dma_semaphore, #tpu.memory_space<semaphore_mem>>) src(%dma_wait3A_137 : memref<10000x128xf32, #tpu.memory_space<hbm>>) dst(%arg8 : memref<50x128xf32, #tpu.memory_space<vmem>>)
      %dma_start3A_138 = arith.constant 0 : i32
      %dma_start3A_139 = arith.constant 0 : i32
      %dma_start3A_140 = tpu.memref_slice %arg6[%while3A_57, %dma_start3A_138, %dma_start3A_139] : memref<2x200x50xi32, #tpu.memory_space<vmem>> -> memref<1x200x50xi32, #tpu.memory_space<vmem>>
      %dma_start3A_141 = tpu.memref_squeeze %dma_start3A_140 : memref<1x200x50xi32, #tpu.memory_space<vmem>> -> memref<200x50xi32, #tpu.memory_space<vmem>>
      %dma_start3A_142 = arith.constant 0 : i32
      %dma_start3A_143 = tpu.memref_slice %dma_start3A_141[%add3A_127, %dma_start3A_142] : memref<200x50xi32, #tpu.memory_space<vmem>> -> memref<1x50xi32, #tpu.memory_space<vmem>>
      %dma_start3A_144 = tpu.memref_squeeze %dma_start3A_143 : memref<1x50xi32, #tpu.memory_space<vmem>> -> memref<50xi32, #tpu.memory_space<vmem>>
      %dma_start3A_145 = arith.constant 0 : i32
      %dma_start3A_146 = arith.constant 0 : i32
      %dma_start3A_147 = tpu.memref_slice %arg11[%dma_start3A_145, %dma_start3A_146] : memref<10016x128xf32, #tpu.memory_space<vmem_shared>> -> memref<10016x128xf32, #tpu.memory_space<vmem_shared>>
      tpu.enqueue_indirect_dma source(%arg8 : memref<50x128xf32, #tpu.memory_space<vmem>>) target(%dma_start3A_147 : memref<10016x128xf32, #tpu.memory_space<vmem_shared>>) offsets(%dma_start3A_144 : memref<50xi32, #tpu.memory_space<vmem>>) semaphore(%arg17 : memref<!tpu.dma_semaphore, #tpu.memory_space<semaphore_mem>>) {add = true}
      %ge3A_148 = arith.constant 2 : i32
      %ge3A_149 = arith.cmpi sge, %add3A_127, %ge3A_148 : i32
      %convert_element_type3A_150 = arith.extui %ge3A_149 : i1 to i32
      %cond3A_151 = arith.constant 0 : i32
      %cond3A_152 = arith.cmpi ne, %convert_element_type3A_150, %cond3A_151 : i32
      scf.if %cond3A_152 {
        %sub3A_225 = arith.constant 2 : i32
        %sub3A_226 = arith.subi %add3A_127, %sub3A_225 : i32
        %dma_wait3A_227 = arith.constant 0 : i32
        %dma_wait3A_228 = arith.constant 0 : i32
        %dma_wait3A_229 = tpu.memref_slice %arg6[%while3A_57, %dma_wait3A_227, %dma_wait3A_228] : memref<2x200x50xi32, #tpu.memory_space<vmem>> -> memref<1x200x50xi32, #tpu.memory_space<vmem>>
        %dma_wait3A_230 = tpu.memref_squeeze %dma_wait3A_229 : memref<1x200x50xi32, #tpu.memory_space<vmem>> -> memref<200x50xi32, #tpu.memory_space<vmem>>
        %dma_wait3A_231 = arith.constant 0 : i32
        %dma_wait3A_232 = tpu.memref_slice %dma_wait3A_230[%sub3A_226, %dma_wait3A_231] : memref<200x50xi32, #tpu.memory_space<vmem>> -> memref<1x50xi32, #tpu.memory_space<vmem>>
        %dma_wait3A_233 = tpu.memref_squeeze %dma_wait3A_232 : memref<1x50xi32, #tpu.memory_space<vmem>> -> memref<50xi32, #tpu.memory_space<vmem>>
        %dma_wait3A_234 = arith.constant 0 : i32
        %dma_wait3A_235 = arith.constant 0 : i32
        %dma_wait3A_236 = tpu.memref_slice %arg11[%dma_wait3A_234, %dma_wait3A_235] : memref<10016x128xf32, #tpu.memory_space<vmem_shared>> -> memref<10016x128xf32, #tpu.memory_space<vmem_shared>>
        tpu.wait_indirect_dma semaphore(%arg19 : memref<!tpu.dma_semaphore, #tpu.memory_space<semaphore_mem>>) src(%arg10 : memref<50x128xf32, #tpu.memory_space<vmem>>) dst(%dma_wait3A_236 : memref<10016x128xf32, #tpu.memory_space<vmem_shared>>)
      } else {
      }
      %add3A_153 = arith.constant 2 : i32
      %add3A_154 = arith.addi %add3A_127, %add3A_153 : i32
      %lt3A_155 = arith.cmpi slt, %add3A_154, %select_n3A : i32
      %convert_element_type3A_156 = arith.extui %lt3A_155 : i1 to i32
      %cond3A_157 = arith.constant 0 : i32
      %cond3A_158 = arith.cmpi ne, %convert_element_type3A_156, %cond3A_157 : i32
      scf.if %cond3A_158 {
        %add3A_225 = arith.constant 2 : i32
        %add3A_226 = arith.addi %add3A_127, %add3A_225 : i32
        %dma_start3A_227 = arith.constant 0 : i32
        %dma_start3A_228 = arith.constant 0 : i32
        %dma_start3A_229 = tpu.memref_slice %arg6[%while3A_56, %dma_start3A_227, %dma_start3A_228] : memref<2x200x50xi32, #tpu.memory_space<vmem>> -> memref<1x200x50xi32, #tpu.memory_space<vmem>>
        %dma_start3A_230 = tpu.memref_squeeze %dma_start3A_229 : memref<1x200x50xi32, #tpu.memory_space<vmem>> -> memref<200x50xi32, #tpu.memory_space<vmem>>
        %dma_start3A_231 = arith.constant 0 : i32
        %dma_start3A_232 = tpu.memref_slice %dma_start3A_230[%add3A_226, %dma_start3A_231] : memref<200x50xi32, #tpu.memory_space<vmem>> -> memref<1x50xi32, #tpu.memory_space<vmem>>
        %dma_start3A_233 = tpu.memref_squeeze %dma_start3A_232 : memref<1x50xi32, #tpu.memory_space<vmem>> -> memref<50xi32, #tpu.memory_space<vmem>>
        %dma_start3A_234 = arith.constant 0 : i32
        %dma_start3A_235 = arith.constant 0 : i32
        %dma_start3A_236 = tpu.memref_slice %arg2[%dma_start3A_234, %dma_start3A_235] : memref<10000x128xf32, #tpu.memory_space<hbm>> -> memref<10000x128xf32, #tpu.memory_space<hbm>>
        tpu.enqueue_indirect_dma source(%dma_start3A_236 : memref<10000x128xf32, #tpu.memory_space<hbm>>) target(%arg10 : memref<50x128xf32, #tpu.memory_space<vmem>>) offsets(%dma_start3A_233 : memref<50xi32, #tpu.memory_space<vmem>>) semaphore(%arg15 : memref<!tpu.dma_semaphore, #tpu.memory_space<semaphore_mem>>)
      } else {
      }
      %add3A_159 = arith.constant 2 : i32
      %add3A_160 = arith.addi %mul3A_95, %add3A_159 : i32
      %dma_wait3A_161 = arith.constant 0 : i32
      %dma_wait3A_162 = arith.constant 0 : i32
      %dma_wait3A_163 = tpu.memref_slice %arg6[%while3A_56, %dma_wait3A_161, %dma_wait3A_162] : memref<2x200x50xi32, #tpu.memory_space<vmem>> -> memref<1x200x50xi32, #tpu.memory_space<vmem>>
      %dma_wait3A_164 = tpu.memref_squeeze %dma_wait3A_163 : memref<1x200x50xi32, #tpu.memory_space<vmem>> -> memref<200x50xi32, #tpu.memory_space<vmem>>
      %dma_wait3A_165 = arith.constant 0 : i32
      %dma_wait3A_166 = tpu.memref_slice %dma_wait3A_164[%add3A_160, %dma_wait3A_165] : memref<200x50xi32, #tpu.memory_space<vmem>> -> memref<1x50xi32, #tpu.memory_space<vmem>>
      %dma_wait3A_167 = tpu.memref_squeeze %dma_wait3A_166 : memref<1x50xi32, #tpu.memory_space<vmem>> -> memref<50xi32, #tpu.memory_space<vmem>>
      %dma_wait3A_168 = arith.constant 0 : i32
      %dma_wait3A_169 = arith.constant 0 : i32
      %dma_wait3A_170 = tpu.memref_slice %arg2[%dma_wait3A_168, %dma_wait3A_169] : memref<10000x128xf32, #tpu.memory_space<hbm>> -> memref<10000x128xf32, #tpu.memory_space<hbm>>
      tpu.wait_indirect_dma semaphore(%arg14 : memref<!tpu.dma_semaphore, #tpu.memory_space<semaphore_mem>>) src(%dma_wait3A_170 : memref<10000x128xf32, #tpu.memory_space<hbm>>) dst(%arg9 : memref<50x128xf32, #tpu.memory_space<vmem>>)
      %dma_start3A_171 = arith.constant 0 : i32
      %dma_start3A_172 = arith.constant 0 : i32
      %dma_start3A_173 = tpu.memref_slice %arg6[%while3A_57, %dma_start3A_171, %dma_start3A_172] : memref<2x200x50xi32, #tpu.memory_space<vmem>> -> memref<1x200x50xi32, #tpu.memory_space<vmem>>
      %dma_start3A_174 = tpu.memref_squeeze %dma_start3A_173 : memref<1x200x50xi32, #tpu.memory_space<vmem>> -> memref<200x50xi32, #tpu.memory_space<vmem>>
      %dma_start3A_175 = arith.constant 0 : i32
      %dma_start3A_176 = tpu.memref_slice %dma_start3A_174[%add3A_160, %dma_start3A_175] : memref<200x50xi32, #tpu.memory_space<vmem>> -> memref<1x50xi32, #tpu.memory_space<vmem>>
      %dma_start3A_177 = tpu.memref_squeeze %dma_start3A_176 : memref<1x50xi32, #tpu.memory_space<vmem>> -> memref<50xi32, #tpu.memory_space<vmem>>
      %dma_start3A_178 = arith.constant 0 : i32
      %dma_start3A_179 = arith.constant 0 : i32
      %dma_start3A_180 = tpu.memref_slice %arg11[%dma_start3A_178, %dma_start3A_179] : memref<10016x128xf32, #tpu.memory_space<vmem_shared>> -> memref<10016x128xf32, #tpu.memory_space<vmem_shared>>
      tpu.enqueue_indirect_dma source(%arg9 : memref<50x128xf32, #tpu.memory_space<vmem>>) target(%dma_start3A_180 : memref<10016x128xf32, #tpu.memory_space<vmem_shared>>) offsets(%dma_start3A_177 : memref<50xi32, #tpu.memory_space<vmem>>) semaphore(%arg18 : memref<!tpu.dma_semaphore, #tpu.memory_space<semaphore_mem>>) {add = true}
      %ge3A_181 = arith.constant 2 : i32
      %ge3A_182 = arith.cmpi sge, %add3A_160, %ge3A_181 : i32
      %convert_element_type3A_183 = arith.extui %ge3A_182 : i1 to i32
      %cond3A_184 = arith.constant 0 : i32
      %cond3A_185 = arith.cmpi ne, %convert_element_type3A_183, %cond3A_184 : i32
      scf.if %cond3A_185 {
        %sub3A_225 = arith.constant 2 : i32
        %sub3A_226 = arith.subi %add3A_160, %sub3A_225 : i32
        %dma_wait3A_227 = arith.constant 0 : i32
        %dma_wait3A_228 = arith.constant 0 : i32
        %dma_wait3A_229 = tpu.memref_slice %arg6[%while3A_57, %dma_wait3A_227, %dma_wait3A_228] : memref<2x200x50xi32, #tpu.memory_space<vmem>> -> memref<1x200x50xi32, #tpu.memory_space<vmem>>
        %dma_wait3A_230 = tpu.memref_squeeze %dma_wait3A_229 : memref<1x200x50xi32, #tpu.memory_space<vmem>> -> memref<200x50xi32, #tpu.memory_space<vmem>>
        %dma_wait3A_231 = arith.constant 0 : i32
        %dma_wait3A_232 = tpu.memref_slice %dma_wait3A_230[%sub3A_226, %dma_wait3A_231] : memref<200x50xi32, #tpu.memory_space<vmem>> -> memref<1x50xi32, #tpu.memory_space<vmem>>
        %dma_wait3A_233 = tpu.memref_squeeze %dma_wait3A_232 : memref<1x50xi32, #tpu.memory_space<vmem>> -> memref<50xi32, #tpu.memory_space<vmem>>
        %dma_wait3A_234 = arith.constant 0 : i32
        %dma_wait3A_235 = arith.constant 0 : i32
        %dma_wait3A_236 = tpu.memref_slice %arg11[%dma_wait3A_234, %dma_wait3A_235] : memref<10016x128xf32, #tpu.memory_space<vmem_shared>> -> memref<10016x128xf32, #tpu.memory_space<vmem_shared>>
        tpu.wait_indirect_dma semaphore(%arg16 : memref<!tpu.dma_semaphore, #tpu.memory_space<semaphore_mem>>) src(%arg7 : memref<50x128xf32, #tpu.memory_space<vmem>>) dst(%dma_wait3A_236 : memref<10016x128xf32, #tpu.memory_space<vmem_shared>>)
      } else {
      }
      %add3A_186 = arith.constant 2 : i32
      %add3A_187 = arith.addi %add3A_160, %add3A_186 : i32
      %lt3A_188 = arith.cmpi slt, %add3A_187, %select_n3A : i32
      %convert_element_type3A_189 = arith.extui %lt3A_188 : i1 to i32
      %cond3A_190 = arith.constant 0 : i32
      %cond3A_191 = arith.cmpi ne, %convert_element_type3A_189, %cond3A_190 : i32
      scf.if %cond3A_191 {
        %add3A_225 = arith.constant 2 : i32
        %add3A_226 = arith.addi %add3A_160, %add3A_225 : i32
        %dma_start3A_227 = arith.constant 0 : i32
        %dma_start3A_228 = arith.constant 0 : i32
        %dma_start3A_229 = tpu.memref_slice %arg6[%while3A_56, %dma_start3A_227, %dma_start3A_228] : memref<2x200x50xi32, #tpu.memory_space<vmem>> -> memref<1x200x50xi32, #tpu.memory_space<vmem>>
        %dma_start3A_230 = tpu.memref_squeeze %dma_start3A_229 : memref<1x200x50xi32, #tpu.memory_space<vmem>> -> memref<200x50xi32, #tpu.memory_space<vmem>>
        %dma_start3A_231 = arith.constant 0 : i32
        %dma_start3A_232 = tpu.memref_slice %dma_start3A_230[%add3A_226, %dma_start3A_231] : memref<200x50xi32, #tpu.memory_space<vmem>> -> memref<1x50xi32, #tpu.memory_space<vmem>>
        %dma_start3A_233 = tpu.memref_squeeze %dma_start3A_232 : memref<1x50xi32, #tpu.memory_space<vmem>> -> memref<50xi32, #tpu.memory_space<vmem>>
        %dma_start3A_234 = arith.constant 0 : i32
        %dma_start3A_235 = arith.constant 0 : i32
        %dma_start3A_236 = tpu.memref_slice %arg2[%dma_start3A_234, %dma_start3A_235] : memref<10000x128xf32, #tpu.memory_space<hbm>> -> memref<10000x128xf32, #tpu.memory_space<hbm>>
        tpu.enqueue_indirect_dma source(%dma_start3A_236 : memref<10000x128xf32, #tpu.memory_space<hbm>>) target(%arg7 : memref<50x128xf32, #tpu.memory_space<vmem>>) offsets(%dma_start3A_233 : memref<50xi32, #tpu.memory_space<vmem>>) semaphore(%arg12 : memref<!tpu.dma_semaphore, #tpu.memory_space<semaphore_mem>>)
      } else {
      }
      %add3A_192 = arith.constant 3 : i32
      %add3A_193 = arith.addi %mul3A_95, %add3A_192 : i32
      %dma_wait3A_194 = arith.constant 0 : i32
      %dma_wait3A_195 = arith.constant 0 : i32
      %dma_wait3A_196 = tpu.memref_slice %arg6[%while3A_56, %dma_wait3A_194, %dma_wait3A_195] : memref<2x200x50xi32, #tpu.memory_space<vmem>> -> memref<1x200x50xi32, #tpu.memory_space<vmem>>
      %dma_wait3A_197 = tpu.memref_squeeze %dma_wait3A_196 : memref<1x200x50xi32, #tpu.memory_space<vmem>> -> memref<200x50xi32, #tpu.memory_space<vmem>>
      %dma_wait3A_198 = arith.constant 0 : i32
      %dma_wait3A_199 = tpu.memref_slice %dma_wait3A_197[%add3A_193, %dma_wait3A_198] : memref<200x50xi32, #tpu.memory_space<vmem>> -> memref<1x50xi32, #tpu.memory_space<vmem>>
      %dma_wait3A_200 = tpu.memref_squeeze %dma_wait3A_199 : memref<1x50xi32, #tpu.memory_space<vmem>> -> memref<50xi32, #tpu.memory_space<vmem>>
      %dma_wait3A_201 = arith.constant 0 : i32
      %dma_wait3A_202 = arith.constant 0 : i32
      %dma_wait3A_203 = tpu.memref_slice %arg2[%dma_wait3A_201, %dma_wait3A_202] : memref<10000x128xf32, #tpu.memory_space<hbm>> -> memref<10000x128xf32, #tpu.memory_space<hbm>>
      tpu.wait_indirect_dma semaphore(%arg15 : memref<!tpu.dma_semaphore, #tpu.memory_space<semaphore_mem>>) src(%dma_wait3A_203 : memref<10000x128xf32, #tpu.memory_space<hbm>>) dst(%arg10 : memref<50x128xf32, #tpu.memory_space<vmem>>)
      %dma_start3A_204 = arith.constant 0 : i32
      %dma_start3A_205 = arith.constant 0 : i32
      %dma_start3A_206 = tpu.memref_slice %arg6[%while3A_57, %dma_start3A_204, %dma_start3A_205] : memref<2x200x50xi32, #tpu.memory_space<vmem>> -> memref<1x200x50xi32, #tpu.memory_space<vmem>>
      %dma_start3A_207 = tpu.memref_squeeze %dma_start3A_206 : memref<1x200x50xi32, #tpu.memory_space<vmem>> -> memref<200x50xi32, #tpu.memory_space<vmem>>
      %dma_start3A_208 = arith.constant 0 : i32
      %dma_start3A_209 = tpu.memref_slice %dma_start3A_207[%add3A_193, %dma_start3A_208] : memref<200x50xi32, #tpu.memory_space<vmem>> -> memref<1x50xi32, #tpu.memory_space<vmem>>
      %dma_start3A_210 = tpu.memref_squeeze %dma_start3A_209 : memref<1x50xi32, #tpu.memory_space<vmem>> -> memref<50xi32, #tpu.memory_space<vmem>>
      %dma_start3A_211 = arith.constant 0 : i32
      %dma_start3A_212 = arith.constant 0 : i32
      %dma_start3A_213 = tpu.memref_slice %arg11[%dma_start3A_211, %dma_start3A_212] : memref<10016x128xf32, #tpu.memory_space<vmem_shared>> -> memref<10016x128xf32, #tpu.memory_space<vmem_shared>>
      tpu.enqueue_indirect_dma source(%arg10 : memref<50x128xf32, #tpu.memory_space<vmem>>) target(%dma_start3A_213 : memref<10016x128xf32, #tpu.memory_space<vmem_shared>>) offsets(%dma_start3A_210 : memref<50xi32, #tpu.memory_space<vmem>>) semaphore(%arg19 : memref<!tpu.dma_semaphore, #tpu.memory_space<semaphore_mem>>) {add = true}
      %ge3A_214 = arith.constant 2 : i32
      %ge3A_215 = arith.cmpi sge, %add3A_193, %ge3A_214 : i32
      %convert_element_type3A_216 = arith.extui %ge3A_215 : i1 to i32
      %cond3A_217 = arith.constant 0 : i32
      %cond3A_218 = arith.cmpi ne, %convert_element_type3A_216, %cond3A_217 : i32
      scf.if %cond3A_218 {
        %sub3A_225 = arith.constant 2 : i32
        %sub3A_226 = arith.subi %add3A_193, %sub3A_225 : i32
        %dma_wait3A_227 = arith.constant 0 : i32
        %dma_wait3A_228 = arith.constant 0 : i32
        %dma_wait3A_229 = tpu.memref_slice %arg6[%while3A_57, %dma_wait3A_227, %dma_wait3A_228] : memref<2x200x50xi32, #tpu.memory_space<vmem>> -> memref<1x200x50xi32, #tpu.memory_space<vmem>>
        %dma_wait3A_230 = tpu.memref_squeeze %dma_wait3A_229 : memref<1x200x50xi32, #tpu.memory_space<vmem>> -> memref<200x50xi32, #tpu.memory_space<vmem>>
        %dma_wait3A_231 = arith.constant 0 : i32
        %dma_wait3A_232 = tpu.memref_slice %dma_wait3A_230[%sub3A_226, %dma_wait3A_231] : memref<200x50xi32, #tpu.memory_space<vmem>> -> memref<1x50xi32, #tpu.memory_space<vmem>>
        %dma_wait3A_233 = tpu.memref_squeeze %dma_wait3A_232 : memref<1x50xi32, #tpu.memory_space<vmem>> -> memref<50xi32, #tpu.memory_space<vmem>>
        %dma_wait3A_234 = arith.constant 0 : i32
        %dma_wait3A_235 = arith.constant 0 : i32
        %dma_wait3A_236 = tpu.memref_slice %arg11[%dma_wait3A_234, %dma_wait3A_235] : memref<10016x128xf32, #tpu.memory_space<vmem_shared>> -> memref<10016x128xf32, #tpu.memory_space<vmem_shared>>
        tpu.wait_indirect_dma semaphore(%arg17 : memref<!tpu.dma_semaphore, #tpu.memory_space<semaphore_mem>>) src(%arg8 : memref<50x128xf32, #tpu.memory_space<vmem>>) dst(%dma_wait3A_236 : memref<10016x128xf32, #tpu.memory_space<vmem_shared>>)
      } else {
      }
      %add3A_219 = arith.constant 2 : i32
      %add3A_220 = arith.addi %add3A_193, %add3A_219 : i32
      %lt3A_221 = arith.cmpi slt, %add3A_220, %select_n3A : i32
      %convert_element_type3A_222 = arith.extui %lt3A_221 : i1 to i32
      %cond3A_223 = arith.constant 0 : i32
      %cond3A_224 = arith.cmpi ne, %convert_element_type3A_222, %cond3A_223 : i32
      scf.if %cond3A_224 {
        %add3A_225 = arith.constant 2 : i32
        %add3A_226 = arith.addi %add3A_193, %add3A_225 : i32
        %dma_start3A_227 = arith.constant 0 : i32
        %dma_start3A_228 = arith.constant 0 : i32
        %dma_start3A_229 = tpu.memref_slice %arg6[%while3A_56, %dma_start3A_227, %dma_start3A_228] : memref<2x200x50xi32, #tpu.memory_space<vmem>> -> memref<1x200x50xi32, #tpu.memory_space<vmem>>
        %dma_start3A_230 = tpu.memref_squeeze %dma_start3A_229 : memref<1x200x50xi32, #tpu.memory_space<vmem>> -> memref<200x50xi32, #tpu.memory_space<vmem>>
        %dma_start3A_231 = arith.constant 0 : i32
        %dma_start3A_232 = tpu.memref_slice %dma_start3A_230[%add3A_226, %dma_start3A_231] : memref<200x50xi32, #tpu.memory_space<vmem>> -> memref<1x50xi32, #tpu.memory_space<vmem>>
        %dma_start3A_233 = tpu.memref_squeeze %dma_start3A_232 : memref<1x50xi32, #tpu.memory_space<vmem>> -> memref<50xi32, #tpu.memory_space<vmem>>
        %dma_start3A_234 = arith.constant 0 : i32
        %dma_start3A_235 = arith.constant 0 : i32
        %dma_start3A_236 = tpu.memref_slice %arg2[%dma_start3A_234, %dma_start3A_235] : memref<10000x128xf32, #tpu.memory_space<hbm>> -> memref<10000x128xf32, #tpu.memory_space<hbm>>
        tpu.enqueue_indirect_dma source(%dma_start3A_236 : memref<10000x128xf32, #tpu.memory_space<hbm>>) target(%arg8 : memref<50x128xf32, #tpu.memory_space<vmem>>) offsets(%dma_start3A_233 : memref<50xi32, #tpu.memory_space<vmem>>) semaphore(%arg13 : memref<!tpu.dma_semaphore, #tpu.memory_space<semaphore_mem>>)
      } else {
      }
    }
    %sub3A_67 = arith.constant 2 : i32
    %sub3A_68 = arith.subi %select_n3A, %sub3A_67 : i32
    %dma_wait3A = arith.constant 1 : i32
    %dma_wait3A_69 = arith.constant 0 : i32
    %dma_wait3A_70 = arith.constant 0 : i32
    %dma_wait3A_71 = tpu.memref_slice %arg6[%dma_wait3A, %dma_wait3A_69, %dma_wait3A_70] : memref<2x200x50xi32, #tpu.memory_space<vmem>> -> memref<1x200x50xi32, #tpu.memory_space<vmem>>
    %dma_wait3A_72 = tpu.memref_squeeze %dma_wait3A_71 : memref<1x200x50xi32, #tpu.memory_space<vmem>> -> memref<200x50xi32, #tpu.memory_space<vmem>>
    %dma_wait3A_73 = arith.constant 0 : i32
    %dma_wait3A_74 = tpu.memref_slice %dma_wait3A_72[%sub3A_68, %dma_wait3A_73] : memref<200x50xi32, #tpu.memory_space<vmem>> -> memref<1x50xi32, #tpu.memory_space<vmem>>
    %dma_wait3A_75 = tpu.memref_squeeze %dma_wait3A_74 : memref<1x50xi32, #tpu.memory_space<vmem>> -> memref<50xi32, #tpu.memory_space<vmem>>
    %dma_wait3A_76 = arith.constant 0 : i32
    %dma_wait3A_77 = arith.constant 0 : i32
    %dma_wait3A_78 = tpu.memref_slice %arg11[%dma_wait3A_76, %dma_wait3A_77] : memref<10016x128xf32, #tpu.memory_space<vmem_shared>> -> memref<10016x128xf32, #tpu.memory_space<vmem_shared>>
    tpu.wait_indirect_dma semaphore(%arg18 : memref<!tpu.dma_semaphore, #tpu.memory_space<semaphore_mem>>) src(%arg9 : memref<50x128xf32, #tpu.memory_space<vmem>>) dst(%dma_wait3A_78 : memref<10016x128xf32, #tpu.memory_space<vmem_shared>>)
    %sub3A_79 = arith.constant 1 : i32
    %sub3A_80 = arith.subi %select_n3A, %sub3A_79 : i32
    %dma_wait3A_81 = arith.constant 1 : i32
    %dma_wait3A_82 = arith.constant 0 : i32
    %dma_wait3A_83 = arith.constant 0 : i32
    %dma_wait3A_84 = tpu.memref_slice %arg6[%dma_wait3A_81, %dma_wait3A_82, %dma_wait3A_83] : memref<2x200x50xi32, #tpu.memory_space<vmem>> -> memref<1x200x50xi32, #tpu.memory_space<vmem>>
    %dma_wait3A_85 = tpu.memref_squeeze %dma_wait3A_84 : memref<1x200x50xi32, #tpu.memory_space<vmem>> -> memref<200x50xi32, #tpu.memory_space<vmem>>
    %dma_wait3A_86 = arith.constant 0 : i32
    %dma_wait3A_87 = tpu.memref_slice %dma_wait3A_85[%sub3A_80, %dma_wait3A_86] : memref<200x50xi32, #tpu.memory_space<vmem>> -> memref<1x50xi32, #tpu.memory_space<vmem>>
    %dma_wait3A_88 = tpu.memref_squeeze %dma_wait3A_87 : memref<1x50xi32, #tpu.memory_space<vmem>> -> memref<50xi32, #tpu.memory_space<vmem>>
    %dma_wait3A_89 = arith.constant 0 : i32
    %dma_wait3A_90 = arith.constant 0 : i32
    %dma_wait3A_91 = tpu.memref_slice %arg11[%dma_wait3A_89, %dma_wait3A_90] : memref<10016x128xf32, #tpu.memory_space<vmem_shared>> -> memref<10016x128xf32, #tpu.memory_space<vmem_shared>>
    tpu.wait_indirect_dma semaphore(%arg19 : memref<!tpu.dma_semaphore, #tpu.memory_space<semaphore_mem>>) src(%arg10 : memref<50x128xf32, #tpu.memory_space<vmem>>) dst(%dma_wait3A_91 : memref<10016x128xf32, #tpu.memory_space<vmem_shared>>)
    %barrier3A_92 = arith.constant 0 : index
    tpu.barrier barrier_id(%barrier3A_92)
    "tpu.region"() ({
      %run_scoped3A = tpu.sem_alloc : memref<!tpu.dma_semaphore, #tpu.memory_space<semaphore_mem>>
      %dma_start3A_93 = arith.constant 0 : i32
      %dma_start3A_94 = tpu.memref_slice %arg5[%arg0, %mul3A_2, %dma_start3A_93] : memref<2x10016x128xf32, #tpu.memory_space<hbm>> -> memref<1x626x128xf32, #tpu.memory_space<hbm>>
      %dma_start3A_95 = tpu.memref_squeeze %dma_start3A_94 : memref<1x626x128xf32, #tpu.memory_space<hbm>> -> memref<626x128xf32, #tpu.memory_space<hbm>>
      %dma_start3A_96 = arith.constant 0 : i32
      %dma_start3A_97 = tpu.memref_slice %arg11[%mul3A_2, %dma_start3A_96] : memref<10016x128xf32, #tpu.memory_space<vmem_shared>> -> memref<626x128xf32, #tpu.memory_space<vmem_shared>>
      tpu.enqueue_dma source(%dma_start3A_97 : memref<626x128xf32, #tpu.memory_space<vmem_shared>>) target(%dma_start3A_95 : memref<626x128xf32, #tpu.memory_space<hbm>>) target_semaphore(%run_scoped3A : memref<!tpu.dma_semaphore, #tpu.memory_space<semaphore_mem>>)
      %dma_wait3A_98 = arith.constant 0 : i32
      %dma_wait3A_99 = tpu.memref_slice %arg5[%arg0, %mul3A_2, %dma_wait3A_98] : memref<2x10016x128xf32, #tpu.memory_space<hbm>> -> memref<1x626x128xf32, #tpu.memory_space<hbm>>
      %dma_wait3A_100 = tpu.memref_squeeze %dma_wait3A_99 : memref<1x626x128xf32, #tpu.memory_space<hbm>> -> memref<626x128xf32, #tpu.memory_space<hbm>>
      %dma_wait3A_101 = arith.constant 0 : i32
      %dma_wait3A_102 = tpu.memref_slice %arg11[%mul3A_2, %dma_wait3A_101] : memref<10016x128xf32, #tpu.memory_space<vmem_shared>> -> memref<626x128xf32, #tpu.memory_space<vmem_shared>>
      tpu.wait_dma2 semaphore(%run_scoped3A : memref<!tpu.dma_semaphore, #tpu.memory_space<semaphore_mem>>) src(%dma_wait3A_102 : memref<626x128xf32, #tpu.memory_space<vmem_shared>>) dst(%dma_wait3A_100 : memref<626x128xf32, #tpu.memory_space<hbm>>)
      tpu.yield
    }) : () -> ()
    return
  }
}

#map = affine_map<(d0, d1) -> (0, 0)>
#map1 = affine_map<(d0, d1) -> (0, 0, 0)>
module attributes {stable_mosaic.version = 14 : i64} {
  func.func @segsum(%arg0: i32, %arg1: i32, %arg2: memref<10016x16xf32, #tpu.memory_space<hbm>>, %arg3: memref<2x2560x125xi32, #tpu.memory_space<hbm>>, %arg4: memref<10016x16xf32, #tpu.memory_space<hbm>>, %arg5: memref<2x10016x16xf32, #tpu.memory_space<hbm>>, %arg6: memref<2x80x125xi32, #tpu.memory_space<vmem>>, %arg7: memref<125x16xf32, #tpu.memory_space<vmem>>, %arg8: memref<125x16xf32, #tpu.memory_space<vmem>>, %arg9: memref<125x16xf32, #tpu.memory_space<vmem>>, %arg10: memref<125x16xf32, #tpu.memory_space<vmem>>, %arg11: memref<125x16xf32, #tpu.memory_space<vmem>>, %arg12: memref<125x16xf32, #tpu.memory_space<vmem>>, %arg13: memref<125x16xf32, #tpu.memory_space<vmem>>, %arg14: memref<125x16xf32, #tpu.memory_space<vmem>>, %arg15: memref<10016x16xf32, #tpu.memory_space<vmem_shared>>, %arg16: memref<!tpu.dma_semaphore, #tpu.memory_space<semaphore_mem>>, %arg17: memref<!tpu.dma_semaphore, #tpu.memory_space<semaphore_mem>>, %arg18: memref<!tpu.dma_semaphore, #tpu.memory_space<semaphore_mem>>, %arg19: memref<!tpu.dma_semaphore, #tpu.memory_space<semaphore_mem>>, %arg20: memref<!tpu.dma_semaphore, #tpu.memory_space<semaphore_mem>>, %arg21: memref<!tpu.dma_semaphore, #tpu.memory_space<semaphore_mem>>, %arg22: memref<!tpu.dma_semaphore, #tpu.memory_space<semaphore_mem>>, %arg23: memref<!tpu.dma_semaphore, #tpu.memory_space<semaphore_mem>>, %arg24: memref<!tpu.dma_semaphore, #tpu.memory_space<semaphore_mem>>, %arg25: memref<!tpu.dma_semaphore, #tpu.memory_space<semaphore_mem>>, %arg26: memref<!tpu.dma_semaphore, #tpu.memory_space<semaphore_mem>>, %arg27: memref<!tpu.dma_semaphore, #tpu.memory_space<semaphore_mem>>, %arg28: memref<!tpu.dma_semaphore, #tpu.memory_space<semaphore_mem>>, %arg29: memref<!tpu.dma_semaphore, #tpu.memory_space<semaphore_mem>>, %arg30: memref<!tpu.dma_semaphore, #tpu.memory_space<semaphore_mem>>, %arg31: memref<!tpu.dma_semaphore, #tpu.memory_space<semaphore_mem>>, %arg32: memref<!tpu.dma_semaphore, #tpu.memory_space<semaphore_mem>>) attributes {dimension_semantics = [#tpu.dimension_semantics<core_parallel>, #tpu.dimension_semantics<subcore_parallel>], iteration_bounds = array<i64: 2, 16>, scalar_prefetch = 0 : i64, scratch_operands = 27 : i64, tpu.core_type = #tpu.core_type<sc_vector_subcore>, window_params = [{transform_indices = #map}, {transform_indices = #map1}, {transform_indices = #map}, {transform_indices = #map1}]} {
    %eq3A = arith.constant 0 : i32
    %eq3A_0 = arith.cmpi eq, %arg0, %eq3A : i32
    %jit3A = arith.constant 80 : i32
    %jit3A_1 = arith.constant 80 : i32
    %select_n3A = arith.select %eq3A_0, %jit3A, %jit3A_1 : i32
    %mul3A = arith.constant 626 : i32
    %mul3A_2 = arith.muli %arg1, %mul3A : i32
    %eq3A_3 = arith.constant 0 : i32
    %eq3A_4 = arith.cmpi eq, %arg0, %eq3A_3 : i32
    %convert_element_type3A = arith.extui %eq3A_4 : i1 to i32
    %cond3A = arith.constant 0 : i32
    %cond3A_5 = arith.cmpi ne, %convert_element_type3A, %cond3A : i32
    scf.if %cond3A_5 {
      %mul3A_149 = arith.constant 80 : i32
      %mul3A_150 = arith.muli %arg1, %mul3A_149 : i32
      %run_scoped3A = arith.constant 0 : i32
      %run_scoped3A_151 = arith.constant 0 : i32
      "tpu.region"() ({
        %run_scoped3A_156 = tpu.sem_alloc : memref<!tpu.dma_semaphore, #tpu.memory_space<semaphore_mem>>
        %dma_start3A_157 = arith.constant 0 : i32
        %dma_start3A_158 = arith.constant 0 : i32
        %dma_start3A_159 = tpu.memref_slice %arg6[%run_scoped3A_151, %dma_start3A_157, %dma_start3A_158] : memref<2x80x125xi32, #tpu.memory_space<vmem>> -> memref<1x80x125xi32, #tpu.memory_space<vmem>>
        %dma_start3A_160 = tpu.memref_squeeze %dma_start3A_159 : memref<1x80x125xi32, #tpu.memory_space<vmem>> -> memref<80x125xi32, #tpu.memory_space<vmem>>
        %dma_start3A_161 = arith.constant 0 : i32
        %dma_start3A_162 = tpu.memref_slice %arg3[%run_scoped3A, %mul3A_150, %dma_start3A_161] : memref<2x2560x125xi32, #tpu.memory_space<hbm>> -> memref<1x80x125xi32, #tpu.memory_space<hbm>>
        %dma_start3A_163 = tpu.memref_squeeze %dma_start3A_162 : memref<1x80x125xi32, #tpu.memory_space<hbm>> -> memref<80x125xi32, #tpu.memory_space<hbm>>
        %dma_start3A_164 = arith.constant 0 : i32
        %dma_start3A_165 = arith.constant 0 : i32
        %dma_start3A_166 = tpu.memref_slice %arg6[%run_scoped3A_151, %dma_start3A_164, %dma_start3A_165] : memref<2x80x125xi32, #tpu.memory_space<vmem>> -> memref<1x80x125xi32, #tpu.memory_space<vmem>>
        %dma_start3A_167 = tpu.memref_squeeze %dma_start3A_166 : memref<1x80x125xi32, #tpu.memory_space<vmem>> -> memref<80x125xi32, #tpu.memory_space<vmem>>
        %dma_start3A_168 = arith.constant 0 : i32
        %dma_start3A_169 = tpu.memref_slice %arg3[%run_scoped3A, %mul3A_150, %dma_start3A_168] : memref<2x2560x125xi32, #tpu.memory_space<hbm>> -> memref<1x80x125xi32, #tpu.memory_space<hbm>>
        %dma_start3A_170 = tpu.memref_squeeze %dma_start3A_169 : memref<1x80x125xi32, #tpu.memory_space<hbm>> -> memref<80x125xi32, #tpu.memory_space<hbm>>
        tpu.enqueue_dma source(%dma_start3A_170 : memref<80x125xi32, #tpu.memory_space<hbm>>) target(%dma_start3A_167 : memref<80x125xi32, #tpu.memory_space<vmem>>) target_semaphore(%run_scoped3A_156 : memref<!tpu.dma_semaphore, #tpu.memory_space<semaphore_mem>>)
        %dma_wait3A_171 = arith.constant 0 : i32
        %dma_wait3A_172 = arith.constant 0 : i32
        %dma_wait3A_173 = tpu.memref_slice %arg6[%run_scoped3A_151, %dma_wait3A_171, %dma_wait3A_172] : memref<2x80x125xi32, #tpu.memory_space<vmem>> -> memref<1x80x125xi32, #tpu.memory_space<vmem>>
        %dma_wait3A_174 = tpu.memref_squeeze %dma_wait3A_173 : memref<1x80x125xi32, #tpu.memory_space<vmem>> -> memref<80x125xi32, #tpu.memory_space<vmem>>
        %dma_wait3A_175 = arith.constant 0 : i32
        %dma_wait3A_176 = tpu.memref_slice %arg3[%run_scoped3A, %mul3A_150, %dma_wait3A_175] : memref<2x2560x125xi32, #tpu.memory_space<hbm>> -> memref<1x80x125xi32, #tpu.memory_space<hbm>>
        %dma_wait3A_177 = tpu.memref_squeeze %dma_wait3A_176 : memref<1x80x125xi32, #tpu.memory_space<hbm>> -> memref<80x125xi32, #tpu.memory_space<hbm>>
        %dma_wait3A_178 = arith.constant 0 : i32
        %dma_wait3A_179 = arith.constant 0 : i32
        %dma_wait3A_180 = tpu.memref_slice %arg6[%run_scoped3A_151, %dma_wait3A_178, %dma_wait3A_179] : memref<2x80x125xi32, #tpu.memory_space<vmem>> -> memref<1x80x125xi32, #tpu.memory_space<vmem>>
        %dma_wait3A_181 = tpu.memref_squeeze %dma_wait3A_180 : memref<1x80x125xi32, #tpu.memory_space<vmem>> -> memref<80x125xi32, #tpu.memory_space<vmem>>
        %dma_wait3A_182 = arith.constant 0 : i32
        %dma_wait3A_183 = tpu.memref_slice %arg3[%run_scoped3A, %mul3A_150, %dma_wait3A_182] : memref<2x2560x125xi32, #tpu.memory_space<hbm>> -> memref<1x80x125xi32, #tpu.memory_space<hbm>>
        %dma_wait3A_184 = tpu.memref_squeeze %dma_wait3A_183 : memref<1x80x125xi32, #tpu.memory_space<hbm>> -> memref<80x125xi32, #tpu.memory_space<hbm>>
        tpu.wait_dma2 semaphore(%run_scoped3A_156 : memref<!tpu.dma_semaphore, #tpu.memory_space<semaphore_mem>>) src(%dma_wait3A_184 : memref<80x125xi32, #tpu.memory_space<hbm>>) dst(%dma_wait3A_181 : memref<80x125xi32, #tpu.memory_space<vmem>>)
        tpu.yield
      }) : () -> ()
      %mul3A_152 = arith.constant 80 : i32
      %mul3A_153 = arith.muli %arg1, %mul3A_152 : i32
      %run_scoped3A_154 = arith.constant 1 : i32
      %run_scoped3A_155 = arith.constant 1 : i32
      "tpu.region"() ({
        %run_scoped3A_156 = tpu.sem_alloc : memref<!tpu.dma_semaphore, #tpu.memory_space<semaphore_mem>>
        %dma_start3A_157 = arith.constant 0 : i32
        %dma_start3A_158 = arith.constant 0 : i32
        %dma_start3A_159 = tpu.memref_slice %arg6[%run_scoped3A_155, %dma_start3A_157, %dma_start3A_158] : memref<2x80x125xi32, #tpu.memory_space<vmem>> -> memref<1x80x125xi32, #tpu.memory_space<vmem>>
        %dma_start3A_160 = tpu.memref_squeeze %dma_start3A_159 : memref<1x80x125xi32, #tpu.memory_space<vmem>> -> memref<80x125xi32, #tpu.memory_space<vmem>>
        %dma_start3A_161 = arith.constant 0 : i32
        %dma_start3A_162 = tpu.memref_slice %arg3[%run_scoped3A_154, %mul3A_153, %dma_start3A_161] : memref<2x2560x125xi32, #tpu.memory_space<hbm>> -> memref<1x80x125xi32, #tpu.memory_space<hbm>>
        %dma_start3A_163 = tpu.memref_squeeze %dma_start3A_162 : memref<1x80x125xi32, #tpu.memory_space<hbm>> -> memref<80x125xi32, #tpu.memory_space<hbm>>
        %dma_start3A_164 = arith.constant 0 : i32
        %dma_start3A_165 = arith.constant 0 : i32
        %dma_start3A_166 = tpu.memref_slice %arg6[%run_scoped3A_155, %dma_start3A_164, %dma_start3A_165] : memref<2x80x125xi32, #tpu.memory_space<vmem>> -> memref<1x80x125xi32, #tpu.memory_space<vmem>>
        %dma_start3A_167 = tpu.memref_squeeze %dma_start3A_166 : memref<1x80x125xi32, #tpu.memory_space<vmem>> -> memref<80x125xi32, #tpu.memory_space<vmem>>
        %dma_start3A_168 = arith.constant 0 : i32
        %dma_start3A_169 = tpu.memref_slice %arg3[%run_scoped3A_154, %mul3A_153, %dma_start3A_168] : memref<2x2560x125xi32, #tpu.memory_space<hbm>> -> memref<1x80x125xi32, #tpu.memory_space<hbm>>
        %dma_start3A_170 = tpu.memref_squeeze %dma_start3A_169 : memref<1x80x125xi32, #tpu.memory_space<hbm>> -> memref<80x125xi32, #tpu.memory_space<hbm>>
        tpu.enqueue_dma source(%dma_start3A_170 : memref<80x125xi32, #tpu.memory_space<hbm>>) target(%dma_start3A_167 : memref<80x125xi32, #tpu.memory_space<vmem>>) target_semaphore(%run_scoped3A_156 : memref<!tpu.dma_semaphore, #tpu.memory_space<semaphore_mem>>)
        %dma_wait3A_171 = arith.constant 0 : i32
        %dma_wait3A_172 = arith.constant 0 : i32
        %dma_wait3A_173 = tpu.memref_slice %arg6[%run_scoped3A_155, %dma_wait3A_171, %dma_wait3A_172] : memref<2x80x125xi32, #tpu.memory_space<vmem>> -> memref<1x80x125xi32, #tpu.memory_space<vmem>>
        %dma_wait3A_174 = tpu.memref_squeeze %dma_wait3A_173 : memref<1x80x125xi32, #tpu.memory_space<vmem>> -> memref<80x125xi32, #tpu.memory_space<vmem>>
        %dma_wait3A_175 = arith.constant 0 : i32
        %dma_wait3A_176 = tpu.memref_slice %arg3[%run_scoped3A_154, %mul3A_153, %dma_wait3A_175] : memref<2x2560x125xi32, #tpu.memory_space<hbm>> -> memref<1x80x125xi32, #tpu.memory_space<hbm>>
        %dma_wait3A_177 = tpu.memref_squeeze %dma_wait3A_176 : memref<1x80x125xi32, #tpu.memory_space<hbm>> -> memref<80x125xi32, #tpu.memory_space<hbm>>
        %dma_wait3A_178 = arith.constant 0 : i32
        %dma_wait3A_179 = arith.constant 0 : i32
        %dma_wait3A_180 = tpu.memref_slice %arg6[%run_scoped3A_155, %dma_wait3A_178, %dma_wait3A_179] : memref<2x80x125xi32, #tpu.memory_space<vmem>> -> memref<1x80x125xi32, #tpu.memory_space<vmem>>
        %dma_wait3A_181 = tpu.memref_squeeze %dma_wait3A_180 : memref<1x80x125xi32, #tpu.memory_space<vmem>> -> memref<80x125xi32, #tpu.memory_space<vmem>>
        %dma_wait3A_182 = arith.constant 0 : i32
        %dma_wait3A_183 = tpu.memref_slice %arg3[%run_scoped3A_154, %mul3A_153, %dma_wait3A_182] : memref<2x2560x125xi32, #tpu.memory_space<hbm>> -> memref<1x80x125xi32, #tpu.memory_space<hbm>>
        %dma_wait3A_184 = tpu.memref_squeeze %dma_wait3A_183 : memref<1x80x125xi32, #tpu.memory_space<hbm>> -> memref<80x125xi32, #tpu.memory_space<hbm>>
        tpu.wait_dma2 semaphore(%run_scoped3A_156 : memref<!tpu.dma_semaphore, #tpu.memory_space<semaphore_mem>>) src(%dma_wait3A_184 : memref<80x125xi32, #tpu.memory_space<hbm>>) dst(%dma_wait3A_181 : memref<80x125xi32, #tpu.memory_space<vmem>>)
        tpu.yield
      }) : () -> ()
    } else {
    }
    %ne3A = arith.constant 0 : i32
    %ne3A_6 = arith.cmpi ne, %arg0, %ne3A : i32
    %convert_element_type3A_7 = arith.extui %ne3A_6 : i1 to i32
    %cond3A_8 = arith.constant 0 : i32
    %cond3A_9 = arith.cmpi ne, %convert_element_type3A_7, %cond3A_8 : i32
    scf.if %cond3A_9 {
      %mul3A_149 = arith.constant 80 : i32
      %mul3A_150 = arith.muli %arg1, %mul3A_149 : i32
      %add3A = arith.constant 1280 : i32
      %add3A_151 = arith.addi %add3A, %mul3A_150 : i32
      %run_scoped3A = arith.constant 0 : i32
      %run_scoped3A_152 = arith.constant 0 : i32
      "tpu.region"() ({
        %run_scoped3A_159 = tpu.sem_alloc : memref<!tpu.dma_semaphore, #tpu.memory_space<semaphore_mem>>
        %dma_start3A_160 = arith.constant 0 : i32
        %dma_start3A_161 = arith.constant 0 : i32
        %dma_start3A_162 = tpu.memref_slice %arg6[%run_scoped3A_152, %dma_start3A_160, %dma_start3A_161] : memref<2x80x125xi32, #tpu.memory_space<vmem>> -> memref<1x80x125xi32, #tpu.memory_space<vmem>>
        %dma_start3A_163 = tpu.memref_squeeze %dma_start3A_162 : memref<1x80x125xi32, #tpu.memory_space<vmem>> -> memref<80x125xi32, #tpu.memory_space<vmem>>
        %dma_start3A_164 = arith.constant 0 : i32
        %dma_start3A_165 = tpu.memref_slice %arg3[%run_scoped3A, %add3A_151, %dma_start3A_164] : memref<2x2560x125xi32, #tpu.memory_space<hbm>> -> memref<1x80x125xi32, #tpu.memory_space<hbm>>
        %dma_start3A_166 = tpu.memref_squeeze %dma_start3A_165 : memref<1x80x125xi32, #tpu.memory_space<hbm>> -> memref<80x125xi32, #tpu.memory_space<hbm>>
        %dma_start3A_167 = arith.constant 0 : i32
        %dma_start3A_168 = arith.constant 0 : i32
        %dma_start3A_169 = tpu.memref_slice %arg6[%run_scoped3A_152, %dma_start3A_167, %dma_start3A_168] : memref<2x80x125xi32, #tpu.memory_space<vmem>> -> memref<1x80x125xi32, #tpu.memory_space<vmem>>
        %dma_start3A_170 = tpu.memref_squeeze %dma_start3A_169 : memref<1x80x125xi32, #tpu.memory_space<vmem>> -> memref<80x125xi32, #tpu.memory_space<vmem>>
        %dma_start3A_171 = arith.constant 0 : i32
        %dma_start3A_172 = tpu.memref_slice %arg3[%run_scoped3A, %add3A_151, %dma_start3A_171] : memref<2x2560x125xi32, #tpu.memory_space<hbm>> -> memref<1x80x125xi32, #tpu.memory_space<hbm>>
        %dma_start3A_173 = tpu.memref_squeeze %dma_start3A_172 : memref<1x80x125xi32, #tpu.memory_space<hbm>> -> memref<80x125xi32, #tpu.memory_space<hbm>>
        tpu.enqueue_dma source(%dma_start3A_173 : memref<80x125xi32, #tpu.memory_space<hbm>>) target(%dma_start3A_170 : memref<80x125xi32, #tpu.memory_space<vmem>>) target_semaphore(%run_scoped3A_159 : memref<!tpu.dma_semaphore, #tpu.memory_space<semaphore_mem>>)
        %dma_wait3A_174 = arith.constant 0 : i32
        %dma_wait3A_175 = arith.constant 0 : i32
        %dma_wait3A_176 = tpu.memref_slice %arg6[%run_scoped3A_152, %dma_wait3A_174, %dma_wait3A_175] : memref<2x80x125xi32, #tpu.memory_space<vmem>> -> memref<1x80x125xi32, #tpu.memory_space<vmem>>
        %dma_wait3A_177 = tpu.memref_squeeze %dma_wait3A_176 : memref<1x80x125xi32, #tpu.memory_space<vmem>> -> memref<80x125xi32, #tpu.memory_space<vmem>>
        %dma_wait3A_178 = arith.constant 0 : i32
        %dma_wait3A_179 = tpu.memref_slice %arg3[%run_scoped3A, %add3A_151, %dma_wait3A_178] : memref<2x2560x125xi32, #tpu.memory_space<hbm>> -> memref<1x80x125xi32, #tpu.memory_space<hbm>>
        %dma_wait3A_180 = tpu.memref_squeeze %dma_wait3A_179 : memref<1x80x125xi32, #tpu.memory_space<hbm>> -> memref<80x125xi32, #tpu.memory_space<hbm>>
        %dma_wait3A_181 = arith.constant 0 : i32
        %dma_wait3A_182 = arith.constant 0 : i32
        %dma_wait3A_183 = tpu.memref_slice %arg6[%run_scoped3A_152, %dma_wait3A_181, %dma_wait3A_182] : memref<2x80x125xi32, #tpu.memory_space<vmem>> -> memref<1x80x125xi32, #tpu.memory_space<vmem>>
        %dma_wait3A_184 = tpu.memref_squeeze %dma_wait3A_183 : memref<1x80x125xi32, #tpu.memory_space<vmem>> -> memref<80x125xi32, #tpu.memory_space<vmem>>
        %dma_wait3A_185 = arith.constant 0 : i32
        %dma_wait3A_186 = tpu.memref_slice %arg3[%run_scoped3A, %add3A_151, %dma_wait3A_185] : memref<2x2560x125xi32, #tpu.memory_space<hbm>> -> memref<1x80x125xi32, #tpu.memory_space<hbm>>
        %dma_wait3A_187 = tpu.memref_squeeze %dma_wait3A_186 : memref<1x80x125xi32, #tpu.memory_space<hbm>> -> memref<80x125xi32, #tpu.memory_space<hbm>>
        tpu.wait_dma2 semaphore(%run_scoped3A_159 : memref<!tpu.dma_semaphore, #tpu.memory_space<semaphore_mem>>) src(%dma_wait3A_187 : memref<80x125xi32, #tpu.memory_space<hbm>>) dst(%dma_wait3A_184 : memref<80x125xi32, #tpu.memory_space<vmem>>)
        tpu.yield
      }) : () -> ()
      %mul3A_153 = arith.constant 80 : i32
      %mul3A_154 = arith.muli %arg1, %mul3A_153 : i32
      %add3A_155 = arith.constant 1280 : i32
      %add3A_156 = arith.addi %add3A_155, %mul3A_154 : i32
      %run_scoped3A_157 = arith.constant 1 : i32
      %run_scoped3A_158 = arith.constant 1 : i32
      "tpu.region"() ({
        %run_scoped3A_159 = tpu.sem_alloc : memref<!tpu.dma_semaphore, #tpu.memory_space<semaphore_mem>>
        %dma_start3A_160 = arith.constant 0 : i32
        %dma_start3A_161 = arith.constant 0 : i32
        %dma_start3A_162 = tpu.memref_slice %arg6[%run_scoped3A_158, %dma_start3A_160, %dma_start3A_161] : memref<2x80x125xi32, #tpu.memory_space<vmem>> -> memref<1x80x125xi32, #tpu.memory_space<vmem>>
        %dma_start3A_163 = tpu.memref_squeeze %dma_start3A_162 : memref<1x80x125xi32, #tpu.memory_space<vmem>> -> memref<80x125xi32, #tpu.memory_space<vmem>>
        %dma_start3A_164 = arith.constant 0 : i32
        %dma_start3A_165 = tpu.memref_slice %arg3[%run_scoped3A_157, %add3A_156, %dma_start3A_164] : memref<2x2560x125xi32, #tpu.memory_space<hbm>> -> memref<1x80x125xi32, #tpu.memory_space<hbm>>
        %dma_start3A_166 = tpu.memref_squeeze %dma_start3A_165 : memref<1x80x125xi32, #tpu.memory_space<hbm>> -> memref<80x125xi32, #tpu.memory_space<hbm>>
        %dma_start3A_167 = arith.constant 0 : i32
        %dma_start3A_168 = arith.constant 0 : i32
        %dma_start3A_169 = tpu.memref_slice %arg6[%run_scoped3A_158, %dma_start3A_167, %dma_start3A_168] : memref<2x80x125xi32, #tpu.memory_space<vmem>> -> memref<1x80x125xi32, #tpu.memory_space<vmem>>
        %dma_start3A_170 = tpu.memref_squeeze %dma_start3A_169 : memref<1x80x125xi32, #tpu.memory_space<vmem>> -> memref<80x125xi32, #tpu.memory_space<vmem>>
        %dma_start3A_171 = arith.constant 0 : i32
        %dma_start3A_172 = tpu.memref_slice %arg3[%run_scoped3A_157, %add3A_156, %dma_start3A_171] : memref<2x2560x125xi32, #tpu.memory_space<hbm>> -> memref<1x80x125xi32, #tpu.memory_space<hbm>>
        %dma_start3A_173 = tpu.memref_squeeze %dma_start3A_172 : memref<1x80x125xi32, #tpu.memory_space<hbm>> -> memref<80x125xi32, #tpu.memory_space<hbm>>
        tpu.enqueue_dma source(%dma_start3A_173 : memref<80x125xi32, #tpu.memory_space<hbm>>) target(%dma_start3A_170 : memref<80x125xi32, #tpu.memory_space<vmem>>) target_semaphore(%run_scoped3A_159 : memref<!tpu.dma_semaphore, #tpu.memory_space<semaphore_mem>>)
        %dma_wait3A_174 = arith.constant 0 : i32
        %dma_wait3A_175 = arith.constant 0 : i32
        %dma_wait3A_176 = tpu.memref_slice %arg6[%run_scoped3A_158, %dma_wait3A_174, %dma_wait3A_175] : memref<2x80x125xi32, #tpu.memory_space<vmem>> -> memref<1x80x125xi32, #tpu.memory_space<vmem>>
        %dma_wait3A_177 = tpu.memref_squeeze %dma_wait3A_176 : memref<1x80x125xi32, #tpu.memory_space<vmem>> -> memref<80x125xi32, #tpu.memory_space<vmem>>
        %dma_wait3A_178 = arith.constant 0 : i32
        %dma_wait3A_179 = tpu.memref_slice %arg3[%run_scoped3A_157, %add3A_156, %dma_wait3A_178] : memref<2x2560x125xi32, #tpu.memory_space<hbm>> -> memref<1x80x125xi32, #tpu.memory_space<hbm>>
        %dma_wait3A_180 = tpu.memref_squeeze %dma_wait3A_179 : memref<1x80x125xi32, #tpu.memory_space<hbm>> -> memref<80x125xi32, #tpu.memory_space<hbm>>
        %dma_wait3A_181 = arith.constant 0 : i32
        %dma_wait3A_182 = arith.constant 0 : i32
        %dma_wait3A_183 = tpu.memref_slice %arg6[%run_scoped3A_158, %dma_wait3A_181, %dma_wait3A_182] : memref<2x80x125xi32, #tpu.memory_space<vmem>> -> memref<1x80x125xi32, #tpu.memory_space<vmem>>
        %dma_wait3A_184 = tpu.memref_squeeze %dma_wait3A_183 : memref<1x80x125xi32, #tpu.memory_space<vmem>> -> memref<80x125xi32, #tpu.memory_space<vmem>>
        %dma_wait3A_185 = arith.constant 0 : i32
        %dma_wait3A_186 = tpu.memref_slice %arg3[%run_scoped3A_157, %add3A_156, %dma_wait3A_185] : memref<2x2560x125xi32, #tpu.memory_space<hbm>> -> memref<1x80x125xi32, #tpu.memory_space<hbm>>
        %dma_wait3A_187 = tpu.memref_squeeze %dma_wait3A_186 : memref<1x80x125xi32, #tpu.memory_space<hbm>> -> memref<80x125xi32, #tpu.memory_space<hbm>>
        tpu.wait_dma2 semaphore(%run_scoped3A_159 : memref<!tpu.dma_semaphore, #tpu.memory_space<semaphore_mem>>) src(%dma_wait3A_187 : memref<80x125xi32, #tpu.memory_space<hbm>>) dst(%dma_wait3A_184 : memref<80x125xi32, #tpu.memory_space<vmem>>)
        tpu.yield
      }) : () -> ()
    } else {
    }
    %dma_start3A = arith.constant 0 : i32
    %dma_start3A_10 = arith.constant 0 : i32
    %dma_start3A_11 = arith.constant 0 : i32
    %dma_start3A_12 = arith.constant 0 : i32
    %dma_start3A_13 = tpu.memref_slice %arg6[%dma_start3A, %dma_start3A_11, %dma_start3A_12] : memref<2x80x125xi32, #tpu.memory_space<vmem>> -> memref<1x80x125xi32, #tpu.memory_space<vmem>>
    %dma_start3A_14 = tpu.memref_squeeze %dma_start3A_13 : memref<1x80x125xi32, #tpu.memory_space<vmem>> -> memref<80x125xi32, #tpu.memory_space<vmem>>
    %dma_start3A_15 = arith.constant 0 : i32
    %dma_start3A_16 = tpu.memref_slice %dma_start3A_14[%dma_start3A_10, %dma_start3A_15] : memref<80x125xi32, #tpu.memory_space<vmem>> -> memref<1x125xi32, #tpu.memory_space<vmem>>
    %dma_start3A_17 = tpu.memref_squeeze %dma_start3A_16 : memref<1x125xi32, #tpu.memory_space<vmem>> -> memref<125xi32, #tpu.memory_space<vmem>>
    %dma_start3A_18 = arith.constant 0 : i32
    %dma_start3A_19 = arith.constant 0 : i32
    %dma_start3A_20 = tpu.memref_slice %arg2[%dma_start3A_18, %dma_start3A_19] : memref<10016x16xf32, #tpu.memory_space<hbm>> -> memref<10016x16xf32, #tpu.memory_space<hbm>>
    tpu.enqueue_indirect_dma source(%dma_start3A_20 : memref<10016x16xf32, #tpu.memory_space<hbm>>) target(%arg7 : memref<125x16xf32, #tpu.memory_space<vmem>>) offsets(%dma_start3A_17 : memref<125xi32, #tpu.memory_space<vmem>>) semaphore(%arg16 : memref<!tpu.dma_semaphore, #tpu.memory_space<semaphore_mem>>)
    %dma_start3A_21 = arith.constant 0 : i32
    %dma_start3A_22 = arith.constant 1 : i32
    %dma_start3A_23 = arith.constant 0 : i32
    %dma_start3A_24 = arith.constant 0 : i32
    %dma_start3A_25 = tpu.memref_slice %arg6[%dma_start3A_21, %dma_start3A_23, %dma_start3A_24] : memref<2x80x125xi32, #tpu.memory_space<vmem>> -> memref<1x80x125xi32, #tpu.memory_space<vmem>>
    %dma_start3A_26 = tpu.memref_squeeze %dma_start3A_25 : memref<1x80x125xi32, #tpu.memory_space<vmem>> -> memref<80x125xi32, #tpu.memory_space<vmem>>
    %dma_start3A_27 = arith.constant 0 : i32
    %dma_start3A_28 = tpu.memref_slice %dma_start3A_26[%dma_start3A_22, %dma_start3A_27] : memref<80x125xi32, #tpu.memory_space<vmem>> -> memref<1x125xi32, #tpu.memory_space<vmem>>
    %dma_start3A_29 = tpu.memref_squeeze %dma_start3A_28 : memref<1x125xi32, #tpu.memory_space<vmem>> -> memref<125xi32, #tpu.memory_space<vmem>>
    %dma_start3A_30 = arith.constant 0 : i32
    %dma_start3A_31 = arith.constant 0 : i32
    %dma_start3A_32 = tpu.memref_slice %arg2[%dma_start3A_30, %dma_start3A_31] : memref<10016x16xf32, #tpu.memory_space<hbm>> -> memref<10016x16xf32, #tpu.memory_space<hbm>>
    tpu.enqueue_indirect_dma source(%dma_start3A_32 : memref<10016x16xf32, #tpu.memory_space<hbm>>) target(%arg8 : memref<125x16xf32, #tpu.memory_space<vmem>>) offsets(%dma_start3A_29 : memref<125xi32, #tpu.memory_space<vmem>>) semaphore(%arg17 : memref<!tpu.dma_semaphore, #tpu.memory_space<semaphore_mem>>)
    %dma_start3A_33 = arith.constant 0 : i32
    %dma_start3A_34 = arith.constant 2 : i32
    %dma_start3A_35 = arith.constant 0 : i32
    %dma_start3A_36 = arith.constant 0 : i32
    %dma_start3A_37 = tpu.memref_slice %arg6[%dma_start3A_33, %dma_start3A_35, %dma_start3A_36] : memref<2x80x125xi32, #tpu.memory_space<vmem>> -> memref<1x80x125xi32, #tpu.memory_space<vmem>>
    %dma_start3A_38 = tpu.memref_squeeze %dma_start3A_37 : memref<1x80x125xi32, #tpu.memory_space<vmem>> -> memref<80x125xi32, #tpu.memory_space<vmem>>
    %dma_start3A_39 = arith.constant 0 : i32
    %dma_start3A_40 = tpu.memref_slice %dma_start3A_38[%dma_start3A_34, %dma_start3A_39] : memref<80x125xi32, #tpu.memory_space<vmem>> -> memref<1x125xi32, #tpu.memory_space<vmem>>
    %dma_start3A_41 = tpu.memref_squeeze %dma_start3A_40 : memref<1x125xi32, #tpu.memory_space<vmem>> -> memref<125xi32, #tpu.memory_space<vmem>>
    %dma_start3A_42 = arith.constant 0 : i32
    %dma_start3A_43 = arith.constant 0 : i32
    %dma_start3A_44 = tpu.memref_slice %arg2[%dma_start3A_42, %dma_start3A_43] : memref<10016x16xf32, #tpu.memory_space<hbm>> -> memref<10016x16xf32, #tpu.memory_space<hbm>>
    tpu.enqueue_indirect_dma source(%dma_start3A_44 : memref<10016x16xf32, #tpu.memory_space<hbm>>) target(%arg9 : memref<125x16xf32, #tpu.memory_space<vmem>>) offsets(%dma_start3A_41 : memref<125xi32, #tpu.memory_space<vmem>>) semaphore(%arg18 : memref<!tpu.dma_semaphore, #tpu.memory_space<semaphore_mem>>)
    %dma_start3A_45 = arith.constant 0 : i32
    %dma_start3A_46 = arith.constant 3 : i32
    %dma_start3A_47 = arith.constant 0 : i32
    %dma_start3A_48 = arith.constant 0 : i32
    %dma_start3A_49 = tpu.memref_slice %arg6[%dma_start3A_45, %dma_start3A_47, %dma_start3A_48] : memref<2x80x125xi32, #tpu.memory_space<vmem>> -> memref<1x80x125xi32, #tpu.memory_space<vmem>>
    %dma_start3A_50 = tpu.memref_squeeze %dma_start3A_49 : memref<1x80x125xi32, #tpu.memory_space<vmem>> -> memref<80x125xi32, #tpu.memory_space<vmem>>
    %dma_start3A_51 = arith.constant 0 : i32
    %dma_start3A_52 = tpu.memref_slice %dma_start3A_50[%dma_start3A_46, %dma_start3A_51] : memref<80x125xi32, #tpu.memory_space<vmem>> -> memref<1x125xi32, #tpu.memory_space<vmem>>
    %dma_start3A_53 = tpu.memref_squeeze %dma_start3A_52 : memref<1x125xi32, #tpu.memory_space<vmem>> -> memref<125xi32, #tpu.memory_space<vmem>>
    %dma_start3A_54 = arith.constant 0 : i32
    %dma_start3A_55 = arith.constant 0 : i32
    %dma_start3A_56 = tpu.memref_slice %arg2[%dma_start3A_54, %dma_start3A_55] : memref<10016x16xf32, #tpu.memory_space<hbm>> -> memref<10016x16xf32, #tpu.memory_space<hbm>>
    tpu.enqueue_indirect_dma source(%dma_start3A_56 : memref<10016x16xf32, #tpu.memory_space<hbm>>) target(%arg10 : memref<125x16xf32, #tpu.memory_space<vmem>>) offsets(%dma_start3A_53 : memref<125xi32, #tpu.memory_space<vmem>>) semaphore(%arg19 : memref<!tpu.dma_semaphore, #tpu.memory_space<semaphore_mem>>)
    %eq3A_57 = arith.constant 0 : i32
    %eq3A_58 = arith.cmpi eq, %arg0, %eq3A_57 : i32
    %convert_element_type3A_59 = arith.extui %eq3A_58 : i1 to i32
    %cond3A_60 = arith.constant 0 : i32
    %cond3A_61 = arith.cmpi ne, %convert_element_type3A_59, %cond3A_60 : i32
    scf.if %cond3A_61 {
      "tpu.region"() ({
        %run_scoped3A = tpu.sem_alloc : memref<!tpu.dma_semaphore, #tpu.memory_space<semaphore_mem>>
        %dma_start3A_149 = arith.constant 0 : i32
        %dma_start3A_150 = tpu.memref_slice %arg15[%mul3A_2, %dma_start3A_149] : memref<10016x16xf32, #tpu.memory_space<vmem_shared>> -> memref<626x16xf32, #tpu.memory_space<vmem_shared>>
        %dma_start3A_151 = arith.constant 0 : i32
        %dma_start3A_152 = tpu.memref_slice %arg4[%mul3A_2, %dma_start3A_151] : memref<10016x16xf32, #tpu.memory_space<hbm>> -> memref<626x16xf32, #tpu.memory_space<hbm>>
        tpu.enqueue_dma source(%dma_start3A_152 : memref<626x16xf32, #tpu.memory_space<hbm>>) target(%dma_start3A_150 : memref<626x16xf32, #tpu.memory_space<vmem_shared>>) target_semaphore(%run_scoped3A : memref<!tpu.dma_semaphore, #tpu.memory_space<semaphore_mem>>)
        %dma_wait3A_153 = arith.constant 0 : i32
        %dma_wait3A_154 = tpu.memref_slice %arg15[%mul3A_2, %dma_wait3A_153] : memref<10016x16xf32, #tpu.memory_space<vmem_shared>> -> memref<626x16xf32, #tpu.memory_space<vmem_shared>>
        %dma_wait3A_155 = arith.constant 0 : i32
        %dma_wait3A_156 = tpu.memref_slice %arg4[%mul3A_2, %dma_wait3A_155] : memref<10016x16xf32, #tpu.memory_space<hbm>> -> memref<626x16xf32, #tpu.memory_space<hbm>>
        tpu.wait_dma2 semaphore(%run_scoped3A : memref<!tpu.dma_semaphore, #tpu.memory_space<semaphore_mem>>) src(%dma_wait3A_156 : memref<626x16xf32, #tpu.memory_space<hbm>>) dst(%dma_wait3A_154 : memref<626x16xf32, #tpu.memory_space<vmem_shared>>)
        tpu.yield
      }) : () -> ()
    } else {
    }
    %ne3A_62 = arith.constant 0 : i32
    %ne3A_63 = arith.cmpi ne, %arg0, %ne3A_62 : i32
    %convert_element_type3A_64 = arith.extui %ne3A_63 : i1 to i32
    %cond3A_65 = arith.constant 0 : i32
    %cond3A_66 = arith.cmpi ne, %convert_element_type3A_64, %cond3A_65 : i32
    scf.if %cond3A_66 {
      %broadcast_in_dim3A = arith.constant 0.000000e+00 : f32
      %broadcast_in_dim3A_149 = vector.broadcast %broadcast_in_dim3A : f32 to vector<16xf32>
      %scan3A = arith.constant 0 : i32
      %scan3A_150 = arith.constant 0 : i32
      %scan3A_151 = arith.constant 125 : i32
      %scan3A_152 = arith.addi %scan3A_150, %scan3A_151 : i32
      %scan3A_153 = arith.constant 1 : i32
      scf.for %scan3A_238 = %scan3A_150 to %scan3A_152 step %scan3A_153  : i32 {
        %swap3A = arith.index_cast %scan3A_238 : i32 to index
        %swap3A_239 = arith.constant 0 : index
        %swap3A_240 = tpu.vector_load %arg11[%swap3A, %swap3A_239] {strides = array<i32>} : memref<125x16xf32, #tpu.memory_space<vmem>>, vector<1x16xf32>,
        %swap3A_241 = vector.shape_cast %swap3A_240 : vector<1x16xf32> to vector<16xf32>
        %swap3A_242 = vector.shape_cast %broadcast_in_dim3A_149 : vector<16xf32> to vector<1x16xf32>
        tpu.vector_store %arg11[%swap3A, %swap3A_239], %swap3A_242 {strides = array<i32>} : memref<125x16xf32, #tpu.memory_space<vmem>>, vector<1x16xf32>,
      }
      %scan3A_154 = arith.constant 125 : i32
      %add3A = arith.constant 0 : i32
      %add3A_155 = arith.addi %mul3A_2, %add3A : i32
      %dma_start3A_156 = arith.constant 0 : i32
      %dma_start3A_157 = tpu.memref_slice %arg15[%add3A_155, %dma_start3A_156] : memref<10016x16xf32, #tpu.memory_space<vmem_shared>> -> memref<125x16xf32, #tpu.memory_space<vmem_shared>>
      %dma_start3A_158 = arith.constant 0 : i32
      %dma_start3A_159 = tpu.memref_slice %arg15[%add3A_155, %dma_start3A_158] : memref<10016x16xf32, #tpu.memory_space<vmem_shared>> -> memref<125x16xf32, #tpu.memory_space<vmem_shared>>
      tpu.enqueue_dma source(%arg11 : memref<125x16xf32, #tpu.memory_space<vmem>>) target(%dma_start3A_159 : memref<125x16xf32, #tpu.memory_space<vmem_shared>>) target_semaphore(%arg32 : memref<!tpu.dma_semaphore, #tpu.memory_space<semaphore_mem>>)
      %add3A_160 = arith.constant 125 : i32
      %add3A_161 = arith.addi %mul3A_2, %add3A_160 : i32
      %dma_start3A_162 = arith.constant 0 : i32
      %dma_start3A_163 = tpu.memref_slice %arg15[%add3A_161, %dma_start3A_162] : memref<10016x16xf32, #tpu.memory_space<vmem_shared>> -> memref<125x16xf32, #tpu.memory_space<vmem_shared>>
      %dma_start3A_164 = arith.constant 0 : i32
      %dma_start3A_165 = tpu.memref_slice %arg15[%add3A_161, %dma_start3A_164] : memref<10016x16xf32, #tpu.memory_space<vmem_shared>> -> memref<125x16xf32, #tpu.memory_space<vmem_shared>>
      tpu.enqueue_dma source(%arg11 : memref<125x16xf32, #tpu.memory_space<vmem>>) target(%dma_start3A_165 : memref<125x16xf32, #tpu.memory_space<vmem_shared>>) target_semaphore(%arg32 : memref<!tpu.dma_semaphore, #tpu.memory_space<semaphore_mem>>)
      %add3A_166 = arith.constant 250 : i32
      %add3A_167 = arith.addi %mul3A_2, %add3A_166 : i32
      %dma_start3A_168 = arith.constant 0 : i32
      %dma_start3A_169 = tpu.memref_slice %arg15[%add3A_167, %dma_start3A_168] : memref<10016x16xf32, #tpu.memory_space<vmem_shared>> -> memref<125x16xf32, #tpu.memory_space<vmem_shared>>
      %dma_start3A_170 = arith.constant 0 : i32
      %dma_start3A_171 = tpu.memref_slice %arg15[%add3A_167, %dma_start3A_170] : memref<10016x16xf32, #tpu.memory_space<vmem_shared>> -> memref<125x16xf32, #tpu.memory_space<vmem_shared>>
      tpu.enqueue_dma source(%arg11 : memref<125x16xf32, #tpu.memory_space<vmem>>) target(%dma_start3A_171 : memref<125x16xf32, #tpu.memory_space<vmem_shared>>) target_semaphore(%arg32 : memref<!tpu.dma_semaphore, #tpu.memory_space<semaphore_mem>>)
      %add3A_172 = arith.constant 375 : i32
      %add3A_173 = arith.addi %mul3A_2, %add3A_172 : i32
      %dma_start3A_174 = arith.constant 0 : i32
      %dma_start3A_175 = tpu.memref_slice %arg15[%add3A_173, %dma_start3A_174] : memref<10016x16xf32, #tpu.memory_space<vmem_shared>> -> memref<125x16xf32, #tpu.memory_space<vmem_shared>>
      %dma_start3A_176 = arith.constant 0 : i32
      %dma_start3A_177 = tpu.memref_slice %arg15[%add3A_173, %dma_start3A_176] : memref<10016x16xf32, #tpu.memory_space<vmem_shared>> -> memref<125x16xf32, #tpu.memory_space<vmem_shared>>
      tpu.enqueue_dma source(%arg11 : memref<125x16xf32, #tpu.memory_space<vmem>>) target(%dma_start3A_177 : memref<125x16xf32, #tpu.memory_space<vmem_shared>>) target_semaphore(%arg32 : memref<!tpu.dma_semaphore, #tpu.memory_space<semaphore_mem>>)
      %add3A_178 = arith.constant 500 : i32
      %add3A_179 = arith.addi %mul3A_2, %add3A_178 : i32
      %dma_start3A_180 = arith.constant 0 : i32
      %dma_start3A_181 = tpu.memref_slice %arg15[%add3A_179, %dma_start3A_180] : memref<10016x16xf32, #tpu.memory_space<vmem_shared>> -> memref<125x16xf32, #tpu.memory_space<vmem_shared>>
      %dma_start3A_182 = arith.constant 0 : i32
      %dma_start3A_183 = tpu.memref_slice %arg15[%add3A_179, %dma_start3A_182] : memref<10016x16xf32, #tpu.memory_space<vmem_shared>> -> memref<125x16xf32, #tpu.memory_space<vmem_shared>>
      tpu.enqueue_dma source(%arg11 : memref<125x16xf32, #tpu.memory_space<vmem>>) target(%dma_start3A_183 : memref<125x16xf32, #tpu.memory_space<vmem_shared>>) target_semaphore(%arg32 : memref<!tpu.dma_semaphore, #tpu.memory_space<semaphore_mem>>)
      %add3A_184 = arith.constant 625 : i32
      %add3A_185 = arith.addi %mul3A_2, %add3A_184 : i32
      %dma_start3A_186 = arith.constant 0 : i32
      %dma_start3A_187 = arith.constant 0 : i32
      %dma_start3A_188 = tpu.memref_slice %arg11[%dma_start3A_186, %dma_start3A_187] : memref<125x16xf32, #tpu.memory_space<vmem>> -> memref<1x16xf32, #tpu.memory_space<vmem>>
      %dma_start3A_189 = arith.constant 0 : i32
      %dma_start3A_190 = tpu.memref_slice %arg15[%add3A_185, %dma_start3A_189] : memref<10016x16xf32, #tpu.memory_space<vmem_shared>> -> memref<1x16xf32, #tpu.memory_space<vmem_shared>>
      %dma_start3A_191 = arith.constant 0 : i32
      %dma_start3A_192 = tpu.memref_slice %arg15[%add3A_185, %dma_start3A_191] : memref<10016x16xf32, #tpu.memory_space<vmem_shared>> -> memref<1x16xf32, #tpu.memory_space<vmem_shared>>
      %dma_start3A_193 = arith.constant 0 : i32
      %dma_start3A_194 = arith.constant 0 : i32
      %dma_start3A_195 = tpu.memref_slice %arg11[%dma_start3A_193, %dma_start3A_194] : memref<125x16xf32, #tpu.memory_space<vmem>> -> memref<1x16xf32, #tpu.memory_space<vmem>>
      tpu.enqueue_dma source(%dma_start3A_195 : memref<1x16xf32, #tpu.memory_space<vmem>>) target(%dma_start3A_192 : memref<1x16xf32, #tpu.memory_space<vmem_shared>>) target_semaphore(%arg32 : memref<!tpu.dma_semaphore, #tpu.memory_space<semaphore_mem>>)
      %add3A_196 = arith.constant 0 : i32
      %add3A_197 = arith.addi %mul3A_2, %add3A_196 : i32
      %dma_wait3A_198 = arith.constant 0 : i32
      %dma_wait3A_199 = tpu.memref_slice %arg15[%add3A_197, %dma_wait3A_198] : memref<10016x16xf32, #tpu.memory_space<vmem_shared>> -> memref<125x16xf32, #tpu.memory_space<vmem_shared>>
      %dma_wait3A_200 = arith.constant 0 : i32
      %dma_wait3A_201 = tpu.memref_slice %arg15[%add3A_197, %dma_wait3A_200] : memref<10016x16xf32, #tpu.memory_space<vmem_shared>> -> memref<125x16xf32, #tpu.memory_space<vmem_shared>>
      tpu.wait_dma2 semaphore(%arg32 : memref<!tpu.dma_semaphore, #tpu.memory_space<semaphore_mem>>) src(%arg11 : memref<125x16xf32, #tpu.memory_space<vmem>>) dst(%dma_wait3A_201 : memref<125x16xf32, #tpu.memory_space<vmem_shared>>)
      %add3A_202 = arith.constant 125 : i32
      %add3A_203 = arith.addi %mul3A_2, %add3A_202 : i32
      %dma_wait3A_204 = arith.constant 0 : i32
      %dma_wait3A_205 = tpu.memref_slice %arg15[%add3A_203, %dma_wait3A_204] : memref<10016x16xf32, #tpu.memory_space<vmem_shared>> -> memref<125x16xf32, #tpu.memory_space<vmem_shared>>
      %dma_wait3A_206 = arith.constant 0 : i32
      %dma_wait3A_207 = tpu.memref_slice %arg15[%add3A_203, %dma_wait3A_206] : memref<10016x16xf32, #tpu.memory_space<vmem_shared>> -> memref<125x16xf32, #tpu.memory_space<vmem_shared>>
      tpu.wait_dma2 semaphore(%arg32 : memref<!tpu.dma_semaphore, #tpu.memory_space<semaphore_mem>>) src(%arg11 : memref<125x16xf32, #tpu.memory_space<vmem>>) dst(%dma_wait3A_207 : memref<125x16xf32, #tpu.memory_space<vmem_shared>>)
      %add3A_208 = arith.constant 250 : i32
      %add3A_209 = arith.addi %mul3A_2, %add3A_208 : i32
      %dma_wait3A_210 = arith.constant 0 : i32
      %dma_wait3A_211 = tpu.memref_slice %arg15[%add3A_209, %dma_wait3A_210] : memref<10016x16xf32, #tpu.memory_space<vmem_shared>> -> memref<125x16xf32, #tpu.memory_space<vmem_shared>>
      %dma_wait3A_212 = arith.constant 0 : i32
      %dma_wait3A_213 = tpu.memref_slice %arg15[%add3A_209, %dma_wait3A_212] : memref<10016x16xf32, #tpu.memory_space<vmem_shared>> -> memref<125x16xf32, #tpu.memory_space<vmem_shared>>
      tpu.wait_dma2 semaphore(%arg32 : memref<!tpu.dma_semaphore, #tpu.memory_space<semaphore_mem>>) src(%arg11 : memref<125x16xf32, #tpu.memory_space<vmem>>) dst(%dma_wait3A_213 : memref<125x16xf32, #tpu.memory_space<vmem_shared>>)
      %add3A_214 = arith.constant 375 : i32
      %add3A_215 = arith.addi %mul3A_2, %add3A_214 : i32
      %dma_wait3A_216 = arith.constant 0 : i32
      %dma_wait3A_217 = tpu.memref_slice %arg15[%add3A_215, %dma_wait3A_216] : memref<10016x16xf32, #tpu.memory_space<vmem_shared>> -> memref<125x16xf32, #tpu.memory_space<vmem_shared>>
      %dma_wait3A_218 = arith.constant 0 : i32
      %dma_wait3A_219 = tpu.memref_slice %arg15[%add3A_215, %dma_wait3A_218] : memref<10016x16xf32, #tpu.memory_space<vmem_shared>> -> memref<125x16xf32, #tpu.memory_space<vmem_shared>>
      tpu.wait_dma2 semaphore(%arg32 : memref<!tpu.dma_semaphore, #tpu.memory_space<semaphore_mem>>) src(%arg11 : memref<125x16xf32, #tpu.memory_space<vmem>>) dst(%dma_wait3A_219 : memref<125x16xf32, #tpu.memory_space<vmem_shared>>)
      %add3A_220 = arith.constant 500 : i32
      %add3A_221 = arith.addi %mul3A_2, %add3A_220 : i32
      %dma_wait3A_222 = arith.constant 0 : i32
      %dma_wait3A_223 = tpu.memref_slice %arg15[%add3A_221, %dma_wait3A_222] : memref<10016x16xf32, #tpu.memory_space<vmem_shared>> -> memref<125x16xf32, #tpu.memory_space<vmem_shared>>
      %dma_wait3A_224 = arith.constant 0 : i32
      %dma_wait3A_225 = tpu.memref_slice %arg15[%add3A_221, %dma_wait3A_224] : memref<10016x16xf32, #tpu.memory_space<vmem_shared>> -> memref<125x16xf32, #tpu.memory_space<vmem_shared>>
      tpu.wait_dma2 semaphore(%arg32 : memref<!tpu.dma_semaphore, #tpu.memory_space<semaphore_mem>>) src(%arg11 : memref<125x16xf32, #tpu.memory_space<vmem>>) dst(%dma_wait3A_225 : memref<125x16xf32, #tpu.memory_space<vmem_shared>>)
      %add3A_226 = arith.constant 625 : i32
      %add3A_227 = arith.addi %mul3A_2, %add3A_226 : i32
      %dma_wait3A_228 = arith.constant 0 : i32
      %dma_wait3A_229 = arith.constant 0 : i32
      %dma_wait3A_230 = tpu.memref_slice %arg11[%dma_wait3A_228, %dma_wait3A_229] : memref<125x16xf32, #tpu.memory_space<vmem>> -> memref<1x16xf32, #tpu.memory_space<vmem>>
      %dma_wait3A_231 = arith.constant 0 : i32
      %dma_wait3A_232 = tpu.memref_slice %arg15[%add3A_227, %dma_wait3A_231] : memref<10016x16xf32, #tpu.memory_space<vmem_shared>> -> memref<1x16xf32, #tpu.memory_space<vmem_shared>>
      %dma_wait3A_233 = arith.constant 0 : i32
      %dma_wait3A_234 = tpu.memref_slice %arg15[%add3A_227, %dma_wait3A_233] : memref<10016x16xf32, #tpu.memory_space<vmem_shared>> -> memref<1x16xf32, #tpu.memory_space<vmem_shared>>
      %dma_wait3A_235 = arith.constant 0 : i32
      %dma_wait3A_236 = arith.constant 0 : i32
      %dma_wait3A_237 = tpu.memref_slice %arg11[%dma_wait3A_235, %dma_wait3A_236] : memref<125x16xf32, #tpu.memory_space<vmem>> -> memref<1x16xf32, #tpu.memory_space<vmem>>
      tpu.wait_dma2 semaphore(%arg32 : memref<!tpu.dma_semaphore, #tpu.memory_space<semaphore_mem>>) src(%dma_wait3A_237 : memref<1x16xf32, #tpu.memory_space<vmem>>) dst(%dma_wait3A_234 : memref<1x16xf32, #tpu.memory_space<vmem_shared>>)
    } else {
    }
    %barrier3A = arith.constant 0 : index
    tpu.barrier barrier_id(%barrier3A)
    %jit3A_67 = arith.constant 8 : i32
    %div3A = arith.divsi %select_n3A, %jit3A_67 : i32
    %sign3A = arith.constant 0 : i32
    %sign3A_68 = arith.cmpi sgt, %select_n3A, %sign3A : i32
    %sign3A_69 = arith.extui %sign3A_68 : i1 to i32
    %sign3A_70 = arith.constant 0 : i32
    %sign3A_71 = arith.cmpi slt, %select_n3A, %sign3A_70 : i32
    %sign3A_72 = arith.extui %sign3A_71 : i1 to i32
    %sign3A_73 = arith.subi %sign3A_69, %sign3A_72 : i32
    %sign3A_74 = arith.constant 0 : i32
    %sign3A_75 = arith.cmpi sgt, %jit3A_67, %sign3A_74 : i32
    %sign3A_76 = arith.extui %sign3A_75 : i1 to i32
    %sign3A_77 = arith.constant 0 : i32
    %sign3A_78 = arith.cmpi slt, %jit3A_67, %sign3A_77 : i32
    %sign3A_79 = arith.extui %sign3A_78 : i1 to i32
    %sign3A_80 = arith.subi %sign3A_76, %sign3A_79 : i32
    %ne3A_81 = arith.cmpi ne, %sign3A_73, %sign3A_80 : i32
    %rem3A = arith.remsi %select_n3A, %jit3A_67 : i32
    %ne3A_82 = arith.constant 0 : i32
    %ne3A_83 = arith.cmpi ne, %rem3A, %ne3A_82 : i32
    %and3A = arith.andi %ne3A_81, %ne3A_83 : i1
    %sub3A = arith.constant 1 : i32
    %sub3A_84 = arith.subi %div3A, %sub3A : i32
    %select_n3A_85 = arith.select %and3A, %sub3A_84, %div3A : i32
    %while3A = arith.constant 0 : i32
    %while3A_86 = arith.constant 0 : i32
    %while3A_87 = arith.constant 1 : i32
    %while3A_88 = arith.constant 0 : i32
    %while3A_89 = arith.subi %select_n3A_85, %while3A_88 : i32
    %while3A_90 = arith.addi %while3A_88, %while3A_89 : i32
    %while3A_91 = arith.constant 1 : i32
    %while3A_92 = arith.divsi %while3A_89, %while3A_91 : i32
    %while3A_93 = arith.muli %while3A_92, %while3A_91 : i32
    %while3A_94 = arith.addi %while3A_88, %while3A_93 : i32
    %while3A_95 = arith.constant 1 : i32
    scf.for %while3A_149 = %while3A_88 to %while3A_94 step %while3A_95  : i32 {
      %mul3A_150 = arith.constant 8 : i32
      %mul3A_151 = arith.muli %mul3A_150, %while3A_149 : i32
      %add3A = arith.constant 0 : i32
      %add3A_152 = arith.addi %mul3A_151, %add3A : i32
      %dma_wait3A_153 = arith.constant 0 : i32
      %dma_wait3A_154 = arith.constant 0 : i32
      %dma_wait3A_155 = tpu.memref_slice %arg6[%while3A_86, %dma_wait3A_153, %dma_wait3A_154] : memref<2x80x125xi32, #tpu.memory_space<vmem>> -> memref<1x80x125xi32, #tpu.memory_space<vmem>>
      %dma_wait3A_156 = tpu.memref_squeeze %dma_wait3A_155 : memref<1x80x125xi32, #tpu.memory_space<vmem>> -> memref<80x125xi32, #tpu.memory_space<vmem>>
      %dma_wait3A_157 = arith.constant 0 : i32
      %dma_wait3A_158 = tpu.memref_slice %dma_wait3A_156[%add3A_152, %dma_wait3A_157] : memref<80x125xi32, #tpu.memory_space<vmem>> -> memref<1x125xi32, #tpu.memory_space<vmem>>
      %dma_wait3A_159 = tpu.memref_squeeze %dma_wait3A_158 : memref<1x125xi32, #tpu.memory_space<vmem>> -> memref<125xi32, #tpu.memory_space<vmem>>
      %dma_wait3A_160 = arith.constant 0 : i32
      %dma_wait3A_161 = arith.constant 0 : i32
      %dma_wait3A_162 = tpu.memref_slice %arg2[%dma_wait3A_160, %dma_wait3A_161] : memref<10016x16xf32, #tpu.memory_space<hbm>> -> memref<10016x16xf32, #tpu.memory_space<hbm>>
      tpu.wait_indirect_dma semaphore(%arg16 : memref<!tpu.dma_semaphore, #tpu.memory_space<semaphore_mem>>) src(%dma_wait3A_162 : memref<10016x16xf32, #tpu.memory_space<hbm>>) dst(%arg7 : memref<125x16xf32, #tpu.memory_space<vmem>>)
      %dma_start3A_163 = arith.constant 0 : i32
      %dma_start3A_164 = arith.constant 0 : i32
      %dma_start3A_165 = tpu.memref_slice %arg6[%while3A_87, %dma_start3A_163, %dma_start3A_164] : memref<2x80x125xi32, #tpu.memory_space<vmem>> -> memref<1x80x125xi32, #tpu.memory_space<vmem>>
      %dma_start3A_166 = tpu.memref_squeeze %dma_start3A_165 : memref<1x80x125xi32, #tpu.memory_space<vmem>> -> memref<80x125xi32, #tpu.memory_space<vmem>>
      %dma_start3A_167 = arith.constant 0 : i32
      %dma_start3A_168 = tpu.memref_slice %dma_start3A_166[%add3A_152, %dma_start3A_167] : memref<80x125xi32, #tpu.memory_space<vmem>> -> memref<1x125xi32, #tpu.memory_space<vmem>>
      %dma_start3A_169 = tpu.memref_squeeze %dma_start3A_168 : memref<1x125xi32, #tpu.memory_space<vmem>> -> memref<125xi32, #tpu.memory_space<vmem>>
      %dma_start3A_170 = arith.constant 0 : i32
      %dma_start3A_171 = arith.constant 0 : i32
      %dma_start3A_172 = tpu.memref_slice %arg15[%dma_start3A_170, %dma_start3A_171] : memref<10016x16xf32, #tpu.memory_space<vmem_shared>> -> memref<10016x16xf32, #tpu.memory_space<vmem_shared>>
      tpu.enqueue_indirect_dma source(%arg7 : memref<125x16xf32, #tpu.memory_space<vmem>>) target(%dma_start3A_172 : memref<10016x16xf32, #tpu.memory_space<vmem_shared>>) offsets(%dma_start3A_169 : memref<125xi32, #tpu.memory_space<vmem>>) semaphore(%arg24 : memref<!tpu.dma_semaphore, #tpu.memory_space<semaphore_mem>>) {add = true}
      %ge3A = arith.constant 4 : i32
      %ge3A_173 = arith.cmpi sge, %add3A_152, %ge3A : i32
      %convert_element_type3A_174 = arith.extui %ge3A_173 : i1 to i32
      %cond3A_175 = arith.constant 0 : i32
      %cond3A_176 = arith.cmpi ne, %convert_element_type3A_174, %cond3A_175 : i32
      scf.if %cond3A_176 {
        %sub3A_413 = arith.constant 4 : i32
        %sub3A_414 = arith.subi %add3A_152, %sub3A_413 : i32
        %dma_wait3A_415 = arith.constant 0 : i32
        %dma_wait3A_416 = arith.constant 0 : i32
        %dma_wait3A_417 = tpu.memref_slice %arg6[%while3A_87, %dma_wait3A_415, %dma_wait3A_416] : memref<2x80x125xi32, #tpu.memory_space<vmem>> -> memref<1x80x125xi32, #tpu.memory_space<vmem>>
        %dma_wait3A_418 = tpu.memref_squeeze %dma_wait3A_417 : memref<1x80x125xi32, #tpu.memory_space<vmem>> -> memref<80x125xi32, #tpu.memory_space<vmem>>
        %dma_wait3A_419 = arith.constant 0 : i32
        %dma_wait3A_420 = tpu.memref_slice %dma_wait3A_418[%sub3A_414, %dma_wait3A_419] : memref<80x125xi32, #tpu.memory_space<vmem>> -> memref<1x125xi32, #tpu.memory_space<vmem>>
        %dma_wait3A_421 = tpu.memref_squeeze %dma_wait3A_420 : memref<1x125xi32, #tpu.memory_space<vmem>> -> memref<125xi32, #tpu.memory_space<vmem>>
        %dma_wait3A_422 = arith.constant 0 : i32
        %dma_wait3A_423 = arith.constant 0 : i32
        %dma_wait3A_424 = tpu.memref_slice %arg15[%dma_wait3A_422, %dma_wait3A_423] : memref<10016x16xf32, #tpu.memory_space<vmem_shared>> -> memref<10016x16xf32, #tpu.memory_space<vmem_shared>>
        tpu.wait_indirect_dma semaphore(%arg28 : memref<!tpu.dma_semaphore, #tpu.memory_space<semaphore_mem>>) src(%arg11 : memref<125x16xf32, #tpu.memory_space<vmem>>) dst(%dma_wait3A_424 : memref<10016x16xf32, #tpu.memory_space<vmem_shared>>)
      } else {
      }
      %add3A_177 = arith.constant 4 : i32
      %add3A_178 = arith.addi %add3A_152, %add3A_177 : i32
      %lt3A = arith.cmpi slt, %add3A_178, %select_n3A : i32
      %convert_element_type3A_179 = arith.extui %lt3A : i1 to i32
      %cond3A_180 = arith.constant 0 : i32
      %cond3A_181 = arith.cmpi ne, %convert_element_type3A_179, %cond3A_180 : i32
      scf.if %cond3A_181 {
        %add3A_413 = arith.constant 4 : i32
        %add3A_414 = arith.addi %add3A_152, %add3A_413 : i32
        %dma_start3A_415 = arith.constant 0 : i32
        %dma_start3A_416 = arith.constant 0 : i32
        %dma_start3A_417 = tpu.memref_slice %arg6[%while3A_86, %dma_start3A_415, %dma_start3A_416] : memref<2x80x125xi32, #tpu.memory_space<vmem>> -> memref<1x80x125xi32, #tpu.memory_space<vmem>>
        %dma_start3A_418 = tpu.memref_squeeze %dma_start3A_417 : memref<1x80x125xi32, #tpu.memory_space<vmem>> -> memref<80x125xi32, #tpu.memory_space<vmem>>
        %dma_start3A_419 = arith.constant 0 : i32
        %dma_start3A_420 = tpu.memref_slice %dma_start3A_418[%add3A_414, %dma_start3A_419] : memref<80x125xi32, #tpu.memory_space<vmem>> -> memref<1x125xi32, #tpu.memory_space<vmem>>
        %dma_start3A_421 = tpu.memref_squeeze %dma_start3A_420 : memref<1x125xi32, #tpu.memory_space<vmem>> -> memref<125xi32, #tpu.memory_space<vmem>>
        %dma_start3A_422 = arith.constant 0 : i32
        %dma_start3A_423 = arith.constant 0 : i32
        %dma_start3A_424 = tpu.memref_slice %arg2[%dma_start3A_422, %dma_start3A_423] : memref<10016x16xf32, #tpu.memory_space<hbm>> -> memref<10016x16xf32, #tpu.memory_space<hbm>>
        tpu.enqueue_indirect_dma source(%dma_start3A_424 : memref<10016x16xf32, #tpu.memory_space<hbm>>) target(%arg11 : memref<125x16xf32, #tpu.memory_space<vmem>>) offsets(%dma_start3A_421 : memref<125xi32, #tpu.memory_space<vmem>>) semaphore(%arg20 : memref<!tpu.dma_semaphore, #tpu.memory_space<semaphore_mem>>)
      } else {
      }
      %add3A_182 = arith.constant 1 : i32
      %add3A_183 = arith.addi %mul3A_151, %add3A_182 : i32
      %dma_wait3A_184 = arith.constant 0 : i32
      %dma_wait3A_185 = arith.constant 0 : i32
      %dma_wait3A_186 = tpu.memref_slice %arg6[%while3A_86, %dma_wait3A_184, %dma_wait3A_185] : memref<2x80x125xi32, #tpu.memory_space<vmem>> -> memref<1x80x125xi32, #tpu.memory_space<vmem>>
      %dma_wait3A_187 = tpu.memref_squeeze %dma_wait3A_186 : memref<1x80x125xi32, #tpu.memory_space<vmem>> -> memref<80x125xi32, #tpu.memory_space<vmem>>
      %dma_wait3A_188 = arith.constant 0 : i32
      %dma_wait3A_189 = tpu.memref_slice %dma_wait3A_187[%add3A_183, %dma_wait3A_188] : memref<80x125xi32, #tpu.memory_space<vmem>> -> memref<1x125xi32, #tpu.memory_space<vmem>>
      %dma_wait3A_190 = tpu.memref_squeeze %dma_wait3A_189 : memref<1x125xi32, #tpu.memory_space<vmem>> -> memref<125xi32, #tpu.memory_space<vmem>>
      %dma_wait3A_191 = arith.constant 0 : i32
      %dma_wait3A_192 = arith.constant 0 : i32
      %dma_wait3A_193 = tpu.memref_slice %arg2[%dma_wait3A_191, %dma_wait3A_192] : memref<10016x16xf32, #tpu.memory_space<hbm>> -> memref<10016x16xf32, #tpu.memory_space<hbm>>
      tpu.wait_indirect_dma semaphore(%arg17 : memref<!tpu.dma_semaphore, #tpu.memory_space<semaphore_mem>>) src(%dma_wait3A_193 : memref<10016x16xf32, #tpu.memory_space<hbm>>) dst(%arg8 : memref<125x16xf32, #tpu.memory_space<vmem>>)
      %dma_start3A_194 = arith.constant 0 : i32
      %dma_start3A_195 = arith.constant 0 : i32
      %dma_start3A_196 = tpu.memref_slice %arg6[%while3A_87, %dma_start3A_194, %dma_start3A_195] : memref<2x80x125xi32, #tpu.memory_space<vmem>> -> memref<1x80x125xi32, #tpu.memory_space<vmem>>
      %dma_start3A_197 = tpu.memref_squeeze %dma_start3A_196 : memref<1x80x125xi32, #tpu.memory_space<vmem>> -> memref<80x125xi32, #tpu.memory_space<vmem>>
      %dma_start3A_198 = arith.constant 0 : i32
      %dma_start3A_199 = tpu.memref_slice %dma_start3A_197[%add3A_183, %dma_start3A_198] : memref<80x125xi32, #tpu.memory_space<vmem>> -> memref<1x125xi32, #tpu.memory_space<vmem>>
      %dma_start3A_200 = tpu.memref_squeeze %dma_start3A_199 : memref<1x125xi32, #tpu.memory_space<vmem>> -> memref<125xi32, #tpu.memory_space<vmem>>
      %dma_start3A_201 = arith.constant 0 : i32
      %dma_start3A_202 = arith.constant 0 : i32
      %dma_start3A_203 = tpu.memref_slice %arg15[%dma_start3A_201, %dma_start3A_202] : memref<10016x16xf32, #tpu.memory_space<vmem_shared>> -> memref<10016x16xf32, #tpu.memory_space<vmem_shared>>
      tpu.enqueue_indirect_dma source(%arg8 : memref<125x16xf32, #tpu.memory_space<vmem>>) target(%dma_start3A_203 : memref<10016x16xf32, #tpu.memory_space<vmem_shared>>) offsets(%dma_start3A_200 : memref<125xi32, #tpu.memory_space<vmem>>) semaphore(%arg25 : memref<!tpu.dma_semaphore, #tpu.memory_space<semaphore_mem>>) {add = true}
      %ge3A_204 = arith.constant 4 : i32
      %ge3A_205 = arith.cmpi sge, %add3A_183, %ge3A_204 : i32
      %convert_element_type3A_206 = arith.extui %ge3A_205 : i1 to i32
      %cond3A_207 = arith.constant 0 : i32
      %cond3A_208 = arith.cmpi ne, %convert_element_type3A_206, %cond3A_207 : i32
      scf.if %cond3A_208 {
        %sub3A_413 = arith.constant 4 : i32
        %sub3A_414 = arith.subi %add3A_183, %sub3A_413 : i32
        %dma_wait3A_415 = arith.constant 0 : i32
        %dma_wait3A_416 = arith.constant 0 : i32
        %dma_wait3A_417 = tpu.memref_slice %arg6[%while3A_87, %dma_wait3A_415, %dma_wait3A_416] : memref<2x80x125xi32, #tpu.memory_space<vmem>> -> memref<1x80x125xi32, #tpu.memory_space<vmem>>
        %dma_wait3A_418 = tpu.memref_squeeze %dma_wait3A_417 : memref<1x80x125xi32, #tpu.memory_space<vmem>> -> memref<80x125xi32, #tpu.memory_space<vmem>>
        %dma_wait3A_419 = arith.constant 0 : i32
        %dma_wait3A_420 = tpu.memref_slice %dma_wait3A_418[%sub3A_414, %dma_wait3A_419] : memref<80x125xi32, #tpu.memory_space<vmem>> -> memref<1x125xi32, #tpu.memory_space<vmem>>
        %dma_wait3A_421 = tpu.memref_squeeze %dma_wait3A_420 : memref<1x125xi32, #tpu.memory_space<vmem>> -> memref<125xi32, #tpu.memory_space<vmem>>
        %dma_wait3A_422 = arith.constant 0 : i32
        %dma_wait3A_423 = arith.constant 0 : i32
        %dma_wait3A_424 = tpu.memref_slice %arg15[%dma_wait3A_422, %dma_wait3A_423] : memref<10016x16xf32, #tpu.memory_space<vmem_shared>> -> memref<10016x16xf32, #tpu.memory_space<vmem_shared>>
        tpu.wait_indirect_dma semaphore(%arg29 : memref<!tpu.dma_semaphore, #tpu.memory_space<semaphore_mem>>) src(%arg12 : memref<125x16xf32, #tpu.memory_space<vmem>>) dst(%dma_wait3A_424 : memref<10016x16xf32, #tpu.memory_space<vmem_shared>>)
      } else {
      }
      %add3A_209 = arith.constant 4 : i32
      %add3A_210 = arith.addi %add3A_183, %add3A_209 : i32
      %lt3A_211 = arith.cmpi slt, %add3A_210, %select_n3A : i32
      %convert_element_type3A_212 = arith.extui %lt3A_211 : i1 to i32
      %cond3A_213 = arith.constant 0 : i32
      %cond3A_214 = arith.cmpi ne, %convert_element_type3A_212, %cond3A_213 : i32
      scf.if %cond3A_214 {
        %add3A_413 = arith.constant 4 : i32
        %add3A_414 = arith.addi %add3A_183, %add3A_413 : i32
        %dma_start3A_415 = arith.constant 0 : i32
        %dma_start3A_416 = arith.constant 0 : i32
        %dma_start3A_417 = tpu.memref_slice %arg6[%while3A_86, %dma_start3A_415, %dma_start3A_416] : memref<2x80x125xi32, #tpu.memory_space<vmem>> -> memref<1x80x125xi32, #tpu.memory_space<vmem>>
        %dma_start3A_418 = tpu.memref_squeeze %dma_start3A_417 : memref<1x80x125xi32, #tpu.memory_space<vmem>> -> memref<80x125xi32, #tpu.memory_space<vmem>>
        %dma_start3A_419 = arith.constant 0 : i32
        %dma_start3A_420 = tpu.memref_slice %dma_start3A_418[%add3A_414, %dma_start3A_419] : memref<80x125xi32, #tpu.memory_space<vmem>> -> memref<1x125xi32, #tpu.memory_space<vmem>>
        %dma_start3A_421 = tpu.memref_squeeze %dma_start3A_420 : memref<1x125xi32, #tpu.memory_space<vmem>> -> memref<125xi32, #tpu.memory_space<vmem>>
        %dma_start3A_422 = arith.constant 0 : i32
        %dma_start3A_423 = arith.constant 0 : i32
        %dma_start3A_424 = tpu.memref_slice %arg2[%dma_start3A_422, %dma_start3A_423] : memref<10016x16xf32, #tpu.memory_space<hbm>> -> memref<10016x16xf32, #tpu.memory_space<hbm>>
        tpu.enqueue_indirect_dma source(%dma_start3A_424 : memref<10016x16xf32, #tpu.memory_space<hbm>>) target(%arg12 : memref<125x16xf32, #tpu.memory_space<vmem>>) offsets(%dma_start3A_421 : memref<125xi32, #tpu.memory_space<vmem>>) semaphore(%arg21 : memref<!tpu.dma_semaphore, #tpu.memory_space<semaphore_mem>>)
      } else {
      }
      %add3A_215 = arith.constant 2 : i32
      %add3A_216 = arith.addi %mul3A_151, %add3A_215 : i32
      %dma_wait3A_217 = arith.constant 0 : i32
      %dma_wait3A_218 = arith.constant 0 : i32
      %dma_wait3A_219 = tpu.memref_slice %arg6[%while3A_86, %dma_wait3A_217, %dma_wait3A_218] : memref<2x80x125xi32, #tpu.memory_space<vmem>> -> memref<1x80x125xi32, #tpu.memory_space<vmem>>
      %dma_wait3A_220 = tpu.memref_squeeze %dma_wait3A_219 : memref<1x80x125xi32, #tpu.memory_space<vmem>> -> memref<80x125xi32, #tpu.memory_space<vmem>>
      %dma_wait3A_221 = arith.constant 0 : i32
      %dma_wait3A_222 = tpu.memref_slice %dma_wait3A_220[%add3A_216, %dma_wait3A_221] : memref<80x125xi32, #tpu.memory_space<vmem>> -> memref<1x125xi32, #tpu.memory_space<vmem>>
      %dma_wait3A_223 = tpu.memref_squeeze %dma_wait3A_222 : memref<1x125xi32, #tpu.memory_space<vmem>> -> memref<125xi32, #tpu.memory_space<vmem>>
      %dma_wait3A_224 = arith.constant 0 : i32
      %dma_wait3A_225 = arith.constant 0 : i32
      %dma_wait3A_226 = tpu.memref_slice %arg2[%dma_wait3A_224, %dma_wait3A_225] : memref<10016x16xf32, #tpu.memory_space<hbm>> -> memref<10016x16xf32, #tpu.memory_space<hbm>>
      tpu.wait_indirect_dma semaphore(%arg18 : memref<!tpu.dma_semaphore, #tpu.memory_space<semaphore_mem>>) src(%dma_wait3A_226 : memref<10016x16xf32, #tpu.memory_space<hbm>>) dst(%arg9 : memref<125x16xf32, #tpu.memory_space<vmem>>)
      %dma_start3A_227 = arith.constant 0 : i32
      %dma_start3A_228 = arith.constant 0 : i32
      %dma_start3A_229 = tpu.memref_slice %arg6[%while3A_87, %dma_start3A_227, %dma_start3A_228] : memref<2x80x125xi32, #tpu.memory_space<vmem>> -> memref<1x80x125xi32, #tpu.memory_space<vmem>>
      %dma_start3A_230 = tpu.memref_squeeze %dma_start3A_229 : memref<1x80x125xi32, #tpu.memory_space<vmem>> -> memref<80x125xi32, #tpu.memory_space<vmem>>
      %dma_start3A_231 = arith.constant 0 : i32
      %dma_start3A_232 = tpu.memref_slice %dma_start3A_230[%add3A_216, %dma_start3A_231] : memref<80x125xi32, #tpu.memory_space<vmem>> -> memref<1x125xi32, #tpu.memory_space<vmem>>
      %dma_start3A_233 = tpu.memref_squeeze %dma_start3A_232 : memref<1x125xi32, #tpu.memory_space<vmem>> -> memref<125xi32, #tpu.memory_space<vmem>>
      %dma_start3A_234 = arith.constant 0 : i32
      %dma_start3A_235 = arith.constant 0 : i32
      %dma_start3A_236 = tpu.memref_slice %arg15[%dma_start3A_234, %dma_start3A_235] : memref<10016x16xf32, #tpu.memory_space<vmem_shared>> -> memref<10016x16xf32, #tpu.memory_space<vmem_shared>>
      tpu.enqueue_indirect_dma source(%arg9 : memref<125x16xf32, #tpu.memory_space<vmem>>) target(%dma_start3A_236 : memref<10016x16xf32, #tpu.memory_space<vmem_shared>>) offsets(%dma_start3A_233 : memref<125xi32, #tpu.memory_space<vmem>>) semaphore(%arg26 : memref<!tpu.dma_semaphore, #tpu.memory_space<semaphore_mem>>) {add = true}
      %ge3A_237 = arith.constant 4 : i32
      %ge3A_238 = arith.cmpi sge, %add3A_216, %ge3A_237 : i32
      %convert_element_type3A_239 = arith.extui %ge3A_238 : i1 to i32
      %cond3A_240 = arith.constant 0 : i32
      %cond3A_241 = arith.cmpi ne, %convert_element_type3A_239, %cond3A_240 : i32
      scf.if %cond3A_241 {
        %sub3A_413 = arith.constant 4 : i32
        %sub3A_414 = arith.subi %add3A_216, %sub3A_413 : i32
        %dma_wait3A_415 = arith.constant 0 : i32
        %dma_wait3A_416 = arith.constant 0 : i32
        %dma_wait3A_417 = tpu.memref_slice %arg6[%while3A_87, %dma_wait3A_415, %dma_wait3A_416] : memref<2x80x125xi32, #tpu.memory_space<vmem>> -> memref<1x80x125xi32, #tpu.memory_space<vmem>>
        %dma_wait3A_418 = tpu.memref_squeeze %dma_wait3A_417 : memref<1x80x125xi32, #tpu.memory_space<vmem>> -> memref<80x125xi32, #tpu.memory_space<vmem>>
        %dma_wait3A_419 = arith.constant 0 : i32
        %dma_wait3A_420 = tpu.memref_slice %dma_wait3A_418[%sub3A_414, %dma_wait3A_419] : memref<80x125xi32, #tpu.memory_space<vmem>> -> memref<1x125xi32, #tpu.memory_space<vmem>>
        %dma_wait3A_421 = tpu.memref_squeeze %dma_wait3A_420 : memref<1x125xi32, #tpu.memory_space<vmem>> -> memref<125xi32, #tpu.memory_space<vmem>>
        %dma_wait3A_422 = arith.constant 0 : i32
        %dma_wait3A_423 = arith.constant 0 : i32
        %dma_wait3A_424 = tpu.memref_slice %arg15[%dma_wait3A_422, %dma_wait3A_423] : memref<10016x16xf32, #tpu.memory_space<vmem_shared>> -> memref<10016x16xf32, #tpu.memory_space<vmem_shared>>
        tpu.wait_indirect_dma semaphore(%arg30 : memref<!tpu.dma_semaphore, #tpu.memory_space<semaphore_mem>>) src(%arg13 : memref<125x16xf32, #tpu.memory_space<vmem>>) dst(%dma_wait3A_424 : memref<10016x16xf32, #tpu.memory_space<vmem_shared>>)
      } else {
      }
      %add3A_242 = arith.constant 4 : i32
      %add3A_243 = arith.addi %add3A_216, %add3A_242 : i32
      %lt3A_244 = arith.cmpi slt, %add3A_243, %select_n3A : i32
      %convert_element_type3A_245 = arith.extui %lt3A_244 : i1 to i32
      %cond3A_246 = arith.constant 0 : i32
      %cond3A_247 = arith.cmpi ne, %convert_element_type3A_245, %cond3A_246 : i32
      scf.if %cond3A_247 {
        %add3A_413 = arith.constant 4 : i32
        %add3A_414 = arith.addi %add3A_216, %add3A_413 : i32
        %dma_start3A_415 = arith.constant 0 : i32
        %dma_start3A_416 = arith.constant 0 : i32
        %dma_start3A_417 = tpu.memref_slice %arg6[%while3A_86, %dma_start3A_415, %dma_start3A_416] : memref<2x80x125xi32, #tpu.memory_space<vmem>> -> memref<1x80x125xi32, #tpu.memory_space<vmem>>
        %dma_start3A_418 = tpu.memref_squeeze %dma_start3A_417 : memref<1x80x125xi32, #tpu.memory_space<vmem>> -> memref<80x125xi32, #tpu.memory_space<vmem>>
        %dma_start3A_419 = arith.constant 0 : i32
        %dma_start3A_420 = tpu.memref_slice %dma_start3A_418[%add3A_414, %dma_start3A_419] : memref<80x125xi32, #tpu.memory_space<vmem>> -> memref<1x125xi32, #tpu.memory_space<vmem>>
        %dma_start3A_421 = tpu.memref_squeeze %dma_start3A_420 : memref<1x125xi32, #tpu.memory_space<vmem>> -> memref<125xi32, #tpu.memory_space<vmem>>
        %dma_start3A_422 = arith.constant 0 : i32
        %dma_start3A_423 = arith.constant 0 : i32
        %dma_start3A_424 = tpu.memref_slice %arg2[%dma_start3A_422, %dma_start3A_423] : memref<10016x16xf32, #tpu.memory_space<hbm>> -> memref<10016x16xf32, #tpu.memory_space<hbm>>
        tpu.enqueue_indirect_dma source(%dma_start3A_424 : memref<10016x16xf32, #tpu.memory_space<hbm>>) target(%arg13 : memref<125x16xf32, #tpu.memory_space<vmem>>) offsets(%dma_start3A_421 : memref<125xi32, #tpu.memory_space<vmem>>) semaphore(%arg22 : memref<!tpu.dma_semaphore, #tpu.memory_space<semaphore_mem>>)
      } else {
      }
      %add3A_248 = arith.constant 3 : i32
      %add3A_249 = arith.addi %mul3A_151, %add3A_248 : i32
      %dma_wait3A_250 = arith.constant 0 : i32
      %dma_wait3A_251 = arith.constant 0 : i32
      %dma_wait3A_252 = tpu.memref_slice %arg6[%while3A_86, %dma_wait3A_250, %dma_wait3A_251] : memref<2x80x125xi32, #tpu.memory_space<vmem>> -> memref<1x80x125xi32, #tpu.memory_space<vmem>>
      %dma_wait3A_253 = tpu.memref_squeeze %dma_wait3A_252 : memref<1x80x125xi32, #tpu.memory_space<vmem>> -> memref<80x125xi32, #tpu.memory_space<vmem>>
      %dma_wait3A_254 = arith.constant 0 : i32
      %dma_wait3A_255 = tpu.memref_slice %dma_wait3A_253[%add3A_249, %dma_wait3A_254] : memref<80x125xi32, #tpu.memory_space<vmem>> -> memref<1x125xi32, #tpu.memory_space<vmem>>
      %dma_wait3A_256 = tpu.memref_squeeze %dma_wait3A_255 : memref<1x125xi32, #tpu.memory_space<vmem>> -> memref<125xi32, #tpu.memory_space<vmem>>
      %dma_wait3A_257 = arith.constant 0 : i32
      %dma_wait3A_258 = arith.constant 0 : i32
      %dma_wait3A_259 = tpu.memref_slice %arg2[%dma_wait3A_257, %dma_wait3A_258] : memref<10016x16xf32, #tpu.memory_space<hbm>> -> memref<10016x16xf32, #tpu.memory_space<hbm>>
      tpu.wait_indirect_dma semaphore(%arg19 : memref<!tpu.dma_semaphore, #tpu.memory_space<semaphore_mem>>) src(%dma_wait3A_259 : memref<10016x16xf32, #tpu.memory_space<hbm>>) dst(%arg10 : memref<125x16xf32, #tpu.memory_space<vmem>>)
      %dma_start3A_260 = arith.constant 0 : i32
      %dma_start3A_261 = arith.constant 0 : i32
      %dma_start3A_262 = tpu.memref_slice %arg6[%while3A_87, %dma_start3A_260, %dma_start3A_261] : memref<2x80x125xi32, #tpu.memory_space<vmem>> -> memref<1x80x125xi32, #tpu.memory_space<vmem>>
      %dma_start3A_263 = tpu.memref_squeeze %dma_start3A_262 : memref<1x80x125xi32, #tpu.memory_space<vmem>> -> memref<80x125xi32, #tpu.memory_space<vmem>>
      %dma_start3A_264 = arith.constant 0 : i32
      %dma_start3A_265 = tpu.memref_slice %dma_start3A_263[%add3A_249, %dma_start3A_264] : memref<80x125xi32, #tpu.memory_space<vmem>> -> memref<1x125xi32, #tpu.memory_space<vmem>>
      %dma_start3A_266 = tpu.memref_squeeze %dma_start3A_265 : memref<1x125xi32, #tpu.memory_space<vmem>> -> memref<125xi32, #tpu.memory_space<vmem>>
      %dma_start3A_267 = arith.constant 0 : i32
      %dma_start3A_268 = arith.constant 0 : i32
      %dma_start3A_269 = tpu.memref_slice %arg15[%dma_start3A_267, %dma_start3A_268] : memref<10016x16xf32, #tpu.memory_space<vmem_shared>> -> memref<10016x16xf32, #tpu.memory_space<vmem_shared>>
      tpu.enqueue_indirect_dma source(%arg10 : memref<125x16xf32, #tpu.memory_space<vmem>>) target(%dma_start3A_269 : memref<10016x16xf32, #tpu.memory_space<vmem_shared>>) offsets(%dma_start3A_266 : memref<125xi32, #tpu.memory_space<vmem>>) semaphore(%arg27 : memref<!tpu.dma_semaphore, #tpu.memory_space<semaphore_mem>>) {add = true}
      %ge3A_270 = arith.constant 4 : i32
      %ge3A_271 = arith.cmpi sge, %add3A_249, %ge3A_270 : i32
      %convert_element_type3A_272 = arith.extui %ge3A_271 : i1 to i32
      %cond3A_273 = arith.constant 0 : i32
      %cond3A_274 = arith.cmpi ne, %convert_element_type3A_272, %cond3A_273 : i32
      scf.if %cond3A_274 {
        %sub3A_413 = arith.constant 4 : i32
        %sub3A_414 = arith.subi %add3A_249, %sub3A_413 : i32
        %dma_wait3A_415 = arith.constant 0 : i32
        %dma_wait3A_416 = arith.constant 0 : i32
        %dma_wait3A_417 = tpu.memref_slice %arg6[%while3A_87, %dma_wait3A_415, %dma_wait3A_416] : memref<2x80x125xi32, #tpu.memory_space<vmem>> -> memref<1x80x125xi32, #tpu.memory_space<vmem>>
        %dma_wait3A_418 = tpu.memref_squeeze %dma_wait3A_417 : memref<1x80x125xi32, #tpu.memory_space<vmem>> -> memref<80x125xi32, #tpu.memory_space<vmem>>
        %dma_wait3A_419 = arith.constant 0 : i32
        %dma_wait3A_420 = tpu.memref_slice %dma_wait3A_418[%sub3A_414, %dma_wait3A_419] : memref<80x125xi32, #tpu.memory_space<vmem>> -> memref<1x125xi32, #tpu.memory_space<vmem>>
        %dma_wait3A_421 = tpu.memref_squeeze %dma_wait3A_420 : memref<1x125xi32, #tpu.memory_space<vmem>> -> memref<125xi32, #tpu.memory_space<vmem>>
        %dma_wait3A_422 = arith.constant 0 : i32
        %dma_wait3A_423 = arith.constant 0 : i32
        %dma_wait3A_424 = tpu.memref_slice %arg15[%dma_wait3A_422, %dma_wait3A_423] : memref<10016x16xf32, #tpu.memory_space<vmem_shared>> -> memref<10016x16xf32, #tpu.memory_space<vmem_shared>>
        tpu.wait_indirect_dma semaphore(%arg31 : memref<!tpu.dma_semaphore, #tpu.memory_space<semaphore_mem>>) src(%arg14 : memref<125x16xf32, #tpu.memory_space<vmem>>) dst(%dma_wait3A_424 : memref<10016x16xf32, #tpu.memory_space<vmem_shared>>)
      } else {
      }
      %add3A_275 = arith.constant 4 : i32
      %add3A_276 = arith.addi %add3A_249, %add3A_275 : i32
      %lt3A_277 = arith.cmpi slt, %add3A_276, %select_n3A : i32
      %convert_element_type3A_278 = arith.extui %lt3A_277 : i1 to i32
      %cond3A_279 = arith.constant 0 : i32
      %cond3A_280 = arith.cmpi ne, %convert_element_type3A_278, %cond3A_279 : i32
      scf.if %cond3A_280 {
        %add3A_413 = arith.constant 4 : i32
        %add3A_414 = arith.addi %add3A_249, %add3A_413 : i32
        %dma_start3A_415 = arith.constant 0 : i32
        %dma_start3A_416 = arith.constant 0 : i32
        %dma_start3A_417 = tpu.memref_slice %arg6[%while3A_86, %dma_start3A_415, %dma_start3A_416] : memref<2x80x125xi32, #tpu.memory_space<vmem>> -> memref<1x80x125xi32, #tpu.memory_space<vmem>>
        %dma_start3A_418 = tpu.memref_squeeze %dma_start3A_417 : memref<1x80x125xi32, #tpu.memory_space<vmem>> -> memref<80x125xi32, #tpu.memory_space<vmem>>
        %dma_start3A_419 = arith.constant 0 : i32
        %dma_start3A_420 = tpu.memref_slice %dma_start3A_418[%add3A_414, %dma_start3A_419] : memref<80x125xi32, #tpu.memory_space<vmem>> -> memref<1x125xi32, #tpu.memory_space<vmem>>
        %dma_start3A_421 = tpu.memref_squeeze %dma_start3A_420 : memref<1x125xi32, #tpu.memory_space<vmem>> -> memref<125xi32, #tpu.memory_space<vmem>>
        %dma_start3A_422 = arith.constant 0 : i32
        %dma_start3A_423 = arith.constant 0 : i32
        %dma_start3A_424 = tpu.memref_slice %arg2[%dma_start3A_422, %dma_start3A_423] : memref<10016x16xf32, #tpu.memory_space<hbm>> -> memref<10016x16xf32, #tpu.memory_space<hbm>>
        tpu.enqueue_indirect_dma source(%dma_start3A_424 : memref<10016x16xf32, #tpu.memory_space<hbm>>) target(%arg14 : memref<125x16xf32, #tpu.memory_space<vmem>>) offsets(%dma_start3A_421 : memref<125xi32, #tpu.memory_space<vmem>>) semaphore(%arg23 : memref<!tpu.dma_semaphore, #tpu.memory_space<semaphore_mem>>)
      } else {
      }
      %add3A_281 = arith.constant 4 : i32
      %add3A_282 = arith.addi %mul3A_151, %add3A_281 : i32
      %dma_wait3A_283 = arith.constant 0 : i32
      %dma_wait3A_284 = arith.constant 0 : i32
      %dma_wait3A_285 = tpu.memref_slice %arg6[%while3A_86, %dma_wait3A_283, %dma_wait3A_284] : memref<2x80x125xi32, #tpu.memory_space<vmem>> -> memref<1x80x125xi32, #tpu.memory_space<vmem>>
      %dma_wait3A_286 = tpu.memref_squeeze %dma_wait3A_285 : memref<1x80x125xi32, #tpu.memory_space<vmem>> -> memref<80x125xi32, #tpu.memory_space<vmem>>
      %dma_wait3A_287 = arith.constant 0 : i32
      %dma_wait3A_288 = tpu.memref_slice %dma_wait3A_286[%add3A_282, %dma_wait3A_287] : memref<80x125xi32, #tpu.memory_space<vmem>> -> memref<1x125xi32, #tpu.memory_space<vmem>>
      %dma_wait3A_289 = tpu.memref_squeeze %dma_wait3A_288 : memref<1x125xi32, #tpu.memory_space<vmem>> -> memref<125xi32, #tpu.memory_space<vmem>>
      %dma_wait3A_290 = arith.constant 0 : i32
      %dma_wait3A_291 = arith.constant 0 : i32
      %dma_wait3A_292 = tpu.memref_slice %arg2[%dma_wait3A_290, %dma_wait3A_291] : memref<10016x16xf32, #tpu.memory_space<hbm>> -> memref<10016x16xf32, #tpu.memory_space<hbm>>
      tpu.wait_indirect_dma semaphore(%arg20 : memref<!tpu.dma_semaphore, #tpu.memory_space<semaphore_mem>>) src(%dma_wait3A_292 : memref<10016x16xf32, #tpu.memory_space<hbm>>) dst(%arg11 : memref<125x16xf32, #tpu.memory_space<vmem>>)
      %dma_start3A_293 = arith.constant 0 : i32
      %dma_start3A_294 = arith.constant 0 : i32
      %dma_start3A_295 = tpu.memref_slice %arg6[%while3A_87, %dma_start3A_293, %dma_start3A_294] : memref<2x80x125xi32, #tpu.memory_space<vmem>> -> memref<1x80x125xi32, #tpu.memory_space<vmem>>
      %dma_start3A_296 = tpu.memref_squeeze %dma_start3A_295 : memref<1x80x125xi32, #tpu.memory_space<vmem>> -> memref<80x125xi32, #tpu.memory_space<vmem>>
      %dma_start3A_297 = arith.constant 0 : i32
      %dma_start3A_298 = tpu.memref_slice %dma_start3A_296[%add3A_282, %dma_start3A_297] : memref<80x125xi32, #tpu.memory_space<vmem>> -> memref<1x125xi32, #tpu.memory_space<vmem>>
      %dma_start3A_299 = tpu.memref_squeeze %dma_start3A_298 : memref<1x125xi32, #tpu.memory_space<vmem>> -> memref<125xi32, #tpu.memory_space<vmem>>
      %dma_start3A_300 = arith.constant 0 : i32
      %dma_start3A_301 = arith.constant 0 : i32
      %dma_start3A_302 = tpu.memref_slice %arg15[%dma_start3A_300, %dma_start3A_301] : memref<10016x16xf32, #tpu.memory_space<vmem_shared>> -> memref<10016x16xf32, #tpu.memory_space<vmem_shared>>
      tpu.enqueue_indirect_dma source(%arg11 : memref<125x16xf32, #tpu.memory_space<vmem>>) target(%dma_start3A_302 : memref<10016x16xf32, #tpu.memory_space<vmem_shared>>) offsets(%dma_start3A_299 : memref<125xi32, #tpu.memory_space<vmem>>) semaphore(%arg28 : memref<!tpu.dma_semaphore, #tpu.memory_space<semaphore_mem>>) {add = true}
      %ge3A_303 = arith.constant 4 : i32
      %ge3A_304 = arith.cmpi sge, %add3A_282, %ge3A_303 : i32
      %convert_element_type3A_305 = arith.extui %ge3A_304 : i1 to i32
      %cond3A_306 = arith.constant 0 : i32
      %cond3A_307 = arith.cmpi ne, %convert_element_type3A_305, %cond3A_306 : i32
      scf.if %cond3A_307 {
        %sub3A_413 = arith.constant 4 : i32
        %sub3A_414 = arith.subi %add3A_282, %sub3A_413 : i32
        %dma_wait3A_415 = arith.constant 0 : i32
        %dma_wait3A_416 = arith.constant 0 : i32
        %dma_wait3A_417 = tpu.memref_slice %arg6[%while3A_87, %dma_wait3A_415, %dma_wait3A_416] : memref<2x80x125xi32, #tpu.memory_space<vmem>> -> memref<1x80x125xi32, #tpu.memory_space<vmem>>
        %dma_wait3A_418 = tpu.memref_squeeze %dma_wait3A_417 : memref<1x80x125xi32, #tpu.memory_space<vmem>> -> memref<80x125xi32, #tpu.memory_space<vmem>>
        %dma_wait3A_419 = arith.constant 0 : i32
        %dma_wait3A_420 = tpu.memref_slice %dma_wait3A_418[%sub3A_414, %dma_wait3A_419] : memref<80x125xi32, #tpu.memory_space<vmem>> -> memref<1x125xi32, #tpu.memory_space<vmem>>
        %dma_wait3A_421 = tpu.memref_squeeze %dma_wait3A_420 : memref<1x125xi32, #tpu.memory_space<vmem>> -> memref<125xi32, #tpu.memory_space<vmem>>
        %dma_wait3A_422 = arith.constant 0 : i32
        %dma_wait3A_423 = arith.constant 0 : i32
        %dma_wait3A_424 = tpu.memref_slice %arg15[%dma_wait3A_422, %dma_wait3A_423] : memref<10016x16xf32, #tpu.memory_space<vmem_shared>> -> memref<10016x16xf32, #tpu.memory_space<vmem_shared>>
        tpu.wait_indirect_dma semaphore(%arg24 : memref<!tpu.dma_semaphore, #tpu.memory_space<semaphore_mem>>) src(%arg7 : memref<125x16xf32, #tpu.memory_space<vmem>>) dst(%dma_wait3A_424 : memref<10016x16xf32, #tpu.memory_space<vmem_shared>>)
      } else {
      }
      %add3A_308 = arith.constant 4 : i32
      %add3A_309 = arith.addi %add3A_282, %add3A_308 : i32
      %lt3A_310 = arith.cmpi slt, %add3A_309, %select_n3A : i32
      %convert_element_type3A_311 = arith.extui %lt3A_310 : i1 to i32
      %cond3A_312 = arith.constant 0 : i32
      %cond3A_313 = arith.cmpi ne, %convert_element_type3A_311, %cond3A_312 : i32
      scf.if %cond3A_313 {
        %add3A_413 = arith.constant 4 : i32
        %add3A_414 = arith.addi %add3A_282, %add3A_413 : i32
        %dma_start3A_415 = arith.constant 0 : i32
        %dma_start3A_416 = arith.constant 0 : i32
        %dma_start3A_417 = tpu.memref_slice %arg6[%while3A_86, %dma_start3A_415, %dma_start3A_416] : memref<2x80x125xi32, #tpu.memory_space<vmem>> -> memref<1x80x125xi32, #tpu.memory_space<vmem>>
        %dma_start3A_418 = tpu.memref_squeeze %dma_start3A_417 : memref<1x80x125xi32, #tpu.memory_space<vmem>> -> memref<80x125xi32, #tpu.memory_space<vmem>>
        %dma_start3A_419 = arith.constant 0 : i32
        %dma_start3A_420 = tpu.memref_slice %dma_start3A_418[%add3A_414, %dma_start3A_419] : memref<80x125xi32, #tpu.memory_space<vmem>> -> memref<1x125xi32, #tpu.memory_space<vmem>>
        %dma_start3A_421 = tpu.memref_squeeze %dma_start3A_420 : memref<1x125xi32, #tpu.memory_space<vmem>> -> memref<125xi32, #tpu.memory_space<vmem>>
        %dma_start3A_422 = arith.constant 0 : i32
        %dma_start3A_423 = arith.constant 0 : i32
        %dma_start3A_424 = tpu.memref_slice %arg2[%dma_start3A_422, %dma_start3A_423] : memref<10016x16xf32, #tpu.memory_space<hbm>> -> memref<10016x16xf32, #tpu.memory_space<hbm>>
        tpu.enqueue_indirect_dma source(%dma_start3A_424 : memref<10016x16xf32, #tpu.memory_space<hbm>>) target(%arg7 : memref<125x16xf32, #tpu.memory_space<vmem>>) offsets(%dma_start3A_421 : memref<125xi32, #tpu.memory_space<vmem>>) semaphore(%arg16 : memref<!tpu.dma_semaphore, #tpu.memory_space<semaphore_mem>>)
      } else {
      }
      %add3A_314 = arith.constant 5 : i32
      %add3A_315 = arith.addi %mul3A_151, %add3A_314 : i32
      %dma_wait3A_316 = arith.constant 0 : i32
      %dma_wait3A_317 = arith.constant 0 : i32
      %dma_wait3A_318 = tpu.memref_slice %arg6[%while3A_86, %dma_wait3A_316, %dma_wait3A_317] : memref<2x80x125xi32, #tpu.memory_space<vmem>> -> memref<1x80x125xi32, #tpu.memory_space<vmem>>
      %dma_wait3A_319 = tpu.memref_squeeze %dma_wait3A_318 : memref<1x80x125xi32, #tpu.memory_space<vmem>> -> memref<80x125xi32, #tpu.memory_space<vmem>>
      %dma_wait3A_320 = arith.constant 0 : i32
      %dma_wait3A_321 = tpu.memref_slice %dma_wait3A_319[%add3A_315, %dma_wait3A_320] : memref<80x125xi32, #tpu.memory_space<vmem>> -> memref<1x125xi32, #tpu.memory_space<vmem>>
      %dma_wait3A_322 = tpu.memref_squeeze %dma_wait3A_321 : memref<1x125xi32, #tpu.memory_space<vmem>> -> memref<125xi32, #tpu.memory_space<vmem>>
      %dma_wait3A_323 = arith.constant 0 : i32
      %dma_wait3A_324 = arith.constant 0 : i32
      %dma_wait3A_325 = tpu.memref_slice %arg2[%dma_wait3A_323, %dma_wait3A_324] : memref<10016x16xf32, #tpu.memory_space<hbm>> -> memref<10016x16xf32, #tpu.memory_space<hbm>>
      tpu.wait_indirect_dma semaphore(%arg21 : memref<!tpu.dma_semaphore, #tpu.memory_space<semaphore_mem>>) src(%dma_wait3A_325 : memref<10016x16xf32, #tpu.memory_space<hbm>>) dst(%arg12 : memref<125x16xf32, #tpu.memory_space<vmem>>)
      %dma_start3A_326 = arith.constant 0 : i32
      %dma_start3A_327 = arith.constant 0 : i32
      %dma_start3A_328 = tpu.memref_slice %arg6[%while3A_87, %dma_start3A_326, %dma_start3A_327] : memref<2x80x125xi32, #tpu.memory_space<vmem>> -> memref<1x80x125xi32, #tpu.memory_space<vmem>>
      %dma_start3A_329 = tpu.memref_squeeze %dma_start3A_328 : memref<1x80x125xi32, #tpu.memory_space<vmem>> -> memref<80x125xi32, #tpu.memory_space<vmem>>
      %dma_start3A_330 = arith.constant 0 : i32
      %dma_start3A_331 = tpu.memref_slice %dma_start3A_329[%add3A_315, %dma_start3A_330] : memref<80x125xi32, #tpu.memory_space<vmem>> -> memref<1x125xi32, #tpu.memory_space<vmem>>
      %dma_start3A_332 = tpu.memref_squeeze %dma_start3A_331 : memref<1x125xi32, #tpu.memory_space<vmem>> -> memref<125xi32, #tpu.memory_space<vmem>>
      %dma_start3A_333 = arith.constant 0 : i32
      %dma_start3A_334 = arith.constant 0 : i32
      %dma_start3A_335 = tpu.memref_slice %arg15[%dma_start3A_333, %dma_start3A_334] : memref<10016x16xf32, #tpu.memory_space<vmem_shared>> -> memref<10016x16xf32, #tpu.memory_space<vmem_shared>>
      tpu.enqueue_indirect_dma source(%arg12 : memref<125x16xf32, #tpu.memory_space<vmem>>) target(%dma_start3A_335 : memref<10016x16xf32, #tpu.memory_space<vmem_shared>>) offsets(%dma_start3A_332 : memref<125xi32, #tpu.memory_space<vmem>>) semaphore(%arg29 : memref<!tpu.dma_semaphore, #tpu.memory_space<semaphore_mem>>) {add = true}
      %ge3A_336 = arith.constant 4 : i32
      %ge3A_337 = arith.cmpi sge, %add3A_315, %ge3A_336 : i32
      %convert_element_type3A_338 = arith.extui %ge3A_337 : i1 to i32
      %cond3A_339 = arith.constant 0 : i32
      %cond3A_340 = arith.cmpi ne, %convert_element_type3A_338, %cond3A_339 : i32
      scf.if %cond3A_340 {
        %sub3A_413 = arith.constant 4 : i32
        %sub3A_414 = arith.subi %add3A_315, %sub3A_413 : i32
        %dma_wait3A_415 = arith.constant 0 : i32
        %dma_wait3A_416 = arith.constant 0 : i32
        %dma_wait3A_417 = tpu.memref_slice %arg6[%while3A_87, %dma_wait3A_415, %dma_wait3A_416] : memref<2x80x125xi32, #tpu.memory_space<vmem>> -> memref<1x80x125xi32, #tpu.memory_space<vmem>>
        %dma_wait3A_418 = tpu.memref_squeeze %dma_wait3A_417 : memref<1x80x125xi32, #tpu.memory_space<vmem>> -> memref<80x125xi32, #tpu.memory_space<vmem>>
        %dma_wait3A_419 = arith.constant 0 : i32
        %dma_wait3A_420 = tpu.memref_slice %dma_wait3A_418[%sub3A_414, %dma_wait3A_419] : memref<80x125xi32, #tpu.memory_space<vmem>> -> memref<1x125xi32, #tpu.memory_space<vmem>>
        %dma_wait3A_421 = tpu.memref_squeeze %dma_wait3A_420 : memref<1x125xi32, #tpu.memory_space<vmem>> -> memref<125xi32, #tpu.memory_space<vmem>>
        %dma_wait3A_422 = arith.constant 0 : i32
        %dma_wait3A_423 = arith.constant 0 : i32
        %dma_wait3A_424 = tpu.memref_slice %arg15[%dma_wait3A_422, %dma_wait3A_423] : memref<10016x16xf32, #tpu.memory_space<vmem_shared>> -> memref<10016x16xf32, #tpu.memory_space<vmem_shared>>
        tpu.wait_indirect_dma semaphore(%arg25 : memref<!tpu.dma_semaphore, #tpu.memory_space<semaphore_mem>>) src(%arg8 : memref<125x16xf32, #tpu.memory_space<vmem>>) dst(%dma_wait3A_424 : memref<10016x16xf32, #tpu.memory_space<vmem_shared>>)
      } else {
      }
      %add3A_341 = arith.constant 4 : i32
      %add3A_342 = arith.addi %add3A_315, %add3A_341 : i32
      %lt3A_343 = arith.cmpi slt, %add3A_342, %select_n3A : i32
      %convert_element_type3A_344 = arith.extui %lt3A_343 : i1 to i32
      %cond3A_345 = arith.constant 0 : i32
      %cond3A_346 = arith.cmpi ne, %convert_element_type3A_344, %cond3A_345 : i32
      scf.if %cond3A_346 {
        %add3A_413 = arith.constant 4 : i32
        %add3A_414 = arith.addi %add3A_315, %add3A_413 : i32
        %dma_start3A_415 = arith.constant 0 : i32
        %dma_start3A_416 = arith.constant 0 : i32
        %dma_start3A_417 = tpu.memref_slice %arg6[%while3A_86, %dma_start3A_415, %dma_start3A_416] : memref<2x80x125xi32, #tpu.memory_space<vmem>> -> memref<1x80x125xi32, #tpu.memory_space<vmem>>
        %dma_start3A_418 = tpu.memref_squeeze %dma_start3A_417 : memref<1x80x125xi32, #tpu.memory_space<vmem>> -> memref<80x125xi32, #tpu.memory_space<vmem>>
        %dma_start3A_419 = arith.constant 0 : i32
        %dma_start3A_420 = tpu.memref_slice %dma_start3A_418[%add3A_414, %dma_start3A_419] : memref<80x125xi32, #tpu.memory_space<vmem>> -> memref<1x125xi32, #tpu.memory_space<vmem>>
        %dma_start3A_421 = tpu.memref_squeeze %dma_start3A_420 : memref<1x125xi32, #tpu.memory_space<vmem>> -> memref<125xi32, #tpu.memory_space<vmem>>
        %dma_start3A_422 = arith.constant 0 : i32
        %dma_start3A_423 = arith.constant 0 : i32
        %dma_start3A_424 = tpu.memref_slice %arg2[%dma_start3A_422, %dma_start3A_423] : memref<10016x16xf32, #tpu.memory_space<hbm>> -> memref<10016x16xf32, #tpu.memory_space<hbm>>
        tpu.enqueue_indirect_dma source(%dma_start3A_424 : memref<10016x16xf32, #tpu.memory_space<hbm>>) target(%arg8 : memref<125x16xf32, #tpu.memory_space<vmem>>) offsets(%dma_start3A_421 : memref<125xi32, #tpu.memory_space<vmem>>) semaphore(%arg17 : memref<!tpu.dma_semaphore, #tpu.memory_space<semaphore_mem>>)
      } else {
      }
      %add3A_347 = arith.constant 6 : i32
      %add3A_348 = arith.addi %mul3A_151, %add3A_347 : i32
      %dma_wait3A_349 = arith.constant 0 : i32
      %dma_wait3A_350 = arith.constant 0 : i32
      %dma_wait3A_351 = tpu.memref_slice %arg6[%while3A_86, %dma_wait3A_349, %dma_wait3A_350] : memref<2x80x125xi32, #tpu.memory_space<vmem>> -> memref<1x80x125xi32, #tpu.memory_space<vmem>>
      %dma_wait3A_352 = tpu.memref_squeeze %dma_wait3A_351 : memref<1x80x125xi32, #tpu.memory_space<vmem>> -> memref<80x125xi32, #tpu.memory_space<vmem>>
      %dma_wait3A_353 = arith.constant 0 : i32
      %dma_wait3A_354 = tpu.memref_slice %dma_wait3A_352[%add3A_348, %dma_wait3A_353] : memref<80x125xi32, #tpu.memory_space<vmem>> -> memref<1x125xi32, #tpu.memory_space<vmem>>
      %dma_wait3A_355 = tpu.memref_squeeze %dma_wait3A_354 : memref<1x125xi32, #tpu.memory_space<vmem>> -> memref<125xi32, #tpu.memory_space<vmem>>
      %dma_wait3A_356 = arith.constant 0 : i32
      %dma_wait3A_357 = arith.constant 0 : i32
      %dma_wait3A_358 = tpu.memref_slice %arg2[%dma_wait3A_356, %dma_wait3A_357] : memref<10016x16xf32, #tpu.memory_space<hbm>> -> memref<10016x16xf32, #tpu.memory_space<hbm>>
      tpu.wait_indirect_dma semaphore(%arg22 : memref<!tpu.dma_semaphore, #tpu.memory_space<semaphore_mem>>) src(%dma_wait3A_358 : memref<10016x16xf32, #tpu.memory_space<hbm>>) dst(%arg13 : memref<125x16xf32, #tpu.memory_space<vmem>>)
      %dma_start3A_359 = arith.constant 0 : i32
      %dma_start3A_360 = arith.constant 0 : i32
      %dma_start3A_361 = tpu.memref_slice %arg6[%while3A_87, %dma_start3A_359, %dma_start3A_360] : memref<2x80x125xi32, #tpu.memory_space<vmem>> -> memref<1x80x125xi32, #tpu.memory_space<vmem>>
      %dma_start3A_362 = tpu.memref_squeeze %dma_start3A_361 : memref<1x80x125xi32, #tpu.memory_space<vmem>> -> memref<80x125xi32, #tpu.memory_space<vmem>>
      %dma_start3A_363 = arith.constant 0 : i32
      %dma_start3A_364 = tpu.memref_slice %dma_start3A_362[%add3A_348, %dma_start3A_363] : memref<80x125xi32, #tpu.memory_space<vmem>> -> memref<1x125xi32, #tpu.memory_space<vmem>>
      %dma_start3A_365 = tpu.memref_squeeze %dma_start3A_364 : memref<1x125xi32, #tpu.memory_space<vmem>> -> memref<125xi32, #tpu.memory_space<vmem>>
      %dma_start3A_366 = arith.constant 0 : i32
      %dma_start3A_367 = arith.constant 0 : i32
      %dma_start3A_368 = tpu.memref_slice %arg15[%dma_start3A_366, %dma_start3A_367] : memref<10016x16xf32, #tpu.memory_space<vmem_shared>> -> memref<10016x16xf32, #tpu.memory_space<vmem_shared>>
      tpu.enqueue_indirect_dma source(%arg13 : memref<125x16xf32, #tpu.memory_space<vmem>>) target(%dma_start3A_368 : memref<10016x16xf32, #tpu.memory_space<vmem_shared>>) offsets(%dma_start3A_365 : memref<125xi32, #tpu.memory_space<vmem>>) semaphore(%arg30 : memref<!tpu.dma_semaphore, #tpu.memory_space<semaphore_mem>>) {add = true}
      %ge3A_369 = arith.constant 4 : i32
      %ge3A_370 = arith.cmpi sge, %add3A_348, %ge3A_369 : i32
      %convert_element_type3A_371 = arith.extui %ge3A_370 : i1 to i32
      %cond3A_372 = arith.constant 0 : i32
      %cond3A_373 = arith.cmpi ne, %convert_element_type3A_371, %cond3A_372 : i32
      scf.if %cond3A_373 {
        %sub3A_413 = arith.constant 4 : i32
        %sub3A_414 = arith.subi %add3A_348, %sub3A_413 : i32
        %dma_wait3A_415 = arith.constant 0 : i32
        %dma_wait3A_416 = arith.constant 0 : i32
        %dma_wait3A_417 = tpu.memref_slice %arg6[%while3A_87, %dma_wait3A_415, %dma_wait3A_416] : memref<2x80x125xi32, #tpu.memory_space<vmem>> -> memref<1x80x125xi32, #tpu.memory_space<vmem>>
        %dma_wait3A_418 = tpu.memref_squeeze %dma_wait3A_417 : memref<1x80x125xi32, #tpu.memory_space<vmem>> -> memref<80x125xi32, #tpu.memory_space<vmem>>
        %dma_wait3A_419 = arith.constant 0 : i32
        %dma_wait3A_420 = tpu.memref_slice %dma_wait3A_418[%sub3A_414, %dma_wait3A_419] : memref<80x125xi32, #tpu.memory_space<vmem>> -> memref<1x125xi32, #tpu.memory_space<vmem>>
        %dma_wait3A_421 = tpu.memref_squeeze %dma_wait3A_420 : memref<1x125xi32, #tpu.memory_space<vmem>> -> memref<125xi32, #tpu.memory_space<vmem>>
        %dma_wait3A_422 = arith.constant 0 : i32
        %dma_wait3A_423 = arith.constant 0 : i32
        %dma_wait3A_424 = tpu.memref_slice %arg15[%dma_wait3A_422, %dma_wait3A_423] : memref<10016x16xf32, #tpu.memory_space<vmem_shared>> -> memref<10016x16xf32, #tpu.memory_space<vmem_shared>>
        tpu.wait_indirect_dma semaphore(%arg26 : memref<!tpu.dma_semaphore, #tpu.memory_space<semaphore_mem>>) src(%arg9 : memref<125x16xf32, #tpu.memory_space<vmem>>) dst(%dma_wait3A_424 : memref<10016x16xf32, #tpu.memory_space<vmem_shared>>)
      } else {
      }
      %add3A_374 = arith.constant 4 : i32
      %add3A_375 = arith.addi %add3A_348, %add3A_374 : i32
      %lt3A_376 = arith.cmpi slt, %add3A_375, %select_n3A : i32
      %convert_element_type3A_377 = arith.extui %lt3A_376 : i1 to i32
      %cond3A_378 = arith.constant 0 : i32
      %cond3A_379 = arith.cmpi ne, %convert_element_type3A_377, %cond3A_378 : i32
      scf.if %cond3A_379 {
        %add3A_413 = arith.constant 4 : i32
        %add3A_414 = arith.addi %add3A_348, %add3A_413 : i32
        %dma_start3A_415 = arith.constant 0 : i32
        %dma_start3A_416 = arith.constant 0 : i32
        %dma_start3A_417 = tpu.memref_slice %arg6[%while3A_86, %dma_start3A_415, %dma_start3A_416] : memref<2x80x125xi32, #tpu.memory_space<vmem>> -> memref<1x80x125xi32, #tpu.memory_space<vmem>>
        %dma_start3A_418 = tpu.memref_squeeze %dma_start3A_417 : memref<1x80x125xi32, #tpu.memory_space<vmem>> -> memref<80x125xi32, #tpu.memory_space<vmem>>
        %dma_start3A_419 = arith.constant 0 : i32
        %dma_start3A_420 = tpu.memref_slice %dma_start3A_418[%add3A_414, %dma_start3A_419] : memref<80x125xi32, #tpu.memory_space<vmem>> -> memref<1x125xi32, #tpu.memory_space<vmem>>
        %dma_start3A_421 = tpu.memref_squeeze %dma_start3A_420 : memref<1x125xi32, #tpu.memory_space<vmem>> -> memref<125xi32, #tpu.memory_space<vmem>>
        %dma_start3A_422 = arith.constant 0 : i32
        %dma_start3A_423 = arith.constant 0 : i32
        %dma_start3A_424 = tpu.memref_slice %arg2[%dma_start3A_422, %dma_start3A_423] : memref<10016x16xf32, #tpu.memory_space<hbm>> -> memref<10016x16xf32, #tpu.memory_space<hbm>>
        tpu.enqueue_indirect_dma source(%dma_start3A_424 : memref<10016x16xf32, #tpu.memory_space<hbm>>) target(%arg9 : memref<125x16xf32, #tpu.memory_space<vmem>>) offsets(%dma_start3A_421 : memref<125xi32, #tpu.memory_space<vmem>>) semaphore(%arg18 : memref<!tpu.dma_semaphore, #tpu.memory_space<semaphore_mem>>)
      } else {
      }
      %add3A_380 = arith.constant 7 : i32
      %add3A_381 = arith.addi %mul3A_151, %add3A_380 : i32
      %dma_wait3A_382 = arith.constant 0 : i32
      %dma_wait3A_383 = arith.constant 0 : i32
      %dma_wait3A_384 = tpu.memref_slice %arg6[%while3A_86, %dma_wait3A_382, %dma_wait3A_383] : memref<2x80x125xi32, #tpu.memory_space<vmem>> -> memref<1x80x125xi32, #tpu.memory_space<vmem>>
      %dma_wait3A_385 = tpu.memref_squeeze %dma_wait3A_384 : memref<1x80x125xi32, #tpu.memory_space<vmem>> -> memref<80x125xi32, #tpu.memory_space<vmem>>
      %dma_wait3A_386 = arith.constant 0 : i32
      %dma_wait3A_387 = tpu.memref_slice %dma_wait3A_385[%add3A_381, %dma_wait3A_386] : memref<80x125xi32, #tpu.memory_space<vmem>> -> memref<1x125xi32, #tpu.memory_space<vmem>>
      %dma_wait3A_388 = tpu.memref_squeeze %dma_wait3A_387 : memref<1x125xi32, #tpu.memory_space<vmem>> -> memref<125xi32, #tpu.memory_space<vmem>>
      %dma_wait3A_389 = arith.constant 0 : i32
      %dma_wait3A_390 = arith.constant 0 : i32
      %dma_wait3A_391 = tpu.memref_slice %arg2[%dma_wait3A_389, %dma_wait3A_390] : memref<10016x16xf32, #tpu.memory_space<hbm>> -> memref<10016x16xf32, #tpu.memory_space<hbm>>
      tpu.wait_indirect_dma semaphore(%arg23 : memref<!tpu.dma_semaphore, #tpu.memory_space<semaphore_mem>>) src(%dma_wait3A_391 : memref<10016x16xf32, #tpu.memory_space<hbm>>) dst(%arg14 : memref<125x16xf32, #tpu.memory_space<vmem>>)
      %dma_start3A_392 = arith.constant 0 : i32
      %dma_start3A_393 = arith.constant 0 : i32
      %dma_start3A_394 = tpu.memref_slice %arg6[%while3A_87, %dma_start3A_392, %dma_start3A_393] : memref<2x80x125xi32, #tpu.memory_space<vmem>> -> memref<1x80x125xi32, #tpu.memory_space<vmem>>
      %dma_start3A_395 = tpu.memref_squeeze %dma_start3A_394 : memref<1x80x125xi32, #tpu.memory_space<vmem>> -> memref<80x125xi32, #tpu.memory_space<vmem>>
      %dma_start3A_396 = arith.constant 0 : i32
      %dma_start3A_397 = tpu.memref_slice %dma_start3A_395[%add3A_381, %dma_start3A_396] : memref<80x125xi32, #tpu.memory_space<vmem>> -> memref<1x125xi32, #tpu.memory_space<vmem>>
      %dma_start3A_398 = tpu.memref_squeeze %dma_start3A_397 : memref<1x125xi32, #tpu.memory_space<vmem>> -> memref<125xi32, #tpu.memory_space<vmem>>
      %dma_start3A_399 = arith.constant 0 : i32
      %dma_start3A_400 = arith.constant 0 : i32
      %dma_start3A_401 = tpu.memref_slice %arg15[%dma_start3A_399, %dma_start3A_400] : memref<10016x16xf32, #tpu.memory_space<vmem_shared>> -> memref<10016x16xf32, #tpu.memory_space<vmem_shared>>
      tpu.enqueue_indirect_dma source(%arg14 : memref<125x16xf32, #tpu.memory_space<vmem>>) target(%dma_start3A_401 : memref<10016x16xf32, #tpu.memory_space<vmem_shared>>) offsets(%dma_start3A_398 : memref<125xi32, #tpu.memory_space<vmem>>) semaphore(%arg31 : memref<!tpu.dma_semaphore, #tpu.memory_space<semaphore_mem>>) {add = true}
      %ge3A_402 = arith.constant 4 : i32
      %ge3A_403 = arith.cmpi sge, %add3A_381, %ge3A_402 : i32
      %convert_element_type3A_404 = arith.extui %ge3A_403 : i1 to i32
      %cond3A_405 = arith.constant 0 : i32
      %cond3A_406 = arith.cmpi ne, %convert_element_type3A_404, %cond3A_405 : i32
      scf.if %cond3A_406 {
        %sub3A_413 = arith.constant 4 : i32
        %sub3A_414 = arith.subi %add3A_381, %sub3A_413 : i32
        %dma_wait3A_415 = arith.constant 0 : i32
        %dma_wait3A_416 = arith.constant 0 : i32
        %dma_wait3A_417 = tpu.memref_slice %arg6[%while3A_87, %dma_wait3A_415, %dma_wait3A_416] : memref<2x80x125xi32, #tpu.memory_space<vmem>> -> memref<1x80x125xi32, #tpu.memory_space<vmem>>
        %dma_wait3A_418 = tpu.memref_squeeze %dma_wait3A_417 : memref<1x80x125xi32, #tpu.memory_space<vmem>> -> memref<80x125xi32, #tpu.memory_space<vmem>>
        %dma_wait3A_419 = arith.constant 0 : i32
        %dma_wait3A_420 = tpu.memref_slice %dma_wait3A_418[%sub3A_414, %dma_wait3A_419] : memref<80x125xi32, #tpu.memory_space<vmem>> -> memref<1x125xi32, #tpu.memory_space<vmem>>
        %dma_wait3A_421 = tpu.memref_squeeze %dma_wait3A_420 : memref<1x125xi32, #tpu.memory_space<vmem>> -> memref<125xi32, #tpu.memory_space<vmem>>
        %dma_wait3A_422 = arith.constant 0 : i32
        %dma_wait3A_423 = arith.constant 0 : i32
        %dma_wait3A_424 = tpu.memref_slice %arg15[%dma_wait3A_422, %dma_wait3A_423] : memref<10016x16xf32, #tpu.memory_space<vmem_shared>> -> memref<10016x16xf32, #tpu.memory_space<vmem_shared>>
        tpu.wait_indirect_dma semaphore(%arg27 : memref<!tpu.dma_semaphore, #tpu.memory_space<semaphore_mem>>) src(%arg10 : memref<125x16xf32, #tpu.memory_space<vmem>>) dst(%dma_wait3A_424 : memref<10016x16xf32, #tpu.memory_space<vmem_shared>>)
      } else {
      }
      %add3A_407 = arith.constant 4 : i32
      %add3A_408 = arith.addi %add3A_381, %add3A_407 : i32
      %lt3A_409 = arith.cmpi slt, %add3A_408, %select_n3A : i32
      %convert_element_type3A_410 = arith.extui %lt3A_409 : i1 to i32
      %cond3A_411 = arith.constant 0 : i32
      %cond3A_412 = arith.cmpi ne, %convert_element_type3A_410, %cond3A_411 : i32
      scf.if %cond3A_412 {
        %add3A_413 = arith.constant 4 : i32
        %add3A_414 = arith.addi %add3A_381, %add3A_413 : i32
        %dma_start3A_415 = arith.constant 0 : i32
        %dma_start3A_416 = arith.constant 0 : i32
        %dma_start3A_417 = tpu.memref_slice %arg6[%while3A_86, %dma_start3A_415, %dma_start3A_416] : memref<2x80x125xi32, #tpu.memory_space<vmem>> -> memref<1x80x125xi32, #tpu.memory_space<vmem>>
        %dma_start3A_418 = tpu.memref_squeeze %dma_start3A_417 : memref<1x80x125xi32, #tpu.memory_space<vmem>> -> memref<80x125xi32, #tpu.memory_space<vmem>>
        %dma_start3A_419 = arith.constant 0 : i32
        %dma_start3A_420 = tpu.memref_slice %dma_start3A_418[%add3A_414, %dma_start3A_419] : memref<80x125xi32, #tpu.memory_space<vmem>> -> memref<1x125xi32, #tpu.memory_space<vmem>>
        %dma_start3A_421 = tpu.memref_squeeze %dma_start3A_420 : memref<1x125xi32, #tpu.memory_space<vmem>> -> memref<125xi32, #tpu.memory_space<vmem>>
        %dma_start3A_422 = arith.constant 0 : i32
        %dma_start3A_423 = arith.constant 0 : i32
        %dma_start3A_424 = tpu.memref_slice %arg2[%dma_start3A_422, %dma_start3A_423] : memref<10016x16xf32, #tpu.memory_space<hbm>> -> memref<10016x16xf32, #tpu.memory_space<hbm>>
        tpu.enqueue_indirect_dma source(%dma_start3A_424 : memref<10016x16xf32, #tpu.memory_space<hbm>>) target(%arg10 : memref<125x16xf32, #tpu.memory_space<vmem>>) offsets(%dma_start3A_421 : memref<125xi32, #tpu.memory_space<vmem>>) semaphore(%arg19 : memref<!tpu.dma_semaphore, #tpu.memory_space<semaphore_mem>>)
      } else {
      }
    }
    %while3A_96 = arith.constant 1 : i32
    scf.for %while3A_149 = %while3A_94 to %while3A_90 step %while3A_96  : i32 {
      %mul3A_150 = arith.constant 8 : i32
      %mul3A_151 = arith.muli %mul3A_150, %while3A_149 : i32
      %add3A = arith.constant 0 : i32
      %add3A_152 = arith.addi %mul3A_151, %add3A : i32
      %dma_wait3A_153 = arith.constant 0 : i32
      %dma_wait3A_154 = arith.constant 0 : i32
      %dma_wait3A_155 = tpu.memref_slice %arg6[%while3A_86, %dma_wait3A_153, %dma_wait3A_154] : memref<2x80x125xi32, #tpu.memory_space<vmem>> -> memref<1x80x125xi32, #tpu.memory_space<vmem>>
      %dma_wait3A_156 = tpu.memref_squeeze %dma_wait3A_155 : memref<1x80x125xi32, #tpu.memory_space<vmem>> -> memref<80x125xi32, #tpu.memory_space<vmem>>
      %dma_wait3A_157 = arith.constant 0 : i32
      %dma_wait3A_158 = tpu.memref_slice %dma_wait3A_156[%add3A_152, %dma_wait3A_157] : memref<80x125xi32, #tpu.memory_space<vmem>> -> memref<1x125xi32, #tpu.memory_space<vmem>>
      %dma_wait3A_159 = tpu.memref_squeeze %dma_wait3A_158 : memref<1x125xi32, #tpu.memory_space<vmem>> -> memref<125xi32, #tpu.memory_space<vmem>>
      %dma_wait3A_160 = arith.constant 0 : i32
      %dma_wait3A_161 = arith.constant 0 : i32
      %dma_wait3A_162 = tpu.memref_slice %arg2[%dma_wait3A_160, %dma_wait3A_161] : memref<10016x16xf32, #tpu.memory_space<hbm>> -> memref<10016x16xf32, #tpu.memory_space<hbm>>
      tpu.wait_indirect_dma semaphore(%arg16 : memref<!tpu.dma_semaphore, #tpu.memory_space<semaphore_mem>>) src(%dma_wait3A_162 : memref<10016x16xf32, #tpu.memory_space<hbm>>) dst(%arg7 : memref<125x16xf32, #tpu.memory_space<vmem>>)
      %dma_start3A_163 = arith.constant 0 : i32
      %dma_start3A_164 = arith.constant 0 : i32
      %dma_start3A_165 = tpu.memref_slice %arg6[%while3A_87, %dma_start3A_163, %dma_start3A_164] : memref<2x80x125xi32, #tpu.memory_space<vmem>> -> memref<1x80x125xi32, #tpu.memory_space<vmem>>
      %dma_start3A_166 = tpu.memref_squeeze %dma_start3A_165 : memref<1x80x125xi32, #tpu.memory_space<vmem>> -> memref<80x125xi32, #tpu.memory_space<vmem>>
      %dma_start3A_167 = arith.constant 0 : i32
      %dma_start3A_168 = tpu.memref_slice %dma_start3A_166[%add3A_152, %dma_start3A_167] : memref<80x125xi32, #tpu.memory_space<vmem>> -> memref<1x125xi32, #tpu.memory_space<vmem>>
      %dma_start3A_169 = tpu.memref_squeeze %dma_start3A_168 : memref<1x125xi32, #tpu.memory_space<vmem>> -> memref<125xi32, #tpu.memory_space<vmem>>
      %dma_start3A_170 = arith.constant 0 : i32
      %dma_start3A_171 = arith.constant 0 : i32
      %dma_start3A_172 = tpu.memref_slice %arg15[%dma_start3A_170, %dma_start3A_171] : memref<10016x16xf32, #tpu.memory_space<vmem_shared>> -> memref<10016x16xf32, #tpu.memory_space<vmem_shared>>
      tpu.enqueue_indirect_dma source(%arg7 : memref<125x16xf32, #tpu.memory_space<vmem>>) target(%dma_start3A_172 : memref<10016x16xf32, #tpu.memory_space<vmem_shared>>) offsets(%dma_start3A_169 : memref<125xi32, #tpu.memory_space<vmem>>) semaphore(%arg24 : memref<!tpu.dma_semaphore, #tpu.memory_space<semaphore_mem>>) {add = true}
      %ge3A = arith.constant 4 : i32
      %ge3A_173 = arith.cmpi sge, %add3A_152, %ge3A : i32
      %convert_element_type3A_174 = arith.extui %ge3A_173 : i1 to i32
      %cond3A_175 = arith.constant 0 : i32
      %cond3A_176 = arith.cmpi ne, %convert_element_type3A_174, %cond3A_175 : i32
      scf.if %cond3A_176 {
        %sub3A_413 = arith.constant 4 : i32
        %sub3A_414 = arith.subi %add3A_152, %sub3A_413 : i32
        %dma_wait3A_415 = arith.constant 0 : i32
        %dma_wait3A_416 = arith.constant 0 : i32
        %dma_wait3A_417 = tpu.memref_slice %arg6[%while3A_87, %dma_wait3A_415, %dma_wait3A_416] : memref<2x80x125xi32, #tpu.memory_space<vmem>> -> memref<1x80x125xi32, #tpu.memory_space<vmem>>
        %dma_wait3A_418 = tpu.memref_squeeze %dma_wait3A_417 : memref<1x80x125xi32, #tpu.memory_space<vmem>> -> memref<80x125xi32, #tpu.memory_space<vmem>>
        %dma_wait3A_419 = arith.constant 0 : i32
        %dma_wait3A_420 = tpu.memref_slice %dma_wait3A_418[%sub3A_414, %dma_wait3A_419] : memref<80x125xi32, #tpu.memory_space<vmem>> -> memref<1x125xi32, #tpu.memory_space<vmem>>
        %dma_wait3A_421 = tpu.memref_squeeze %dma_wait3A_420 : memref<1x125xi32, #tpu.memory_space<vmem>> -> memref<125xi32, #tpu.memory_space<vmem>>
        %dma_wait3A_422 = arith.constant 0 : i32
        %dma_wait3A_423 = arith.constant 0 : i32
        %dma_wait3A_424 = tpu.memref_slice %arg15[%dma_wait3A_422, %dma_wait3A_423] : memref<10016x16xf32, #tpu.memory_space<vmem_shared>> -> memref<10016x16xf32, #tpu.memory_space<vmem_shared>>
        tpu.wait_indirect_dma semaphore(%arg28 : memref<!tpu.dma_semaphore, #tpu.memory_space<semaphore_mem>>) src(%arg11 : memref<125x16xf32, #tpu.memory_space<vmem>>) dst(%dma_wait3A_424 : memref<10016x16xf32, #tpu.memory_space<vmem_shared>>)
      } else {
      }
      %add3A_177 = arith.constant 4 : i32
      %add3A_178 = arith.addi %add3A_152, %add3A_177 : i32
      %lt3A = arith.cmpi slt, %add3A_178, %select_n3A : i32
      %convert_element_type3A_179 = arith.extui %lt3A : i1 to i32
      %cond3A_180 = arith.constant 0 : i32
      %cond3A_181 = arith.cmpi ne, %convert_element_type3A_179, %cond3A_180 : i32
      scf.if %cond3A_181 {
        %add3A_413 = arith.constant 4 : i32
        %add3A_414 = arith.addi %add3A_152, %add3A_413 : i32
        %dma_start3A_415 = arith.constant 0 : i32
        %dma_start3A_416 = arith.constant 0 : i32
        %dma_start3A_417 = tpu.memref_slice %arg6[%while3A_86, %dma_start3A_415, %dma_start3A_416] : memref<2x80x125xi32, #tpu.memory_space<vmem>> -> memref<1x80x125xi32, #tpu.memory_space<vmem>>
        %dma_start3A_418 = tpu.memref_squeeze %dma_start3A_417 : memref<1x80x125xi32, #tpu.memory_space<vmem>> -> memref<80x125xi32, #tpu.memory_space<vmem>>
        %dma_start3A_419 = arith.constant 0 : i32
        %dma_start3A_420 = tpu.memref_slice %dma_start3A_418[%add3A_414, %dma_start3A_419] : memref<80x125xi32, #tpu.memory_space<vmem>> -> memref<1x125xi32, #tpu.memory_space<vmem>>
        %dma_start3A_421 = tpu.memref_squeeze %dma_start3A_420 : memref<1x125xi32, #tpu.memory_space<vmem>> -> memref<125xi32, #tpu.memory_space<vmem>>
        %dma_start3A_422 = arith.constant 0 : i32
        %dma_start3A_423 = arith.constant 0 : i32
        %dma_start3A_424 = tpu.memref_slice %arg2[%dma_start3A_422, %dma_start3A_423] : memref<10016x16xf32, #tpu.memory_space<hbm>> -> memref<10016x16xf32, #tpu.memory_space<hbm>>
        tpu.enqueue_indirect_dma source(%dma_start3A_424 : memref<10016x16xf32, #tpu.memory_space<hbm>>) target(%arg11 : memref<125x16xf32, #tpu.memory_space<vmem>>) offsets(%dma_start3A_421 : memref<125xi32, #tpu.memory_space<vmem>>) semaphore(%arg20 : memref<!tpu.dma_semaphore, #tpu.memory_space<semaphore_mem>>)
      } else {
      }
      %add3A_182 = arith.constant 1 : i32
      %add3A_183 = arith.addi %mul3A_151, %add3A_182 : i32
      %dma_wait3A_184 = arith.constant 0 : i32
      %dma_wait3A_185 = arith.constant 0 : i32
      %dma_wait3A_186 = tpu.memref_slice %arg6[%while3A_86, %dma_wait3A_184, %dma_wait3A_185] : memref<2x80x125xi32, #tpu.memory_space<vmem>> -> memref<1x80x125xi32, #tpu.memory_space<vmem>>
      %dma_wait3A_187 = tpu.memref_squeeze %dma_wait3A_186 : memref<1x80x125xi32, #tpu.memory_space<vmem>> -> memref<80x125xi32, #tpu.memory_space<vmem>>
      %dma_wait3A_188 = arith.constant 0 : i32
      %dma_wait3A_189 = tpu.memref_slice %dma_wait3A_187[%add3A_183, %dma_wait3A_188] : memref<80x125xi32, #tpu.memory_space<vmem>> -> memref<1x125xi32, #tpu.memory_space<vmem>>
      %dma_wait3A_190 = tpu.memref_squeeze %dma_wait3A_189 : memref<1x125xi32, #tpu.memory_space<vmem>> -> memref<125xi32, #tpu.memory_space<vmem>>
      %dma_wait3A_191 = arith.constant 0 : i32
      %dma_wait3A_192 = arith.constant 0 : i32
      %dma_wait3A_193 = tpu.memref_slice %arg2[%dma_wait3A_191, %dma_wait3A_192] : memref<10016x16xf32, #tpu.memory_space<hbm>> -> memref<10016x16xf32, #tpu.memory_space<hbm>>
      tpu.wait_indirect_dma semaphore(%arg17 : memref<!tpu.dma_semaphore, #tpu.memory_space<semaphore_mem>>) src(%dma_wait3A_193 : memref<10016x16xf32, #tpu.memory_space<hbm>>) dst(%arg8 : memref<125x16xf32, #tpu.memory_space<vmem>>)
      %dma_start3A_194 = arith.constant 0 : i32
      %dma_start3A_195 = arith.constant 0 : i32
      %dma_start3A_196 = tpu.memref_slice %arg6[%while3A_87, %dma_start3A_194, %dma_start3A_195] : memref<2x80x125xi32, #tpu.memory_space<vmem>> -> memref<1x80x125xi32, #tpu.memory_space<vmem>>
      %dma_start3A_197 = tpu.memref_squeeze %dma_start3A_196 : memref<1x80x125xi32, #tpu.memory_space<vmem>> -> memref<80x125xi32, #tpu.memory_space<vmem>>
      %dma_start3A_198 = arith.constant 0 : i32
      %dma_start3A_199 = tpu.memref_slice %dma_start3A_197[%add3A_183, %dma_start3A_198] : memref<80x125xi32, #tpu.memory_space<vmem>> -> memref<1x125xi32, #tpu.memory_space<vmem>>
      %dma_start3A_200 = tpu.memref_squeeze %dma_start3A_199 : memref<1x125xi32, #tpu.memory_space<vmem>> -> memref<125xi32, #tpu.memory_space<vmem>>
      %dma_start3A_201 = arith.constant 0 : i32
      %dma_start3A_202 = arith.constant 0 : i32
      %dma_start3A_203 = tpu.memref_slice %arg15[%dma_start3A_201, %dma_start3A_202] : memref<10016x16xf32, #tpu.memory_space<vmem_shared>> -> memref<10016x16xf32, #tpu.memory_space<vmem_shared>>
      tpu.enqueue_indirect_dma source(%arg8 : memref<125x16xf32, #tpu.memory_space<vmem>>) target(%dma_start3A_203 : memref<10016x16xf32, #tpu.memory_space<vmem_shared>>) offsets(%dma_start3A_200 : memref<125xi32, #tpu.memory_space<vmem>>) semaphore(%arg25 : memref<!tpu.dma_semaphore, #tpu.memory_space<semaphore_mem>>) {add = true}
      %ge3A_204 = arith.constant 4 : i32
      %ge3A_205 = arith.cmpi sge, %add3A_183, %ge3A_204 : i32
      %convert_element_type3A_206 = arith.extui %ge3A_205 : i1 to i32
      %cond3A_207 = arith.constant 0 : i32
      %cond3A_208 = arith.cmpi ne, %convert_element_type3A_206, %cond3A_207 : i32
      scf.if %cond3A_208 {
        %sub3A_413 = arith.constant 4 : i32
        %sub3A_414 = arith.subi %add3A_183, %sub3A_413 : i32
        %dma_wait3A_415 = arith.constant 0 : i32
        %dma_wait3A_416 = arith.constant 0 : i32
        %dma_wait3A_417 = tpu.memref_slice %arg6[%while3A_87, %dma_wait3A_415, %dma_wait3A_416] : memref<2x80x125xi32, #tpu.memory_space<vmem>> -> memref<1x80x125xi32, #tpu.memory_space<vmem>>
        %dma_wait3A_418 = tpu.memref_squeeze %dma_wait3A_417 : memref<1x80x125xi32, #tpu.memory_space<vmem>> -> memref<80x125xi32, #tpu.memory_space<vmem>>
        %dma_wait3A_419 = arith.constant 0 : i32
        %dma_wait3A_420 = tpu.memref_slice %dma_wait3A_418[%sub3A_414, %dma_wait3A_419] : memref<80x125xi32, #tpu.memory_space<vmem>> -> memref<1x125xi32, #tpu.memory_space<vmem>>
        %dma_wait3A_421 = tpu.memref_squeeze %dma_wait3A_420 : memref<1x125xi32, #tpu.memory_space<vmem>> -> memref<125xi32, #tpu.memory_space<vmem>>
        %dma_wait3A_422 = arith.constant 0 : i32
        %dma_wait3A_423 = arith.constant 0 : i32
        %dma_wait3A_424 = tpu.memref_slice %arg15[%dma_wait3A_422, %dma_wait3A_423] : memref<10016x16xf32, #tpu.memory_space<vmem_shared>> -> memref<10016x16xf32, #tpu.memory_space<vmem_shared>>
        tpu.wait_indirect_dma semaphore(%arg29 : memref<!tpu.dma_semaphore, #tpu.memory_space<semaphore_mem>>) src(%arg12 : memref<125x16xf32, #tpu.memory_space<vmem>>) dst(%dma_wait3A_424 : memref<10016x16xf32, #tpu.memory_space<vmem_shared>>)
      } else {
      }
      %add3A_209 = arith.constant 4 : i32
      %add3A_210 = arith.addi %add3A_183, %add3A_209 : i32
      %lt3A_211 = arith.cmpi slt, %add3A_210, %select_n3A : i32
      %convert_element_type3A_212 = arith.extui %lt3A_211 : i1 to i32
      %cond3A_213 = arith.constant 0 : i32
      %cond3A_214 = arith.cmpi ne, %convert_element_type3A_212, %cond3A_213 : i32
      scf.if %cond3A_214 {
        %add3A_413 = arith.constant 4 : i32
        %add3A_414 = arith.addi %add3A_183, %add3A_413 : i32
        %dma_start3A_415 = arith.constant 0 : i32
        %dma_start3A_416 = arith.constant 0 : i32
        %dma_start3A_417 = tpu.memref_slice %arg6[%while3A_86, %dma_start3A_415, %dma_start3A_416] : memref<2x80x125xi32, #tpu.memory_space<vmem>> -> memref<1x80x125xi32, #tpu.memory_space<vmem>>
        %dma_start3A_418 = tpu.memref_squeeze %dma_start3A_417 : memref<1x80x125xi32, #tpu.memory_space<vmem>> -> memref<80x125xi32, #tpu.memory_space<vmem>>
        %dma_start3A_419 = arith.constant 0 : i32
        %dma_start3A_420 = tpu.memref_slice %dma_start3A_418[%add3A_414, %dma_start3A_419] : memref<80x125xi32, #tpu.memory_space<vmem>> -> memref<1x125xi32, #tpu.memory_space<vmem>>
        %dma_start3A_421 = tpu.memref_squeeze %dma_start3A_420 : memref<1x125xi32, #tpu.memory_space<vmem>> -> memref<125xi32, #tpu.memory_space<vmem>>
        %dma_start3A_422 = arith.constant 0 : i32
        %dma_start3A_423 = arith.constant 0 : i32
        %dma_start3A_424 = tpu.memref_slice %arg2[%dma_start3A_422, %dma_start3A_423] : memref<10016x16xf32, #tpu.memory_space<hbm>> -> memref<10016x16xf32, #tpu.memory_space<hbm>>
        tpu.enqueue_indirect_dma source(%dma_start3A_424 : memref<10016x16xf32, #tpu.memory_space<hbm>>) target(%arg12 : memref<125x16xf32, #tpu.memory_space<vmem>>) offsets(%dma_start3A_421 : memref<125xi32, #tpu.memory_space<vmem>>) semaphore(%arg21 : memref<!tpu.dma_semaphore, #tpu.memory_space<semaphore_mem>>)
      } else {
      }
      %add3A_215 = arith.constant 2 : i32
      %add3A_216 = arith.addi %mul3A_151, %add3A_215 : i32
      %dma_wait3A_217 = arith.constant 0 : i32
      %dma_wait3A_218 = arith.constant 0 : i32
      %dma_wait3A_219 = tpu.memref_slice %arg6[%while3A_86, %dma_wait3A_217, %dma_wait3A_218] : memref<2x80x125xi32, #tpu.memory_space<vmem>> -> memref<1x80x125xi32, #tpu.memory_space<vmem>>
      %dma_wait3A_220 = tpu.memref_squeeze %dma_wait3A_219 : memref<1x80x125xi32, #tpu.memory_space<vmem>> -> memref<80x125xi32, #tpu.memory_space<vmem>>
      %dma_wait3A_221 = arith.constant 0 : i32
      %dma_wait3A_222 = tpu.memref_slice %dma_wait3A_220[%add3A_216, %dma_wait3A_221] : memref<80x125xi32, #tpu.memory_space<vmem>> -> memref<1x125xi32, #tpu.memory_space<vmem>>
      %dma_wait3A_223 = tpu.memref_squeeze %dma_wait3A_222 : memref<1x125xi32, #tpu.memory_space<vmem>> -> memref<125xi32, #tpu.memory_space<vmem>>
      %dma_wait3A_224 = arith.constant 0 : i32
      %dma_wait3A_225 = arith.constant 0 : i32
      %dma_wait3A_226 = tpu.memref_slice %arg2[%dma_wait3A_224, %dma_wait3A_225] : memref<10016x16xf32, #tpu.memory_space<hbm>> -> memref<10016x16xf32, #tpu.memory_space<hbm>>
      tpu.wait_indirect_dma semaphore(%arg18 : memref<!tpu.dma_semaphore, #tpu.memory_space<semaphore_mem>>) src(%dma_wait3A_226 : memref<10016x16xf32, #tpu.memory_space<hbm>>) dst(%arg9 : memref<125x16xf32, #tpu.memory_space<vmem>>)
      %dma_start3A_227 = arith.constant 0 : i32
      %dma_start3A_228 = arith.constant 0 : i32
      %dma_start3A_229 = tpu.memref_slice %arg6[%while3A_87, %dma_start3A_227, %dma_start3A_228] : memref<2x80x125xi32, #tpu.memory_space<vmem>> -> memref<1x80x125xi32, #tpu.memory_space<vmem>>
      %dma_start3A_230 = tpu.memref_squeeze %dma_start3A_229 : memref<1x80x125xi32, #tpu.memory_space<vmem>> -> memref<80x125xi32, #tpu.memory_space<vmem>>
      %dma_start3A_231 = arith.constant 0 : i32
      %dma_start3A_232 = tpu.memref_slice %dma_start3A_230[%add3A_216, %dma_start3A_231] : memref<80x125xi32, #tpu.memory_space<vmem>> -> memref<1x125xi32, #tpu.memory_space<vmem>>
      %dma_start3A_233 = tpu.memref_squeeze %dma_start3A_232 : memref<1x125xi32, #tpu.memory_space<vmem>> -> memref<125xi32, #tpu.memory_space<vmem>>
      %dma_start3A_234 = arith.constant 0 : i32
      %dma_start3A_235 = arith.constant 0 : i32
      %dma_start3A_236 = tpu.memref_slice %arg15[%dma_start3A_234, %dma_start3A_235] : memref<10016x16xf32, #tpu.memory_space<vmem_shared>> -> memref<10016x16xf32, #tpu.memory_space<vmem_shared>>
      tpu.enqueue_indirect_dma source(%arg9 : memref<125x16xf32, #tpu.memory_space<vmem>>) target(%dma_start3A_236 : memref<10016x16xf32, #tpu.memory_space<vmem_shared>>) offsets(%dma_start3A_233 : memref<125xi32, #tpu.memory_space<vmem>>) semaphore(%arg26 : memref<!tpu.dma_semaphore, #tpu.memory_space<semaphore_mem>>) {add = true}
      %ge3A_237 = arith.constant 4 : i32
      %ge3A_238 = arith.cmpi sge, %add3A_216, %ge3A_237 : i32
      %convert_element_type3A_239 = arith.extui %ge3A_238 : i1 to i32
      %cond3A_240 = arith.constant 0 : i32
      %cond3A_241 = arith.cmpi ne, %convert_element_type3A_239, %cond3A_240 : i32
      scf.if %cond3A_241 {
        %sub3A_413 = arith.constant 4 : i32
        %sub3A_414 = arith.subi %add3A_216, %sub3A_413 : i32
        %dma_wait3A_415 = arith.constant 0 : i32
        %dma_wait3A_416 = arith.constant 0 : i32
        %dma_wait3A_417 = tpu.memref_slice %arg6[%while3A_87, %dma_wait3A_415, %dma_wait3A_416] : memref<2x80x125xi32, #tpu.memory_space<vmem>> -> memref<1x80x125xi32, #tpu.memory_space<vmem>>
        %dma_wait3A_418 = tpu.memref_squeeze %dma_wait3A_417 : memref<1x80x125xi32, #tpu.memory_space<vmem>> -> memref<80x125xi32, #tpu.memory_space<vmem>>
        %dma_wait3A_419 = arith.constant 0 : i32
        %dma_wait3A_420 = tpu.memref_slice %dma_wait3A_418[%sub3A_414, %dma_wait3A_419] : memref<80x125xi32, #tpu.memory_space<vmem>> -> memref<1x125xi32, #tpu.memory_space<vmem>>
        %dma_wait3A_421 = tpu.memref_squeeze %dma_wait3A_420 : memref<1x125xi32, #tpu.memory_space<vmem>> -> memref<125xi32, #tpu.memory_space<vmem>>
        %dma_wait3A_422 = arith.constant 0 : i32
        %dma_wait3A_423 = arith.constant 0 : i32
        %dma_wait3A_424 = tpu.memref_slice %arg15[%dma_wait3A_422, %dma_wait3A_423] : memref<10016x16xf32, #tpu.memory_space<vmem_shared>> -> memref<10016x16xf32, #tpu.memory_space<vmem_shared>>
        tpu.wait_indirect_dma semaphore(%arg30 : memref<!tpu.dma_semaphore, #tpu.memory_space<semaphore_mem>>) src(%arg13 : memref<125x16xf32, #tpu.memory_space<vmem>>) dst(%dma_wait3A_424 : memref<10016x16xf32, #tpu.memory_space<vmem_shared>>)
      } else {
      }
      %add3A_242 = arith.constant 4 : i32
      %add3A_243 = arith.addi %add3A_216, %add3A_242 : i32
      %lt3A_244 = arith.cmpi slt, %add3A_243, %select_n3A : i32
      %convert_element_type3A_245 = arith.extui %lt3A_244 : i1 to i32
      %cond3A_246 = arith.constant 0 : i32
      %cond3A_247 = arith.cmpi ne, %convert_element_type3A_245, %cond3A_246 : i32
      scf.if %cond3A_247 {
        %add3A_413 = arith.constant 4 : i32
        %add3A_414 = arith.addi %add3A_216, %add3A_413 : i32
        %dma_start3A_415 = arith.constant 0 : i32
        %dma_start3A_416 = arith.constant 0 : i32
        %dma_start3A_417 = tpu.memref_slice %arg6[%while3A_86, %dma_start3A_415, %dma_start3A_416] : memref<2x80x125xi32, #tpu.memory_space<vmem>> -> memref<1x80x125xi32, #tpu.memory_space<vmem>>
        %dma_start3A_418 = tpu.memref_squeeze %dma_start3A_417 : memref<1x80x125xi32, #tpu.memory_space<vmem>> -> memref<80x125xi32, #tpu.memory_space<vmem>>
        %dma_start3A_419 = arith.constant 0 : i32
        %dma_start3A_420 = tpu.memref_slice %dma_start3A_418[%add3A_414, %dma_start3A_419] : memref<80x125xi32, #tpu.memory_space<vmem>> -> memref<1x125xi32, #tpu.memory_space<vmem>>
        %dma_start3A_421 = tpu.memref_squeeze %dma_start3A_420 : memref<1x125xi32, #tpu.memory_space<vmem>> -> memref<125xi32, #tpu.memory_space<vmem>>
        %dma_start3A_422 = arith.constant 0 : i32
        %dma_start3A_423 = arith.constant 0 : i32
        %dma_start3A_424 = tpu.memref_slice %arg2[%dma_start3A_422, %dma_start3A_423] : memref<10016x16xf32, #tpu.memory_space<hbm>> -> memref<10016x16xf32, #tpu.memory_space<hbm>>
        tpu.enqueue_indirect_dma source(%dma_start3A_424 : memref<10016x16xf32, #tpu.memory_space<hbm>>) target(%arg13 : memref<125x16xf32, #tpu.memory_space<vmem>>) offsets(%dma_start3A_421 : memref<125xi32, #tpu.memory_space<vmem>>) semaphore(%arg22 : memref<!tpu.dma_semaphore, #tpu.memory_space<semaphore_mem>>)
      } else {
      }
      %add3A_248 = arith.constant 3 : i32
      %add3A_249 = arith.addi %mul3A_151, %add3A_248 : i32
      %dma_wait3A_250 = arith.constant 0 : i32
      %dma_wait3A_251 = arith.constant 0 : i32
      %dma_wait3A_252 = tpu.memref_slice %arg6[%while3A_86, %dma_wait3A_250, %dma_wait3A_251] : memref<2x80x125xi32, #tpu.memory_space<vmem>> -> memref<1x80x125xi32, #tpu.memory_space<vmem>>
      %dma_wait3A_253 = tpu.memref_squeeze %dma_wait3A_252 : memref<1x80x125xi32, #tpu.memory_space<vmem>> -> memref<80x125xi32, #tpu.memory_space<vmem>>
      %dma_wait3A_254 = arith.constant 0 : i32
      %dma_wait3A_255 = tpu.memref_slice %dma_wait3A_253[%add3A_249, %dma_wait3A_254] : memref<80x125xi32, #tpu.memory_space<vmem>> -> memref<1x125xi32, #tpu.memory_space<vmem>>
      %dma_wait3A_256 = tpu.memref_squeeze %dma_wait3A_255 : memref<1x125xi32, #tpu.memory_space<vmem>> -> memref<125xi32, #tpu.memory_space<vmem>>
      %dma_wait3A_257 = arith.constant 0 : i32
      %dma_wait3A_258 = arith.constant 0 : i32
      %dma_wait3A_259 = tpu.memref_slice %arg2[%dma_wait3A_257, %dma_wait3A_258] : memref<10016x16xf32, #tpu.memory_space<hbm>> -> memref<10016x16xf32, #tpu.memory_space<hbm>>
      tpu.wait_indirect_dma semaphore(%arg19 : memref<!tpu.dma_semaphore, #tpu.memory_space<semaphore_mem>>) src(%dma_wait3A_259 : memref<10016x16xf32, #tpu.memory_space<hbm>>) dst(%arg10 : memref<125x16xf32, #tpu.memory_space<vmem>>)
      %dma_start3A_260 = arith.constant 0 : i32
      %dma_start3A_261 = arith.constant 0 : i32
      %dma_start3A_262 = tpu.memref_slice %arg6[%while3A_87, %dma_start3A_260, %dma_start3A_261] : memref<2x80x125xi32, #tpu.memory_space<vmem>> -> memref<1x80x125xi32, #tpu.memory_space<vmem>>
      %dma_start3A_263 = tpu.memref_squeeze %dma_start3A_262 : memref<1x80x125xi32, #tpu.memory_space<vmem>> -> memref<80x125xi32, #tpu.memory_space<vmem>>
      %dma_start3A_264 = arith.constant 0 : i32
      %dma_start3A_265 = tpu.memref_slice %dma_start3A_263[%add3A_249, %dma_start3A_264] : memref<80x125xi32, #tpu.memory_space<vmem>> -> memref<1x125xi32, #tpu.memory_space<vmem>>
      %dma_start3A_266 = tpu.memref_squeeze %dma_start3A_265 : memref<1x125xi32, #tpu.memory_space<vmem>> -> memref<125xi32, #tpu.memory_space<vmem>>
      %dma_start3A_267 = arith.constant 0 : i32
      %dma_start3A_268 = arith.constant 0 : i32
      %dma_start3A_269 = tpu.memref_slice %arg15[%dma_start3A_267, %dma_start3A_268] : memref<10016x16xf32, #tpu.memory_space<vmem_shared>> -> memref<10016x16xf32, #tpu.memory_space<vmem_shared>>
      tpu.enqueue_indirect_dma source(%arg10 : memref<125x16xf32, #tpu.memory_space<vmem>>) target(%dma_start3A_269 : memref<10016x16xf32, #tpu.memory_space<vmem_shared>>) offsets(%dma_start3A_266 : memref<125xi32, #tpu.memory_space<vmem>>) semaphore(%arg27 : memref<!tpu.dma_semaphore, #tpu.memory_space<semaphore_mem>>) {add = true}
      %ge3A_270 = arith.constant 4 : i32
      %ge3A_271 = arith.cmpi sge, %add3A_249, %ge3A_270 : i32
      %convert_element_type3A_272 = arith.extui %ge3A_271 : i1 to i32
      %cond3A_273 = arith.constant 0 : i32
      %cond3A_274 = arith.cmpi ne, %convert_element_type3A_272, %cond3A_273 : i32
      scf.if %cond3A_274 {
        %sub3A_413 = arith.constant 4 : i32
        %sub3A_414 = arith.subi %add3A_249, %sub3A_413 : i32
        %dma_wait3A_415 = arith.constant 0 : i32
        %dma_wait3A_416 = arith.constant 0 : i32
        %dma_wait3A_417 = tpu.memref_slice %arg6[%while3A_87, %dma_wait3A_415, %dma_wait3A_416] : memref<2x80x125xi32, #tpu.memory_space<vmem>> -> memref<1x80x125xi32, #tpu.memory_space<vmem>>
        %dma_wait3A_418 = tpu.memref_squeeze %dma_wait3A_417 : memref<1x80x125xi32, #tpu.memory_space<vmem>> -> memref<80x125xi32, #tpu.memory_space<vmem>>
        %dma_wait3A_419 = arith.constant 0 : i32
        %dma_wait3A_420 = tpu.memref_slice %dma_wait3A_418[%sub3A_414, %dma_wait3A_419] : memref<80x125xi32, #tpu.memory_space<vmem>> -> memref<1x125xi32, #tpu.memory_space<vmem>>
        %dma_wait3A_421 = tpu.memref_squeeze %dma_wait3A_420 : memref<1x125xi32, #tpu.memory_space<vmem>> -> memref<125xi32, #tpu.memory_space<vmem>>
        %dma_wait3A_422 = arith.constant 0 : i32
        %dma_wait3A_423 = arith.constant 0 : i32
        %dma_wait3A_424 = tpu.memref_slice %arg15[%dma_wait3A_422, %dma_wait3A_423] : memref<10016x16xf32, #tpu.memory_space<vmem_shared>> -> memref<10016x16xf32, #tpu.memory_space<vmem_shared>>
        tpu.wait_indirect_dma semaphore(%arg31 : memref<!tpu.dma_semaphore, #tpu.memory_space<semaphore_mem>>) src(%arg14 : memref<125x16xf32, #tpu.memory_space<vmem>>) dst(%dma_wait3A_424 : memref<10016x16xf32, #tpu.memory_space<vmem_shared>>)
      } else {
      }
      %add3A_275 = arith.constant 4 : i32
      %add3A_276 = arith.addi %add3A_249, %add3A_275 : i32
      %lt3A_277 = arith.cmpi slt, %add3A_276, %select_n3A : i32
      %convert_element_type3A_278 = arith.extui %lt3A_277 : i1 to i32
      %cond3A_279 = arith.constant 0 : i32
      %cond3A_280 = arith.cmpi ne, %convert_element_type3A_278, %cond3A_279 : i32
      scf.if %cond3A_280 {
        %add3A_413 = arith.constant 4 : i32
        %add3A_414 = arith.addi %add3A_249, %add3A_413 : i32
        %dma_start3A_415 = arith.constant 0 : i32
        %dma_start3A_416 = arith.constant 0 : i32
        %dma_start3A_417 = tpu.memref_slice %arg6[%while3A_86, %dma_start3A_415, %dma_start3A_416] : memref<2x80x125xi32, #tpu.memory_space<vmem>> -> memref<1x80x125xi32, #tpu.memory_space<vmem>>
        %dma_start3A_418 = tpu.memref_squeeze %dma_start3A_417 : memref<1x80x125xi32, #tpu.memory_space<vmem>> -> memref<80x125xi32, #tpu.memory_space<vmem>>
        %dma_start3A_419 = arith.constant 0 : i32
        %dma_start3A_420 = tpu.memref_slice %dma_start3A_418[%add3A_414, %dma_start3A_419] : memref<80x125xi32, #tpu.memory_space<vmem>> -> memref<1x125xi32, #tpu.memory_space<vmem>>
        %dma_start3A_421 = tpu.memref_squeeze %dma_start3A_420 : memref<1x125xi32, #tpu.memory_space<vmem>> -> memref<125xi32, #tpu.memory_space<vmem>>
        %dma_start3A_422 = arith.constant 0 : i32
        %dma_start3A_423 = arith.constant 0 : i32
        %dma_start3A_424 = tpu.memref_slice %arg2[%dma_start3A_422, %dma_start3A_423] : memref<10016x16xf32, #tpu.memory_space<hbm>> -> memref<10016x16xf32, #tpu.memory_space<hbm>>
        tpu.enqueue_indirect_dma source(%dma_start3A_424 : memref<10016x16xf32, #tpu.memory_space<hbm>>) target(%arg14 : memref<125x16xf32, #tpu.memory_space<vmem>>) offsets(%dma_start3A_421 : memref<125xi32, #tpu.memory_space<vmem>>) semaphore(%arg23 : memref<!tpu.dma_semaphore, #tpu.memory_space<semaphore_mem>>)
      } else {
      }
      %add3A_281 = arith.constant 4 : i32
      %add3A_282 = arith.addi %mul3A_151, %add3A_281 : i32
      %dma_wait3A_283 = arith.constant 0 : i32
      %dma_wait3A_284 = arith.constant 0 : i32
      %dma_wait3A_285 = tpu.memref_slice %arg6[%while3A_86, %dma_wait3A_283, %dma_wait3A_284] : memref<2x80x125xi32, #tpu.memory_space<vmem>> -> memref<1x80x125xi32, #tpu.memory_space<vmem>>
      %dma_wait3A_286 = tpu.memref_squeeze %dma_wait3A_285 : memref<1x80x125xi32, #tpu.memory_space<vmem>> -> memref<80x125xi32, #tpu.memory_space<vmem>>
      %dma_wait3A_287 = arith.constant 0 : i32
      %dma_wait3A_288 = tpu.memref_slice %dma_wait3A_286[%add3A_282, %dma_wait3A_287] : memref<80x125xi32, #tpu.memory_space<vmem>> -> memref<1x125xi32, #tpu.memory_space<vmem>>
      %dma_wait3A_289 = tpu.memref_squeeze %dma_wait3A_288 : memref<1x125xi32, #tpu.memory_space<vmem>> -> memref<125xi32, #tpu.memory_space<vmem>>
      %dma_wait3A_290 = arith.constant 0 : i32
      %dma_wait3A_291 = arith.constant 0 : i32
      %dma_wait3A_292 = tpu.memref_slice %arg2[%dma_wait3A_290, %dma_wait3A_291] : memref<10016x16xf32, #tpu.memory_space<hbm>> -> memref<10016x16xf32, #tpu.memory_space<hbm>>
      tpu.wait_indirect_dma semaphore(%arg20 : memref<!tpu.dma_semaphore, #tpu.memory_space<semaphore_mem>>) src(%dma_wait3A_292 : memref<10016x16xf32, #tpu.memory_space<hbm>>) dst(%arg11 : memref<125x16xf32, #tpu.memory_space<vmem>>)
      %dma_start3A_293 = arith.constant 0 : i32
      %dma_start3A_294 = arith.constant 0 : i32
      %dma_start3A_295 = tpu.memref_slice %arg6[%while3A_87, %dma_start3A_293, %dma_start3A_294] : memref<2x80x125xi32, #tpu.memory_space<vmem>> -> memref<1x80x125xi32, #tpu.memory_space<vmem>>
      %dma_start3A_296 = tpu.memref_squeeze %dma_start3A_295 : memref<1x80x125xi32, #tpu.memory_space<vmem>> -> memref<80x125xi32, #tpu.memory_space<vmem>>
      %dma_start3A_297 = arith.constant 0 : i32
      %dma_start3A_298 = tpu.memref_slice %dma_start3A_296[%add3A_282, %dma_start3A_297] : memref<80x125xi32, #tpu.memory_space<vmem>> -> memref<1x125xi32, #tpu.memory_space<vmem>>
      %dma_start3A_299 = tpu.memref_squeeze %dma_start3A_298 : memref<1x125xi32, #tpu.memory_space<vmem>> -> memref<125xi32, #tpu.memory_space<vmem>>
      %dma_start3A_300 = arith.constant 0 : i32
      %dma_start3A_301 = arith.constant 0 : i32
      %dma_start3A_302 = tpu.memref_slice %arg15[%dma_start3A_300, %dma_start3A_301] : memref<10016x16xf32, #tpu.memory_space<vmem_shared>> -> memref<10016x16xf32, #tpu.memory_space<vmem_shared>>
      tpu.enqueue_indirect_dma source(%arg11 : memref<125x16xf32, #tpu.memory_space<vmem>>) target(%dma_start3A_302 : memref<10016x16xf32, #tpu.memory_space<vmem_shared>>) offsets(%dma_start3A_299 : memref<125xi32, #tpu.memory_space<vmem>>) semaphore(%arg28 : memref<!tpu.dma_semaphore, #tpu.memory_space<semaphore_mem>>) {add = true}
      %ge3A_303 = arith.constant 4 : i32
      %ge3A_304 = arith.cmpi sge, %add3A_282, %ge3A_303 : i32
      %convert_element_type3A_305 = arith.extui %ge3A_304 : i1 to i32
      %cond3A_306 = arith.constant 0 : i32
      %cond3A_307 = arith.cmpi ne, %convert_element_type3A_305, %cond3A_306 : i32
      scf.if %cond3A_307 {
        %sub3A_413 = arith.constant 4 : i32
        %sub3A_414 = arith.subi %add3A_282, %sub3A_413 : i32
        %dma_wait3A_415 = arith.constant 0 : i32
        %dma_wait3A_416 = arith.constant 0 : i32
        %dma_wait3A_417 = tpu.memref_slice %arg6[%while3A_87, %dma_wait3A_415, %dma_wait3A_416] : memref<2x80x125xi32, #tpu.memory_space<vmem>> -> memref<1x80x125xi32, #tpu.memory_space<vmem>>
        %dma_wait3A_418 = tpu.memref_squeeze %dma_wait3A_417 : memref<1x80x125xi32, #tpu.memory_space<vmem>> -> memref<80x125xi32, #tpu.memory_space<vmem>>
        %dma_wait3A_419 = arith.constant 0 : i32
        %dma_wait3A_420 = tpu.memref_slice %dma_wait3A_418[%sub3A_414, %dma_wait3A_419] : memref<80x125xi32, #tpu.memory_space<vmem>> -> memref<1x125xi32, #tpu.memory_space<vmem>>
        %dma_wait3A_421 = tpu.memref_squeeze %dma_wait3A_420 : memref<1x125xi32, #tpu.memory_space<vmem>> -> memref<125xi32, #tpu.memory_space<vmem>>
        %dma_wait3A_422 = arith.constant 0 : i32
        %dma_wait3A_423 = arith.constant 0 : i32
        %dma_wait3A_424 = tpu.memref_slice %arg15[%dma_wait3A_422, %dma_wait3A_423] : memref<10016x16xf32, #tpu.memory_space<vmem_shared>> -> memref<10016x16xf32, #tpu.memory_space<vmem_shared>>
        tpu.wait_indirect_dma semaphore(%arg24 : memref<!tpu.dma_semaphore, #tpu.memory_space<semaphore_mem>>) src(%arg7 : memref<125x16xf32, #tpu.memory_space<vmem>>) dst(%dma_wait3A_424 : memref<10016x16xf32, #tpu.memory_space<vmem_shared>>)
      } else {
      }
      %add3A_308 = arith.constant 4 : i32
      %add3A_309 = arith.addi %add3A_282, %add3A_308 : i32
      %lt3A_310 = arith.cmpi slt, %add3A_309, %select_n3A : i32
      %convert_element_type3A_311 = arith.extui %lt3A_310 : i1 to i32
      %cond3A_312 = arith.constant 0 : i32
      %cond3A_313 = arith.cmpi ne, %convert_element_type3A_311, %cond3A_312 : i32
      scf.if %cond3A_313 {
        %add3A_413 = arith.constant 4 : i32
        %add3A_414 = arith.addi %add3A_282, %add3A_413 : i32
        %dma_start3A_415 = arith.constant 0 : i32
        %dma_start3A_416 = arith.constant 0 : i32
        %dma_start3A_417 = tpu.memref_slice %arg6[%while3A_86, %dma_start3A_415, %dma_start3A_416] : memref<2x80x125xi32, #tpu.memory_space<vmem>> -> memref<1x80x125xi32, #tpu.memory_space<vmem>>
        %dma_start3A_418 = tpu.memref_squeeze %dma_start3A_417 : memref<1x80x125xi32, #tpu.memory_space<vmem>> -> memref<80x125xi32, #tpu.memory_space<vmem>>
        %dma_start3A_419 = arith.constant 0 : i32
        %dma_start3A_420 = tpu.memref_slice %dma_start3A_418[%add3A_414, %dma_start3A_419] : memref<80x125xi32, #tpu.memory_space<vmem>> -> memref<1x125xi32, #tpu.memory_space<vmem>>
        %dma_start3A_421 = tpu.memref_squeeze %dma_start3A_420 : memref<1x125xi32, #tpu.memory_space<vmem>> -> memref<125xi32, #tpu.memory_space<vmem>>
        %dma_start3A_422 = arith.constant 0 : i32
        %dma_start3A_423 = arith.constant 0 : i32
        %dma_start3A_424 = tpu.memref_slice %arg2[%dma_start3A_422, %dma_start3A_423] : memref<10016x16xf32, #tpu.memory_space<hbm>> -> memref<10016x16xf32, #tpu.memory_space<hbm>>
        tpu.enqueue_indirect_dma source(%dma_start3A_424 : memref<10016x16xf32, #tpu.memory_space<hbm>>) target(%arg7 : memref<125x16xf32, #tpu.memory_space<vmem>>) offsets(%dma_start3A_421 : memref<125xi32, #tpu.memory_space<vmem>>) semaphore(%arg16 : memref<!tpu.dma_semaphore, #tpu.memory_space<semaphore_mem>>)
      } else {
      }
      %add3A_314 = arith.constant 5 : i32
      %add3A_315 = arith.addi %mul3A_151, %add3A_314 : i32
      %dma_wait3A_316 = arith.constant 0 : i32
      %dma_wait3A_317 = arith.constant 0 : i32
      %dma_wait3A_318 = tpu.memref_slice %arg6[%while3A_86, %dma_wait3A_316, %dma_wait3A_317] : memref<2x80x125xi32, #tpu.memory_space<vmem>> -> memref<1x80x125xi32, #tpu.memory_space<vmem>>
      %dma_wait3A_319 = tpu.memref_squeeze %dma_wait3A_318 : memref<1x80x125xi32, #tpu.memory_space<vmem>> -> memref<80x125xi32, #tpu.memory_space<vmem>>
      %dma_wait3A_320 = arith.constant 0 : i32
      %dma_wait3A_321 = tpu.memref_slice %dma_wait3A_319[%add3A_315, %dma_wait3A_320] : memref<80x125xi32, #tpu.memory_space<vmem>> -> memref<1x125xi32, #tpu.memory_space<vmem>>
      %dma_wait3A_322 = tpu.memref_squeeze %dma_wait3A_321 : memref<1x125xi32, #tpu.memory_space<vmem>> -> memref<125xi32, #tpu.memory_space<vmem>>
      %dma_wait3A_323 = arith.constant 0 : i32
      %dma_wait3A_324 = arith.constant 0 : i32
      %dma_wait3A_325 = tpu.memref_slice %arg2[%dma_wait3A_323, %dma_wait3A_324] : memref<10016x16xf32, #tpu.memory_space<hbm>> -> memref<10016x16xf32, #tpu.memory_space<hbm>>
      tpu.wait_indirect_dma semaphore(%arg21 : memref<!tpu.dma_semaphore, #tpu.memory_space<semaphore_mem>>) src(%dma_wait3A_325 : memref<10016x16xf32, #tpu.memory_space<hbm>>) dst(%arg12 : memref<125x16xf32, #tpu.memory_space<vmem>>)
      %dma_start3A_326 = arith.constant 0 : i32
      %dma_start3A_327 = arith.constant 0 : i32
      %dma_start3A_328 = tpu.memref_slice %arg6[%while3A_87, %dma_start3A_326, %dma_start3A_327] : memref<2x80x125xi32, #tpu.memory_space<vmem>> -> memref<1x80x125xi32, #tpu.memory_space<vmem>>
      %dma_start3A_329 = tpu.memref_squeeze %dma_start3A_328 : memref<1x80x125xi32, #tpu.memory_space<vmem>> -> memref<80x125xi32, #tpu.memory_space<vmem>>
      %dma_start3A_330 = arith.constant 0 : i32
      %dma_start3A_331 = tpu.memref_slice %dma_start3A_329[%add3A_315, %dma_start3A_330] : memref<80x125xi32, #tpu.memory_space<vmem>> -> memref<1x125xi32, #tpu.memory_space<vmem>>
      %dma_start3A_332 = tpu.memref_squeeze %dma_start3A_331 : memref<1x125xi32, #tpu.memory_space<vmem>> -> memref<125xi32, #tpu.memory_space<vmem>>
      %dma_start3A_333 = arith.constant 0 : i32
      %dma_start3A_334 = arith.constant 0 : i32
      %dma_start3A_335 = tpu.memref_slice %arg15[%dma_start3A_333, %dma_start3A_334] : memref<10016x16xf32, #tpu.memory_space<vmem_shared>> -> memref<10016x16xf32, #tpu.memory_space<vmem_shared>>
      tpu.enqueue_indirect_dma source(%arg12 : memref<125x16xf32, #tpu.memory_space<vmem>>) target(%dma_start3A_335 : memref<10016x16xf32, #tpu.memory_space<vmem_shared>>) offsets(%dma_start3A_332 : memref<125xi32, #tpu.memory_space<vmem>>) semaphore(%arg29 : memref<!tpu.dma_semaphore, #tpu.memory_space<semaphore_mem>>) {add = true}
      %ge3A_336 = arith.constant 4 : i32
      %ge3A_337 = arith.cmpi sge, %add3A_315, %ge3A_336 : i32
      %convert_element_type3A_338 = arith.extui %ge3A_337 : i1 to i32
      %cond3A_339 = arith.constant 0 : i32
      %cond3A_340 = arith.cmpi ne, %convert_element_type3A_338, %cond3A_339 : i32
      scf.if %cond3A_340 {
        %sub3A_413 = arith.constant 4 : i32
        %sub3A_414 = arith.subi %add3A_315, %sub3A_413 : i32
        %dma_wait3A_415 = arith.constant 0 : i32
        %dma_wait3A_416 = arith.constant 0 : i32
        %dma_wait3A_417 = tpu.memref_slice %arg6[%while3A_87, %dma_wait3A_415, %dma_wait3A_416] : memref<2x80x125xi32, #tpu.memory_space<vmem>> -> memref<1x80x125xi32, #tpu.memory_space<vmem>>
        %dma_wait3A_418 = tpu.memref_squeeze %dma_wait3A_417 : memref<1x80x125xi32, #tpu.memory_space<vmem>> -> memref<80x125xi32, #tpu.memory_space<vmem>>
        %dma_wait3A_419 = arith.constant 0 : i32
        %dma_wait3A_420 = tpu.memref_slice %dma_wait3A_418[%sub3A_414, %dma_wait3A_419] : memref<80x125xi32, #tpu.memory_space<vmem>> -> memref<1x125xi32, #tpu.memory_space<vmem>>
        %dma_wait3A_421 = tpu.memref_squeeze %dma_wait3A_420 : memref<1x125xi32, #tpu.memory_space<vmem>> -> memref<125xi32, #tpu.memory_space<vmem>>
        %dma_wait3A_422 = arith.constant 0 : i32
        %dma_wait3A_423 = arith.constant 0 : i32
        %dma_wait3A_424 = tpu.memref_slice %arg15[%dma_wait3A_422, %dma_wait3A_423] : memref<10016x16xf32, #tpu.memory_space<vmem_shared>> -> memref<10016x16xf32, #tpu.memory_space<vmem_shared>>
        tpu.wait_indirect_dma semaphore(%arg25 : memref<!tpu.dma_semaphore, #tpu.memory_space<semaphore_mem>>) src(%arg8 : memref<125x16xf32, #tpu.memory_space<vmem>>) dst(%dma_wait3A_424 : memref<10016x16xf32, #tpu.memory_space<vmem_shared>>)
      } else {
      }
      %add3A_341 = arith.constant 4 : i32
      %add3A_342 = arith.addi %add3A_315, %add3A_341 : i32
      %lt3A_343 = arith.cmpi slt, %add3A_342, %select_n3A : i32
      %convert_element_type3A_344 = arith.extui %lt3A_343 : i1 to i32
      %cond3A_345 = arith.constant 0 : i32
      %cond3A_346 = arith.cmpi ne, %convert_element_type3A_344, %cond3A_345 : i32
      scf.if %cond3A_346 {
        %add3A_413 = arith.constant 4 : i32
        %add3A_414 = arith.addi %add3A_315, %add3A_413 : i32
        %dma_start3A_415 = arith.constant 0 : i32
        %dma_start3A_416 = arith.constant 0 : i32
        %dma_start3A_417 = tpu.memref_slice %arg6[%while3A_86, %dma_start3A_415, %dma_start3A_416] : memref<2x80x125xi32, #tpu.memory_space<vmem>> -> memref<1x80x125xi32, #tpu.memory_space<vmem>>
        %dma_start3A_418 = tpu.memref_squeeze %dma_start3A_417 : memref<1x80x125xi32, #tpu.memory_space<vmem>> -> memref<80x125xi32, #tpu.memory_space<vmem>>
        %dma_start3A_419 = arith.constant 0 : i32
        %dma_start3A_420 = tpu.memref_slice %dma_start3A_418[%add3A_414, %dma_start3A_419] : memref<80x125xi32, #tpu.memory_space<vmem>> -> memref<1x125xi32, #tpu.memory_space<vmem>>
        %dma_start3A_421 = tpu.memref_squeeze %dma_start3A_420 : memref<1x125xi32, #tpu.memory_space<vmem>> -> memref<125xi32, #tpu.memory_space<vmem>>
        %dma_start3A_422 = arith.constant 0 : i32
        %dma_start3A_423 = arith.constant 0 : i32
        %dma_start3A_424 = tpu.memref_slice %arg2[%dma_start3A_422, %dma_start3A_423] : memref<10016x16xf32, #tpu.memory_space<hbm>> -> memref<10016x16xf32, #tpu.memory_space<hbm>>
        tpu.enqueue_indirect_dma source(%dma_start3A_424 : memref<10016x16xf32, #tpu.memory_space<hbm>>) target(%arg8 : memref<125x16xf32, #tpu.memory_space<vmem>>) offsets(%dma_start3A_421 : memref<125xi32, #tpu.memory_space<vmem>>) semaphore(%arg17 : memref<!tpu.dma_semaphore, #tpu.memory_space<semaphore_mem>>)
      } else {
      }
      %add3A_347 = arith.constant 6 : i32
      %add3A_348 = arith.addi %mul3A_151, %add3A_347 : i32
      %dma_wait3A_349 = arith.constant 0 : i32
      %dma_wait3A_350 = arith.constant 0 : i32
      %dma_wait3A_351 = tpu.memref_slice %arg6[%while3A_86, %dma_wait3A_349, %dma_wait3A_350] : memref<2x80x125xi32, #tpu.memory_space<vmem>> -> memref<1x80x125xi32, #tpu.memory_space<vmem>>
      %dma_wait3A_352 = tpu.memref_squeeze %dma_wait3A_351 : memref<1x80x125xi32, #tpu.memory_space<vmem>> -> memref<80x125xi32, #tpu.memory_space<vmem>>
      %dma_wait3A_353 = arith.constant 0 : i32
      %dma_wait3A_354 = tpu.memref_slice %dma_wait3A_352[%add3A_348, %dma_wait3A_353] : memref<80x125xi32, #tpu.memory_space<vmem>> -> memref<1x125xi32, #tpu.memory_space<vmem>>
      %dma_wait3A_355 = tpu.memref_squeeze %dma_wait3A_354 : memref<1x125xi32, #tpu.memory_space<vmem>> -> memref<125xi32, #tpu.memory_space<vmem>>
      %dma_wait3A_356 = arith.constant 0 : i32
      %dma_wait3A_357 = arith.constant 0 : i32
      %dma_wait3A_358 = tpu.memref_slice %arg2[%dma_wait3A_356, %dma_wait3A_357] : memref<10016x16xf32, #tpu.memory_space<hbm>> -> memref<10016x16xf32, #tpu.memory_space<hbm>>
      tpu.wait_indirect_dma semaphore(%arg22 : memref<!tpu.dma_semaphore, #tpu.memory_space<semaphore_mem>>) src(%dma_wait3A_358 : memref<10016x16xf32, #tpu.memory_space<hbm>>) dst(%arg13 : memref<125x16xf32, #tpu.memory_space<vmem>>)
      %dma_start3A_359 = arith.constant 0 : i32
      %dma_start3A_360 = arith.constant 0 : i32
      %dma_start3A_361 = tpu.memref_slice %arg6[%while3A_87, %dma_start3A_359, %dma_start3A_360] : memref<2x80x125xi32, #tpu.memory_space<vmem>> -> memref<1x80x125xi32, #tpu.memory_space<vmem>>
      %dma_start3A_362 = tpu.memref_squeeze %dma_start3A_361 : memref<1x80x125xi32, #tpu.memory_space<vmem>> -> memref<80x125xi32, #tpu.memory_space<vmem>>
      %dma_start3A_363 = arith.constant 0 : i32
      %dma_start3A_364 = tpu.memref_slice %dma_start3A_362[%add3A_348, %dma_start3A_363] : memref<80x125xi32, #tpu.memory_space<vmem>> -> memref<1x125xi32, #tpu.memory_space<vmem>>
      %dma_start3A_365 = tpu.memref_squeeze %dma_start3A_364 : memref<1x125xi32, #tpu.memory_space<vmem>> -> memref<125xi32, #tpu.memory_space<vmem>>
      %dma_start3A_366 = arith.constant 0 : i32
      %dma_start3A_367 = arith.constant 0 : i32
      %dma_start3A_368 = tpu.memref_slice %arg15[%dma_start3A_366, %dma_start3A_367] : memref<10016x16xf32, #tpu.memory_space<vmem_shared>> -> memref<10016x16xf32, #tpu.memory_space<vmem_shared>>
      tpu.enqueue_indirect_dma source(%arg13 : memref<125x16xf32, #tpu.memory_space<vmem>>) target(%dma_start3A_368 : memref<10016x16xf32, #tpu.memory_space<vmem_shared>>) offsets(%dma_start3A_365 : memref<125xi32, #tpu.memory_space<vmem>>) semaphore(%arg30 : memref<!tpu.dma_semaphore, #tpu.memory_space<semaphore_mem>>) {add = true}
      %ge3A_369 = arith.constant 4 : i32
      %ge3A_370 = arith.cmpi sge, %add3A_348, %ge3A_369 : i32
      %convert_element_type3A_371 = arith.extui %ge3A_370 : i1 to i32
      %cond3A_372 = arith.constant 0 : i32
      %cond3A_373 = arith.cmpi ne, %convert_element_type3A_371, %cond3A_372 : i32
      scf.if %cond3A_373 {
        %sub3A_413 = arith.constant 4 : i32
        %sub3A_414 = arith.subi %add3A_348, %sub3A_413 : i32
        %dma_wait3A_415 = arith.constant 0 : i32
        %dma_wait3A_416 = arith.constant 0 : i32
        %dma_wait3A_417 = tpu.memref_slice %arg6[%while3A_87, %dma_wait3A_415, %dma_wait3A_416] : memref<2x80x125xi32, #tpu.memory_space<vmem>> -> memref<1x80x125xi32, #tpu.memory_space<vmem>>
        %dma_wait3A_418 = tpu.memref_squeeze %dma_wait3A_417 : memref<1x80x125xi32, #tpu.memory_space<vmem>> -> memref<80x125xi32, #tpu.memory_space<vmem>>
        %dma_wait3A_419 = arith.constant 0 : i32
        %dma_wait3A_420 = tpu.memref_slice %dma_wait3A_418[%sub3A_414, %dma_wait3A_419] : memref<80x125xi32, #tpu.memory_space<vmem>> -> memref<1x125xi32, #tpu.memory_space<vmem>>
        %dma_wait3A_421 = tpu.memref_squeeze %dma_wait3A_420 : memref<1x125xi32, #tpu.memory_space<vmem>> -> memref<125xi32, #tpu.memory_space<vmem>>
        %dma_wait3A_422 = arith.constant 0 : i32
        %dma_wait3A_423 = arith.constant 0 : i32
        %dma_wait3A_424 = tpu.memref_slice %arg15[%dma_wait3A_422, %dma_wait3A_423] : memref<10016x16xf32, #tpu.memory_space<vmem_shared>> -> memref<10016x16xf32, #tpu.memory_space<vmem_shared>>
        tpu.wait_indirect_dma semaphore(%arg26 : memref<!tpu.dma_semaphore, #tpu.memory_space<semaphore_mem>>) src(%arg9 : memref<125x16xf32, #tpu.memory_space<vmem>>) dst(%dma_wait3A_424 : memref<10016x16xf32, #tpu.memory_space<vmem_shared>>)
      } else {
      }
      %add3A_374 = arith.constant 4 : i32
      %add3A_375 = arith.addi %add3A_348, %add3A_374 : i32
      %lt3A_376 = arith.cmpi slt, %add3A_375, %select_n3A : i32
      %convert_element_type3A_377 = arith.extui %lt3A_376 : i1 to i32
      %cond3A_378 = arith.constant 0 : i32
      %cond3A_379 = arith.cmpi ne, %convert_element_type3A_377, %cond3A_378 : i32
      scf.if %cond3A_379 {
        %add3A_413 = arith.constant 4 : i32
        %add3A_414 = arith.addi %add3A_348, %add3A_413 : i32
        %dma_start3A_415 = arith.constant 0 : i32
        %dma_start3A_416 = arith.constant 0 : i32
        %dma_start3A_417 = tpu.memref_slice %arg6[%while3A_86, %dma_start3A_415, %dma_start3A_416] : memref<2x80x125xi32, #tpu.memory_space<vmem>> -> memref<1x80x125xi32, #tpu.memory_space<vmem>>
        %dma_start3A_418 = tpu.memref_squeeze %dma_start3A_417 : memref<1x80x125xi32, #tpu.memory_space<vmem>> -> memref<80x125xi32, #tpu.memory_space<vmem>>
        %dma_start3A_419 = arith.constant 0 : i32
        %dma_start3A_420 = tpu.memref_slice %dma_start3A_418[%add3A_414, %dma_start3A_419] : memref<80x125xi32, #tpu.memory_space<vmem>> -> memref<1x125xi32, #tpu.memory_space<vmem>>
        %dma_start3A_421 = tpu.memref_squeeze %dma_start3A_420 : memref<1x125xi32, #tpu.memory_space<vmem>> -> memref<125xi32, #tpu.memory_space<vmem>>
        %dma_start3A_422 = arith.constant 0 : i32
        %dma_start3A_423 = arith.constant 0 : i32
        %dma_start3A_424 = tpu.memref_slice %arg2[%dma_start3A_422, %dma_start3A_423] : memref<10016x16xf32, #tpu.memory_space<hbm>> -> memref<10016x16xf32, #tpu.memory_space<hbm>>
        tpu.enqueue_indirect_dma source(%dma_start3A_424 : memref<10016x16xf32, #tpu.memory_space<hbm>>) target(%arg9 : memref<125x16xf32, #tpu.memory_space<vmem>>) offsets(%dma_start3A_421 : memref<125xi32, #tpu.memory_space<vmem>>) semaphore(%arg18 : memref<!tpu.dma_semaphore, #tpu.memory_space<semaphore_mem>>)
      } else {
      }
      %add3A_380 = arith.constant 7 : i32
      %add3A_381 = arith.addi %mul3A_151, %add3A_380 : i32
      %dma_wait3A_382 = arith.constant 0 : i32
      %dma_wait3A_383 = arith.constant 0 : i32
      %dma_wait3A_384 = tpu.memref_slice %arg6[%while3A_86, %dma_wait3A_382, %dma_wait3A_383] : memref<2x80x125xi32, #tpu.memory_space<vmem>> -> memref<1x80x125xi32, #tpu.memory_space<vmem>>
      %dma_wait3A_385 = tpu.memref_squeeze %dma_wait3A_384 : memref<1x80x125xi32, #tpu.memory_space<vmem>> -> memref<80x125xi32, #tpu.memory_space<vmem>>
      %dma_wait3A_386 = arith.constant 0 : i32
      %dma_wait3A_387 = tpu.memref_slice %dma_wait3A_385[%add3A_381, %dma_wait3A_386] : memref<80x125xi32, #tpu.memory_space<vmem>> -> memref<1x125xi32, #tpu.memory_space<vmem>>
      %dma_wait3A_388 = tpu.memref_squeeze %dma_wait3A_387 : memref<1x125xi32, #tpu.memory_space<vmem>> -> memref<125xi32, #tpu.memory_space<vmem>>
      %dma_wait3A_389 = arith.constant 0 : i32
      %dma_wait3A_390 = arith.constant 0 : i32
      %dma_wait3A_391 = tpu.memref_slice %arg2[%dma_wait3A_389, %dma_wait3A_390] : memref<10016x16xf32, #tpu.memory_space<hbm>> -> memref<10016x16xf32, #tpu.memory_space<hbm>>
      tpu.wait_indirect_dma semaphore(%arg23 : memref<!tpu.dma_semaphore, #tpu.memory_space<semaphore_mem>>) src(%dma_wait3A_391 : memref<10016x16xf32, #tpu.memory_space<hbm>>) dst(%arg14 : memref<125x16xf32, #tpu.memory_space<vmem>>)
      %dma_start3A_392 = arith.constant 0 : i32
      %dma_start3A_393 = arith.constant 0 : i32
      %dma_start3A_394 = tpu.memref_slice %arg6[%while3A_87, %dma_start3A_392, %dma_start3A_393] : memref<2x80x125xi32, #tpu.memory_space<vmem>> -> memref<1x80x125xi32, #tpu.memory_space<vmem>>
      %dma_start3A_395 = tpu.memref_squeeze %dma_start3A_394 : memref<1x80x125xi32, #tpu.memory_space<vmem>> -> memref<80x125xi32, #tpu.memory_space<vmem>>
      %dma_start3A_396 = arith.constant 0 : i32
      %dma_start3A_397 = tpu.memref_slice %dma_start3A_395[%add3A_381, %dma_start3A_396] : memref<80x125xi32, #tpu.memory_space<vmem>> -> memref<1x125xi32, #tpu.memory_space<vmem>>
      %dma_start3A_398 = tpu.memref_squeeze %dma_start3A_397 : memref<1x125xi32, #tpu.memory_space<vmem>> -> memref<125xi32, #tpu.memory_space<vmem>>
      %dma_start3A_399 = arith.constant 0 : i32
      %dma_start3A_400 = arith.constant 0 : i32
      %dma_start3A_401 = tpu.memref_slice %arg15[%dma_start3A_399, %dma_start3A_400] : memref<10016x16xf32, #tpu.memory_space<vmem_shared>> -> memref<10016x16xf32, #tpu.memory_space<vmem_shared>>
      tpu.enqueue_indirect_dma source(%arg14 : memref<125x16xf32, #tpu.memory_space<vmem>>) target(%dma_start3A_401 : memref<10016x16xf32, #tpu.memory_space<vmem_shared>>) offsets(%dma_start3A_398 : memref<125xi32, #tpu.memory_space<vmem>>) semaphore(%arg31 : memref<!tpu.dma_semaphore, #tpu.memory_space<semaphore_mem>>) {add = true}
      %ge3A_402 = arith.constant 4 : i32
      %ge3A_403 = arith.cmpi sge, %add3A_381, %ge3A_402 : i32
      %convert_element_type3A_404 = arith.extui %ge3A_403 : i1 to i32
      %cond3A_405 = arith.constant 0 : i32
      %cond3A_406 = arith.cmpi ne, %convert_element_type3A_404, %cond3A_405 : i32
      scf.if %cond3A_406 {
        %sub3A_413 = arith.constant 4 : i32
        %sub3A_414 = arith.subi %add3A_381, %sub3A_413 : i32
        %dma_wait3A_415 = arith.constant 0 : i32
        %dma_wait3A_416 = arith.constant 0 : i32
        %dma_wait3A_417 = tpu.memref_slice %arg6[%while3A_87, %dma_wait3A_415, %dma_wait3A_416] : memref<2x80x125xi32, #tpu.memory_space<vmem>> -> memref<1x80x125xi32, #tpu.memory_space<vmem>>
        %dma_wait3A_418 = tpu.memref_squeeze %dma_wait3A_417 : memref<1x80x125xi32, #tpu.memory_space<vmem>> -> memref<80x125xi32, #tpu.memory_space<vmem>>
        %dma_wait3A_419 = arith.constant 0 : i32
        %dma_wait3A_420 = tpu.memref_slice %dma_wait3A_418[%sub3A_414, %dma_wait3A_419] : memref<80x125xi32, #tpu.memory_space<vmem>> -> memref<1x125xi32, #tpu.memory_space<vmem>>
        %dma_wait3A_421 = tpu.memref_squeeze %dma_wait3A_420 : memref<1x125xi32, #tpu.memory_space<vmem>> -> memref<125xi32, #tpu.memory_space<vmem>>
        %dma_wait3A_422 = arith.constant 0 : i32
        %dma_wait3A_423 = arith.constant 0 : i32
        %dma_wait3A_424 = tpu.memref_slice %arg15[%dma_wait3A_422, %dma_wait3A_423] : memref<10016x16xf32, #tpu.memory_space<vmem_shared>> -> memref<10016x16xf32, #tpu.memory_space<vmem_shared>>
        tpu.wait_indirect_dma semaphore(%arg27 : memref<!tpu.dma_semaphore, #tpu.memory_space<semaphore_mem>>) src(%arg10 : memref<125x16xf32, #tpu.memory_space<vmem>>) dst(%dma_wait3A_424 : memref<10016x16xf32, #tpu.memory_space<vmem_shared>>)
      } else {
      }
      %add3A_407 = arith.constant 4 : i32
      %add3A_408 = arith.addi %add3A_381, %add3A_407 : i32
      %lt3A_409 = arith.cmpi slt, %add3A_408, %select_n3A : i32
      %convert_element_type3A_410 = arith.extui %lt3A_409 : i1 to i32
      %cond3A_411 = arith.constant 0 : i32
      %cond3A_412 = arith.cmpi ne, %convert_element_type3A_410, %cond3A_411 : i32
      scf.if %cond3A_412 {
        %add3A_413 = arith.constant 4 : i32
        %add3A_414 = arith.addi %add3A_381, %add3A_413 : i32
        %dma_start3A_415 = arith.constant 0 : i32
        %dma_start3A_416 = arith.constant 0 : i32
        %dma_start3A_417 = tpu.memref_slice %arg6[%while3A_86, %dma_start3A_415, %dma_start3A_416] : memref<2x80x125xi32, #tpu.memory_space<vmem>> -> memref<1x80x125xi32, #tpu.memory_space<vmem>>
        %dma_start3A_418 = tpu.memref_squeeze %dma_start3A_417 : memref<1x80x125xi32, #tpu.memory_space<vmem>> -> memref<80x125xi32, #tpu.memory_space<vmem>>
        %dma_start3A_419 = arith.constant 0 : i32
        %dma_start3A_420 = tpu.memref_slice %dma_start3A_418[%add3A_414, %dma_start3A_419] : memref<80x125xi32, #tpu.memory_space<vmem>> -> memref<1x125xi32, #tpu.memory_space<vmem>>
        %dma_start3A_421 = tpu.memref_squeeze %dma_start3A_420 : memref<1x125xi32, #tpu.memory_space<vmem>> -> memref<125xi32, #tpu.memory_space<vmem>>
        %dma_start3A_422 = arith.constant 0 : i32
        %dma_start3A_423 = arith.constant 0 : i32
        %dma_start3A_424 = tpu.memref_slice %arg2[%dma_start3A_422, %dma_start3A_423] : memref<10016x16xf32, #tpu.memory_space<hbm>> -> memref<10016x16xf32, #tpu.memory_space<hbm>>
        tpu.enqueue_indirect_dma source(%dma_start3A_424 : memref<10016x16xf32, #tpu.memory_space<hbm>>) target(%arg10 : memref<125x16xf32, #tpu.memory_space<vmem>>) offsets(%dma_start3A_421 : memref<125xi32, #tpu.memory_space<vmem>>) semaphore(%arg19 : memref<!tpu.dma_semaphore, #tpu.memory_space<semaphore_mem>>)
      } else {
      }
    }
    %sub3A_97 = arith.constant 4 : i32
    %sub3A_98 = arith.subi %select_n3A, %sub3A_97 : i32
    %dma_wait3A = arith.constant 1 : i32
    %dma_wait3A_99 = arith.constant 0 : i32
    %dma_wait3A_100 = arith.constant 0 : i32
    %dma_wait3A_101 = tpu.memref_slice %arg6[%dma_wait3A, %dma_wait3A_99, %dma_wait3A_100] : memref<2x80x125xi32, #tpu.memory_space<vmem>> -> memref<1x80x125xi32, #tpu.memory_space<vmem>>
    %dma_wait3A_102 = tpu.memref_squeeze %dma_wait3A_101 : memref<1x80x125xi32, #tpu.memory_space<vmem>> -> memref<80x125xi32, #tpu.memory_space<vmem>>
    %dma_wait3A_103 = arith.constant 0 : i32
    %dma_wait3A_104 = tpu.memref_slice %dma_wait3A_102[%sub3A_98, %dma_wait3A_103] : memref<80x125xi32, #tpu.memory_space<vmem>> -> memref<1x125xi32, #tpu.memory_space<vmem>>
    %dma_wait3A_105 = tpu.memref_squeeze %dma_wait3A_104 : memref<1x125xi32, #tpu.memory_space<vmem>> -> memref<125xi32, #tpu.memory_space<vmem>>
    %dma_wait3A_106 = arith.constant 0 : i32
    %dma_wait3A_107 = arith.constant 0 : i32
    %dma_wait3A_108 = tpu.memref_slice %arg15[%dma_wait3A_106, %dma_wait3A_107] : memref<10016x16xf32, #tpu.memory_space<vmem_shared>> -> memref<10016x16xf32, #tpu.memory_space<vmem_shared>>
    tpu.wait_indirect_dma semaphore(%arg28 : memref<!tpu.dma_semaphore, #tpu.memory_space<semaphore_mem>>) src(%arg11 : memref<125x16xf32, #tpu.memory_space<vmem>>) dst(%dma_wait3A_108 : memref<10016x16xf32, #tpu.memory_space<vmem_shared>>)
    %sub3A_109 = arith.constant 3 : i32
    %sub3A_110 = arith.subi %select_n3A, %sub3A_109 : i32
    %dma_wait3A_111 = arith.constant 1 : i32
    %dma_wait3A_112 = arith.constant 0 : i32
    %dma_wait3A_113 = arith.constant 0 : i32
    %dma_wait3A_114 = tpu.memref_slice %arg6[%dma_wait3A_111, %dma_wait3A_112, %dma_wait3A_113] : memref<2x80x125xi32, #tpu.memory_space<vmem>> -> memref<1x80x125xi32, #tpu.memory_space<vmem>>
    %dma_wait3A_115 = tpu.memref_squeeze %dma_wait3A_114 : memref<1x80x125xi32, #tpu.memory_space<vmem>> -> memref<80x125xi32, #tpu.memory_space<vmem>>
    %dma_wait3A_116 = arith.constant 0 : i32
    %dma_wait3A_117 = tpu.memref_slice %dma_wait3A_115[%sub3A_110, %dma_wait3A_116] : memref<80x125xi32, #tpu.memory_space<vmem>> -> memref<1x125xi32, #tpu.memory_space<vmem>>
    %dma_wait3A_118 = tpu.memref_squeeze %dma_wait3A_117 : memref<1x125xi32, #tpu.memory_space<vmem>> -> memref<125xi32, #tpu.memory_space<vmem>>
    %dma_wait3A_119 = arith.constant 0 : i32
    %dma_wait3A_120 = arith.constant 0 : i32
    %dma_wait3A_121 = tpu.memref_slice %arg15[%dma_wait3A_119, %dma_wait3A_120] : memref<10016x16xf32, #tpu.memory_space<vmem_shared>> -> memref<10016x16xf32, #tpu.memory_space<vmem_shared>>
    tpu.wait_indirect_dma semaphore(%arg29 : memref<!tpu.dma_semaphore, #tpu.memory_space<semaphore_mem>>) src(%arg12 : memref<125x16xf32, #tpu.memory_space<vmem>>) dst(%dma_wait3A_121 : memref<10016x16xf32, #tpu.memory_space<vmem_shared>>)
    %sub3A_122 = arith.constant 2 : i32
    %sub3A_123 = arith.subi %select_n3A, %sub3A_122 : i32
    %dma_wait3A_124 = arith.constant 1 : i32
    %dma_wait3A_125 = arith.constant 0 : i32
    %dma_wait3A_126 = arith.constant 0 : i32
    %dma_wait3A_127 = tpu.memref_slice %arg6[%dma_wait3A_124, %dma_wait3A_125, %dma_wait3A_126] : memref<2x80x125xi32, #tpu.memory_space<vmem>> -> memref<1x80x125xi32, #tpu.memory_space<vmem>>
    %dma_wait3A_128 = tpu.memref_squeeze %dma_wait3A_127 : memref<1x80x125xi32, #tpu.memory_space<vmem>> -> memref<80x125xi32, #tpu.memory_space<vmem>>
    %dma_wait3A_129 = arith.constant 0 : i32
    %dma_wait3A_130 = tpu.memref_slice %dma_wait3A_128[%sub3A_123, %dma_wait3A_129] : memref<80x125xi32, #tpu.memory_space<vmem>> -> memref<1x125xi32, #tpu.memory_space<vmem>>
    %dma_wait3A_131 = tpu.memref_squeeze %dma_wait3A_130 : memref<1x125xi32, #tpu.memory_space<vmem>> -> memref<125xi32, #tpu.memory_space<vmem>>
    %dma_wait3A_132 = arith.constant 0 : i32
    %dma_wait3A_133 = arith.constant 0 : i32
    %dma_wait3A_134 = tpu.memref_slice %arg15[%dma_wait3A_132, %dma_wait3A_133] : memref<10016x16xf32, #tpu.memory_space<vmem_shared>> -> memref<10016x16xf32, #tpu.memory_space<vmem_shared>>
    tpu.wait_indirect_dma semaphore(%arg30 : memref<!tpu.dma_semaphore, #tpu.memory_space<semaphore_mem>>) src(%arg13 : memref<125x16xf32, #tpu.memory_space<vmem>>) dst(%dma_wait3A_134 : memref<10016x16xf32, #tpu.memory_space<vmem_shared>>)
    %sub3A_135 = arith.constant 1 : i32
    %sub3A_136 = arith.subi %select_n3A, %sub3A_135 : i32
    %dma_wait3A_137 = arith.constant 1 : i32
    %dma_wait3A_138 = arith.constant 0 : i32
    %dma_wait3A_139 = arith.constant 0 : i32
    %dma_wait3A_140 = tpu.memref_slice %arg6[%dma_wait3A_137, %dma_wait3A_138, %dma_wait3A_139] : memref<2x80x125xi32, #tpu.memory_space<vmem>> -> memref<1x80x125xi32, #tpu.memory_space<vmem>>
    %dma_wait3A_141 = tpu.memref_squeeze %dma_wait3A_140 : memref<1x80x125xi32, #tpu.memory_space<vmem>> -> memref<80x125xi32, #tpu.memory_space<vmem>>
    %dma_wait3A_142 = arith.constant 0 : i32
    %dma_wait3A_143 = tpu.memref_slice %dma_wait3A_141[%sub3A_136, %dma_wait3A_142] : memref<80x125xi32, #tpu.memory_space<vmem>> -> memref<1x125xi32, #tpu.memory_space<vmem>>
    %dma_wait3A_144 = tpu.memref_squeeze %dma_wait3A_143 : memref<1x125xi32, #tpu.memory_space<vmem>> -> memref<125xi32, #tpu.memory_space<vmem>>
    %dma_wait3A_145 = arith.constant 0 : i32
    %dma_wait3A_146 = arith.constant 0 : i32
    %dma_wait3A_147 = tpu.memref_slice %arg15[%dma_wait3A_145, %dma_wait3A_146] : memref<10016x16xf32, #tpu.memory_space<vmem_shared>> -> memref<10016x16xf32, #tpu.memory_space<vmem_shared>>
    tpu.wait_indirect_dma semaphore(%arg31 : memref<!tpu.dma_semaphore, #tpu.memory_space<semaphore_mem>>) src(%arg14 : memref<125x16xf32, #tpu.memory_space<vmem>>) dst(%dma_wait3A_147 : memref<10016x16xf32, #tpu.memory_space<vmem_shared>>)
    %barrier3A_148 = arith.constant 0 : index
    tpu.barrier barrier_id(%barrier3A_148)
    "tpu.region"() ({
      %run_scoped3A = tpu.sem_alloc : memref<!tpu.dma_semaphore, #tpu.memory_space<semaphore_mem>>
      %dma_start3A_149 = arith.constant 0 : i32
      %dma_start3A_150 = tpu.memref_slice %arg5[%arg0, %mul3A_2, %dma_start3A_149] : memref<2x10016x16xf32, #tpu.memory_space<hbm>> -> memref<1x626x16xf32, #tpu.memory_space<hbm>>
      %dma_start3A_151 = tpu.memref_squeeze %dma_start3A_150 : memref<1x626x16xf32, #tpu.memory_space<hbm>> -> memref<626x16xf32, #tpu.memory_space<hbm>>
      %dma_start3A_152 = arith.constant 0 : i32
      %dma_start3A_153 = tpu.memref_slice %arg15[%mul3A_2, %dma_start3A_152] : memref<10016x16xf32, #tpu.memory_space<vmem_shared>> -> memref<626x16xf32, #tpu.memory_space<vmem_shared>>
      tpu.enqueue_dma source(%dma_start3A_153 : memref<626x16xf32, #tpu.memory_space<vmem_shared>>) target(%dma_start3A_151 : memref<626x16xf32, #tpu.memory_space<hbm>>) target_semaphore(%run_scoped3A : memref<!tpu.dma_semaphore, #tpu.memory_space<semaphore_mem>>)
      %dma_wait3A_154 = arith.constant 0 : i32
      %dma_wait3A_155 = tpu.memref_slice %arg5[%arg0, %mul3A_2, %dma_wait3A_154] : memref<2x10016x16xf32, #tpu.memory_space<hbm>> -> memref<1x626x16xf32, #tpu.memory_space<hbm>>
      %dma_wait3A_156 = tpu.memref_squeeze %dma_wait3A_155 : memref<1x626x16xf32, #tpu.memory_space<hbm>> -> memref<626x16xf32, #tpu.memory_space<hbm>>
      %dma_wait3A_157 = arith.constant 0 : i32
      %dma_wait3A_158 = tpu.memref_slice %arg15[%mul3A_2, %dma_wait3A_157] : memref<10016x16xf32, #tpu.memory_space<vmem_shared>> -> memref<626x16xf32, #tpu.memory_space<vmem_shared>>
      tpu.wait_dma2 semaphore(%run_scoped3A : memref<!tpu.dma_semaphore, #tpu.memory_space<semaphore_mem>>) src(%dma_wait3A_158 : memref<626x16xf32, #tpu.memory_space<vmem_shared>>) dst(%dma_wait3A_156 : memref<626x16xf32, #tpu.memory_space<hbm>>)
      tpu.yield
    }) : () -> ()
    return
  }
}

module attributes {stable_mosaic.version = 14 : i64} {
  func.func @body(%arg0: i32, %arg1: memref<1x2504x128xf32, #tpu.memory_space<vmem>>, %arg2: memref<1x2504x128xf32, #tpu.memory_space<vmem>>, %arg3: memref<2504x128xf32, #tpu.memory_space<vmem>>, %arg4: memref<128x128xf32, #tpu.memory_space<vmem>>, %arg5: memref<1x128xf32, #tpu.memory_space<vmem>>, %arg6: memref<128x128xf32, #tpu.memory_space<vmem>>, %arg7: memref<128x16xf32, #tpu.memory_space<vmem>>, %arg8: memref<128x16xf32, #tpu.memory_space<vmem>>, %arg9: memref<1x16xf32, #tpu.memory_space<vmem>>, %arg10: memref<2504x16xf32, #tpu.memory_space<vmem>>, %arg11: memref<2504x16xf32, #tpu.memory_space<vmem>>) attributes {dimension_semantics = [#tpu.dimension_semantics<arbitrary>], iteration_bounds = array<i64: 4>, scalar_prefetch = 0 : i64, scratch_operands = 0 : i64, tpu.core_type = #tpu.core_type<tc>, window_params = [{transform_indices = @transform_0, window_bounds = array<i64: 1, 2504, 128>}, {transform_indices = @transform_1, window_bounds = array<i64: 1, 2504, 128>}, {transform_indices = @transform_2, window_bounds = array<i64: 2504, 128>}, {pipeline_mode = #tpu.pipeline_mode<synchronous>, transform_indices = @transform_3, window_bounds = array<i64: 128, 128>}, {pipeline_mode = #tpu.pipeline_mode<synchronous>, transform_indices = @transform_4, window_bounds = array<i64: 1, 128>}, {pipeline_mode = #tpu.pipeline_mode<synchronous>, transform_indices = @transform_5, window_bounds = array<i64: 128, 128>}, {pipeline_mode = #tpu.pipeline_mode<synchronous>, transform_indices = @transform_6, window_bounds = array<i64: 128, 16>}, {pipeline_mode = #tpu.pipeline_mode<synchronous>, transform_indices = @transform_7, window_bounds = array<i64: 128, 16>}, {pipeline_mode = #tpu.pipeline_mode<synchronous>, transform_indices = @transform_8, window_bounds = array<i64: 1, 16>}, {transform_indices = @transform_9, window_bounds = array<i64: 2504, 16>}, {transform_indices = @transform_10, window_bounds = array<i64: 2504, 16>}]} {
    %get3A = arith.constant 0 : index
    %get3A_0 = arith.constant 0 : index
    %get3A_1 = arith.constant 0 : index
    %get3A_2 = vector.load %arg1[%get3A, %get3A_0, %get3A_1] : memref<1x2504x128xf32, #tpu.memory_space<vmem>>, vector<1x2504x128xf32>
    %get3A_3 = vector.shape_cast %get3A_2 : vector<1x2504x128xf32> to vector<2504x128xf32>
    %get3A_4 = arith.constant 0 : index
    %get3A_5 = arith.constant 0 : index
    %get3A_6 = arith.constant 0 : index
    %get3A_7 = vector.load %arg2[%get3A_4, %get3A_5, %get3A_6] : memref<1x2504x128xf32, #tpu.memory_space<vmem>>, vector<1x2504x128xf32>
    %get3A_8 = vector.shape_cast %get3A_7 : vector<1x2504x128xf32> to vector<2504x128xf32>
    %add3A = arith.addf %get3A_3, %get3A_8 : vector<2504x128xf32>
    %get3A_9 = arith.constant 0 : index
    %get3A_10 = arith.constant 0 : index
    %get3A_11 = vector.load %arg4[%get3A_9, %get3A_10] : memref<128x128xf32, #tpu.memory_space<vmem>>, vector<128x128xf32>
    %dot_general3A = arith.constant dense<0.000000e+00> : vector<2504x128xf32>
    %dot_general3A_12 = tpu.matmul %add3A, %get3A_11, %dot_general3A {dimension_numbers = #tpu.dot_dimension_numbers<[1], [0], [0], [1], [0, 0, 1, 1], [], []>, transpose_lhs_hint = false} : vector<2504x128xf32>, vector<128x128xf32>, vector<2504x128xf32> -> vector<2504x128xf32>
    %get3A_13 = arith.constant 0 : index
    %get3A_14 = arith.constant 0 : index
    %get3A_15 = vector.load %arg5[%get3A_13, %get3A_14] : memref<1x128xf32, #tpu.memory_space<vmem>>, vector<1x128xf32>
    %add3A_16 = vector.broadcast %get3A_15 : vector<1x128xf32> to vector<2504x128xf32>
    %add3A_17 = arith.addf %dot_general3A_12, %add3A_16 : vector<2504x128xf32>
    %get3A_18 = arith.constant 0 : index
    %get3A_19 = arith.constant 0 : index
    %get3A_20 = vector.load %arg3[%get3A_18, %get3A_19] : memref<2504x128xf32, #tpu.memory_space<vmem>>, vector<2504x128xf32>
    %get3A_21 = arith.constant 0 : index
    %get3A_22 = arith.constant 0 : index
    %get3A_23 = vector.load %arg6[%get3A_21, %get3A_22] : memref<128x128xf32, #tpu.memory_space<vmem>>, vector<128x128xf32>
    %dot_general3A_24 = arith.constant dense<0.000000e+00> : vector<2504x128xf32>
    %dot_general3A_25 = tpu.matmul %get3A_20, %get3A_23, %dot_general3A_24 {dimension_numbers = #tpu.dot_dimension_numbers<[1], [0], [0], [1], [0, 0, 1, 1], [], []>, transpose_lhs_hint = false} : vector<2504x128xf32>, vector<128x128xf32>, vector<2504x128xf32> -> vector<2504x128xf32>
    %add3A_26 = arith.addf %add3A_17, %dot_general3A_25 : vector<2504x128xf32>
    %max3A = arith.constant 0.000000e+00 : f32
    %max3A_27 = vector.broadcast %max3A : f32 to vector<2504x128xf32>
    %max3A_28 = arith.maximumf %add3A_26, %max3A_27 : vector<2504x128xf32>
    %get3A_29 = arith.constant 0 : index
    %get3A_30 = arith.constant 0 : index
    %get3A_31 = vector.load %arg7[%get3A_29, %get3A_30] : memref<128x16xf32, #tpu.memory_space<vmem>>, vector<128x16xf32>
    %dot_general3A_32 = arith.constant dense<0.000000e+00> : vector<2504x16xf32>
    %dot_general3A_33 = tpu.matmul %max3A_28, %get3A_31, %dot_general3A_32 {dimension_numbers = #tpu.dot_dimension_numbers<[1], [0], [0], [1], [0, 0, 1, 1], [], []>, transpose_lhs_hint = false} : vector<2504x128xf32>, vector<128x16xf32>, vector<2504x16xf32> -> vector<2504x16xf32>
    %swap3A = arith.constant 0 : index
    %swap3A_34 = arith.constant 0 : index
    %swap3A_35 = vector.load %arg10[%swap3A, %swap3A_34] : memref<2504x16xf32, #tpu.memory_space<vmem>>, vector<2504x16xf32>
    tpu.vector_store %arg10[%swap3A, %swap3A_34], %dot_general3A_33 {strides = array<i32>} : memref<2504x16xf32, #tpu.memory_space<vmem>>, vector<2504x16xf32>,
    %get3A_36 = arith.constant 0 : index
    %get3A_37 = arith.constant 0 : index
    %get3A_38 = vector.load %arg8[%get3A_36, %get3A_37] : memref<128x16xf32, #tpu.memory_space<vmem>>, vector<128x16xf32>
    %dot_general3A_39 = arith.constant dense<0.000000e+00> : vector<2504x16xf32>
    %dot_general3A_40 = tpu.matmul %max3A_28, %get3A_38, %dot_general3A_39 {dimension_numbers = #tpu.dot_dimension_numbers<[1], [0], [0], [1], [0, 0, 1, 1], [], []>, transpose_lhs_hint = false} : vector<2504x128xf32>, vector<128x16xf32>, vector<2504x16xf32> -> vector<2504x16xf32>
    %get3A_41 = arith.constant 0 : index
    %get3A_42 = arith.constant 0 : index
    %get3A_43 = vector.load %arg9[%get3A_41, %get3A_42] : memref<1x16xf32, #tpu.memory_space<vmem>>, vector<1x16xf32>
    %add3A_44 = vector.broadcast %get3A_43 : vector<1x16xf32> to vector<2504x16xf32>
    %add3A_45 = arith.addf %dot_general3A_40, %add3A_44 : vector<2504x16xf32>
    %swap3A_46 = arith.constant 0 : index
    %swap3A_47 = arith.constant 0 : index
    %swap3A_48 = vector.load %arg11[%swap3A_46, %swap3A_47] : memref<2504x16xf32, #tpu.memory_space<vmem>>, vector<2504x16xf32>
    tpu.vector_store %arg11[%swap3A_46, %swap3A_47], %add3A_45 {strides = array<i32>} : memref<2504x16xf32, #tpu.memory_space<vmem>>, vector<2504x16xf32>,
    return
  }
  func.func @transform_0(%arg0: i32) -> (i32, i32, i32) {
    %c0_i32 = arith.constant 0 : i32
    %c0_i32_0 = arith.constant 0 : i32
    %c0_i32_1 = arith.constant 0 : i32
    return %c0_i32, %arg0, %c0_i32_0 : i32, i32, i32
  }
  func.func @transform_1(%arg0: i32) -> (i32, i32, i32) {
    %c1_i32 = arith.constant 1 : i32
    %c0_i32 = arith.constant 0 : i32
    %c0_i32_0 = arith.constant 0 : i32
    return %c1_i32, %arg0, %c0_i32 : i32, i32, i32
  }
  func.func @transform_2(%arg0: i32) -> (i32, i32) {
    %c0_i32 = arith.constant 0 : i32
    %c0_i32_0 = arith.constant 0 : i32
    return %arg0, %c0_i32 : i32, i32
  }
  func.func @transform_3(%arg0: i32) -> (i32, i32) {
    %c0_i32 = arith.constant 0 : i32
    %c0_i32_0 = arith.constant 0 : i32
    %c0_i32_1 = arith.constant 0 : i32
    return %c0_i32, %c0_i32_0 : i32, i32
  }
  func.func @transform_4(%arg0: i32) -> (i32, i32) {
    %c0_i32 = arith.constant 0 : i32
    %c0_i32_0 = arith.constant 0 : i32
    %c0_i32_1 = arith.constant 0 : i32
    return %c0_i32, %c0_i32_0 : i32, i32
  }
  func.func @transform_5(%arg0: i32) -> (i32, i32) {
    %c0_i32 = arith.constant 0 : i32
    %c0_i32_0 = arith.constant 0 : i32
    %c0_i32_1 = arith.constant 0 : i32
    return %c0_i32, %c0_i32_0 : i32, i32
  }
  func.func @transform_6(%arg0: i32) -> (i32, i32) {
    %c0_i32 = arith.constant 0 : i32
    %c0_i32_0 = arith.constant 0 : i32
    %c0_i32_1 = arith.constant 0 : i32
    return %c0_i32, %c0_i32_0 : i32, i32
  }
  func.func @transform_7(%arg0: i32) -> (i32, i32) {
    %c0_i32 = arith.constant 0 : i32
    %c0_i32_0 = arith.constant 0 : i32
    %c0_i32_1 = arith.constant 0 : i32
    return %c0_i32, %c0_i32_0 : i32, i32
  }
  func.func @transform_8(%arg0: i32) -> (i32, i32) {
    %c0_i32 = arith.constant 0 : i32
    %c0_i32_0 = arith.constant 0 : i32
    %c0_i32_1 = arith.constant 0 : i32
    return %c0_i32, %c0_i32_0 : i32, i32
  }
  func.func @transform_9(%arg0: i32) -> (i32, i32) {
    %c0_i32 = arith.constant 0 : i32
    %c0_i32_0 = arith.constant 0 : i32
    return %arg0, %c0_i32 : i32, i32
  }
  func.func @transform_10(%arg0: i32) -> (i32, i32) {
    %c0_i32 = arith.constant 0 : i32
    %c0_i32_0 = arith.constant 0 : i32
    return %arg0, %c0_i32 : i32, i32
  }
}

module attributes {stable_mosaic.version = 14 : i64} {
  func.func @body(%arg0: i32, %arg1: memref<1x2504x16xf32, #tpu.memory_space<vmem>>, %arg2: memref<1x2504x16xf32, #tpu.memory_space<vmem>>, %arg3: memref<2504x16xf32, #tpu.memory_space<vmem>>) attributes {dimension_semantics = [#tpu.dimension_semantics<arbitrary>], iteration_bounds = array<i64: 4>, scalar_prefetch = 0 : i64, scratch_operands = 0 : i64, tpu.core_type = #tpu.core_type<tc>, window_params = [{transform_indices = @transform_0, window_bounds = array<i64: 1, 2504, 16>}, {transform_indices = @transform_1, window_bounds = array<i64: 1, 2504, 16>}, {transform_indices = @transform_2, window_bounds = array<i64: 2504, 16>}]} {
    %get3A = arith.constant 0 : index
    %get3A_0 = arith.constant 0 : index
    %get3A_1 = arith.constant 0 : index
    %get3A_2 = vector.load %arg1[%get3A, %get3A_0, %get3A_1] : memref<1x2504x16xf32, #tpu.memory_space<vmem>>, vector<1x2504x16xf32>
    %get3A_3 = vector.shape_cast %get3A_2 : vector<1x2504x16xf32> to vector<2504x16xf32>
    %get3A_4 = arith.constant 0 : index
    %get3A_5 = arith.constant 0 : index
    %get3A_6 = arith.constant 0 : index
    %get3A_7 = vector.load %arg2[%get3A_4, %get3A_5, %get3A_6] : memref<1x2504x16xf32, #tpu.memory_space<vmem>>, vector<1x2504x16xf32>
    %get3A_8 = vector.shape_cast %get3A_7 : vector<1x2504x16xf32> to vector<2504x16xf32>
    %add3A = arith.addf %get3A_3, %get3A_8 : vector<2504x16xf32>
    %swap3A = arith.constant 0 : index
    %swap3A_9 = arith.constant 0 : index
    %swap3A_10 = vector.load %arg3[%swap3A, %swap3A_9] : memref<2504x16xf32, #tpu.memory_space<vmem>>, vector<2504x16xf32>
    tpu.vector_store %arg3[%swap3A, %swap3A_9], %add3A {strides = array<i32>} : memref<2504x16xf32, #tpu.memory_space<vmem>>, vector<2504x16xf32>,
    return
  }
  func.func @transform_0(%arg0: i32) -> (i32, i32, i32) {
    %c0_i32 = arith.constant 0 : i32
    %c0_i32_0 = arith.constant 0 : i32
    %c0_i32_1 = arith.constant 0 : i32
    return %c0_i32, %arg0, %c0_i32_0 : i32, i32, i32
  }
  func.func @transform_1(%arg0: i32) -> (i32, i32, i32) {
    %c1_i32 = arith.constant 1 : i32
    %c0_i32 = arith.constant 0 : i32
    %c0_i32_0 = arith.constant 0 : i32
    return %c1_i32, %arg0, %c0_i32 : i32, i32, i32
  }
  func.func @transform_2(%arg0: i32) -> (i32, i32) {
    %c0_i32 = arith.constant 0 : i32
    %c0_i32_0 = arith.constant 0 : i32
    return %arg0, %c0_i32 : i32, i32
  }
}

</mosaic_0001>

<sc_bundles>
// kernel: kernel.6.cloned.1.call-start
scs
__scs_entry_jumppad:
0x0: {  	(pc) =	sbr.rel $0x88, $3  }
0x1: {  	(tag) =	ssettag $0x0;
	lr =	simm.s32 $0x1  }
0x2: {  	[smem:$0x3F99] =	sst lr;
	_ =	strace $0xD0000000  }
0x3: {  	_ = 	snop  }
0x4: {  	_ = 	snop  }
0x5: {  	_ = 	snop  }
0x6: {  	_ = 	snop  }
0x7: {  	_ = 	snop  }
__scs_overlays_trampoline_lowered:
0x8: {  	[smem:$0x3FA8] =	sst s0  }
0x9: {  	[smem:$0x3FA9] =	sst s1  }
0xa: {  	[smem:$0x3FAA] =	sst s2  }
0xb: {  	[smem:$0x3FAB] =	sst s3  }
0xc: {  	[smem:$0x3FAC] =	sst s4  }
0xd: {  	[smem:$0x3FAD] =	sst s5  }
0xe: {  	[smem:$0x3FAE] =	sst s6  }
0xf: {  	[smem:$0x3FAF] =	sst s7  }
0x10: {  	[smem:$0x3FB0] =	sst s8  }
0x11: {  	[smem:$0x3FB1] =	sst s9;
	s0 =	simm.s32 @!p0 $0x0  }
0x12: {  	s1 =	sld [smem:$0x3F97];
	s0 =	simm.s32 @p0 $0x1  }
0x13: {  	[smem:$0x3FB2] =	sst s0;
	s0 =	simm.s32 @!p1 $0x0  }
0x14: {  	s2 =	sld [smem:$0x3F96];
	s0 =	simm.s32 @p1 $0x1  }
0x15: {  	[smem:$0x3FB3] =	sst s0;
	s0 =	simm.s32 @!p2 $0x0  }
0x16: {  	s3 =	sld [smem:$0x3FDB];
	s0 =	simm.s32 @p2 $0x1  }
0x17: {  	s4 =	simm.s32 $0x1BF5;
	[smem:$0x3FB5] =	sst s0  }
0x18: {  	s0 =	sld [smem:$0x3F98];
	_ =	swait.ge [sflag:s4], $0x0  }
0x19: {  	s7 =	sld [smem:$0x3F99]  }
0x1a: {  	s8 =	sadd.s32 $0xFFFFE003, lr  }
0x1b: {  	s9 =	sadd.s32 $0xFFFFFEF7, lr;
	s5 =	simm.s32 $0xFFFFFFFF;
	p2 =	slt.u32 s8, $0xFFFFF086  }
0x1c: {  	p1 =	slt.u32 s9, $0xF7A;
	s5 =	simm.s32 @!p2 $0x0  }
0x1d: {  	s5 =	simm.s32 @p1 $0x1;
	p0 =	seq.s32 s7, s2  }
0x1e: {  	s7 =	smul.u32 @!p0 $0xF7A, s2;
	p2 =	seq.s32 @!p0 s5, $0x0  }
0x1f: {  	s9 =	smul.u32 $0xF7A, s1;
	s8 =	simm.s32 @!p0 $0x1BF5;
	p2 =	por !p2, p0  }
0x20: {  	[sflag:s8] =	ssyncset.s32 @!p0 $0xFFFFF086;
	s6 =	sadd.s32 @!p0 s3, s7;
	s7 =	simm.s32 @!p0 $0x108  }
0x21: {  	s3 =	sadd.s32 s3, s9;
	s6 =	sadd.s32 @!p0 $0x88, s6;
	s7 =	simm.s32 @p2 $0x1082  }
0x22: {  	[simem:s7], [sflag:s8] =	dma.local @!p0 [hbm:s6], $0xF7A  }
0x23: {  	s9 =	sor.u32 $0xD0000000, s2;
	s6 =	simm.s32 $0x108;
	_ =	swait.ge @!p0 [sflag:s8], $0x0  }
0x24: {  	s3 =	sadd.s32 $0x88, s3;
	s6 =	simm.s32 @!p1 $0x1082;
	[sflag:s4] =	ssyncset.s32 $0xFFFFF086  }
0x25: {  	[simem:s6], [sflag:s4] =	dma.local [hbm:s3], $0xF7A  }
0x26: {  	[smem:$0x3F99] =	sst s1;
	(tag) =	ssettag s2;
	_ =	strace s9  }
0x27: {  	s1 =	sld [smem:$0x3FA9]  }
0x28: {  	s2 =	sld [smem:$0x3FAA]  }
0x29: {  	s4 =	sld [smem:$0x3FAC]  }
0x2a: {  	p0 =	seq.s32 s5, $0x0;
	s5 =	sld [smem:$0x3FAD]  }
0x2b: {  	s6 =	sld [smem:$0x3FAE]  }
0x2c: {  	s7 =	sld [smem:$0x3FAF]  }
0x2d: {  	s3 =	simm.s32 $0x108;
	s8 =	sld [smem:$0x3FB0]  }
0x2e: {  	s3 =	simm.s32 @!p0 $0x1082;
	s9 =	sld [smem:$0x3FB1]  }
0x2f: {  	lr =	sadd.s32 s0, s3;
	s0 =	sld [smem:$0x3FA8]  }
0x30: {  	s3 =	sld [smem:$0x3FAB]  }
0x31: {  	[smem:$0x3FB4] =	sst s10  }
0x32: {  	s10 =	sld [smem:$0x3FB2];
	_ =	sdelay $0x3  }
0x33: {  	p0 =	seq.s32 s10, $0x1;
	s10 =	sld [smem:$0x3FB4];
	_ =	sdelay $0x3  }
0x34: {  	[smem:$0x3FB4] =	sst s10  }
0x35: {  	s10 =	sld [smem:$0x3FB3];
	_ =	sdelay $0x3  }
0x36: {  	p1 =	seq.s32 s10, $0x1;
	s10 =	sld [smem:$0x3FB4];
	_ =	sdelay $0x3  }
0x37: {  	[smem:$0x3FB4] =	sst s10  }
0x38: {  	s10 =	sld [smem:$0x3FB5]  }
0x39: {  	_ = 	snop;
	(pc) =	sbr.ind lr, $3  }
0x3a: {  	_ = 	snop  }
0x3b: {  	_ = 	snop  }
0x3c: {  	p2 =	seq.s32 s10, $0x1;
	s10 =	sld [smem:$0x3FB4]  }
0x3d: {  	_ =	shalt  }
0x3e: {  	_ =	shalt  }
0x3f: {  	_ =	shalt  }
0x40: {  	_ =	shalt  }
0x41: {  	_ =	shalt  }
0x42: {  	_ =	shalt  }
0x43: {  	_ =	shalt  }
0x44: {  	_ =	shalt  }
0x45: {  	_ =	shalt  }
0x46: {  	_ =	shalt  }
0x47: {  	_ =	shalt  }
0x48: {  	_ =	shalt  }
0x49: {  	_ =	shalt  }
0x4a: {  	_ =	shalt  }
0x4b: {  	_ =	shalt  }
0x4c: {  	_ =	shalt  }
0x4d: {  	_ =	shalt  }
0x4e: {  	_ =	shalt  }
0x4f: {  	_ =	shalt  }
0x50: {  	_ =	shalt  }
0x51: {  	_ =	shalt  }
0x52: {  	_ =	shalt  }
0x53: {  	_ =	shalt  }
0x54: {  	_ =	shalt  }
0x55: {  	_ =	shalt  }
0x56: {  	_ =	shalt  }
0x57: {  	_ =	shalt  }
0x58: {  	_ =	shalt  }
0x59: {  	_ =	shalt  }
0x5a: {  	_ =	shalt  }
0x5b: {  	_ =	shalt  }
0x5c: {  	_ =	shalt  }
0x5d: {  	_ =	shalt  }
0x5e: {  	_ =	shalt  }
0x5f: {  	_ =	shalt  }
0x60: {  	_ =	shalt  }
0x61: {  	_ =	shalt  }
0x62: {  	_ =	shalt  }
0x63: {  	_ =	shalt  }
0x64: {  	_ =	shalt  }
0x65: {  	_ =	shalt  }
0x66: {  	_ =	shalt  }
0x67: {  	_ =	shalt  }
0x68: {  	_ =	shalt  }
0x69: {  	_ =	shalt  }
0x6a: {  	_ =	shalt  }
0x6b: {  	_ =	shalt  }
0x6c: {  	_ =	shalt  }
0x6d: {  	_ =	shalt  }
0x6e: {  	_ =	shalt  }
0x6f: {  	_ =	shalt  }
0x70: {  	_ =	shalt  }
0x71: {  	_ =	shalt  }
0x72: {  	_ =	shalt  }
0x73: {  	_ =	shalt  }
0x74: {  	_ =	shalt  }
0x75: {  	_ =	shalt  }
0x76: {  	_ =	shalt  }
0x77: {  	_ =	shalt  }
0x78: {  	_ =	shalt  }
0x79: {  	_ =	shalt  }
0x7a: {  	_ =	shalt  }
0x7b: {  	_ =	shalt  }
0x7c: {  	_ =	shalt  }
0x7d: {  	_ =	shalt  }
0x7e: {  	_ =	shalt  }
0x7f: {  	_ =	shalt  }
0x80: {  	_ =	shalt  }
0x81: {  	_ =	shalt  }
0x82: {  	_ =	shalt  }
0x83: {  	_ =	shalt  }
0x84: {  	_ =	shalt  }
0x85: {  	_ =	shalt  }
0x86: {  	_ =	shalt  }
0x87: {  	_ =	shalt  }
.Lfunc_end0:
.L_simem_size_0:
called_computation_lowered:
.L_overlay_start_0:
0x88: {  	s2 =	sld [smem:$0x3FD9]  }
0x89: {  	s3 =	sld [smem:$0x3FFE];
	_ =	sdelay $0x1  }
0x8a: {  	s1 =	srdreg.scid  }
0x8b: {  	s0 =	sand.u32 $0x1, s1  }
0x8c: {  	s17 =	sshll.u32 s0, $0xA;
	s2 =	sadd.s32 s3, s2  }
0x8d: {  	s2 =	sadd.s32 s2, s17  }
0x8e: {  	[smem:$0x3FC0] =	sst s2  }
0x8f: {  	_ = 	snop  }
0x90: {  	s2 =	sld [smem:$0x3FC8];
	(tm) =	ssettm $0x1  }
0x91: {  	s18 =	sld [smem:$0x3FFB];
	_ =	sdelay $0x3  }
0x92: {  	_ =	strace s18  }
0x93: {  	s3 =	sld [smem:$0x3FFC];
	_ =	sdelay $0x3  }
0x94: {  	_ =	strace s3  }
0x95: {  	s3 =	sld [smem:$0x3FFD];
	_ =	sdelay $0x3  }
0x96: {  	_ =	strace s3  }
0x97: {  	_ =	strace $0x8FFFFFFF  }
0x98: {  	s19 =	sld [smem:$0x3FDB];
	_ =	sdelay $0x1  }
0x99: {  	s4 =	simm.s32 $_scs_section_size  }
0x9a: {  	s5 =	simm.s32 $_size__tile_overlayer_lowered;
	s6 =	simm.s32 $_tile_overlayer_lowered  }
0x9b: {  	s22 =	simm.s32 $0x1BFF;
	s21 =	sshll.u32 s6, $0x1;
	s3 =	sadd.s32 s4, s19  }
0x9c: {  	s7 =	simm.s32 $0x0;
	s20 =	sshll.u32 s5, $0x1;
	s5 =	sadd.s32 s21, s3  }
0x9d: {  	[timem:s7], [sflag:s22] =	dma.local [hbm:s5], s20  }
0x9e: {  	_ =	swait.ge [sflag:s22], s20  }
0x9f: {  	s4 =	ssub.s32 $0x0, s20;
	[sflag:s22] =	ssyncset.done $0x0  }
0xa0: {  	[sflag:s22] =	ssyncadd.s32 s4;
	_ =	sdelay $0x1  }
0xa1: {  	s23 =	simm.s32 $0x1B8B  }
0xa2: {  	_ =	swait.ge [sflag:s23], $0x1  }
0xa3: {  	[sflag:s23] =	ssyncset.done $0x0  }
0xa4: {  	s25 =	simm.s32 $0x1B8E;
	s24 =	sld [smem:$0x3FFE];
	[sflag:s23] =	ssyncadd.s32 $0xFFFFFFFF  }
0xa5: {  	s26 =	simm.s32 $execute0_lowered;
	[smem:$0x3FD2] =	sst s25  }
0xa6: {  	s5 =	sshll.u32 s26, $0x1;
	_ =	strace $0x80000046;
	[dreg:$0x1] =	wrdreg $0xFFFFFFFF  }
0xa7: {  	s28 =	simm.s32 $_size_execute0_lowered;
	s3 =	sadd.s32 s3, s5;
	[dreg:$0x0] =	wrdreg $0x0  }
0xa8: {  	s5 =	sshll.u32 s28, $0x1;
	[dreg:$0x2] =	wrdreg s3  }
0xa9: {  	[dreg:$0x3] =	wrdreg s5  }
0xaa: {  	[dreg:$0x4] =	wrdreg $0xC0  }
0xab: {  	_ =	task [dreg:s7], $0x5FFFF  }
0xac: {  	[dreg:$0x1] =	wrdreg $0xFFFFFFFF  }
0xad: {  	[dreg:$0x0] =	wrdreg $0x60  }
0xae: {  	[dreg:$0x2] =	wrdreg s2  }
0xaf: {  	[dreg:$0x3] =	wrdreg s24  }
0xb0: {  	[dreg:$0x4] =	wrdreg $0xBB800  }
0xb1: {  	[dreg:$0x5] =	wrdreg $0x9  }
0xb2: {  	_ =	task.clear_ibuf [dreg:s7], $0x6FFFF;
	_ =	strace $0x90000046  }
0xb3: {  	s29 =	simm.s32 $0x9;
	_ =	strace $0x80000048  }
0xb4: {  	_ =	swait.ge [sflag:s29], $0x1  }
0xb5: {  	[sflag:s29] =	ssyncadd.s32 $0xFFFFFFFF  }
0xb6: {  	_ =	strace $0x90000048  }
0xb7: {  	_ =	sfence  }
0xb8: {  	s30 =	sld [smem:$0x0];
	_ =	sdelay $0x2  }
0xb9: {  	s31 =	sshll.u32 s1, $0xD;
	s1 =	sshrl.u32 s1, $0x2  }
0xba: {  	s3 =	sand.u32 $0x4000, s31;
	s1 =	sadd.s32 s1, s30  }
0xbb: {  	s0 =	sor.u32 s3, s0;
	s1 =	sshll.u32 s1, $0x11  }
0xbc: {  	s0 =	sor.u32 s1, s0  }
0xbd: {  	s0 =	sadd.s32 $0x8F2B, s0  }
0xbe: {  	[sflag:s0] =	ssyncadd.remote.s32 $0x1  }
0xbf: {  	_ =	sfence.sel $0xFFFF  }
0xc0: {  	[dreg:$0x0] =	wrdreg $0xFFFFFFFF;
	(pc) =	sbr.abs _section_cstart, $3  }
0xc1: {  	[dreg:$0x1] =	wrdreg $0xFFFFFFFF  }
0xc2: {  	_ =	task.clear_ibuf [dreg:s7], $0x2FFFF;
	_ =	strace $0x9FFFFFFF  }
0xc3: {  	(tm) =	ssettm $0x7FFFFFFF  }
tec
execute0_lowered:
.L_overlay_start_1:
0x0: {  	(tag) =	ssettag $0x1  }
0x1: {  	s1 =	rddreg [dreg:$0x0]  }
0x2: {  	s0 =	rddreg [dreg:$0x1]  }
0x3: {  	s3 =	rddreg [dreg:$0x2]  }
0x4: {  	s2 =	srdreg.scid;
	s11 =	stileid.u32;
	s4 =	simm.s32 $0x0  }
0x5: {  	s28 =	simm.s32 $0x7080;
	s29 =	simm.s32 $0x8980;
	s5 =	smul.u32 $0x13900, s11  }
0x6: {  	s30 =	simm.s32 $0x9;
	s31 =	simm.s32 $0x1;
	s9 =	smul.u32 $0x4E400, s11  }
0x7: {  	s2 =	sand.u32 $0x1, s2;
	[smem:$0x7FF] =	sst s4;
	s11 =	smul.u32 $0x2BC0, s11  }
0x8: {  	s7 =	sadd.s32 $0x2000, s0;
	s6 =	smul.u32 $0x139000, s2;
	s8 =	ssub.s32 $0x2, s2  }
0x9: {  	_ =	strace $0x80000047;
	s10 =	sshrl.u32 s8, $0x1;
	s15 =	sshrl.u32 s9, $0x2  }
0xa: {  	p0 =	seq.s32 s2, $0x0;
	s14 =	ssub.s32 s8, s10;
	s8 =	sadd.s32 s15, s3  }
0xb: {  	s2 =	sadd.s32 $0x2BC00, s11;
	s9 =	simm.s32 $0x57800;
	s16 =	sadd.s32 $0x1900, s8  }
0xc: {  	s6 =	sadd.s32 s5, s6;
	s17 =	sadd.s32 $0x3200, s8;
	[dreg:$0x4] =	wrdreg s16  }
0xd: {  	s5 =	sadd.s32 s5, s3;
	s18 =	sadd.s32 $0x4B00, s8;
	[dreg:$0x5] =	wrdreg s17  }
0xe: {  	s9 =	simm.s32 @!p0 $0x83400;
	s19 =	sadd.s32 $0x6400, s8;
	[dreg:$0x6] =	wrdreg s18  }
0xf: {  	s2 =	smov.u32 @p0 s11;
	s20 =	sadd.s32 $0x7D00, s8;
	[dreg:$0x7] =	wrdreg s19  }
0x10: {  	s10 =	simm.s32 $0x8;
	s21 =	sadd.s32 $0x9600, s8;
	[dreg:$0x8] =	wrdreg s20  }
0x11: {  	s6 =	sshrl.u32 s6, $0x3;
	s22 =	sadd.s32 $0xAF00, s8;
	[dreg:$0x9] =	wrdreg s21  }
0x12: {  	s23 =	sadd.s32 $0xC800, s8;
	s24 =	sadd.s32 $0xE100, s8;
	[dreg:$0xa] =	wrdreg s22  }
0x13: {  	s25 =	sadd.s32 $0xFA00, s8;
	s26 =	sadd.s32 s9, s11;
	[dreg:$0xb] =	wrdreg s23  }
0x14: {  	s2 =	sshrl.u32 s2, $0x3;
	s9 =	simm.s32 $0x7;
	[dreg:$0xc] =	wrdreg s24  }
0x15: {  	s11 =	simm.s32 $0x0;
	s0 =	sadd.s32 s6, s0;
	[dreg:$0xd] =	wrdreg s25  }
0x16: {  	s16 =	sadd.s32 $0x11300, s8;
	s17 =	sadd.s32 $0x12C00, s8;
	s19 =	smax.u32 s14, $0x1  }
.Ltmp0:
0x17: {  	s20 =	sadd.s32 s7, s2;
	s22 =	simm.s32 $0xA;
	(pc) =	sbr.rel .LBB2_1-.Ltmp0, $4  }
0x18: {  	s23 =	simm.s32 $0x2BC0;
	s24 =	simm.s32 $0x32;
	s25 =	simm.s32 $0x5780  }
0x19: {  	s2 =	simm.s32 $0x2;
	s6 =	simm.s32 $0x5;
	s8 =	simm.s32 $0x6  }
0x1a: {  	s18 =	sadd.s32 $0x17E00, s0;
	s0 =	sshrl.u32 s26, $0x3;
	s26 =	simm.s32 $0xA280  }
0x1b: {  	v0 =	vimm.f32 $0.0e+00;
	s21 =	sadd.s32 s7, s0;
	s0 =	simm.s32 $0x3;
	s7 =	simm.s32 $0x4  }
.LBB2_6:
0x1c: {  	_ =	swait.ge [sflag:s7], $0x1900  }
0x1d: {  	[sflag:s7] =	ssyncset.done $0x0  }
0x1e: {  	[sflag:s7] =	ssyncadd.s32 $0xFFFFE700  }
0x1f: {  	[spmem:s3] =	stream.indirect.scatter.add.f32 [tilespmem:s26], [sflag:$0x8], $0x80, s14, s24, $0xb8;
	[tilespmem:$0x1F480] =	vst v63  }
0x20: {  	_ =	swait.ge [sflag:s8], $0x1900  }
0x21: {  	[sflag:s8] =	ssyncset.done $0x0  }
0x22: {  	[sflag:s8] =	ssyncadd.s32 $0xFFFFE700  }
0x23: {  	_ =	swait.ge [sflag:s9], $0x1900  }
0x24: {  	[sflag:s9] =	ssyncset.done $0x0  }
0x25: {  	[sflag:s9] =	ssyncadd.s32 $0xFFFFE700  }
0x26: {  	s12 =	stileid.u32;
	_ =	swait.ge [sflag:s10], $0x1900  }
0x27: {  	s13 =	sshrl.u32 s5, $0x3;
	s11 =	sadd.s32 $0x1, s11;
	[sflag:s10] =	ssyncset.done $0x0  }
0x28: {  	s12 =	sshll.u32 s12, $0x6;
	p0 =	sne.s32 s11, s19;
	[sflag:s10] =	ssyncadd.s32 $0xFFFFE700  }
.Ltmp1:
0x29: {  	s12 =	sor.u32 $0x1C0A, s12;
	[bflag:$0x0] =	sbarrier.arrive $0xFFFF;
	(pc) =	sbr.rel @!p0 .LBB2_7-.Ltmp1, $4  }
0x2a: {  	[hbm:s18], [sflag:s12] =	dma.local [spmem:s13], $0x2720  }
0x2b: {  	_ =	swait.ge [sflag:s22], $0x2720  }
0x2c: {  	[sflag:s22] =	ssyncset.done $0x0  }
0x2d: {  	[sflag:s22] =	ssyncadd.s32 $0xFFFFD8E0  }
.LBB2_1:
0x2e: {  	[tilespmem:s4], [sflag:$0xA] =	stream.linear.gather [hbm4b:s20+s4], $0x2BC0, $0x38;
	[tilespmem:$0x1F480] =	vst v63  }
0x2f: {  	_ =	swait.ge [sflag:s22], $0x2BC0  }
0x30: {  	[sflag:s22] =	ssyncset.done $0x0  }
0x31: {  	[sflag:s22] =	ssyncadd.s32 $0xFFFFD440  }
0x32: {  	[tilespmem:s23], [sflag:$0xA] =	stream.linear.gather [hbm4b:s21+s4], $0x2BC0, $0x38;
	[tilespmem:$0x1F480] =	vst v63  }
0x33: {  	_ =	swait.ge [sflag:s22], $0x2BC0  }
0x34: {  	[sflag:s22] =	ssyncset.done $0x0  }
0x35: {  	[sflag:s22] =	ssyncadd.s32 $0xFFFFD440  }
0x36: {  	[tilespmem:s25], [sflag:$0x1] =	stream.indirect.gather [hbm4b:s1+s24], $0x80, s4, s24, $0xb8;
	[tilespmem:$0x1F480] =	vst v63  }
0x37: {  	s12 =	simm.s32 $0x38  }
0x38: {  	[tilespmem:s28], [sflag:$0x2] =	stream.indirect.gather [hbm4b:s1+s24], $0x80, s12, s24, $0xb8;
	[tilespmem:$0x1F480] =	vst v63  }
0x39: {  	s13 =	simm.s32 $0x200;
	s12 =	simm.s32 $0x0  }
.LBB2_2:
0x3a: {  	p0 =	sne.s32 s13, $0x6200;
	[tilespmem:s12+$0x89F0] =	vst v0  }
0x3b: {  	[tilespmem:s12+$0x8980] =	vst v0  }
0x3c: {  	[tilespmem:s12+$0x8990] =	vst v0  }
.Ltmp2:
0x3d: {  	[tilespmem:s12+$0x89A0] =	vst v0;
	(pc) =	sbr.rel @p0 .LBB2_2-.Ltmp2, $4  }
0x3e: {  	[tilespmem:s12+$0x89B0] =	vst v0  }
0x3f: {  	[tilespmem:s12+$0x89C0] =	vst v0  }
0x40: {  	[tilespmem:s12+$0x89D0] =	vst v0  }
0x41: {  	[tilespmem:s12+$0x89E0] =	vst v0;
	s12 =	sshra.s32 s13, $0x2;
	s13 =	sadd.s32 $0x200, s13  }
0x42: {  	[tilespmem:s12+$0x89F0] =	vst v0  }
0x43: {  	[tilespmem:s12+$0x8980] =	vst v0  }
0x44: {  	[tilespmem:s12+$0x8990] =	vst v0  }
0x45: {  	[tilespmem:s12+$0x89A0] =	vst v0  }
0x46: {  	[tilespmem:s12+$0x89B0] =	vst v0  }
0x47: {  	[tilespmem:s12+$0x89C0] =	vst v0  }
0x48: {  	[tilespmem:s12+$0x89D0] =	vst v0  }
0x49: {  	[tilespmem:s12+$0x89E0] =	vst v0  }
0x4a: {  	[spmem:s5] =	stream.linear.scatter [tilespmem:s29], [sflag:$0x9], $0x1900, $0x38;
	[tilespmem:$0x1F480] =	vst v63  }
0x4b: {  	s14 =	rddreg [dreg:$0x4]  }
0x4c: {  	[spmem:s14] =	stream.linear.scatter [tilespmem:s29], [sflag:$0x9], $0x1900, $0x38;
	[tilespmem:$0x1F480] =	vst v63  }
0x4d: {  	s15 =	rddreg [dreg:$0x5]  }
0x4e: {  	[spmem:s15] =	stream.linear.scatter [tilespmem:s29], [sflag:$0x9], $0x1900, $0x38;
	[tilespmem:$0x1F480] =	vst v63  }
0x4f: {  	s13 =	rddreg [dreg:$0x6]  }
0x50: {  	[spmem:s13] =	stream.linear.scatter [tilespmem:s29], [sflag:$0x9], $0x1900, $0x38;
	[tilespmem:$0x1F480] =	vst v63  }
0x51: {  	s14 =	rddreg [dreg:$0x7]  }
0x52: {  	[spmem:s14] =	stream.linear.scatter [tilespmem:s29], [sflag:$0x9], $0x1900, $0x38;
	[tilespmem:$0x1F480] =	vst v63  }
0x53: {  	s15 =	rddreg [dreg:$0x8]  }
0x54: {  	[spmem:s15] =	stream.linear.scatter [tilespmem:s29], [sflag:$0x9], $0x1900, $0x38;
	[tilespmem:$0x1F480] =	vst v63  }
0x55: {  	s13 =	rddreg [dreg:$0x9]  }
0x56: {  	[spmem:s13] =	stream.linear.scatter [tilespmem:s29], [sflag:$0x9], $0x1900, $0x38;
	[tilespmem:$0x1F480] =	vst v63  }
0x57: {  	s14 =	rddreg [dreg:$0xa]  }
0x58: {  	[spmem:s14] =	stream.linear.scatter [tilespmem:s29], [sflag:$0x9], $0x1900, $0x38;
	[tilespmem:$0x1F480] =	vst v63  }
0x59: {  	s15 =	rddreg [dreg:$0xb]  }
0x5a: {  	[spmem:s15] =	stream.linear.scatter [tilespmem:s29], [sflag:$0x9], $0x1900, $0x38;
	[tilespmem:$0x1F480] =	vst v63  }
0x5b: {  	s13 =	rddreg [dreg:$0xc]  }
0x5c: {  	[spmem:s13] =	stream.linear.scatter [tilespmem:s29], [sflag:$0x9], $0x1900, $0x38;
	[tilespmem:$0x1F480] =	vst v63  }
0x5d: {  	s14 =	rddreg [dreg:$0xd]  }
0x5e: {  	[spmem:s14] =	stream.linear.scatter [tilespmem:s29], [sflag:$0x9], $0x1900, $0x38;
	[tilespmem:$0x1F480] =	vst v63  }
0x5f: {  	_ = 	snop  }
0x60: {  	[spmem:s16] =	stream.linear.scatter [tilespmem:s29], [sflag:$0x9], $0x1900, $0x38;
	[tilespmem:$0x1F480] =	vst v63  }
0x61: {  	_ = 	snop  }
0x62: {  	[spmem:s17] =	stream.linear.scatter [tilespmem:s29], [sflag:$0x9], $0xD00, $0x38;
	[tilespmem:$0x1F480] =	vst v63  }
0x63: {  	_ =	swait.ge [sflag:s30], $0x1900  }
0x64: {  	[sflag:s30] =	ssyncset.done $0x0  }
0x65: {  	[sflag:s30] =	ssyncadd.s32 $0xFFFFE700  }
0x66: {  	_ =	swait.ge [sflag:s30], $0x1900  }
0x67: {  	[sflag:s30] =	ssyncset.done $0x0  }
0x68: {  	[sflag:s30] =	ssyncadd.s32 $0xFFFFE700  }
0x69: {  	_ =	swait.ge [sflag:s30], $0x1900  }
0x6a: {  	[sflag:s30] =	ssyncset.done $0x0  }
0x6b: {  	[sflag:s30] =	ssyncadd.s32 $0xFFFFE700  }
0x6c: {  	_ =	swait.ge [sflag:s30], $0x1900  }
0x6d: {  	[sflag:s30] =	ssyncset.done $0x0  }
0x6e: {  	[sflag:s30] =	ssyncadd.s32 $0xFFFFE700  }
0x6f: {  	_ =	swait.ge [sflag:s30], $0x1900  }
0x70: {  	[sflag:s30] =	ssyncset.done $0x0  }
0x71: {  	[sflag:s30] =	ssyncadd.s32 $0xFFFFE700  }
0x72: {  	_ =	swait.ge [sflag:s30], $0x1900  }
0x73: {  	[sflag:s30] =	ssyncset.done $0x0  }
0x74: {  	[sflag:s30] =	ssyncadd.s32 $0xFFFFE700  }
0x75: {  	_ =	swait.ge [sflag:s30], $0x1900  }
0x76: {  	[sflag:s30] =	ssyncset.done $0x0  }
0x77: {  	[sflag:s30] =	ssyncadd.s32 $0xFFFFE700  }
0x78: {  	_ =	swait.ge [sflag:s30], $0x1900  }
0x79: {  	[sflag:s30] =	ssyncset.done $0x0  }
0x7a: {  	[sflag:s30] =	ssyncadd.s32 $0xFFFFE700  }
0x7b: {  	_ =	swait.ge [sflag:s30], $0x1900  }
0x7c: {  	[sflag:s30] =	ssyncset.done $0x0  }
0x7d: {  	[sflag:s30] =	ssyncadd.s32 $0xFFFFE700  }
0x7e: {  	_ =	swait.ge [sflag:s30], $0x1900  }
0x7f: {  	[sflag:s30] =	ssyncset.done $0x0  }
0x80: {  	[sflag:s30] =	ssyncadd.s32 $0xFFFFE700  }
0x81: {  	_ =	swait.ge [sflag:s30], $0x1900  }
0x82: {  	[sflag:s30] =	ssyncset.done $0x0  }
0x83: {  	[sflag:s30] =	ssyncadd.s32 $0xFFFFE700  }
0x84: {  	_ =	swait.ge [sflag:s30], $0x1900  }
0x85: {  	[sflag:s30] =	ssyncset.done $0x0  }
0x86: {  	[sflag:s30] =	ssyncadd.s32 $0xFFFFE700  }
0x87: {  	_ =	swait.ge [sflag:s30], $0xD00  }
0x88: {  	[sflag:s30] =	ssyncset.done $0x0  }
0x89: {  	[sflag:s30] =	ssyncadd.s32 $0xFFFFF300  }
0x8a: {  	[bflag:$0x0] =	sbarrier.arrive $0xFFFF  }
0x8b: {  	_ =	swait.ge [sflag:s31], $0x1900  }
0x8c: {  	[sflag:s31] =	ssyncset.done $0x0  }
0x8d: {  	[sflag:s31] =	ssyncadd.s32 $0xFFFFE700  }
0x8e: {  	[spmem:s3] =	stream.indirect.scatter.add.f32 [tilespmem:s25], [sflag:$0x5], $0x80, s23, s24, $0xb8;
	[tilespmem:$0x1F480] =	vst v63  }
0x8f: {  	s15 =	simm.s32 $0x70  }
0x90: {  	[tilespmem:s29], [sflag:$0x3] =	stream.indirect.gather [hbm4b:s1+s24], $0x80, s15, s24, $0xb8;
	[tilespmem:$0x1F480] =	vst v63  }
0x91: {  	_ =	swait.ge [sflag:s2], $0x1900  }
0x92: {  	[sflag:s2] =	ssyncset.done $0x0  }
0x93: {  	s13 =	simm.s32 $0x2BF8;
	[sflag:s2] =	ssyncadd.s32 $0xFFFFE700  }
0x94: {  	[spmem:s3] =	stream.indirect.scatter.add.f32 [tilespmem:s28], [sflag:$0x6], $0x80, s13, s24, $0xb8;
	[tilespmem:$0x1F480] =	vst v63  }
0x95: {  	s14 =	simm.s32 $0xA8  }
0x96: {  	[tilespmem:s26], [sflag:$0x4] =	stream.indirect.gather [hbm4b:s1+s24], $0x80, s14, s24, $0xb8;
	[tilespmem:$0x1F480] =	vst v63  }
0x97: {  	_ =	swait.ge [sflag:s0], $0x1900  }
0x98: {  	[sflag:s0] =	ssyncset.done $0x0  }
0x99: {  	s15 =	simm.s32 $0x2C30;
	[sflag:s0] =	ssyncadd.s32 $0xFFFFE700  }
0x9a: {  	[spmem:s3] =	stream.indirect.scatter.add.f32 [tilespmem:s29], [sflag:$0x7], $0x80, s15, s24, $0xb8;
	[tilespmem:$0x1F480] =	vst v63  }
0x9b: {  	_ =	swait.ge [sflag:s6], $0x1900  }
0x9c: {  	[sflag:s6] =	ssyncset.done $0x0  }
0x9d: {  	s13 =	simm.s32 $0xE0;
	[sflag:s6] =	ssyncadd.s32 $0xFFFFE700  }
0x9e: {  	[tilespmem:s25], [sflag:$0x1] =	stream.indirect.gather [hbm4b:s1+s24], $0x80, s13, s24, $0xb8;
	[tilespmem:$0x1F480] =	vst v63  }
0x9f: {  	_ =	swait.ge [sflag:s7], $0x1900  }
0xa0: {  	[sflag:s7] =	ssyncset.done $0x0  }
0xa1: {  	s14 =	simm.s32 $0x2C68;
	[sflag:s7] =	ssyncadd.s32 $0xFFFFE700  }
0xa2: {  	[spmem:s3] =	stream.indirect.scatter.add.f32 [tilespmem:s26], [sflag:$0x8], $0x80, s14, s24, $0xb8;
	[tilespmem:$0x1F480] =	vst v63  }
0xa3: {  	_ =	swait.ge [sflag:s8], $0x1900  }
0xa4: {  	[sflag:s8] =	ssyncset.done $0x0  }
0xa5: {  	s12 =	simm.s32 $0x0;
	s15 =	simm.s32 $0x118;
	[sflag:s8] =	ssyncadd.s32 $0xFFFFE700  }
0xa6: {  	[tilespmem:s28], [sflag:$0x2] =	stream.indirect.gather [hbm4b:s1+s24], $0x80, s15, s24, $0xb8;
	[tilespmem:$0x1F480] =	vst v63  }
.LBB2_4:
0xa7: {  	_ =	swait.ge [sflag:s31], $0x1900  }
0xa8: {  	s13 =	sshra.s32 s12, $0x2;
	[sflag:s31] =	ssyncset.done $0x0  }
0xa9: {  	s14 =	sadd.s32 $0x2CA0, s13;
	[sflag:s31] =	ssyncadd.s32 $0xFFFFE700  }
0xaa: {  	[spmem:s3] =	stream.indirect.scatter.add.f32 [tilespmem:s25], [sflag:$0x5], $0x80, s14, s24, $0xb8;
	[tilespmem:$0x1F480] =	vst v63  }
0xab: {  	_ =	swait.ge [sflag:s9], $0x1900  }
0xac: {  	[sflag:s9] =	ssyncset.done $0x0  }
0xad: {  	s15 =	sadd.s32 $0x150, s13;
	[sflag:s9] =	ssyncadd.s32 $0xFFFFE700  }
0xae: {  	[tilespmem:s29], [sflag:$0x3] =	stream.indirect.gather [hbm4b:s1+s24], $0x80, s15, s24, $0xb8;
	[tilespmem:$0x1F480] =	vst v63  }
0xaf: {  	_ =	swait.ge [sflag:s2], $0x1900  }
0xb0: {  	[sflag:s2] =	ssyncset.done $0x0  }
0xb1: {  	s15 =	sadd.s32 $0x2CD8, s13;
	[sflag:s2] =	ssyncadd.s32 $0xFFFFE700  }
0xb2: {  	[spmem:s3] =	stream.indirect.scatter.add.f32 [tilespmem:s28], [sflag:$0x6], $0x80, s15, s24, $0xb8;
	[tilespmem:$0x1F480] =	vst v63  }
0xb3: {  	_ =	swait.ge [sflag:s10], $0x1900  }
0xb4: {  	[sflag:s10] =	ssyncset.done $0x0  }
0xb5: {  	s15 =	sadd.s32 $0x188, s13;
	[sflag:s10] =	ssyncadd.s32 $0xFFFFE700  }
0xb6: {  	[tilespmem:s26], [sflag:$0x4] =	stream.indirect.gather [hbm4b:s1+s24], $0x80, s15, s24, $0xb8;
	[tilespmem:$0x1F480] =	vst v63  }
0xb7: {  	_ =	swait.ge [sflag:s0], $0x1900  }
0xb8: {  	p0 =	seq.s32 s12, $0xA800;
	[sflag:s0] =	ssyncset.done $0x0  }
.Ltmp3:
0xb9: {  	s15 =	sadd.s32 $0x2D10, s13;
	[sflag:s0] =	ssyncadd.s32 $0xFFFFE700;
	(pc) =	sbr.rel @p0 .LBB2_6-.Ltmp3, $4  }
0xba: {  	[spmem:s3] =	stream.indirect.scatter.add.f32 [tilespmem:s29], [sflag:$0x7], $0x80, s15, s24, $0xb8;
	[tilespmem:$0x1F480] =	vst v63  }
0xbb: {  	_ =	swait.ge [sflag:s6], $0x1900  }
0xbc: {  	[sflag:s6] =	ssyncset.done $0x0  }
0xbd: {  	s14 =	sadd.s32 $0x2D48, s13;
	[sflag:s6] =	ssyncadd.s32 $0xFFFFE700  }
0xbe: {  	s15 =	sadd.s32 $0x1C0, s13  }
0xbf: {  	[tilespmem:s25], [sflag:$0x1] =	stream.indirect.gather [hbm4b:s1+s24], $0x80, s15, s24, $0xb8;
	[tilespmem:$0x1F480] =	vst v63  }
0xc0: {  	_ =	swait.ge [sflag:s7], $0x1900  }
0xc1: {  	[sflag:s7] =	ssyncset.done $0x0  }
0xc2: {  	[sflag:s7] =	ssyncadd.s32 $0xFFFFE700  }
0xc3: {  	[spmem:s3] =	stream.indirect.scatter.add.f32 [tilespmem:s26], [sflag:$0x8], $0x80, s14, s24, $0xb8;
	[tilespmem:$0x1F480] =	vst v63  }
.Ltmp4:
0xc4: {  	_ = 	snop;
	(pc) =	sbr.rel .LBB2_4-.Ltmp4, $4  }
0xc5: {  	_ =	swait.ge [sflag:s8], $0x1900  }
0xc6: {  	[sflag:s8] =	ssyncset.done $0x0  }
0xc7: {  	s12 =	sadd.s32 $0x380, s12;
	s15 =	sadd.s32 $0x1F8, s13;
	[sflag:s8] =	ssyncadd.s32 $0xFFFFE700  }
0xc8: {  	[tilespmem:s28], [sflag:$0x2] =	stream.indirect.gather [hbm4b:s1+s24], $0x80, s15, s24, $0xb8;
	[tilespmem:$0x1F480] =	vst v63  }
.LBB2_7:
0xc9: {  	_ =	sfence.sel $0x180000  }
0xca: {  	[bflag:$0x0] =	sbarrier.arrive $0xFFFF  }
0xcb: {  	_ =	strace $0x90000047  }
0xcc: {  	s0 =	stileid.u32;
	[bflag:$0x2] =	sbarrier.arrive $0xFFFF  }
0xcd: {  	p0 =	sne.s32 s0, $0x0;
	s0 =	rddreg [dreg:$0x3]  }
0xce: {  	s0 =	sadd.s32 @!p0 $0x100000, s0  }
0xcf: {  	[sflag:s0] =	ssyncadd.tile.s32 @!p0 $0x1;
	_ =	shalt  }
.Lfunc_end2:
_tile_overlayer_lowered:
.L_overlay_start_2:
0xd0: {  	(tag) =	ssettag $0x2  }
0xd1: {  	s0 =	rddreg [dreg:$0x0];
	s2 =	stileid.u32  }
0xd2: {  	s1 =	rddreg [dreg:$0x1];
	p0 =	sne.s32 s2, $0x0  }
0xd3: {  	s3 =	rddreg [dreg:$0x2];
	[bflag:$0x3] =	sbarrier.arrive $0xFFFF;
	s2 =	simm.s32 @!p0 $0x1C0A  }
0xd4: {  	[timem:s3], [sflag:s2] =	dma.local @!p0 [hbm:s0], s1  }
0xd5: {  	s0 =	simm.s32 @!p0 $0xA  }
0xd6: {  	_ =	swait.ge @!p0 [sflag:s0], s1  }
0xd7: {  	s1 =	ssub.s32 @!p0 $0x0, s1;
	[sflag:s0] =	ssyncset.done @!p0 $0x0  }
0xd8: {  	[sflag:s0] =	ssyncadd.s32 @!p0 s1  }
0xd9: {  	[bflag:$0x3] =	sbarrier.arrive $0xFFFF  }
0xda: {  	_ =	shalt  }

// kernel: kernel.9.cloned.1.call-start
scs
__scs_entry_jumppad:
0x0: {  	(pc) =	sbr.rel $0x88, $3  }
0x1: {  	(tag) =	ssettag $0x0;
	lr =	simm.s32 $0x1  }
0x2: {  	[smem:$0x3F99] =	sst lr;
	_ =	strace $0xD0000000  }
0x3: {  	_ = 	snop  }
0x4: {  	_ = 	snop  }
0x5: {  	_ = 	snop  }
0x6: {  	_ = 	snop  }
0x7: {  	_ = 	snop  }
__scs_overlays_trampoline_lowered:
0x8: {  	[smem:$0x3FA8] =	sst s0  }
0x9: {  	[smem:$0x3FA9] =	sst s1  }
0xa: {  	[smem:$0x3FAA] =	sst s2  }
0xb: {  	[smem:$0x3FAB] =	sst s3  }
0xc: {  	[smem:$0x3FAC] =	sst s4  }
0xd: {  	[smem:$0x3FAD] =	sst s5  }
0xe: {  	[smem:$0x3FAE] =	sst s6  }
0xf: {  	[smem:$0x3FAF] =	sst s7  }
0x10: {  	[smem:$0x3FB0] =	sst s8  }
0x11: {  	[smem:$0x3FB1] =	sst s9;
	s0 =	simm.s32 @!p0 $0x0  }
0x12: {  	s1 =	sld [smem:$0x3F97];
	s0 =	simm.s32 @p0 $0x1  }
0x13: {  	[smem:$0x3FB2] =	sst s0;
	s0 =	simm.s32 @!p1 $0x0  }
0x14: {  	s2 =	sld [smem:$0x3F96];
	s0 =	simm.s32 @p1 $0x1  }
0x15: {  	[smem:$0x3FB3] =	sst s0;
	s0 =	simm.s32 @!p2 $0x0  }
0x16: {  	s3 =	sld [smem:$0x3FDB];
	s0 =	simm.s32 @p2 $0x1  }
0x17: {  	s4 =	simm.s32 $0x1BF5;
	[smem:$0x3FB5] =	sst s0  }
0x18: {  	s0 =	sld [smem:$0x3F98];
	_ =	swait.ge [sflag:s4], $0x0  }
0x19: {  	s7 =	sld [smem:$0x3F99]  }
0x1a: {  	s8 =	sadd.s32 $0xFFFFE003, lr  }
0x1b: {  	s9 =	sadd.s32 $0xFFFFFEF7, lr;
	s5 =	simm.s32 $0xFFFFFFFF;
	p2 =	slt.u32 s8, $0xFFFFF086  }
0x1c: {  	p1 =	slt.u32 s9, $0xF7A;
	s5 =	simm.s32 @!p2 $0x0  }
0x1d: {  	s5 =	simm.s32 @p1 $0x1;
	p0 =	seq.s32 s7, s2  }
0x1e: {  	s7 =	smul.u32 @!p0 $0xF7A, s2;
	p2 =	seq.s32 @!p0 s5, $0x0  }
0x1f: {  	s9 =	smul.u32 $0xF7A, s1;
	s8 =	simm.s32 @!p0 $0x1BF5;
	p2 =	por !p2, p0  }
0x20: {  	[sflag:s8] =	ssyncset.s32 @!p0 $0xFFFFF086;
	s6 =	sadd.s32 @!p0 s3, s7;
	s7 =	simm.s32 @!p0 $0x108  }
0x21: {  	s3 =	sadd.s32 s3, s9;
	s6 =	sadd.s32 @!p0 $0x88, s6;
	s7 =	simm.s32 @p2 $0x1082  }
0x22: {  	[simem:s7], [sflag:s8] =	dma.local @!p0 [hbm:s6], $0xF7A  }
0x23: {  	s9 =	sor.u32 $0xD0000000, s2;
	s6 =	simm.s32 $0x108;
	_ =	swait.ge @!p0 [sflag:s8], $0x0  }
0x24: {  	s3 =	sadd.s32 $0x88, s3;
	s6 =	simm.s32 @!p1 $0x1082;
	[sflag:s4] =	ssyncset.s32 $0xFFFFF086  }
0x25: {  	[simem:s6], [sflag:s4] =	dma.local [hbm:s3], $0xF7A  }
0x26: {  	[smem:$0x3F99] =	sst s1;
	(tag) =	ssettag s2;
	_ =	strace s9  }
0x27: {  	s1 =	sld [smem:$0x3FA9]  }
0x28: {  	s2 =	sld [smem:$0x3FAA]  }
0x29: {  	s4 =	sld [smem:$0x3FAC]  }
0x2a: {  	p0 =	seq.s32 s5, $0x0;
	s5 =	sld [smem:$0x3FAD]  }
0x2b: {  	s6 =	sld [smem:$0x3FAE]  }
0x2c: {  	s7 =	sld [smem:$0x3FAF]  }
0x2d: {  	s3 =	simm.s32 $0x108;
	s8 =	sld [smem:$0x3FB0]  }
0x2e: {  	s3 =	simm.s32 @!p0 $0x1082;
	s9 =	sld [smem:$0x3FB1]  }
0x2f: {  	lr =	sadd.s32 s0, s3;
	s0 =	sld [smem:$0x3FA8]  }
0x30: {  	s3 =	sld [smem:$0x3FAB]  }
0x31: {  	[smem:$0x3FB4] =	sst s10  }
0x32: {  	s10 =	sld [smem:$0x3FB2];
	_ =	sdelay $0x3  }
0x33: {  	p0 =	seq.s32 s10, $0x1;
	s10 =	sld [smem:$0x3FB4];
	_ =	sdelay $0x3  }
0x34: {  	[smem:$0x3FB4] =	sst s10  }
0x35: {  	s10 =	sld [smem:$0x3FB3];
	_ =	sdelay $0x3  }
0x36: {  	p1 =	seq.s32 s10, $0x1;
	s10 =	sld [smem:$0x3FB4];
	_ =	sdelay $0x3  }
0x37: {  	[smem:$0x3FB4] =	sst s10  }
0x38: {  	s10 =	sld [smem:$0x3FB5]  }
0x39: {  	_ = 	snop;
	(pc) =	sbr.ind lr, $3  }
0x3a: {  	_ = 	snop  }
0x3b: {  	_ = 	snop  }
0x3c: {  	p2 =	seq.s32 s10, $0x1;
	s10 =	sld [smem:$0x3FB4]  }
0x3d: {  	_ =	shalt  }
0x3e: {  	_ =	shalt  }
0x3f: {  	_ =	shalt  }
0x40: {  	_ =	shalt  }
0x41: {  	_ =	shalt  }
0x42: {  	_ =	shalt  }
0x43: {  	_ =	shalt  }
0x44: {  	_ =	shalt  }
0x45: {  	_ =	shalt  }
0x46: {  	_ =	shalt  }
0x47: {  	_ =	shalt  }
0x48: {  	_ =	shalt  }
0x49: {  	_ =	shalt  }
0x4a: {  	_ =	shalt  }
0x4b: {  	_ =	shalt  }
0x4c: {  	_ =	shalt  }
0x4d: {  	_ =	shalt  }
0x4e: {  	_ =	shalt  }
0x4f: {  	_ =	shalt  }
0x50: {  	_ =	shalt  }
0x51: {  	_ =	shalt  }
0x52: {  	_ =	shalt  }
0x53: {  	_ =	shalt  }
0x54: {  	_ =	shalt  }
0x55: {  	_ =	shalt  }
0x56: {  	_ =	shalt  }
0x57: {  	_ =	shalt  }
0x58: {  	_ =	shalt  }
0x59: {  	_ =	shalt  }
0x5a: {  	_ =	shalt  }
0x5b: {  	_ =	shalt  }
0x5c: {  	_ =	shalt  }
0x5d: {  	_ =	shalt  }
0x5e: {  	_ =	shalt  }
0x5f: {  	_ =	shalt  }
0x60: {  	_ =	shalt  }
0x61: {  	_ =	shalt  }
0x62: {  	_ =	shalt  }
0x63: {  	_ =	shalt  }
0x64: {  	_ =	shalt  }
0x65: {  	_ =	shalt  }
0x66: {  	_ =	shalt  }
0x67: {  	_ =	shalt  }
0x68: {  	_ =	shalt  }
0x69: {  	_ =	shalt  }
0x6a: {  	_ =	shalt  }
0x6b: {  	_ =	shalt  }
0x6c: {  	_ =	shalt  }
0x6d: {  	_ =	shalt  }
0x6e: {  	_ =	shalt  }
0x6f: {  	_ =	shalt  }
0x70: {  	_ =	shalt  }
0x71: {  	_ =	shalt  }
0x72: {  	_ =	shalt  }
0x73: {  	_ =	shalt  }
0x74: {  	_ =	shalt  }
0x75: {  	_ =	shalt  }
0x76: {  	_ =	shalt  }
0x77: {  	_ =	shalt  }
0x78: {  	_ =	shalt  }
0x79: {  	_ =	shalt  }
0x7a: {  	_ =	shalt  }
0x7b: {  	_ =	shalt  }
0x7c: {  	_ =	shalt  }
0x7d: {  	_ =	shalt  }
0x7e: {  	_ =	shalt  }
0x7f: {  	_ =	shalt  }
0x80: {  	_ =	shalt  }
0x81: {  	_ =	shalt  }
0x82: {  	_ =	shalt  }
0x83: {  	_ =	shalt  }
0x84: {  	_ =	shalt  }
0x85: {  	_ =	shalt  }
0x86: {  	_ =	shalt  }
0x87: {  	_ =	shalt  }
.Lfunc_end0:
.L_simem_size_0:
called_computation.1_lowered:
.L_overlay_start_0:
0x88: {  	s2 =	sld [smem:$0x3FD9]  }
0x89: {  	s3 =	sld [smem:$0x3FFE];
	_ =	sdelay $0x1  }
0x8a: {  	s1 =	srdreg.scid  }
0x8b: {  	s0 =	sand.u32 $0x1, s1  }
0x8c: {  	s16 =	sshll.u32 s0, $0xA;
	s2 =	sadd.s32 s3, s2  }
0x8d: {  	s2 =	sadd.s32 s2, s16  }
0x8e: {  	[smem:$0x3FC0] =	sst s2  }
0x8f: {  	_ = 	snop  }
0x90: {  	(tm) =	ssettm $0x1  }
0x91: {  	s17 =	sld [smem:$0x3FFB];
	_ =	sdelay $0x3  }
0x92: {  	_ =	strace s17  }
0x93: {  	s2 =	sld [smem:$0x3FFC];
	_ =	sdelay $0x3  }
0x94: {  	_ =	strace s2  }
0x95: {  	s2 =	sld [smem:$0x3FFD];
	_ =	sdelay $0x3  }
0x96: {  	_ =	strace s2  }
0x97: {  	_ =	strace $0x8FFFFFFF  }
0x98: {  	s18 =	sld [smem:$0x3FDB];
	_ =	sdelay $0x1  }
0x99: {  	s19 =	simm.s32 $_scs_section_size  }
0x9a: {  	s4 =	simm.s32 $_size__tile_overlayer_lowered;
	s5 =	simm.s32 $_tile_overlayer_lowered  }
0x9b: {  	s22 =	simm.s32 $0x1BFF;
	s21 =	sshll.u32 s5, $0x1;
	s2 =	sadd.s32 s19, s18  }
0x9c: {  	s6 =	simm.s32 $0x0;
	s20 =	sshll.u32 s4, $0x1;
	s4 =	sadd.s32 s21, s2  }
0x9d: {  	[timem:s6], [sflag:s22] =	dma.local [hbm:s4], s20  }
0x9e: {  	_ =	swait.ge [sflag:s22], s20  }
0x9f: {  	s3 =	ssub.s32 $0x0, s20;
	[sflag:s22] =	ssyncset.done $0x0  }
0xa0: {  	[sflag:s22] =	ssyncadd.s32 s3;
	_ =	sdelay $0x1  }
0xa1: {  	s23 =	simm.s32 $0x1B8B  }
0xa2: {  	_ =	swait.ge [sflag:s23], $0x1  }
0xa3: {  	[sflag:s23] =	ssyncset.done $0x0  }
0xa4: {  	s25 =	simm.s32 $0x1B8E;
	s24 =	sld [smem:$0x3FFE];
	[sflag:s23] =	ssyncadd.s32 $0xFFFFFFFF  }
0xa5: {  	s26 =	simm.s32 $execute0_lowered;
	[smem:$0x3FD2] =	sst s25  }
0xa6: {  	s4 =	sshll.u32 s26, $0x1;
	_ =	strace $0x80000049;
	[dreg:$0x1] =	wrdreg $0xFFFFFFFF  }
0xa7: {  	s28 =	simm.s32 $_size_execute0_lowered;
	s2 =	sadd.s32 s2, s4;
	[dreg:$0x0] =	wrdreg $0x0  }
0xa8: {  	s4 =	sshll.u32 s28, $0x1;
	[dreg:$0x2] =	wrdreg s2  }
0xa9: {  	[dreg:$0x3] =	wrdreg s4  }
0xaa: {  	[dreg:$0x4] =	wrdreg $0xC0  }
0xab: {  	_ =	task [dreg:s6], $0x5FFFF  }
0xac: {  	[dreg:$0x1] =	wrdreg $0xFFFFFFFF  }
0xad: {  	[dreg:$0x0] =	wrdreg $0x60  }
0xae: {  	[dreg:$0x2] =	wrdreg s24  }
0xaf: {  	[dreg:$0x3] =	wrdreg $0x8E800  }
0xb0: {  	[dreg:$0x4] =	wrdreg $0x9  }
0xb1: {  	_ =	task.clear_ibuf [dreg:s6], $0x5FFFF;
	_ =	strace $0x90000049  }
0xb2: {  	s29 =	simm.s32 $0x9;
	_ =	strace $0x8000004B  }
0xb3: {  	_ =	swait.ge [sflag:s29], $0x1  }
0xb4: {  	[sflag:s29] =	ssyncadd.s32 $0xFFFFFFFF  }
0xb5: {  	_ =	strace $0x9000004B  }
0xb6: {  	_ =	sfence  }
0xb7: {  	s30 =	sld [smem:$0x0];
	_ =	sdelay $0x2  }
0xb8: {  	s31 =	sshll.u32 s1, $0xD;
	s1 =	sshrl.u32 s1, $0x2  }
0xb9: {  	s3 =	sand.u32 $0x4000, s31;
	s1 =	sadd.s32 s1, s30  }
0xba: {  	s0 =	sor.u32 s3, s0;
	s1 =	sshll.u32 s1, $0x11  }
0xbb: {  	s0 =	sor.u32 s1, s0  }
0xbc: {  	s0 =	sadd.s32 $0x8F2B, s0  }
0xbd: {  	[sflag:s0] =	ssyncadd.remote.s32 $0x1  }
0xbe: {  	_ =	sfence.sel $0xFFFF  }
0xbf: {  	[dreg:$0x0] =	wrdreg $0xFFFFFFFF;
	(pc) =	sbr.abs _section_cstart, $3  }
0xc0: {  	[dreg:$0x1] =	wrdreg $0xFFFFFFFF  }
0xc1: {  	_ =	task.clear_ibuf [dreg:s6], $0x2FFFF;
	_ =	strace $0x9FFFFFFF  }
0xc2: {  	(tm) =	ssettm $0x7FFFFFFF  }
0xc3: {  	_ =	shalt  }
tec
execute0_lowered:
.L_overlay_start_1:
0x0: {  	(tag) =	ssettag $0x1  }
0x1: {  	s0 =	rddreg [dreg:$0x0]  }
0x2: {  	s2 =	rddreg [dreg:$0x1];
	s11 =	stileid.u32;
	s4 =	simm.s32 $0x0  }
0x3: {  	s3 =	srdreg.scid;
	s28 =	simm.s32 $0x1;
	s29 =	simm.s32 $0x6F40  }
0x4: {  	s30 =	simm.s32 $0x2;
	s31 =	simm.s32 $0x7710;
	s12 =	simm.s32 $0xB  }
0x5: {  	s13 =	simm.s32 $0x11;
	s14 =	simm.s32 $0x0;
	s1 =	smul.u32 $0x2720, s11  }
0x6: {  	[smem:$0x7FF] =	sst s4;
	s3 =	sand.u32 $0x1, s3;
	s9 =	smul.u32 $0x9C80, s11  }
0x7: {  	s4 =	sadd.s32 $0x7000, s0;
	s7 =	sadd.s32 $0x66200, s0;
	s11 =	smul.u32 $0x2800, s11  }
0x8: {  	_ =	strace $0x8000004A;
	s6 =	smul.u32 $0x27200, s3;
	s8 =	ssub.s32 $0x2, s3  }
0x9: {  	p0 =	seq.s32 s3, $0x0;
	s5 =	sshrl.u32 s1, $0x3;
	s10 =	sshrl.u32 s8, $0x1  }
0xa: {  	s18 =	sshrl.u32 s9, $0x2;
	s9 =	sadd.s32 $0x28000, s11;
	s5 =	sadd.s32 s5, s0  }
0xb: {  	s6 =	sadd.s32 s1, s6;
	s17 =	ssub.s32 s8, s10;
	s8 =	sadd.s32 s18, s2  }
0xc: {  	s1 =	sadd.s32 s1, s2;
	s9 =	smov.u32 @p0 s11;
	[dreg:$0x3] =	wrdreg s8  }
0xd: {  	s10 =	simm.s32 $0x7;
	s19 =	sadd.s32 $0x7D0, s8;
	[dreg:$0x9] =	wrdreg s1  }
0xe: {  	s18 =	simm.s32 $0x8;
	s20 =	sadd.s32 $0xFA0, s8;
	[dreg:$0x4] =	wrdreg s19  }
0xf: {  	s6 =	sshrl.u32 s6, $0x3;
	s21 =	sadd.s32 $0x1770, s8;
	[dreg:$0x5] =	wrdreg s20  }
0x10: {  	s22 =	sadd.s32 $0x1F40, s8;
	s8 =	sadd.s32 $0x2710, s8;
	[dreg:$0x6] =	wrdreg s21  }
0x11: {  	s23 =	sadd.s32 $0x2000, s5;
	s25 =	smax.u32 s17, $0x1;
	[dreg:$0x7] =	wrdreg s22  }
0x12: {  	s26 =	sshrl.u32 s9, $0x3;
	s17 =	simm.s32 $0x12;
	[dreg:$0x8] =	wrdreg s8  }
0x13: {  	s9 =	simm.s32 $0x9;
	s0 =	sadd.s32 s6, s0;
	[dreg:$0xa] =	wrdreg s23  }
0x14: {  	s8 =	simm.s32 $0x50000;
	[dreg:$0xc] =	wrdreg s25;
	s1 =	sadd.s32 s7, s26  }
0x15: {  	s19 =	simm.s32 $0x7D;
	s20 =	simm.s32 $0x5000;
	s22 =	simm.s32 $0x57D0  }
0x16: {  	s26 =	simm.s32 $0x6770;
	s6 =	simm.s32 $0x4;
	s21 =	simm.s32 $0xC  }
.Ltmp0:
0x17: {  	s8 =	simm.s32 @!p0 $0x78000;
	s0 =	sadd.s32 $0xC000, s0;
	(pc) =	sbr.rel .LBB2_1-.Ltmp0, $4  }
0x18: {  	[dreg:$0xd] =	wrdreg s1;
	p0 =	sne.s32 s3, $0x0;
	s24 =	sadd.s32 s8, s11  }
0x19: {  	s1 =	simm.s32 $0x7EE0;
	[dreg:$0xb] =	wrdreg s0;
	s0 =	sshrl.u32 s24, $0x3  }
0x1a: {  	s8 =	simm.s32 $0x5;
	s24 =	simm.s32 $0x5FA0;
	s0 =	sadd.s32 s7, s0  }
0x1b: {  	v0 =	vimm.f32 $0.0e+00;
	s7 =	simm.s32 $0x86B0;
	[dreg:$0xe] =	wrdreg s0;
	s0 =	simm.s32 $0x3  }
.LBB2_9:
0x1c: {  	_ =	swait.ge [sflag:s18], $0x7D0  }
0x1d: {  	[sflag:s18] =	ssyncset.done $0x0  }
0x1e: {  	[sflag:s18] =	ssyncadd.s32 $0xFFFFF830  }
0x1f: {  	[spmem:s2] =	stream.indirect.scatter.add.f32 [tilespmem:s7], [sflag:$0x10], $0x10, s25, s19, $0xb8;
	[tilespmem:$0xB5A0] =	vst v63  }
0x20: {  	_ =	swait.ge [sflag:s21], $0x7D0  }
0x21: {  	[sflag:s21] =	ssyncset.done $0x0  }
0x22: {  	s3 =	simm.s32 $0xD;
	[sflag:s21] =	ssyncadd.s32 $0xFFFFF830  }
0x23: {  	_ =	swait.ge [sflag:s3], $0x7D0  }
0x24: {  	[sflag:s3] =	ssyncset.done $0x0  }
0x25: {  	s5 =	simm.s32 $0xE;
	[sflag:s3] =	ssyncadd.s32 $0xFFFFF830  }
0x26: {  	_ =	swait.ge [sflag:s5], $0x7D0  }
0x27: {  	[sflag:s5] =	ssyncset.done $0x0  }
0x28: {  	s11 =	simm.s32 $0xF;
	[sflag:s5] =	ssyncadd.s32 $0xFFFFF830  }
0x29: {  	_ =	swait.ge [sflag:s11], $0x7D0  }
0x2a: {  	[sflag:s11] =	ssyncset.done $0x0  }
0x2b: {  	s15 =	simm.s32 $0x10;
	[sflag:s11] =	ssyncadd.s32 $0xFFFFF830  }
0x2c: {  	_ =	swait.ge [sflag:s15], $0x7D0  }
0x2d: {  	[sflag:s15] =	ssyncset.done $0x0  }
0x2e: {  	[sflag:s15] =	ssyncadd.s32 $0xFFFFF830  }
0x2f: {  	[bflag:$0x0] =	sbarrier.arrive $0xFFFF  }
0x30: {  	s23 =	rddreg [dreg:$0xb]  }
0x31: {  	s5 =	rddreg [dreg:$0xf]  }
0x32: {  	[hbm:s23], [sflag:s16] =	dma.local [spmem:s5], $0x4E4  }
0x33: {  	_ =	swait.ge [sflag:s17], $0x4E4  }
0x34: {  	s14 =	sadd.s32 $0x1, s14;
	s25 =	rddreg [dreg:$0xc]  }
0x35: {  	p1 =	sne.s32 s14, s25  }
.Ltmp1:
0x36: {  	_ = 	snop;
	(pc) =	sbr.rel @!p1 .LBB2_10-.Ltmp1, $3  }
0x37: {  	_ =	sdelay $0x1  }
0x38: {  	[sflag:s17] =	ssyncset.done $0x0  }
0x39: {  	[sflag:s17] =	ssyncadd.s32 $0xFFFFFB1C  }
.LBB2_1:
0x3a: {  	s3 =	simm.s32 $0x0;
	s5 =	rddreg [dreg:$0xd]  }
0x3b: {  	[tilespmem:s3], [sflag:$0x12] =	stream.linear.gather [hbm4b:s5+s3], $0x2800, $0x38;
	[tilespmem:$0xB5A0] =	vst v63  }
0x3c: {  	_ =	swait.ge [sflag:s17], $0x2800  }
0x3d: {  	[sflag:s17] =	ssyncset.done $0x0  }
0x3e: {  	s11 =	simm.s32 $0x2800;
	s25 =	rddreg [dreg:$0xe];
	[sflag:s17] =	ssyncadd.s32 $0xFFFFD800  }
0x3f: {  	[tilespmem:s11], [sflag:$0x12] =	stream.linear.gather [hbm4b:s25+s3], $0x2800, $0x38;
	[tilespmem:$0xB5A0] =	vst v63  }
0x40: {  	_ =	swait.ge [sflag:s17], $0x2800  }
0x41: {  	[sflag:s17] =	ssyncset.done $0x0  }
0x42: {  	[sflag:s17] =	ssyncadd.s32 $0xFFFFD800  }
0x43: {  	[tilespmem:s20], [sflag:$0x1] =	stream.indirect.gather [hbm4b:s4+s19], $0x10, s3, s19, $0xb8;
	[tilespmem:$0xB5A0] =	vst v63  }
0x44: {  	s23 =	stileid.u32;
	s11 =	simm.s32 $0x80  }
0x45: {  	[tilespmem:s22], [sflag:$0x2] =	stream.indirect.gather [hbm4b:s4+s19], $0x10, s11, s19, $0xb8;
	[tilespmem:$0xB5A0] =	vst v63  }
.Ltmp2:
0x46: {  	s15 =	simm.s32 $0x100;
	s25 =	rddreg [dreg:$0x9];
	(pc) =	sbr.rel @p0 .LBB2_3-.Ltmp2, $4  }
0x47: {  	[tilespmem:s24], [sflag:$0x3] =	stream.indirect.gather [hbm4b:s4+s19], $0x10, s15, s19, $0xb8;
	[tilespmem:$0xB5A0] =	vst v63  }
0x48: {  	s16 =	simm.s32 $0x180;
	s5 =	sshrl.u32 s25, $0x3;
	s3 =	sshll.u32 s23, $0x6  }
0x49: {  	[tilespmem:s26], [sflag:$0x4] =	stream.indirect.gather [hbm4b:s4+s19], $0x10, s16, s19, $0xb8;
	[tilespmem:$0xB5A0] =	vst v63  }
0x4a: {  	[dreg:$0xf] =	wrdreg s5;
	s16 =	sor.u32 $0x1C12, s3  }
.Ltmp3:
0x4b: {  	s3 =	rddreg [dreg:$0xa];
	(pc) =	sbr.rel .LBB2_6-.Ltmp3, $4  }
0x4c: {  	[spmem:s5], [sflag:s16] =	dma.local [hbm:s3], $0x4E4  }
0x4d: {  	_ =	swait.ge [sflag:s17], $0x4E4  }
0x4e: {  	[sflag:s17] =	ssyncset.done $0x0  }
0x4f: {  	[sflag:s17] =	ssyncadd.s32 $0xFFFFFB1C  }
.LBB2_3:
0x50: {  	s3 =	simm.s32 $0x40;
	s23 =	simm.s32 $0x0  }
.LBB2_4:
0x51: {  	p1 =	sne.s32 s3, $0x1F00;
	[tilespmem:s23+$0x6F40] =	vst v0;
	s23 =	smov.u32 s3;
	s3 =	sadd.s32 $0x40, s3  }
.Ltmp4:
0x52: {  	(pc) =	sbr.rel @p1 .LBB2_4-.Ltmp4, $2  }
0x53: {  	_ =	sdelay $0x2  }
0x54: {  	s23 =	sshra.s32 s23, $0x2  }
0x55: {  	[tilespmem:s23+$0x6F40] =	vst v0;
	s3 =	rddreg [dreg:$0x3]  }
0x56: {  	[spmem:s3] =	stream.linear.scatter [tilespmem:s29], [sflag:$0x11], $0x7D0, $0x38;
	[tilespmem:$0xB5A0] =	vst v63  }
0x57: {  	s5 =	rddreg [dreg:$0x4]  }
0x58: {  	[spmem:s5] =	stream.linear.scatter [tilespmem:s29], [sflag:$0x11], $0x7D0, $0x38;
	[tilespmem:$0xB5A0] =	vst v63  }
0x59: {  	s11 =	rddreg [dreg:$0x5]  }
0x5a: {  	[spmem:s11] =	stream.linear.scatter [tilespmem:s29], [sflag:$0x11], $0x7D0, $0x38;
	[tilespmem:$0xB5A0] =	vst v63  }
0x5b: {  	s15 =	rddreg [dreg:$0x6]  }
0x5c: {  	[spmem:s15] =	stream.linear.scatter [tilespmem:s29], [sflag:$0x11], $0x7D0, $0x38;
	[tilespmem:$0xB5A0] =	vst v63  }
0x5d: {  	s23 =	rddreg [dreg:$0x7]  }
0x5e: {  	[spmem:s23] =	stream.linear.scatter [tilespmem:s29], [sflag:$0x11], $0x7D0, $0x38;
	[tilespmem:$0xB5A0] =	vst v63  }
0x5f: {  	s25 =	rddreg [dreg:$0x8]  }
0x60: {  	[spmem:s25] =	stream.linear.scatter [tilespmem:s29], [sflag:$0x11], $0x10, $0x38;
	[tilespmem:$0xB5A0] =	vst v63  }
0x61: {  	_ =	swait.ge [sflag:s13], $0x7D0  }
0x62: {  	[sflag:s13] =	ssyncset.done $0x0  }
0x63: {  	[sflag:s13] =	ssyncadd.s32 $0xFFFFF830  }
0x64: {  	_ =	swait.ge [sflag:s13], $0x7D0  }
0x65: {  	[sflag:s13] =	ssyncset.done $0x0  }
0x66: {  	[sflag:s13] =	ssyncadd.s32 $0xFFFFF830  }
0x67: {  	_ =	swait.ge [sflag:s13], $0x7D0  }
0x68: {  	[sflag:s13] =	ssyncset.done $0x0  }
0x69: {  	[sflag:s13] =	ssyncadd.s32 $0xFFFFF830  }
0x6a: {  	_ =	swait.ge [sflag:s13], $0x7D0  }
0x6b: {  	[sflag:s13] =	ssyncset.done $0x0  }
0x6c: {  	[sflag:s13] =	ssyncadd.s32 $0xFFFFF830  }
0x6d: {  	_ =	swait.ge [sflag:s13], $0x7D0  }
0x6e: {  	[sflag:s13] =	ssyncset.done $0x0  }
0x6f: {  	[sflag:s13] =	ssyncadd.s32 $0xFFFFF830  }
0x70: {  	_ =	swait.ge [sflag:s13], $0x10  }
0x71: {  	[sflag:s13] =	ssyncset.done $0x0  }
0x72: {  	[sflag:s13] =	ssyncadd.s32 $0xFFFFFFF0  }
.LBB2_6:
0x73: {  	[bflag:$0x0] =	sbarrier.arrive $0xFFFF;
	s3 =	simm.s32 $0x0  }
.LBB2_7:
0x74: {  	_ =	swait.ge [sflag:s28], $0x7D0  }
0x75: {  	s23 =	sshra.s32 s3, $0x2;
	[sflag:s28] =	ssyncset.done $0x0  }
0x76: {  	p1 =	seq.s32 s3, $0x0;
	s25 =	sadd.s32 $0x2800, s23;
	[sflag:s28] =	ssyncadd.s32 $0xFFFFF830  }
0x77: {  	[spmem:s2] =	stream.indirect.scatter.add.f32 [tilespmem:s20], [sflag:$0x9], $0x10, s25, s19, $0xb8;
	[tilespmem:$0xB5A0] =	vst v63  }
0x78: {  	s25 =	simm.s32 @!p1 $0xD  }
0x79: {  	_ =	swait.ge @!p1 [sflag:s25], $0x7D0  }
0x7a: {  	[sflag:s25] =	ssyncset.done @!p1 $0x0  }
0x7b: {  	s11 =	sadd.s32 $0x200, s23;
	[sflag:s25] =	ssyncadd.s32 @!p1 $0xFFFFF830  }
0x7c: {  	[tilespmem:s29], [sflag:$0x5] =	stream.indirect.gather [hbm4b:s4+s19], $0x10, s11, s19, $0xb8;
	[tilespmem:$0xB5A0] =	vst v63  }
0x7d: {  	_ =	swait.ge [sflag:s30], $0x7D0  }
0x7e: {  	[sflag:s30] =	ssyncset.done $0x0  }
0x7f: {  	s15 =	sadd.s32 $0x2880, s23;
	s25 =	simm.s32 @!p1 $0xE;
	[sflag:s30] =	ssyncadd.s32 $0xFFFFF830  }
0x80: {  	[spmem:s2] =	stream.indirect.scatter.add.f32 [tilespmem:s22], [sflag:$0xA], $0x10, s15, s19, $0xb8;
	[tilespmem:$0xB5A0] =	vst v63  }
0x81: {  	_ =	swait.ge @!p1 [sflag:s25], $0x7D0  }
0x82: {  	[sflag:s25] =	ssyncset.done @!p1 $0x0  }
0x83: {  	s5 =	sadd.s32 $0x280, s23;
	[sflag:s25] =	ssyncadd.s32 @!p1 $0xFFFFF830  }
0x84: {  	[tilespmem:s31], [sflag:$0x6] =	stream.indirect.gather [hbm4b:s4+s19], $0x10, s5, s19, $0xb8;
	[tilespmem:$0xB5A0] =	vst v63  }
0x85: {  	_ =	swait.ge [sflag:s0], $0x7D0  }
0x86: {  	[sflag:s0] =	ssyncset.done $0x0  }
0x87: {  	s11 =	sadd.s32 $0x2900, s23;
	s25 =	simm.s32 @!p1 $0xF;
	[sflag:s0] =	ssyncadd.s32 $0xFFFFF830  }
0x88: {  	[spmem:s2] =	stream.indirect.scatter.add.f32 [tilespmem:s24], [sflag:$0xB], $0x10, s11, s19, $0xb8;
	[tilespmem:$0xB5A0] =	vst v63  }
0x89: {  	_ =	swait.ge @!p1 [sflag:s25], $0x7D0  }
0x8a: {  	[sflag:s25] =	ssyncset.done @!p1 $0x0  }
0x8b: {  	s15 =	sadd.s32 $0x300, s23;
	[sflag:s25] =	ssyncadd.s32 @!p1 $0xFFFFF830  }
0x8c: {  	[tilespmem:s1], [sflag:$0x7] =	stream.indirect.gather [hbm4b:s4+s19], $0x10, s15, s19, $0xb8;
	[tilespmem:$0xB5A0] =	vst v63  }
0x8d: {  	_ =	swait.ge [sflag:s6], $0x7D0  }
0x8e: {  	[sflag:s6] =	ssyncset.done $0x0  }
0x8f: {  	s5 =	sadd.s32 $0x2980, s23;
	s25 =	simm.s32 @!p1 $0x10;
	[sflag:s6] =	ssyncadd.s32 $0xFFFFF830  }
0x90: {  	[spmem:s2] =	stream.indirect.scatter.add.f32 [tilespmem:s26], [sflag:$0xC], $0x10, s5, s19, $0xb8;
	[tilespmem:$0xB5A0] =	vst v63  }
0x91: {  	_ =	swait.ge @!p1 [sflag:s25], $0x7D0  }
0x92: {  	[sflag:s25] =	ssyncset.done @!p1 $0x0  }
0x93: {  	s11 =	sadd.s32 $0x380, s23;
	[sflag:s25] =	ssyncadd.s32 @!p1 $0xFFFFF830  }
0x94: {  	[tilespmem:s7], [sflag:$0x8] =	stream.indirect.gather [hbm4b:s4+s19], $0x10, s11, s19, $0xb8;
	[tilespmem:$0xB5A0] =	vst v63  }
0x95: {  	_ =	swait.ge [sflag:s8], $0x7D0  }
0x96: {  	[sflag:s8] =	ssyncset.done $0x0  }
0x97: {  	s15 =	sadd.s32 $0x2A00, s23;
	[sflag:s8] =	ssyncadd.s32 $0xFFFFF830  }
0x98: {  	[spmem:s2] =	stream.indirect.scatter.add.f32 [tilespmem:s29], [sflag:$0xD], $0x10, s15, s19, $0xb8;
	[tilespmem:$0xB5A0] =	vst v63  }
0x99: {  	_ =	swait.ge [sflag:s9], $0x7D0  }
0x9a: {  	p1 =	seq.s32 s3, $0x9000;
	[sflag:s9] =	ssyncset.done $0x0  }
0x9b: {  	s25 =	simm.s32 @p1 $0x6;
	[sflag:s9] =	ssyncadd.s32 $0xFFFFF830  }
0x9c: {  	_ =	swait.ge @p1 [sflag:s25], $0x7D0  }
0x9d: {  	[sflag:s25] =	ssyncset.done @p1 $0x0  }
0x9e: {  	[sflag:s25] =	ssyncadd.s32 @p1 $0xFFFFF830;
	s25 =	sshra.s32 @p1 s3, $0x2  }
0x9f: {  	s5 =	simm.s32 @p1 $0x7D;
	s11 =	simm.s32 @p1 $0x7710;
	s25 =	sadd.s32 @p1 $0x2A80, s25  }
0xa0: {  	[spmem:s2] =	stream.indirect.scatter.add.f32 @p1 [tilespmem:s11], [sflag:$0xE], $0x10, s25, s5, $0xb8;
	[tilespmem:$0xB5A0] =	vst v63  }
0xa1: {  	s5 =	simm.s32 @p1 $0xA  }
0xa2: {  	_ =	swait.ge @p1 [sflag:s5], $0x7D0  }
0xa3: {  	[sflag:s5] =	ssyncset.done @p1 $0x0  }
0xa4: {  	[sflag:s5] =	ssyncadd.s32 @p1 $0xFFFFF830;
	s5 =	sshra.s32 @!p1 s3, $0x2  }
0xa5: {  	s15 =	simm.s32 @!p1 $0x5000;
	s25 =	simm.s32 @!p1 $0x7D;
	s11 =	sadd.s32 @!p1 $0x400, s5  }
0xa6: {  	[tilespmem:s15], [sflag:$0x1] =	stream.indirect.gather @!p1 [hbm4b:s4+s25], $0x10, s11, s25, $0xb8;
	[tilespmem:$0xB5A0] =	vst v63  }
0xa7: {  	s11 =	simm.s32 @!p1 $0x6  }
0xa8: {  	_ =	swait.ge @!p1 [sflag:s11], $0x7D0  }
0xa9: {  	[sflag:s11] =	ssyncset.done @!p1 $0x0  }
0xaa: {  	s15 =	simm.s32 @!p1 $0x7710;
	[sflag:s11] =	ssyncadd.s32 @!p1 $0xFFFFF830;
	s11 =	sadd.s32 @!p1 $0x2A80, s5  }
0xab: {  	[spmem:s2] =	stream.indirect.scatter.add.f32 @!p1 [tilespmem:s15], [sflag:$0xE], $0x10, s11, s25, $0xb8;
	[tilespmem:$0xB5A0] =	vst v63  }
0xac: {  	s11 =	simm.s32 @!p1 $0xA  }
0xad: {  	_ =	swait.ge @!p1 [sflag:s11], $0x7D0  }
0xae: {  	[sflag:s11] =	ssyncset.done @!p1 $0x0  }
0xaf: {  	s5 =	sadd.s32 @!p1 $0x480, s5;
	[sflag:s11] =	ssyncadd.s32 @!p1 $0xFFFFF830;
	s11 =	simm.s32 @!p1 $0x57D0  }
0xb0: {  	[tilespmem:s11], [sflag:$0x2] =	stream.indirect.gather @!p1 [hbm4b:s4+s25], $0x10, s5, s25, $0xb8;
	[tilespmem:$0xB5A0] =	vst v63  }
0xb1: {  	_ =	swait.ge [sflag:s10], $0x7D0  }
0xb2: {  	[sflag:s10] =	ssyncset.done $0x0  }
.Ltmp5:
0xb3: {  	s25 =	sadd.s32 $0x2B00, s23;
	[sflag:s10] =	ssyncadd.s32 $0xFFFFF830;
	(pc) =	sbr.rel @p1 .LBB2_9-.Ltmp5, $4  }
0xb4: {  	[spmem:s2] =	stream.indirect.scatter.add.f32 [tilespmem:s1], [sflag:$0xF], $0x10, s25, s19, $0xb8;
	[tilespmem:$0xB5A0] =	vst v63  }
0xb5: {  	_ =	swait.ge [sflag:s12], $0x7D0  }
0xb6: {  	[sflag:s12] =	ssyncset.done $0x0  }
0xb7: {  	s25 =	sadd.s32 $0x2B80, s23;
	[sflag:s12] =	ssyncadd.s32 $0xFFFFF830  }
0xb8: {  	s5 =	sadd.s32 $0x500, s23  }
0xb9: {  	[tilespmem:s24], [sflag:$0x3] =	stream.indirect.gather [hbm4b:s4+s19], $0x10, s5, s19, $0xb8;
	[tilespmem:$0xB5A0] =	vst v63  }
0xba: {  	_ =	swait.ge [sflag:s18], $0x7D0  }
0xbb: {  	[sflag:s18] =	ssyncset.done $0x0  }
0xbc: {  	[sflag:s18] =	ssyncadd.s32 $0xFFFFF830  }
0xbd: {  	[spmem:s2] =	stream.indirect.scatter.add.f32 [tilespmem:s7], [sflag:$0x10], $0x10, s25, s19, $0xb8;
	[tilespmem:$0xB5A0] =	vst v63  }
.Ltmp6:
0xbe: {  	_ = 	snop;
	(pc) =	sbr.rel .LBB2_7-.Ltmp6, $4  }
0xbf: {  	_ =	swait.ge [sflag:s21], $0x7D0  }
0xc0: {  	[sflag:s21] =	ssyncset.done $0x0  }
0xc1: {  	s3 =	sadd.s32 $0x1000, s3;
	s25 =	sadd.s32 $0x580, s23;
	[sflag:s21] =	ssyncadd.s32 $0xFFFFF830  }
0xc2: {  	[tilespmem:s26], [sflag:$0x4] =	stream.indirect.gather [hbm4b:s4+s19], $0x10, s25, s19, $0xb8;
	[tilespmem:$0xB5A0] =	vst v63  }
.LBB2_10:
0xc3: {  	_ =	sfence.sel $0x180000  }
0xc4: {  	[bflag:$0x0] =	sbarrier.arrive $0xFFFF  }
0xc5: {  	_ =	strace $0x9000004A  }
0xc6: {  	s0 =	stileid.u32;
	[bflag:$0x2] =	sbarrier.arrive $0xFFFF  }
0xc7: {  	p0 =	sne.s32 s0, $0x0;
	s0 =	rddreg [dreg:$0x2]  }
0xc8: {  	s0 =	sadd.s32 @!p0 $0x100000, s0  }
0xc9: {  	[sflag:s0] =	ssyncadd.tile.s32 @!p0 $0x1;
	_ =	shalt  }
.Lfunc_end2:
_tile_overlayer_lowered:
.L_overlay_start_2:
0xca: {  	(tag) =	ssettag $0x2  }
0xcb: {  	s0 =	rddreg [dreg:$0x0];
	s2 =	stileid.u32  }
0xcc: {  	s1 =	rddreg [dreg:$0x1];
	p0 =	sne.s32 s2, $0x0  }
0xcd: {  	s3 =	rddreg [dreg:$0x2];
	[bflag:$0x3] =	sbarrier.arrive $0xFFFF;
	s2 =	simm.s32 @!p0 $0x1C12  }
0xce: {  	[timem:s3], [sflag:s2] =	dma.local @!p0 [hbm:s0], s1  }
0xcf: {  	s0 =	simm.s32 @!p0 $0x12  }
0xd0: {  	_ =	swait.ge @!p0 [sflag:s0], s1  }
0xd1: {  	s1 =	ssub.s32 @!p0 $0x0, s1;
	[sflag:s0] =	ssyncset.done @!p0 $0x0  }
0xd2: {  	[sflag:s0] =	ssyncadd.s32 @!p0 s1  }
0xd3: {  	[bflag:$0x3] =	sbarrier.arrive $0xFFFF  }
0xd4: {  	_ =	shalt  }

</sc_bundles>
